<compile_context>
chip_gen: v7x
topology: tpu7x:2x2x1
jax: 0.10.2.dev20260603
libtpu: 0.0.44.dev20260713+nightly
codegen_flags: <defaults>
</compile_context>

<pallas_src>
import functools

import jax
import jax.numpy as jnp
from jax import lax
from jax.experimental import pallas as pl
from jax.experimental.pallas import tpu as pltpu
from jax.experimental.pallas import tpu_sc as plsc

_K = 16
_KROWS = 128
_ROWS = 256
_PROJ_ROWS = 1024
_GCHUNK = 128
_NC, _NS = 2, 16


def _proj_body(feat_ref, pts_ref, w1cT_ref, w1nT_ref, w1eT_ref, b1_ref,
               a_ref, g_ref):
    f = feat_ref[...]
    p = pts_ref[...]
    pc = jnp.dot(f, w1cT_ref[...], precision=lax.Precision.HIGHEST)
    pn = jnp.dot(f, w1nT_ref[...], precision=lax.Precision.HIGHEST)
    pe = jnp.dot(p, w1eT_ref[...], precision=lax.Precision.HIGHEST)
    a_ref[...] = pc - pe + b1_ref[...]
    g_ref[...] = pn + pe


def _proj_call(feat, pts_pad, w1cT, w1nT, w1eT, b1row):
    BN, C = feat.shape
    H = w1cT.shape[1]
    grid = (BN // _PROJ_ROWS,)
    return pl.pallas_call(
        _proj_body,
        grid=grid,
        in_specs=[
            pl.BlockSpec((_PROJ_ROWS, C), lambda i: (i, 0)),
            pl.BlockSpec((_PROJ_ROWS, 8), lambda i: (i, 0)),
            pl.BlockSpec((C, H), lambda i: (0, 0)),
            pl.BlockSpec((C, H), lambda i: (0, 0)),
            pl.BlockSpec((8, H), lambda i: (0, 0)),
            pl.BlockSpec((1, H), lambda i: (0, 0)),
        ],
        out_specs=[
            pl.BlockSpec((_PROJ_ROWS, H), lambda i: (i, 0)),
            pl.BlockSpec((_PROJ_ROWS, H), lambda i: (i, 0)),
        ],
        out_shape=[
            jax.ShapeDtypeStruct((BN, H), jnp.float32),
            jax.ShapeDtypeStruct((BN, H), jnp.float32),
        ],
    )(feat, pts_pad, w1cT, w1nT, w1eT, b1row)


_DEPTH = 5
_LANES = 64


def _knn_body(ptsS_ref, qT_ref, idx_ref):
    b = pl.program_id(0)
    xs = ptsS_ref[0]
    qT = qT_ref[0]
    dotT = jnp.dot(xs, qT, precision=lax.Precision.HIGHEST)
    sq_c = jnp.sum(xs * xs, axis=1, keepdims=True) * 0.25
    d2 = dotT + sq_c
    N, R = d2.shape
    ngrp = N // _LANES
    inf = jnp.float32(jnp.inf)

    sv = [jnp.full((_LANES, R), inf, jnp.float32) for _ in range(_DEPTH)]
    sg = [jnp.zeros((_LANES, R), jnp.int32) for _ in range(_DEPTH)]
    for v in range(ngrp):
        x = d2[v * _LANES:(v + 1) * _LANES, :]
        xid = jnp.full((_LANES, R), v, jnp.int32)
        for l in range(_DEPTH):
            pred = x < sv[l]
            ns = jnp.minimum(sv[l], x)
            nid = jnp.where(pred, xid, sg[l])
            if l + 1 < _DEPTH:
                nx = jnp.maximum(sv[l], x)
                nxid = jnp.where(pred, sg[l], xid)
                x, xid = nx, nxid
            sv[l], sg[l] = ns, nid

    pos = lax.broadcasted_iota(jnp.int32, (_LANES, R), 0)
    cm, cg = sv[0], sg[0]
    dep = jnp.zeros((_LANES, R), jnp.int32)
    ovf = jnp.zeros((_LANES, R), jnp.bool_)
    tails_v = sv[1:] + [jnp.full((_LANES, R), inf, jnp.float32)]
    tails_g = sg[1:] + [jnp.zeros((_LANES, R), jnp.int32)]
    cols = []
    for _ in range(_K):
        m = jnp.min(cm, axis=0, keepdims=True)
        pstar = jnp.min(jnp.where(cm <= m, pos, _LANES), axis=0,
                        keepdims=True)
        sel = pos == pstar
        ovf = ovf | (sel & (dep == _DEPTH - 1))
        gstar = jnp.min(jnp.where(sel, cg, ngrp), axis=0, keepdims=True)
        cols.append(gstar * _LANES + pstar)
        nv = tails_v[-1]
        ng = tails_g[-1]
        for t in range(len(tails_v) - 2, -1, -1):
            is_t = dep == t
            nv = jnp.where(is_t, tails_v[t], nv)
            ng = jnp.where(is_t, tails_g[t], ng)
        cm = jnp.where(sel, nv, cm)
        cg = jnp.where(sel, ng, cg)
        dep = jnp.where(sel, jnp.minimum(dep + 1, _DEPTH - 1), dep)
    idx_ref[0] = jnp.concatenate(cols, axis=0) + b * N

    @pl.when(jnp.any(ovf))
    def _slow():
        col = lax.broadcasted_iota(jnp.int32, (N, R), 0)
        vals = d2
        scols = []
        for _ in range(_K):
            mm = jnp.min(vals, axis=0, keepdims=True)
            i = jnp.min(jnp.where(vals <= mm, col, N), axis=0, keepdims=True)
            scols.append(i)
            vals = jnp.where(col == i, inf, vals)
        idx_ref[0] = jnp.concatenate(scols, axis=0) + b * N


def _knn_call(pts_scaled, ptsT):
    B, N, _ = pts_scaled.shape
    NQ = ptsT.shape[2]
    grid = (B, NQ // _KROWS)
    return pl.pallas_call(
        _knn_body,
        grid=grid,
        in_specs=[
            pl.BlockSpec((1, N, 8), lambda b, i: (b, 0, 0)),
            pl.BlockSpec((1, 8, _KROWS), lambda b, i: (b, 0, i)),
        ],
        out_specs=pl.BlockSpec((1, _K, _KROWS), lambda b, i: (b, 0, i)),
        out_shape=jax.ShapeDtypeStruct((B, _K, NQ), jnp.int32),
    )(pts_scaled, ptsT)


def _sc_gather_call(table, idx):
    M = idx.shape[0]
    D = table.shape[1]
    nw = _NC * _NS
    per_w = M // nw
    nchunk = per_w // _GCHUNK
    mesh = plsc.VectorSubcoreMesh(core_axis_name="c", subcore_axis_name="s")

    @functools.partial(
        pl.kernel, mesh=mesh,
        out_type=jax.ShapeDtypeStruct((M, D), jnp.float32),
        compiler_params=pltpu.CompilerParams(use_tc_tiling_on_sc=False),
        scratch_types=[
            pltpu.VMEM((_GCHUNK,), jnp.int32),
            pltpu.VMEM((_GCHUNK, D), jnp.float32),
            pltpu.SemaphoreType.DMA,
        ],
    )
    def gather_kernel(table_hbm, idx_hbm, out_hbm, idx_v, rows_v, sem):
        wid = lax.axis_index("s") * _NC + lax.axis_index("c")
        base = wid * per_w

        def body(c, carry):
            off = pl.multiple_of(base + c * _GCHUNK, _GCHUNK)
            pltpu.sync_copy(idx_hbm.at[pl.ds(off, _GCHUNK)], idx_v)
            pltpu.async_copy(table_hbm.at[idx_v], rows_v, sem).wait()
            pltpu.sync_copy(rows_v, out_hbm.at[pl.ds(off, _GCHUNK)])
            return carry

        lax.fori_loop(0, nchunk, body, 0)

    return gather_kernel(table, idx)


def _mlp_body(gath_ref, a_ref, w2T_ref, b2_ref, out_ref):
    g3 = gath_ref[0]
    a = a_ref[0]
    K, R, H = g3.shape
    h = jnp.maximum(g3 + a[None, :, :], 0.0)
    ef = jnp.dot(h.reshape(K * R, H), w2T_ref[...],
                 precision=lax.Precision.HIGHEST)
    ef = ef.reshape(K, R, ef.shape[-1])
    out_ref[0] = jnp.max(ef, axis=0) + b2_ref[...]


def _mlp_call(gath4, a3, w2T, b2row):
    B, K, N, H = gath4.shape
    CO = w2T.shape[1]
    grid = (B, N // _ROWS)
    return pl.pallas_call(
        _mlp_body,
        grid=grid,
        in_specs=[
            pl.BlockSpec((1, K, _ROWS, H), lambda b, i: (b, 0, i, 0)),
            pl.BlockSpec((1, _ROWS, H), lambda b, i: (b, i, 0)),
            pl.BlockSpec((H, CO), lambda b, i: (0, 0)),
            pl.BlockSpec((1, CO), lambda b, i: (0, 0)),
        ],
        out_specs=pl.BlockSpec((1, _ROWS, CO), lambda b, i: (b, i, 0)),
        out_shape=jax.ShapeDtypeStruct((B, N, CO), jnp.float32),
    )(gath4, a3, w2T, b2row)


def kernel(points, features, W1, b1, W2, b2):
    B, N, _ = points.shape
    C = features.shape[-1]
    H = W1.shape[0]
    CO = W2.shape[0]
    BN = B * N

    pts_pad = jnp.concatenate(
        [points, jnp.zeros((B, N, 5), points.dtype)], axis=-1)
    ptsT = jnp.swapaxes(pts_pad, 1, 2)
    pts_scaled = pts_pad * -2.0
    w1cT = jnp.transpose(W1[:, :C])
    w1nT = jnp.transpose(W1[:, C:2 * C])
    w1eT = jnp.transpose(jnp.concatenate(
        [W1[:, 2 * C:], jnp.zeros((H, 5), W1.dtype)], axis=1))
    w2T = jnp.transpose(W2)

    a, g = _proj_call(features.reshape(BN, C), pts_pad.reshape(BN, 8),
                      w1cT, w1nT, w1eT, b1.reshape(1, H))
    a3 = a.reshape(B, N, H)
    b2row = b2.reshape(1, CO)

    idxs = [_knn_call(pts_scaled[i:i + 1], ptsT[i:i + 1]) + i * N
            for i in range(B)]
    gaths = [_sc_gather_call(g, ix.reshape(_K * N)) for ix in idxs]
    outs = [_mlp_call(gaths[i].reshape(1, _K, N, H), a3[i:i + 1], w2T, b2row)
            for i in range(B)]
    return jnp.concatenate(outs, axis=0)

# --- scband reference (transcript-rebuilt; emitter-appended) ---
"""Pipeline reference for scband-local-feature-extractor-85023172592669 (READ-ONLY COPY).

The authoritative reference and input builder live on the scoring server;
editing this copy changes nothing except your own understanding.
"""

import jax, jax.numpy as jnp
import numpy as np

B, N, K = 2, 4096, 16
C_IN, C_OUT, HID = 128, 128, 64
D_IN = 2 * C_IN + 3


def setup_inputs(seed: int = 0) -> dict:
    key = jax.random.key(seed)
    ks = jax.random.split(key, 4)
    points = jax.random.normal(ks[0], (B, N, 3), dtype=jnp.float32)
    features = jax.random.normal(ks[1], (B, N, C_IN), dtype=jnp.float32)
    W1 = jax.random.normal(ks[2], (HID, D_IN), dtype=jnp.float32) / np.sqrt(D_IN)
    b1 = jnp.zeros((HID,), dtype=jnp.float32)
    W2 = jax.random.normal(ks[3], (C_OUT, HID), dtype=jnp.float32) / np.sqrt(HID)
    b2 = jnp.zeros((C_OUT,), dtype=jnp.float32)
    return {"points": points, "features": features, "W1": W1, "b1": b1, "W2": W2, "b2": b2}


def _pairwise_dist(x):
    # torch.cdist(x, x) equivalent via gram matrix
    sq = jnp.sum(x * x, axis=-1)
    d2 = sq[:, :, None] + sq[:, None, :] - 2.0 * jnp.einsum('bnd,bmd->bnm', x, x)
    return jnp.sqrt(jnp.clip(d2, 1e-12))


def reference(points, features, W1, b1, W2, b2):
    dists = _pairwise_dist(points)                      # [B, N, N]
    # torch topk(largest=False) -> k smallest distances (includes self)
    _, idx = jax.lax.top_k(-dists, K)                   # [B, N, K] int32
    neighbors = jax.vmap(lambda p, i: p[i])(points, idx)        # [B, N, K, 3]
    neighbor_feat = jax.vmap(lambda f, i: f[i])(features, idx)  # [B, N, K, C]
    center = jnp.broadcast_to(points[:, :, None, :], (B, N, K, 3))
    edge_vec = neighbors - center                        # [B, N, K, 3]
    center_feat = jnp.broadcast_to(features[:, :, None, :], (B, N, K, C_IN))
    edge_input = jnp.concatenate([center_feat, neighbor_feat, edge_vec], axis=-1)  # [B,N,K,2C+3]
    h = jax.nn.relu(edge_input @ W1.T + b1)
    edge_features = h @ W2.T + b2                        # [B, N, K, C_OUT]
    local_features = jnp.max(edge_features, axis=2)      # [B, N, C_OUT]
    return local_features

if __name__ == "__main__":
    import jax
    _d = setup_inputs()
    print(jax.jit(kernel)(*tuple(_d.values())))

</pallas_src>

<mosaic_0001>
#map = affine_map<(d0, d1) -> (0, 0)>
#map1 = affine_map<(d0, d1) -> (0)>
module attributes {stable_mosaic.version = 14 : i64} {
  func.func @gather_kernel(%arg0: i32, %arg1: i32, %arg2: memref<8192x64xf32, #tpu.memory_space<hbm>>, %arg3: memref<65536xi32, #tpu.memory_space<hbm>>, %arg4: memref<65536x64xf32, #tpu.memory_space<hbm>>, %arg5: memref<128xi32, #tpu.memory_space<vmem>>, %arg6: memref<128x64xf32, #tpu.memory_space<vmem>>, %arg7: memref<!tpu.dma_semaphore, #tpu.memory_space<semaphore_mem>>) attributes {dimension_semantics = [#tpu.dimension_semantics<core_parallel>, #tpu.dimension_semantics<subcore_parallel>], iteration_bounds = array<i64: 2, 16>, scalar_prefetch = 0 : i64, scratch_operands = 3 : i64, tpu.core_type = #tpu.core_type<sc_vector_subcore>, window_params = [{transform_indices = #map}, {transform_indices = #map1}, {transform_indices = #map}]} {
    %mul3A = arith.constant 2 : i32
    %mul3A_0 = arith.muli %arg1, %mul3A : i32
    %add3A = arith.addi %mul3A_0, %arg0 : i32
    %mul3A_1 = arith.constant 2048 : i32
    %mul3A_2 = arith.muli %add3A, %mul3A_1 : i32
    %scan3A = arith.constant 0 : i32
    %scan3A_3 = arith.constant 0 : i32
    %scan3A_4 = arith.constant 16 : i32
    %scan3A_5 = arith.addi %scan3A_3, %scan3A_4 : i32
    %scan3A_6 = arith.constant 1 : i32
    scf.for %scan3A_8 = %scan3A_3 to %scan3A_5 step %scan3A_6  : i32 {
      %mul3A_9 = arith.constant 128 : i32
      %mul3A_10 = arith.muli %scan3A_8, %mul3A_9 : i32
      %add3A_11 = arith.addi %mul3A_2, %mul3A_10 : i32
      %multiple_of3A = tpu.assume_multiple %add3A_11, 128 : i32
      "tpu.region"() ({
        %run_scoped3A = tpu.sem_alloc : memref<!tpu.dma_semaphore, #tpu.memory_space<semaphore_mem>>
        %dma_start3A_16 = tpu.memref_slice %arg3[%multiple_of3A] : memref<65536xi32, #tpu.memory_space<hbm>> -> memref<128xi32, #tpu.memory_space<hbm>>
        %dma_start3A_17 = tpu.memref_slice %arg3[%multiple_of3A] : memref<65536xi32, #tpu.memory_space<hbm>> -> memref<128xi32, #tpu.memory_space<hbm>>
        tpu.enqueue_dma source(%dma_start3A_17 : memref<128xi32, #tpu.memory_space<hbm>>) target(%arg5 : memref<128xi32, #tpu.memory_space<vmem>>) target_semaphore(%run_scoped3A : memref<!tpu.dma_semaphore, #tpu.memory_space<semaphore_mem>>)
        %dma_wait3A_18 = tpu.memref_slice %arg3[%multiple_of3A] : memref<65536xi32, #tpu.memory_space<hbm>> -> memref<128xi32, #tpu.memory_space<hbm>>
        %dma_wait3A_19 = tpu.memref_slice %arg3[%multiple_of3A] : memref<65536xi32, #tpu.memory_space<hbm>> -> memref<128xi32, #tpu.memory_space<hbm>>
        tpu.wait_dma2 semaphore(%run_scoped3A : memref<!tpu.dma_semaphore, #tpu.memory_space<semaphore_mem>>) src(%dma_wait3A_19 : memref<128xi32, #tpu.memory_space<hbm>>) dst(%arg5 : memref<128xi32, #tpu.memory_space<vmem>>)
        tpu.yield
      }) : () -> ()
      %dma_start3A = arith.constant 0 : i32
      %dma_start3A_12 = arith.constant 0 : i32
      %dma_start3A_13 = tpu.memref_slice %arg2[%dma_start3A, %dma_start3A_12] : memref<8192x64xf32, #tpu.memory_space<hbm>> -> memref<8192x64xf32, #tpu.memory_space<hbm>>
      tpu.enqueue_indirect_dma source(%dma_start3A_13 : memref<8192x64xf32, #tpu.memory_space<hbm>>) target(%arg6 : memref<128x64xf32, #tpu.memory_space<vmem>>) offsets(%arg5 : memref<128xi32, #tpu.memory_space<vmem>>) semaphore(%arg7 : memref<!tpu.dma_semaphore, #tpu.memory_space<semaphore_mem>>)
      %dma_wait3A = arith.constant 0 : i32
      %dma_wait3A_14 = arith.constant 0 : i32
      %dma_wait3A_15 = tpu.memref_slice %arg2[%dma_wait3A, %dma_wait3A_14] : memref<8192x64xf32, #tpu.memory_space<hbm>> -> memref<8192x64xf32, #tpu.memory_space<hbm>>
      tpu.wait_indirect_dma semaphore(%arg7 : memref<!tpu.dma_semaphore, #tpu.memory_space<semaphore_mem>>) src(%dma_wait3A_15 : memref<8192x64xf32, #tpu.memory_space<hbm>>) dst(%arg6 : memref<128x64xf32, #tpu.memory_space<vmem>>)
      "tpu.region"() ({
        %run_scoped3A = tpu.sem_alloc : memref<!tpu.dma_semaphore, #tpu.memory_space<semaphore_mem>>
        %dma_start3A_16 = arith.constant 0 : i32
        %dma_start3A_17 = tpu.memref_slice %arg4[%multiple_of3A, %dma_start3A_16] : memref<65536x64xf32, #tpu.memory_space<hbm>> -> memref<128x64xf32, #tpu.memory_space<hbm>>
        %dma_start3A_18 = arith.constant 0 : i32
        %dma_start3A_19 = tpu.memref_slice %arg4[%multiple_of3A, %dma_start3A_18] : memref<65536x64xf32, #tpu.memory_space<hbm>> -> memref<128x64xf32, #tpu.memory_space<hbm>>
        tpu.enqueue_dma source(%arg6 : memref<128x64xf32, #tpu.memory_space<vmem>>) target(%dma_start3A_19 : memref<128x64xf32, #tpu.memory_space<hbm>>) target_semaphore(%run_scoped3A : memref<!tpu.dma_semaphore, #tpu.memory_space<semaphore_mem>>)
        %dma_wait3A_20 = arith.constant 0 : i32
        %dma_wait3A_21 = tpu.memref_slice %arg4[%multiple_of3A, %dma_wait3A_20] : memref<65536x64xf32, #tpu.memory_space<hbm>> -> memref<128x64xf32, #tpu.memory_space<hbm>>
        %dma_wait3A_22 = arith.constant 0 : i32
        %dma_wait3A_23 = tpu.memref_slice %arg4[%multiple_of3A, %dma_wait3A_22] : memref<65536x64xf32, #tpu.memory_space<hbm>> -> memref<128x64xf32, #tpu.memory_space<hbm>>
        tpu.wait_dma2 semaphore(%run_scoped3A : memref<!tpu.dma_semaphore, #tpu.memory_space<semaphore_mem>>) src(%arg6 : memref<128x64xf32, #tpu.memory_space<vmem>>) dst(%dma_wait3A_23 : memref<128x64xf32, #tpu.memory_space<hbm>>)
        tpu.yield
      }) : () -> ()
    }
    %scan3A_7 = arith.constant 16 : i32
    return
  }
}

#map = affine_map<(d0, d1) -> (0, 0)>
#map1 = affine_map<(d0, d1) -> (0)>
module attributes {stable_mosaic.version = 14 : i64} {
  func.func @gather_kernel(%arg0: i32, %arg1: i32, %arg2: memref<8192x64xf32, #tpu.memory_space<hbm>>, %arg3: memref<65536xi32, #tpu.memory_space<hbm>>, %arg4: memref<65536x64xf32, #tpu.memory_space<hbm>>, %arg5: memref<128xi32, #tpu.memory_space<vmem>>, %arg6: memref<128x64xf32, #tpu.memory_space<vmem>>, %arg7: memref<!tpu.dma_semaphore, #tpu.memory_space<semaphore_mem>>) attributes {dimension_semantics = [#tpu.dimension_semantics<core_parallel>, #tpu.dimension_semantics<subcore_parallel>], iteration_bounds = array<i64: 2, 16>, scalar_prefetch = 0 : i64, scratch_operands = 3 : i64, tpu.core_type = #tpu.core_type<sc_vector_subcore>, window_params = [{transform_indices = #map}, {transform_indices = #map1}, {transform_indices = #map}]} {
    %mul3A = arith.constant 2 : i32
    %mul3A_0 = arith.muli %arg1, %mul3A : i32
    %add3A = arith.addi %mul3A_0, %arg0 : i32
    %mul3A_1 = arith.constant 2048 : i32
    %mul3A_2 = arith.muli %add3A, %mul3A_1 : i32
    %scan3A = arith.constant 0 : i32
    %scan3A_3 = arith.constant 0 : i32
    %scan3A_4 = arith.constant 16 : i32
    %scan3A_5 = arith.addi %scan3A_3, %scan3A_4 : i32
    %scan3A_6 = arith.constant 1 : i32
    scf.for %scan3A_8 = %scan3A_3 to %scan3A_5 step %scan3A_6  : i32 {
      %mul3A_9 = arith.constant 128 : i32
      %mul3A_10 = arith.muli %scan3A_8, %mul3A_9 : i32
      %add3A_11 = arith.addi %mul3A_2, %mul3A_10 : i32
      %multiple_of3A = tpu.assume_multiple %add3A_11, 128 : i32
      "tpu.region"() ({
        %run_scoped3A = tpu.sem_alloc : memref<!tpu.dma_semaphore, #tpu.memory_space<semaphore_mem>>
        %dma_start3A_16 = tpu.memref_slice %arg3[%multiple_of3A] : memref<65536xi32, #tpu.memory_space<hbm>> -> memref<128xi32, #tpu.memory_space<hbm>>
        %dma_start3A_17 = tpu.memref_slice %arg3[%multiple_of3A] : memref<65536xi32, #tpu.memory_space<hbm>> -> memref<128xi32, #tpu.memory_space<hbm>>
        tpu.enqueue_dma source(%dma_start3A_17 : memref<128xi32, #tpu.memory_space<hbm>>) target(%arg5 : memref<128xi32, #tpu.memory_space<vmem>>) target_semaphore(%run_scoped3A : memref<!tpu.dma_semaphore, #tpu.memory_space<semaphore_mem>>)
        %dma_wait3A_18 = tpu.memref_slice %arg3[%multiple_of3A] : memref<65536xi32, #tpu.memory_space<hbm>> -> memref<128xi32, #tpu.memory_space<hbm>>
        %dma_wait3A_19 = tpu.memref_slice %arg3[%multiple_of3A] : memref<65536xi32, #tpu.memory_space<hbm>> -> memref<128xi32, #tpu.memory_space<hbm>>
        tpu.wait_dma2 semaphore(%run_scoped3A : memref<!tpu.dma_semaphore, #tpu.memory_space<semaphore_mem>>) src(%dma_wait3A_19 : memref<128xi32, #tpu.memory_space<hbm>>) dst(%arg5 : memref<128xi32, #tpu.memory_space<vmem>>)
        tpu.yield
      }) : () -> ()
      %dma_start3A = arith.constant 0 : i32
      %dma_start3A_12 = arith.constant 0 : i32
      %dma_start3A_13 = tpu.memref_slice %arg2[%dma_start3A, %dma_start3A_12] : memref<8192x64xf32, #tpu.memory_space<hbm>> -> memref<8192x64xf32, #tpu.memory_space<hbm>>
      tpu.enqueue_indirect_dma source(%dma_start3A_13 : memref<8192x64xf32, #tpu.memory_space<hbm>>) target(%arg6 : memref<128x64xf32, #tpu.memory_space<vmem>>) offsets(%arg5 : memref<128xi32, #tpu.memory_space<vmem>>) semaphore(%arg7 : memref<!tpu.dma_semaphore, #tpu.memory_space<semaphore_mem>>)
      %dma_wait3A = arith.constant 0 : i32
      %dma_wait3A_14 = arith.constant 0 : i32
      %dma_wait3A_15 = tpu.memref_slice %arg2[%dma_wait3A, %dma_wait3A_14] : memref<8192x64xf32, #tpu.memory_space<hbm>> -> memref<8192x64xf32, #tpu.memory_space<hbm>>
      tpu.wait_indirect_dma semaphore(%arg7 : memref<!tpu.dma_semaphore, #tpu.memory_space<semaphore_mem>>) src(%dma_wait3A_15 : memref<8192x64xf32, #tpu.memory_space<hbm>>) dst(%arg6 : memref<128x64xf32, #tpu.memory_space<vmem>>)
      "tpu.region"() ({
        %run_scoped3A = tpu.sem_alloc : memref<!tpu.dma_semaphore, #tpu.memory_space<semaphore_mem>>
        %dma_start3A_16 = arith.constant 0 : i32
        %dma_start3A_17 = tpu.memref_slice %arg4[%multiple_of3A, %dma_start3A_16] : memref<65536x64xf32, #tpu.memory_space<hbm>> -> memref<128x64xf32, #tpu.memory_space<hbm>>
        %dma_start3A_18 = arith.constant 0 : i32
        %dma_start3A_19 = tpu.memref_slice %arg4[%multiple_of3A, %dma_start3A_18] : memref<65536x64xf32, #tpu.memory_space<hbm>> -> memref<128x64xf32, #tpu.memory_space<hbm>>
        tpu.enqueue_dma source(%arg6 : memref<128x64xf32, #tpu.memory_space<vmem>>) target(%dma_start3A_19 : memref<128x64xf32, #tpu.memory_space<hbm>>) target_semaphore(%run_scoped3A : memref<!tpu.dma_semaphore, #tpu.memory_space<semaphore_mem>>)
        %dma_wait3A_20 = arith.constant 0 : i32
        %dma_wait3A_21 = tpu.memref_slice %arg4[%multiple_of3A, %dma_wait3A_20] : memref<65536x64xf32, #tpu.memory_space<hbm>> -> memref<128x64xf32, #tpu.memory_space<hbm>>
        %dma_wait3A_22 = arith.constant 0 : i32
        %dma_wait3A_23 = tpu.memref_slice %arg4[%multiple_of3A, %dma_wait3A_22] : memref<65536x64xf32, #tpu.memory_space<hbm>> -> memref<128x64xf32, #tpu.memory_space<hbm>>
        tpu.wait_dma2 semaphore(%run_scoped3A : memref<!tpu.dma_semaphore, #tpu.memory_space<semaphore_mem>>) src(%arg6 : memref<128x64xf32, #tpu.memory_space<vmem>>) dst(%dma_wait3A_23 : memref<128x64xf32, #tpu.memory_space<hbm>>)
        tpu.yield
      }) : () -> ()
    }
    %scan3A_7 = arith.constant 16 : i32
    return
  }
}

module attributes {stable_mosaic.version = 14 : i64} {
  func.func @_proj_body(%arg0: i32, %arg1: memref<1024x128xf32, #tpu.memory_space<vmem>>, %arg2: memref<1024x8xf32, #tpu.memory_space<vmem>>, %arg3: memref<128x64xf32, #tpu.memory_space<vmem>>, %arg4: memref<128x64xf32, #tpu.memory_space<vmem>>, %arg5: memref<8x64xf32, #tpu.memory_space<vmem>>, %arg6: memref<1x64xf32, #tpu.memory_space<vmem>>, %arg7: memref<1024x64xf32, #tpu.memory_space<vmem>>, %arg8: memref<1024x64xf32, #tpu.memory_space<vmem>>) attributes {dimension_semantics = [#tpu.dimension_semantics<arbitrary>], iteration_bounds = array<i64: 8>, scalar_prefetch = 0 : i64, scratch_operands = 0 : i64, tpu.core_type = #tpu.core_type<tc>, window_params = [{transform_indices = @transform_0, window_bounds = array<i64: 1024, 128>}, {transform_indices = @transform_1, window_bounds = array<i64: 1024, 8>}, {pipeline_mode = #tpu.pipeline_mode<synchronous>, transform_indices = @transform_2, window_bounds = array<i64: 128, 64>}, {pipeline_mode = #tpu.pipeline_mode<synchronous>, transform_indices = @transform_3, window_bounds = array<i64: 128, 64>}, {pipeline_mode = #tpu.pipeline_mode<synchronous>, transform_indices = @transform_4, window_bounds = array<i64: 8, 64>}, {pipeline_mode = #tpu.pipeline_mode<synchronous>, transform_indices = @transform_5, window_bounds = array<i64: 1, 64>}, {transform_indices = @transform_6, window_bounds = array<i64: 1024, 64>}, {transform_indices = @transform_7, window_bounds = array<i64: 1024, 64>}]} {
    %get3A = arith.constant 0 : index
    %get3A_0 = arith.constant 0 : index
    %get3A_1 = vector.load %arg1[%get3A, %get3A_0] : memref<1024x128xf32, #tpu.memory_space<vmem>>, vector<1024x128xf32>
    %get3A_2 = arith.constant 0 : index
    %get3A_3 = arith.constant 0 : index
    %get3A_4 = vector.load %arg2[%get3A_2, %get3A_3] : memref<1024x8xf32, #tpu.memory_space<vmem>>, vector<1024x8xf32>
    %get3A_5 = arith.constant 0 : index
    %get3A_6 = arith.constant 0 : index
    %get3A_7 = vector.load %arg3[%get3A_5, %get3A_6] : memref<128x64xf32, #tpu.memory_space<vmem>>, vector<128x64xf32>
    %dot_general3A = arith.constant dense<0.000000e+00> : vector<1024x64xf32>
    %dot_general3A_8 = tpu.matmul %get3A_1, %get3A_7, %dot_general3A {dimension_numbers = #tpu.dot_dimension_numbers<[1], [0], [0], [1], [0, 0, 1, 1], [], []>, precision = #tpu.contract_precision<fp32>, transpose_lhs_hint = false} : vector<1024x128xf32>, vector<128x64xf32>, vector<1024x64xf32> -> vector<1024x64xf32>
    %get3A_9 = arith.constant 0 : index
    %get3A_10 = arith.constant 0 : index
    %get3A_11 = vector.load %arg4[%get3A_9, %get3A_10] : memref<128x64xf32, #tpu.memory_space<vmem>>, vector<128x64xf32>
    %dot_general3A_12 = arith.constant dense<0.000000e+00> : vector<1024x64xf32>
    %dot_general3A_13 = tpu.matmul %get3A_1, %get3A_11, %dot_general3A_12 {dimension_numbers = #tpu.dot_dimension_numbers<[1], [0], [0], [1], [0, 0, 1, 1], [], []>, precision = #tpu.contract_precision<fp32>, transpose_lhs_hint = false} : vector<1024x128xf32>, vector<128x64xf32>, vector<1024x64xf32> -> vector<1024x64xf32>
    %get3A_14 = arith.constant 0 : index
    %get3A_15 = arith.constant 0 : index
    %get3A_16 = vector.load %arg5[%get3A_14, %get3A_15] : memref<8x64xf32, #tpu.memory_space<vmem>>, vector<8x64xf32>
    %dot_general3A_17 = arith.constant dense<0.000000e+00> : vector<1024x64xf32>
    %dot_general3A_18 = tpu.matmul %get3A_4, %get3A_16, %dot_general3A_17 {dimension_numbers = #tpu.dot_dimension_numbers<[1], [0], [0], [1], [0, 0, 1, 1], [], []>, precision = #tpu.contract_precision<fp32>, transpose_lhs_hint = false} : vector<1024x8xf32>, vector<8x64xf32>, vector<1024x64xf32> -> vector<1024x64xf32>
    %sub3A = arith.subf %dot_general3A_8, %dot_general3A_18 : vector<1024x64xf32>
    %get3A_19 = arith.constant 0 : index
    %get3A_20 = arith.constant 0 : index
    %get3A_21 = vector.load %arg6[%get3A_19, %get3A_20] : memref<1x64xf32, #tpu.memory_space<vmem>>, vector<1x64xf32>
    %add3A = vector.broadcast %get3A_21 : vector<1x64xf32> to vector<1024x64xf32>
    %add3A_22 = arith.addf %sub3A, %add3A : vector<1024x64xf32>
    %swap3A = arith.constant 0 : index
    %swap3A_23 = arith.constant 0 : index
    %swap3A_24 = vector.load %arg7[%swap3A, %swap3A_23] : memref<1024x64xf32, #tpu.memory_space<vmem>>, vector<1024x64xf32>
    tpu.vector_store %arg7[%swap3A, %swap3A_23], %add3A_22 {strides = array<i32>} : memref<1024x64xf32, #tpu.memory_space<vmem>>, vector<1024x64xf32>,
    %add3A_25 = arith.addf %dot_general3A_13, %dot_general3A_18 : vector<1024x64xf32>
    %swap3A_26 = arith.constant 0 : index
    %swap3A_27 = arith.constant 0 : index
    %swap3A_28 = vector.load %arg8[%swap3A_26, %swap3A_27] : memref<1024x64xf32, #tpu.memory_space<vmem>>, vector<1024x64xf32>
    tpu.vector_store %arg8[%swap3A_26, %swap3A_27], %add3A_25 {strides = array<i32>} : memref<1024x64xf32, #tpu.memory_space<vmem>>, vector<1024x64xf32>,
    return
  }
  func.func @transform_0(%arg0: i32) -> (i32, i32) {
    %c0_i32 = arith.constant 0 : i32
    %c0_i32_0 = arith.constant 0 : i32
    return %arg0, %c0_i32 : i32, i32
  }
  func.func @transform_1(%arg0: i32) -> (i32, i32) {
    %c0_i32 = arith.constant 0 : i32
    %c0_i32_0 = arith.constant 0 : i32
    return %arg0, %c0_i32 : i32, i32
  }
  func.func @transform_2(%arg0: i32) -> (i32, i32) {
    %c0_i32 = arith.constant 0 : i32
    %c0_i32_0 = arith.constant 0 : i32
    %c0_i32_1 = arith.constant 0 : i32
    return %c0_i32, %c0_i32_0 : i32, i32
  }
  func.func @transform_3(%arg0: i32) -> (i32, i32) {
    %c0_i32 = arith.constant 0 : i32
    %c0_i32_0 = arith.constant 0 : i32
    %c0_i32_1 = arith.constant 0 : i32
    return %c0_i32, %c0_i32_0 : i32, i32
  }
  func.func @transform_4(%arg0: i32) -> (i32, i32) {
    %c0_i32 = arith.constant 0 : i32
    %c0_i32_0 = arith.constant 0 : i32
    %c0_i32_1 = arith.constant 0 : i32
    return %c0_i32, %c0_i32_0 : i32, i32
  }
  func.func @transform_5(%arg0: i32) -> (i32, i32) {
    %c0_i32 = arith.constant 0 : i32
    %c0_i32_0 = arith.constant 0 : i32
    %c0_i32_1 = arith.constant 0 : i32
    return %c0_i32, %c0_i32_0 : i32, i32
  }
  func.func @transform_6(%arg0: i32) -> (i32, i32) {
    %c0_i32 = arith.constant 0 : i32
    %c0_i32_0 = arith.constant 0 : i32
    return %arg0, %c0_i32 : i32, i32
  }
  func.func @transform_7(%arg0: i32) -> (i32, i32) {
    %c0_i32 = arith.constant 0 : i32
    %c0_i32_0 = arith.constant 0 : i32
    return %arg0, %c0_i32 : i32, i32
  }
}

module attributes {stable_mosaic.version = 14 : i64} {
  func.func @_knn_body(%arg0: i32, %arg1: i32, %arg2: memref<1x4096x8xf32, #tpu.memory_space<vmem>>, %arg3: memref<1x8x128xf32, #tpu.memory_space<vmem>>, %arg4: memref<1x16x128xi32, #tpu.memory_space<vmem>>) attributes {dimension_semantics = [#tpu.dimension_semantics<arbitrary>, #tpu.dimension_semantics<arbitrary>], iteration_bounds = array<i64: 1, 32>, scalar_prefetch = 0 : i64, scratch_operands = 0 : i64, tpu.core_type = #tpu.core_type<tc>, window_params = [{transform_indices = @transform_0, window_bounds = array<i64: 1, 4096, 8>}, {transform_indices = @transform_1, window_bounds = array<i64: 1, 8, 128>}, {transform_indices = @transform_2, window_bounds = array<i64: 1, 16, 128>}]} {
    %get3A = arith.constant 0 : index
    %get3A_0 = arith.constant 0 : index
    %get3A_1 = arith.constant 0 : index
    %get3A_2 = vector.load %arg2[%get3A, %get3A_0, %get3A_1] : memref<1x4096x8xf32, #tpu.memory_space<vmem>>, vector<1x4096x8xf32>
    %get3A_3 = vector.shape_cast %get3A_2 : vector<1x4096x8xf32> to vector<4096x8xf32>
    %get3A_4 = arith.constant 0 : index
    %get3A_5 = arith.constant 0 : index
    %get3A_6 = arith.constant 0 : index
    %get3A_7 = vector.load %arg3[%get3A_4, %get3A_5, %get3A_6] : memref<1x8x128xf32, #tpu.memory_space<vmem>>, vector<1x8x128xf32>
    %get3A_8 = vector.shape_cast %get3A_7 : vector<1x8x128xf32> to vector<8x128xf32>
    %dot_general3A = arith.constant dense<0.000000e+00> : vector<4096x128xf32>
    %dot_general3A_9 = tpu.matmul %get3A_3, %get3A_8, %dot_general3A {dimension_numbers = #tpu.dot_dimension_numbers<[1], [0], [0], [1], [0, 0, 1, 1], [], []>, precision = #tpu.contract_precision<fp32>, transpose_lhs_hint = false} : vector<4096x8xf32>, vector<8x128xf32>, vector<4096x128xf32> -> vector<4096x128xf32>
    %mul3A = arith.mulf %get3A_3, %get3A_3 : vector<4096x8xf32>
    %reduce_sum3A = arith.constant dense<0.000000e+00> : vector<4096xf32>
    %reduce_sum3A_10 = vector.multi_reduction <add>, %mul3A, %reduce_sum3A [1] : vector<4096x8xf32> to vector<4096xf32>
    %broadcast_in_dim3A = vector.shape_cast %reduce_sum3A_10 : vector<4096xf32> to vector<4096x1xf32>
    %mul3A_11 = arith.constant 2.500000e-01 : f32
    %mul3A_12 = vector.broadcast %mul3A_11 : f32 to vector<4096x1xf32>
    %mul3A_13 = arith.mulf %broadcast_in_dim3A, %mul3A_12 : vector<4096x1xf32>
    %add3A = vector.broadcast %mul3A_13 : vector<4096x1xf32> to vector<4096x128xf32>
    %add3A_14 = arith.addf %dot_general3A_9, %add3A : vector<4096x128xf32>
    %broadcast_in_dim3A_15 = arith.constant 0x7F800000 : f32
    %broadcast_in_dim3A_16 = vector.broadcast %broadcast_in_dim3A_15 : f32 to vector<64x128xf32>
    %broadcast_in_dim3A_17 = arith.constant 0x7F800000 : f32
    %broadcast_in_dim3A_18 = vector.broadcast %broadcast_in_dim3A_17 : f32 to vector<64x128xf32>
    %broadcast_in_dim3A_19 = arith.constant 0x7F800000 : f32
    %broadcast_in_dim3A_20 = vector.broadcast %broadcast_in_dim3A_19 : f32 to vector<64x128xf32>
    %broadcast_in_dim3A_21 = arith.constant 0x7F800000 : f32
    %broadcast_in_dim3A_22 = vector.broadcast %broadcast_in_dim3A_21 : f32 to vector<64x128xf32>
    %broadcast_in_dim3A_23 = arith.constant 0x7F800000 : f32
    %broadcast_in_dim3A_24 = vector.broadcast %broadcast_in_dim3A_23 : f32 to vector<64x128xf32>
    %broadcast_in_dim3A_25 = arith.constant 0 : i32
    %broadcast_in_dim3A_26 = vector.broadcast %broadcast_in_dim3A_25 : i32 to vector<64x128xi32>
    %broadcast_in_dim3A_27 = arith.constant 0 : i32
    %broadcast_in_dim3A_28 = vector.broadcast %broadcast_in_dim3A_27 : i32 to vector<64x128xi32>
    %broadcast_in_dim3A_29 = arith.constant 0 : i32
    %broadcast_in_dim3A_30 = vector.broadcast %broadcast_in_dim3A_29 : i32 to vector<64x128xi32>
    %broadcast_in_dim3A_31 = arith.constant 0 : i32
    %broadcast_in_dim3A_32 = vector.broadcast %broadcast_in_dim3A_31 : i32 to vector<64x128xi32>
    %broadcast_in_dim3A_33 = arith.constant 0 : i32
    %broadcast_in_dim3A_34 = vector.broadcast %broadcast_in_dim3A_33 : i32 to vector<64x128xi32>
    %slice3A = vector.extract_strided_slice %add3A_14 {offsets = [0, 0], sizes = [64, 128], strides = [1, 1]} : vector<4096x128xf32> to vector<64x128xf32>
    %broadcast_in_dim3A_35 = arith.constant 0 : i32
    %broadcast_in_dim3A_36 = vector.broadcast %broadcast_in_dim3A_35 : i32 to vector<64x128xi32>
    %lt3A = arith.cmpf olt, %slice3A, %broadcast_in_dim3A_16 : vector<64x128xf32>
    %min3A = arith.minimumf %broadcast_in_dim3A_16, %slice3A : vector<64x128xf32>
    %select_n3A = arith.select %lt3A, %broadcast_in_dim3A_36, %broadcast_in_dim3A_26 : vector<64x128xi1>, vector<64x128xi32>
    %max3A = arith.maximumf %broadcast_in_dim3A_16, %slice3A : vector<64x128xf32>
    %select_n3A_37 = arith.select %lt3A, %broadcast_in_dim3A_26, %broadcast_in_dim3A_36 : vector<64x128xi1>, vector<64x128xi32>
    %lt3A_38 = arith.cmpf olt, %max3A, %broadcast_in_dim3A_18 : vector<64x128xf32>
    %min3A_39 = arith.minimumf %broadcast_in_dim3A_18, %max3A : vector<64x128xf32>
    %select_n3A_40 = arith.select %lt3A_38, %select_n3A_37, %broadcast_in_dim3A_28 : vector<64x128xi1>, vector<64x128xi32>
    %max3A_41 = arith.maximumf %broadcast_in_dim3A_18, %max3A : vector<64x128xf32>
    %select_n3A_42 = arith.select %lt3A_38, %broadcast_in_dim3A_28, %select_n3A_37 : vector<64x128xi1>, vector<64x128xi32>
    %lt3A_43 = arith.cmpf olt, %max3A_41, %broadcast_in_dim3A_20 : vector<64x128xf32>
    %min3A_44 = arith.minimumf %broadcast_in_dim3A_20, %max3A_41 : vector<64x128xf32>
    %select_n3A_45 = arith.select %lt3A_43, %select_n3A_42, %broadcast_in_dim3A_30 : vector<64x128xi1>, vector<64x128xi32>
    %max3A_46 = arith.maximumf %broadcast_in_dim3A_20, %max3A_41 : vector<64x128xf32>
    %select_n3A_47 = arith.select %lt3A_43, %broadcast_in_dim3A_30, %select_n3A_42 : vector<64x128xi1>, vector<64x128xi32>
    %lt3A_48 = arith.cmpf olt, %max3A_46, %broadcast_in_dim3A_22 : vector<64x128xf32>
    %min3A_49 = arith.minimumf %broadcast_in_dim3A_22, %max3A_46 : vector<64x128xf32>
    %select_n3A_50 = arith.select %lt3A_48, %select_n3A_47, %broadcast_in_dim3A_32 : vector<64x128xi1>, vector<64x128xi32>
    %max3A_51 = arith.maximumf %broadcast_in_dim3A_22, %max3A_46 : vector<64x128xf32>
    %select_n3A_52 = arith.select %lt3A_48, %broadcast_in_dim3A_32, %select_n3A_47 : vector<64x128xi1>, vector<64x128xi32>
    %lt3A_53 = arith.cmpf olt, %max3A_51, %broadcast_in_dim3A_24 : vector<64x128xf32>
    %min3A_54 = arith.minimumf %broadcast_in_dim3A_24, %max3A_51 : vector<64x128xf32>
    %select_n3A_55 = arith.select %lt3A_53, %select_n3A_52, %broadcast_in_dim3A_34 : vector<64x128xi1>, vector<64x128xi32>
    %slice3A_56 = vector.extract_strided_slice %add3A_14 {offsets = [64, 0], sizes = [64, 128], strides = [1, 1]} : vector<4096x128xf32> to vector<64x128xf32>
    %broadcast_in_dim3A_57 = arith.constant 1 : i32
    %broadcast_in_dim3A_58 = vector.broadcast %broadcast_in_dim3A_57 : i32 to vector<64x128xi32>
    %lt3A_59 = arith.cmpf olt, %slice3A_56, %min3A : vector<64x128xf32>
    %min3A_60 = arith.minimumf %min3A, %slice3A_56 : vector<64x128xf32>
    %select_n3A_61 = arith.select %lt3A_59, %broadcast_in_dim3A_58, %select_n3A : vector<64x128xi1>, vector<64x128xi32>
    %max3A_62 = arith.maximumf %min3A, %slice3A_56 : vector<64x128xf32>
    %select_n3A_63 = arith.select %lt3A_59, %select_n3A, %broadcast_in_dim3A_58 : vector<64x128xi1>, vector<64x128xi32>
    %lt3A_64 = arith.cmpf olt, %max3A_62, %min3A_39 : vector<64x128xf32>
    %min3A_65 = arith.minimumf %min3A_39, %max3A_62 : vector<64x128xf32>
    %select_n3A_66 = arith.select %lt3A_64, %select_n3A_63, %select_n3A_40 : vector<64x128xi1>, vector<64x128xi32>
    %max3A_67 = arith.maximumf %min3A_39, %max3A_62 : vector<64x128xf32>
    %select_n3A_68 = arith.select %lt3A_64, %select_n3A_40, %select_n3A_63 : vector<64x128xi1>, vector<64x128xi32>
    %lt3A_69 = arith.cmpf olt, %max3A_67, %min3A_44 : vector<64x128xf32>
    %min3A_70 = arith.minimumf %min3A_44, %max3A_67 : vector<64x128xf32>
    %select_n3A_71 = arith.select %lt3A_69, %select_n3A_68, %select_n3A_45 : vector<64x128xi1>, vector<64x128xi32>
    %max3A_72 = arith.maximumf %min3A_44, %max3A_67 : vector<64x128xf32>
    %select_n3A_73 = arith.select %lt3A_69, %select_n3A_45, %select_n3A_68 : vector<64x128xi1>, vector<64x128xi32>
    %lt3A_74 = arith.cmpf olt, %max3A_72, %min3A_49 : vector<64x128xf32>
    %min3A_75 = arith.minimumf %min3A_49, %max3A_72 : vector<64x128xf32>
    %select_n3A_76 = arith.select %lt3A_74, %select_n3A_73, %select_n3A_50 : vector<64x128xi1>, vector<64x128xi32>
    %max3A_77 = arith.maximumf %min3A_49, %max3A_72 : vector<64x128xf32>
    %select_n3A_78 = arith.select %lt3A_74, %select_n3A_50, %select_n3A_73 : vector<64x128xi1>, vector<64x128xi32>
    %lt3A_79 = arith.cmpf olt, %max3A_77, %min3A_54 : vector<64x128xf32>
    %min3A_80 = arith.minimumf %min3A_54, %max3A_77 : vector<64x128xf32>
    %select_n3A_81 = arith.select %lt3A_79, %select_n3A_78, %select_n3A_55 : vector<64x128xi1>, vector<64x128xi32>
    %slice3A_82 = vector.extract_strided_slice %add3A_14 {offsets = [128, 0], sizes = [64, 128], strides = [1, 1]} : vector<4096x128xf32> to vector<64x128xf32>
    %broadcast_in_dim3A_83 = arith.constant 2 : i32
    %broadcast_in_dim3A_84 = vector.broadcast %broadcast_in_dim3A_83 : i32 to vector<64x128xi32>
    %lt3A_85 = arith.cmpf olt, %slice3A_82, %min3A_60 : vector<64x128xf32>
    %min3A_86 = arith.minimumf %min3A_60, %slice3A_82 : vector<64x128xf32>
    %select_n3A_87 = arith.select %lt3A_85, %broadcast_in_dim3A_84, %select_n3A_61 : vector<64x128xi1>, vector<64x128xi32>
    %max3A_88 = arith.maximumf %min3A_60, %slice3A_82 : vector<64x128xf32>
    %select_n3A_89 = arith.select %lt3A_85, %select_n3A_61, %broadcast_in_dim3A_84 : vector<64x128xi1>, vector<64x128xi32>
    %lt3A_90 = arith.cmpf olt, %max3A_88, %min3A_65 : vector<64x128xf32>
    %min3A_91 = arith.minimumf %min3A_65, %max3A_88 : vector<64x128xf32>
    %select_n3A_92 = arith.select %lt3A_90, %select_n3A_89, %select_n3A_66 : vector<64x128xi1>, vector<64x128xi32>
    %max3A_93 = arith.maximumf %min3A_65, %max3A_88 : vector<64x128xf32>
    %select_n3A_94 = arith.select %lt3A_90, %select_n3A_66, %select_n3A_89 : vector<64x128xi1>, vector<64x128xi32>
    %lt3A_95 = arith.cmpf olt, %max3A_93, %min3A_70 : vector<64x128xf32>
    %min3A_96 = arith.minimumf %min3A_70, %max3A_93 : vector<64x128xf32>
    %select_n3A_97 = arith.select %lt3A_95, %select_n3A_94, %select_n3A_71 : vector<64x128xi1>, vector<64x128xi32>
    %max3A_98 = arith.maximumf %min3A_70, %max3A_93 : vector<64x128xf32>
    %select_n3A_99 = arith.select %lt3A_95, %select_n3A_71, %select_n3A_94 : vector<64x128xi1>, vector<64x128xi32>
    %lt3A_100 = arith.cmpf olt, %max3A_98, %min3A_75 : vector<64x128xf32>
    %min3A_101 = arith.minimumf %min3A_75, %max3A_98 : vector<64x128xf32>
    %select_n3A_102 = arith.select %lt3A_100, %select_n3A_99, %select_n3A_76 : vector<64x128xi1>, vector<64x128xi32>
    %max3A_103 = arith.maximumf %min3A_75, %max3A_98 : vector<64x128xf32>
    %select_n3A_104 = arith.select %lt3A_100, %select_n3A_76, %select_n3A_99 : vector<64x128xi1>, vector<64x128xi32>
    %lt3A_105 = arith.cmpf olt, %max3A_103, %min3A_80 : vector<64x128xf32>
    %min3A_106 = arith.minimumf %min3A_80, %max3A_103 : vector<64x128xf32>
    %select_n3A_107 = arith.select %lt3A_105, %select_n3A_104, %select_n3A_81 : vector<64x128xi1>, vector<64x128xi32>
    %slice3A_108 = vector.extract_strided_slice %add3A_14 {offsets = [192, 0], sizes = [64, 128], strides = [1, 1]} : vector<4096x128xf32> to vector<64x128xf32>
    %broadcast_in_dim3A_109 = arith.constant 3 : i32
    %broadcast_in_dim3A_110 = vector.broadcast %broadcast_in_dim3A_109 : i32 to vector<64x128xi32>
    %lt3A_111 = arith.cmpf olt, %slice3A_108, %min3A_86 : vector<64x128xf32>
    %min3A_112 = arith.minimumf %min3A_86, %slice3A_108 : vector<64x128xf32>
    %select_n3A_113 = arith.select %lt3A_111, %broadcast_in_dim3A_110, %select_n3A_87 : vector<64x128xi1>, vector<64x128xi32>
    %max3A_114 = arith.maximumf %min3A_86, %slice3A_108 : vector<64x128xf32>
    %select_n3A_115 = arith.select %lt3A_111, %select_n3A_87, %broadcast_in_dim3A_110 : vector<64x128xi1>, vector<64x128xi32>
    %lt3A_116 = arith.cmpf olt, %max3A_114, %min3A_91 : vector<64x128xf32>
    %min3A_117 = arith.minimumf %min3A_91, %max3A_114 : vector<64x128xf32>
    %select_n3A_118 = arith.select %lt3A_116, %select_n3A_115, %select_n3A_92 : vector<64x128xi1>, vector<64x128xi32>
    %max3A_119 = arith.maximumf %min3A_91, %max3A_114 : vector<64x128xf32>
    %select_n3A_120 = arith.select %lt3A_116, %select_n3A_92, %select_n3A_115 : vector<64x128xi1>, vector<64x128xi32>
    %lt3A_121 = arith.cmpf olt, %max3A_119, %min3A_96 : vector<64x128xf32>
    %min3A_122 = arith.minimumf %min3A_96, %max3A_119 : vector<64x128xf32>
    %select_n3A_123 = arith.select %lt3A_121, %select_n3A_120, %select_n3A_97 : vector<64x128xi1>, vector<64x128xi32>
    %max3A_124 = arith.maximumf %min3A_96, %max3A_119 : vector<64x128xf32>
    %select_n3A_125 = arith.select %lt3A_121, %select_n3A_97, %select_n3A_120 : vector<64x128xi1>, vector<64x128xi32>
    %lt3A_126 = arith.cmpf olt, %max3A_124, %min3A_101 : vector<64x128xf32>
    %min3A_127 = arith.minimumf %min3A_101, %max3A_124 : vector<64x128xf32>
    %select_n3A_128 = arith.select %lt3A_126, %select_n3A_125, %select_n3A_102 : vector<64x128xi1>, vector<64x128xi32>
    %max3A_129 = arith.maximumf %min3A_101, %max3A_124 : vector<64x128xf32>
    %select_n3A_130 = arith.select %lt3A_126, %select_n3A_102, %select_n3A_125 : vector<64x128xi1>, vector<64x128xi32>
    %lt3A_131 = arith.cmpf olt, %max3A_129, %min3A_106 : vector<64x128xf32>
    %min3A_132 = arith.minimumf %min3A_106, %max3A_129 : vector<64x128xf32>
    %select_n3A_133 = arith.select %lt3A_131, %select_n3A_130, %select_n3A_107 : vector<64x128xi1>, vector<64x128xi32>
    %slice3A_134 = vector.extract_strided_slice %add3A_14 {offsets = [256, 0], sizes = [64, 128], strides = [1, 1]} : vector<4096x128xf32> to vector<64x128xf32>
    %broadcast_in_dim3A_135 = arith.constant 4 : i32
    %broadcast_in_dim3A_136 = vector.broadcast %broadcast_in_dim3A_135 : i32 to vector<64x128xi32>
    %lt3A_137 = arith.cmpf olt, %slice3A_134, %min3A_112 : vector<64x128xf32>
    %min3A_138 = arith.minimumf %min3A_112, %slice3A_134 : vector<64x128xf32>
    %select_n3A_139 = arith.select %lt3A_137, %broadcast_in_dim3A_136, %select_n3A_113 : vector<64x128xi1>, vector<64x128xi32>
    %max3A_140 = arith.maximumf %min3A_112, %slice3A_134 : vector<64x128xf32>
    %select_n3A_141 = arith.select %lt3A_137, %select_n3A_113, %broadcast_in_dim3A_136 : vector<64x128xi1>, vector<64x128xi32>
    %lt3A_142 = arith.cmpf olt, %max3A_140, %min3A_117 : vector<64x128xf32>
    %min3A_143 = arith.minimumf %min3A_117, %max3A_140 : vector<64x128xf32>
    %select_n3A_144 = arith.select %lt3A_142, %select_n3A_141, %select_n3A_118 : vector<64x128xi1>, vector<64x128xi32>
    %max3A_145 = arith.maximumf %min3A_117, %max3A_140 : vector<64x128xf32>
    %select_n3A_146 = arith.select %lt3A_142, %select_n3A_118, %select_n3A_141 : vector<64x128xi1>, vector<64x128xi32>
    %lt3A_147 = arith.cmpf olt, %max3A_145, %min3A_122 : vector<64x128xf32>
    %min3A_148 = arith.minimumf %min3A_122, %max3A_145 : vector<64x128xf32>
    %select_n3A_149 = arith.select %lt3A_147, %select_n3A_146, %select_n3A_123 : vector<64x128xi1>, vector<64x128xi32>
    %max3A_150 = arith.maximumf %min3A_122, %max3A_145 : vector<64x128xf32>
    %select_n3A_151 = arith.select %lt3A_147, %select_n3A_123, %select_n3A_146 : vector<64x128xi1>, vector<64x128xi32>
    %lt3A_152 = arith.cmpf olt, %max3A_150, %min3A_127 : vector<64x128xf32>
    %min3A_153 = arith.minimumf %min3A_127, %max3A_150 : vector<64x128xf32>
    %select_n3A_154 = arith.select %lt3A_152, %select_n3A_151, %select_n3A_128 : vector<64x128xi1>, vector<64x128xi32>
    %max3A_155 = arith.maximumf %min3A_127, %max3A_150 : vector<64x128xf32>
    %select_n3A_156 = arith.select %lt3A_152, %select_n3A_128, %select_n3A_151 : vector<64x128xi1>, vector<64x128xi32>
    %lt3A_157 = arith.cmpf olt, %max3A_155, %min3A_132 : vector<64x128xf32>
    %min3A_158 = arith.minimumf %min3A_132, %max3A_155 : vector<64x128xf32>
    %select_n3A_159 = arith.select %lt3A_157, %select_n3A_156, %select_n3A_133 : vector<64x128xi1>, vector<64x128xi32>
    %slice3A_160 = vector.extract_strided_slice %add3A_14 {offsets = [320, 0], sizes = [64, 128], strides = [1, 1]} : vector<4096x128xf32> to vector<64x128xf32>
    %broadcast_in_dim3A_161 = arith.constant 5 : i32
    %broadcast_in_dim3A_162 = vector.broadcast %broadcast_in_dim3A_161 : i32 to vector<64x128xi32>
    %lt3A_163 = arith.cmpf olt, %slice3A_160, %min3A_138 : vector<64x128xf32>
    %min3A_164 = arith.minimumf %min3A_138, %slice3A_160 : vector<64x128xf32>
    %select_n3A_165 = arith.select %lt3A_163, %broadcast_in_dim3A_162, %select_n3A_139 : vector<64x128xi1>, vector<64x128xi32>
    %max3A_166 = arith.maximumf %min3A_138, %slice3A_160 : vector<64x128xf32>
    %select_n3A_167 = arith.select %lt3A_163, %select_n3A_139, %broadcast_in_dim3A_162 : vector<64x128xi1>, vector<64x128xi32>
    %lt3A_168 = arith.cmpf olt, %max3A_166, %min3A_143 : vector<64x128xf32>
    %min3A_169 = arith.minimumf %min3A_143, %max3A_166 : vector<64x128xf32>
    %select_n3A_170 = arith.select %lt3A_168, %select_n3A_167, %select_n3A_144 : vector<64x128xi1>, vector<64x128xi32>
    %max3A_171 = arith.maximumf %min3A_143, %max3A_166 : vector<64x128xf32>
    %select_n3A_172 = arith.select %lt3A_168, %select_n3A_144, %select_n3A_167 : vector<64x128xi1>, vector<64x128xi32>
    %lt3A_173 = arith.cmpf olt, %max3A_171, %min3A_148 : vector<64x128xf32>
    %min3A_174 = arith.minimumf %min3A_148, %max3A_171 : vector<64x128xf32>
    %select_n3A_175 = arith.select %lt3A_173, %select_n3A_172, %select_n3A_149 : vector<64x128xi1>, vector<64x128xi32>
    %max3A_176 = arith.maximumf %min3A_148, %max3A_171 : vector<64x128xf32>
    %select_n3A_177 = arith.select %lt3A_173, %select_n3A_149, %select_n3A_172 : vector<64x128xi1>, vector<64x128xi32>
    %lt3A_178 = arith.cmpf olt, %max3A_176, %min3A_153 : vector<64x128xf32>
    %min3A_179 = arith.minimumf %min3A_153, %max3A_176 : vector<64x128xf32>
    %select_n3A_180 = arith.select %lt3A_178, %select_n3A_177, %select_n3A_154 : vector<64x128xi1>, vector<64x128xi32>
    %max3A_181 = arith.maximumf %min3A_153, %max3A_176 : vector<64x128xf32>
    %select_n3A_182 = arith.select %lt3A_178, %select_n3A_154, %select_n3A_177 : vector<64x128xi1>, vector<64x128xi32>
    %lt3A_183 = arith.cmpf olt, %max3A_181, %min3A_158 : vector<64x128xf32>
    %min3A_184 = arith.minimumf %min3A_158, %max3A_181 : vector<64x128xf32>
    %select_n3A_185 = arith.select %lt3A_183, %select_n3A_182, %select_n3A_159 : vector<64x128xi1>, vector<64x128xi32>
    %slice3A_186 = vector.extract_strided_slice %add3A_14 {offsets = [384, 0], sizes = [64, 128], strides = [1, 1]} : vector<4096x128xf32> to vector<64x128xf32>
    %broadcast_in_dim3A_187 = arith.constant 6 : i32
    %broadcast_in_dim3A_188 = vector.broadcast %broadcast_in_dim3A_187 : i32 to vector<64x128xi32>
    %lt3A_189 = arith.cmpf olt, %slice3A_186, %min3A_164 : vector<64x128xf32>
    %min3A_190 = arith.minimumf %min3A_164, %slice3A_186 : vector<64x128xf32>
    %select_n3A_191 = arith.select %lt3A_189, %broadcast_in_dim3A_188, %select_n3A_165 : vector<64x128xi1>, vector<64x128xi32>
    %max3A_192 = arith.maximumf %min3A_164, %slice3A_186 : vector<64x128xf32>
    %select_n3A_193 = arith.select %lt3A_189, %select_n3A_165, %broadcast_in_dim3A_188 : vector<64x128xi1>, vector<64x128xi32>
    %lt3A_194 = arith.cmpf olt, %max3A_192, %min3A_169 : vector<64x128xf32>
    %min3A_195 = arith.minimumf %min3A_169, %max3A_192 : vector<64x128xf32>
    %select_n3A_196 = arith.select %lt3A_194, %select_n3A_193, %select_n3A_170 : vector<64x128xi1>, vector<64x128xi32>
    %max3A_197 = arith.maximumf %min3A_169, %max3A_192 : vector<64x128xf32>
    %select_n3A_198 = arith.select %lt3A_194, %select_n3A_170, %select_n3A_193 : vector<64x128xi1>, vector<64x128xi32>
    %lt3A_199 = arith.cmpf olt, %max3A_197, %min3A_174 : vector<64x128xf32>
    %min3A_200 = arith.minimumf %min3A_174, %max3A_197 : vector<64x128xf32>
    %select_n3A_201 = arith.select %lt3A_199, %select_n3A_198, %select_n3A_175 : vector<64x128xi1>, vector<64x128xi32>
    %max3A_202 = arith.maximumf %min3A_174, %max3A_197 : vector<64x128xf32>
    %select_n3A_203 = arith.select %lt3A_199, %select_n3A_175, %select_n3A_198 : vector<64x128xi1>, vector<64x128xi32>
    %lt3A_204 = arith.cmpf olt, %max3A_202, %min3A_179 : vector<64x128xf32>
    %min3A_205 = arith.minimumf %min3A_179, %max3A_202 : vector<64x128xf32>
    %select_n3A_206 = arith.select %lt3A_204, %select_n3A_203, %select_n3A_180 : vector<64x128xi1>, vector<64x128xi32>
    %max3A_207 = arith.maximumf %min3A_179, %max3A_202 : vector<64x128xf32>
    %select_n3A_208 = arith.select %lt3A_204, %select_n3A_180, %select_n3A_203 : vector<64x128xi1>, vector<64x128xi32>
    %lt3A_209 = arith.cmpf olt, %max3A_207, %min3A_184 : vector<64x128xf32>
    %min3A_210 = arith.minimumf %min3A_184, %max3A_207 : vector<64x128xf32>
    %select_n3A_211 = arith.select %lt3A_209, %select_n3A_208, %select_n3A_185 : vector<64x128xi1>, vector<64x128xi32>
    %slice3A_212 = vector.extract_strided_slice %add3A_14 {offsets = [448, 0], sizes = [64, 128], strides = [1, 1]} : vector<4096x128xf32> to vector<64x128xf32>
    %broadcast_in_dim3A_213 = arith.constant 7 : i32
    %broadcast_in_dim3A_214 = vector.broadcast %broadcast_in_dim3A_213 : i32 to vector<64x128xi32>
    %lt3A_215 = arith.cmpf olt, %slice3A_212, %min3A_190 : vector<64x128xf32>
    %min3A_216 = arith.minimumf %min3A_190, %slice3A_212 : vector<64x128xf32>
    %select_n3A_217 = arith.select %lt3A_215, %broadcast_in_dim3A_214, %select_n3A_191 : vector<64x128xi1>, vector<64x128xi32>
    %max3A_218 = arith.maximumf %min3A_190, %slice3A_212 : vector<64x128xf32>
    %select_n3A_219 = arith.select %lt3A_215, %select_n3A_191, %broadcast_in_dim3A_214 : vector<64x128xi1>, vector<64x128xi32>
    %lt3A_220 = arith.cmpf olt, %max3A_218, %min3A_195 : vector<64x128xf32>
    %min3A_221 = arith.minimumf %min3A_195, %max3A_218 : vector<64x128xf32>
    %select_n3A_222 = arith.select %lt3A_220, %select_n3A_219, %select_n3A_196 : vector<64x128xi1>, vector<64x128xi32>
    %max3A_223 = arith.maximumf %min3A_195, %max3A_218 : vector<64x128xf32>
    %select_n3A_224 = arith.select %lt3A_220, %select_n3A_196, %select_n3A_219 : vector<64x128xi1>, vector<64x128xi32>
    %lt3A_225 = arith.cmpf olt, %max3A_223, %min3A_200 : vector<64x128xf32>
    %min3A_226 = arith.minimumf %min3A_200, %max3A_223 : vector<64x128xf32>
    %select_n3A_227 = arith.select %lt3A_225, %select_n3A_224, %select_n3A_201 : vector<64x128xi1>, vector<64x128xi32>
    %max3A_228 = arith.maximumf %min3A_200, %max3A_223 : vector<64x128xf32>
    %select_n3A_229 = arith.select %lt3A_225, %select_n3A_201, %select_n3A_224 : vector<64x128xi1>, vector<64x128xi32>
    %lt3A_230 = arith.cmpf olt, %max3A_228, %min3A_205 : vector<64x128xf32>
    %min3A_231 = arith.minimumf %min3A_205, %max3A_228 : vector<64x128xf32>
    %select_n3A_232 = arith.select %lt3A_230, %select_n3A_229, %select_n3A_206 : vector<64x128xi1>, vector<64x128xi32>
    %max3A_233 = arith.maximumf %min3A_205, %max3A_228 : vector<64x128xf32>
    %select_n3A_234 = arith.select %lt3A_230, %select_n3A_206, %select_n3A_229 : vector<64x128xi1>, vector<64x128xi32>
    %lt3A_235 = arith.cmpf olt, %max3A_233, %min3A_210 : vector<64x128xf32>
    %min3A_236 = arith.minimumf %min3A_210, %max3A_233 : vector<64x128xf32>
    %select_n3A_237 = arith.select %lt3A_235, %select_n3A_234, %select_n3A_211 : vector<64x128xi1>, vector<64x128xi32>
    %slice3A_238 = vector.extract_strided_slice %add3A_14 {offsets = [512, 0], sizes = [64, 128], strides = [1, 1]} : vector<4096x128xf32> to vector<64x128xf32>
    %broadcast_in_dim3A_239 = arith.constant 8 : i32
    %broadcast_in_dim3A_240 = vector.broadcast %broadcast_in_dim3A_239 : i32 to vector<64x128xi32>
    %lt3A_241 = arith.cmpf olt, %slice3A_238, %min3A_216 : vector<64x128xf32>
    %min3A_242 = arith.minimumf %min3A_216, %slice3A_238 : vector<64x128xf32>
    %select_n3A_243 = arith.select %lt3A_241, %broadcast_in_dim3A_240, %select_n3A_217 : vector<64x128xi1>, vector<64x128xi32>
    %max3A_244 = arith.maximumf %min3A_216, %slice3A_238 : vector<64x128xf32>
    %select_n3A_245 = arith.select %lt3A_241, %select_n3A_217, %broadcast_in_dim3A_240 : vector<64x128xi1>, vector<64x128xi32>
    %lt3A_246 = arith.cmpf olt, %max3A_244, %min3A_221 : vector<64x128xf32>
    %min3A_247 = arith.minimumf %min3A_221, %max3A_244 : vector<64x128xf32>
    %select_n3A_248 = arith.select %lt3A_246, %select_n3A_245, %select_n3A_222 : vector<64x128xi1>, vector<64x128xi32>
    %max3A_249 = arith.maximumf %min3A_221, %max3A_244 : vector<64x128xf32>
    %select_n3A_250 = arith.select %lt3A_246, %select_n3A_222, %select_n3A_245 : vector<64x128xi1>, vector<64x128xi32>
    %lt3A_251 = arith.cmpf olt, %max3A_249, %min3A_226 : vector<64x128xf32>
    %min3A_252 = arith.minimumf %min3A_226, %max3A_249 : vector<64x128xf32>
    %select_n3A_253 = arith.select %lt3A_251, %select_n3A_250, %select_n3A_227 : vector<64x128xi1>, vector<64x128xi32>
    %max3A_254 = arith.maximumf %min3A_226, %max3A_249 : vector<64x128xf32>
    %select_n3A_255 = arith.select %lt3A_251, %select_n3A_227, %select_n3A_250 : vector<64x128xi1>, vector<64x128xi32>
    %lt3A_256 = arith.cmpf olt, %max3A_254, %min3A_231 : vector<64x128xf32>
    %min3A_257 = arith.minimumf %min3A_231, %max3A_254 : vector<64x128xf32>
    %select_n3A_258 = arith.select %lt3A_256, %select_n3A_255, %select_n3A_232 : vector<64x128xi1>, vector<64x128xi32>
    %max3A_259 = arith.maximumf %min3A_231, %max3A_254 : vector<64x128xf32>
    %select_n3A_260 = arith.select %lt3A_256, %select_n3A_232, %select_n3A_255 : vector<64x128xi1>, vector<64x128xi32>
    %lt3A_261 = arith.cmpf olt, %max3A_259, %min3A_236 : vector<64x128xf32>
    %min3A_262 = arith.minimumf %min3A_236, %max3A_259 : vector<64x128xf32>
    %select_n3A_263 = arith.select %lt3A_261, %select_n3A_260, %select_n3A_237 : vector<64x128xi1>, vector<64x128xi32>
    %slice3A_264 = vector.extract_strided_slice %add3A_14 {offsets = [576, 0], sizes = [64, 128], strides = [1, 1]} : vector<4096x128xf32> to vector<64x128xf32>
    %broadcast_in_dim3A_265 = arith.constant 9 : i32
    %broadcast_in_dim3A_266 = vector.broadcast %broadcast_in_dim3A_265 : i32 to vector<64x128xi32>
    %lt3A_267 = arith.cmpf olt, %slice3A_264, %min3A_242 : vector<64x128xf32>
    %min3A_268 = arith.minimumf %min3A_242, %slice3A_264 : vector<64x128xf32>
    %select_n3A_269 = arith.select %lt3A_267, %broadcast_in_dim3A_266, %select_n3A_243 : vector<64x128xi1>, vector<64x128xi32>
    %max3A_270 = arith.maximumf %min3A_242, %slice3A_264 : vector<64x128xf32>
    %select_n3A_271 = arith.select %lt3A_267, %select_n3A_243, %broadcast_in_dim3A_266 : vector<64x128xi1>, vector<64x128xi32>
    %lt3A_272 = arith.cmpf olt, %max3A_270, %min3A_247 : vector<64x128xf32>
    %min3A_273 = arith.minimumf %min3A_247, %max3A_270 : vector<64x128xf32>
    %select_n3A_274 = arith.select %lt3A_272, %select_n3A_271, %select_n3A_248 : vector<64x128xi1>, vector<64x128xi32>
    %max3A_275 = arith.maximumf %min3A_247, %max3A_270 : vector<64x128xf32>
    %select_n3A_276 = arith.select %lt3A_272, %select_n3A_248, %select_n3A_271 : vector<64x128xi1>, vector<64x128xi32>
    %lt3A_277 = arith.cmpf olt, %max3A_275, %min3A_252 : vector<64x128xf32>
    %min3A_278 = arith.minimumf %min3A_252, %max3A_275 : vector<64x128xf32>
    %select_n3A_279 = arith.select %lt3A_277, %select_n3A_276, %select_n3A_253 : vector<64x128xi1>, vector<64x128xi32>
    %max3A_280 = arith.maximumf %min3A_252, %max3A_275 : vector<64x128xf32>
    %select_n3A_281 = arith.select %lt3A_277, %select_n3A_253, %select_n3A_276 : vector<64x128xi1>, vector<64x128xi32>
    %lt3A_282 = arith.cmpf olt, %max3A_280, %min3A_257 : vector<64x128xf32>
    %min3A_283 = arith.minimumf %min3A_257, %max3A_280 : vector<64x128xf32>
    %select_n3A_284 = arith.select %lt3A_282, %select_n3A_281, %select_n3A_258 : vector<64x128xi1>, vector<64x128xi32>
    %max3A_285 = arith.maximumf %min3A_257, %max3A_280 : vector<64x128xf32>
    %select_n3A_286 = arith.select %lt3A_282, %select_n3A_258, %select_n3A_281 : vector<64x128xi1>, vector<64x128xi32>
    %lt3A_287 = arith.cmpf olt, %max3A_285, %min3A_262 : vector<64x128xf32>
    %min3A_288 = arith.minimumf %min3A_262, %max3A_285 : vector<64x128xf32>
    %select_n3A_289 = arith.select %lt3A_287, %select_n3A_286, %select_n3A_263 : vector<64x128xi1>, vector<64x128xi32>
    %slice3A_290 = vector.extract_strided_slice %add3A_14 {offsets = [640, 0], sizes = [64, 128], strides = [1, 1]} : vector<4096x128xf32> to vector<64x128xf32>
    %broadcast_in_dim3A_291 = arith.constant 10 : i32
    %broadcast_in_dim3A_292 = vector.broadcast %broadcast_in_dim3A_291 : i32 to vector<64x128xi32>
    %lt3A_293 = arith.cmpf olt, %slice3A_290, %min3A_268 : vector<64x128xf32>
    %min3A_294 = arith.minimumf %min3A_268, %slice3A_290 : vector<64x128xf32>
    %select_n3A_295 = arith.select %lt3A_293, %broadcast_in_dim3A_292, %select_n3A_269 : vector<64x128xi1>, vector<64x128xi32>
    %max3A_296 = arith.maximumf %min3A_268, %slice3A_290 : vector<64x128xf32>
    %select_n3A_297 = arith.select %lt3A_293, %select_n3A_269, %broadcast_in_dim3A_292 : vector<64x128xi1>, vector<64x128xi32>
    %lt3A_298 = arith.cmpf olt, %max3A_296, %min3A_273 : vector<64x128xf32>
    %min3A_299 = arith.minimumf %min3A_273, %max3A_296 : vector<64x128xf32>
    %select_n3A_300 = arith.select %lt3A_298, %select_n3A_297, %select_n3A_274 : vector<64x128xi1>, vector<64x128xi32>
    %max3A_301 = arith.maximumf %min3A_273, %max3A_296 : vector<64x128xf32>
    %select_n3A_302 = arith.select %lt3A_298, %select_n3A_274, %select_n3A_297 : vector<64x128xi1>, vector<64x128xi32>
    %lt3A_303 = arith.cmpf olt, %max3A_301, %min3A_278 : vector<64x128xf32>
    %min3A_304 = arith.minimumf %min3A_278, %max3A_301 : vector<64x128xf32>
    %select_n3A_305 = arith.select %lt3A_303, %select_n3A_302, %select_n3A_279 : vector<64x128xi1>, vector<64x128xi32>
    %max3A_306 = arith.maximumf %min3A_278, %max3A_301 : vector<64x128xf32>
    %select_n3A_307 = arith.select %lt3A_303, %select_n3A_279, %select_n3A_302 : vector<64x128xi1>, vector<64x128xi32>
    %lt3A_308 = arith.cmpf olt, %max3A_306, %min3A_283 : vector<64x128xf32>
    %min3A_309 = arith.minimumf %min3A_283, %max3A_306 : vector<64x128xf32>
    %select_n3A_310 = arith.select %lt3A_308, %select_n3A_307, %select_n3A_284 : vector<64x128xi1>, vector<64x128xi32>
    %max3A_311 = arith.maximumf %min3A_283, %max3A_306 : vector<64x128xf32>
    %select_n3A_312 = arith.select %lt3A_308, %select_n3A_284, %select_n3A_307 : vector<64x128xi1>, vector<64x128xi32>
    %lt3A_313 = arith.cmpf olt, %max3A_311, %min3A_288 : vector<64x128xf32>
    %min3A_314 = arith.minimumf %min3A_288, %max3A_311 : vector<64x128xf32>
    %select_n3A_315 = arith.select %lt3A_313, %select_n3A_312, %select_n3A_289 : vector<64x128xi1>, vector<64x128xi32>
    %slice3A_316 = vector.extract_strided_slice %add3A_14 {offsets = [704, 0], sizes = [64, 128], strides = [1, 1]} : vector<4096x128xf32> to vector<64x128xf32>
    %broadcast_in_dim3A_317 = arith.constant 11 : i32
    %broadcast_in_dim3A_318 = vector.broadcast %broadcast_in_dim3A_317 : i32 to vector<64x128xi32>
    %lt3A_319 = arith.cmpf olt, %slice3A_316, %min3A_294 : vector<64x128xf32>
    %min3A_320 = arith.minimumf %min3A_294, %slice3A_316 : vector<64x128xf32>
    %select_n3A_321 = arith.select %lt3A_319, %broadcast_in_dim3A_318, %select_n3A_295 : vector<64x128xi1>, vector<64x128xi32>
    %max3A_322 = arith.maximumf %min3A_294, %slice3A_316 : vector<64x128xf32>
    %select_n3A_323 = arith.select %lt3A_319, %select_n3A_295, %broadcast_in_dim3A_318 : vector<64x128xi1>, vector<64x128xi32>
    %lt3A_324 = arith.cmpf olt, %max3A_322, %min3A_299 : vector<64x128xf32>
    %min3A_325 = arith.minimumf %min3A_299, %max3A_322 : vector<64x128xf32>
    %select_n3A_326 = arith.select %lt3A_324, %select_n3A_323, %select_n3A_300 : vector<64x128xi1>, vector<64x128xi32>
    %max3A_327 = arith.maximumf %min3A_299, %max3A_322 : vector<64x128xf32>
    %select_n3A_328 = arith.select %lt3A_324, %select_n3A_300, %select_n3A_323 : vector<64x128xi1>, vector<64x128xi32>
    %lt3A_329 = arith.cmpf olt, %max3A_327, %min3A_304 : vector<64x128xf32>
    %min3A_330 = arith.minimumf %min3A_304, %max3A_327 : vector<64x128xf32>
    %select_n3A_331 = arith.select %lt3A_329, %select_n3A_328, %select_n3A_305 : vector<64x128xi1>, vector<64x128xi32>
    %max3A_332 = arith.maximumf %min3A_304, %max3A_327 : vector<64x128xf32>
    %select_n3A_333 = arith.select %lt3A_329, %select_n3A_305, %select_n3A_328 : vector<64x128xi1>, vector<64x128xi32>
    %lt3A_334 = arith.cmpf olt, %max3A_332, %min3A_309 : vector<64x128xf32>
    %min3A_335 = arith.minimumf %min3A_309, %max3A_332 : vector<64x128xf32>
    %select_n3A_336 = arith.select %lt3A_334, %select_n3A_333, %select_n3A_310 : vector<64x128xi1>, vector<64x128xi32>
    %max3A_337 = arith.maximumf %min3A_309, %max3A_332 : vector<64x128xf32>
    %select_n3A_338 = arith.select %lt3A_334, %select_n3A_310, %select_n3A_333 : vector<64x128xi1>, vector<64x128xi32>
    %lt3A_339 = arith.cmpf olt, %max3A_337, %min3A_314 : vector<64x128xf32>
    %min3A_340 = arith.minimumf %min3A_314, %max3A_337 : vector<64x128xf32>
    %select_n3A_341 = arith.select %lt3A_339, %select_n3A_338, %select_n3A_315 : vector<64x128xi1>, vector<64x128xi32>
    %slice3A_342 = vector.extract_strided_slice %add3A_14 {offsets = [768, 0], sizes = [64, 128], strides = [1, 1]} : vector<4096x128xf32> to vector<64x128xf32>
    %broadcast_in_dim3A_343 = arith.constant 12 : i32
    %broadcast_in_dim3A_344 = vector.broadcast %broadcast_in_dim3A_343 : i32 to vector<64x128xi32>
    %lt3A_345 = arith.cmpf olt, %slice3A_342, %min3A_320 : vector<64x128xf32>
    %min3A_346 = arith.minimumf %min3A_320, %slice3A_342 : vector<64x128xf32>
    %select_n3A_347 = arith.select %lt3A_345, %broadcast_in_dim3A_344, %select_n3A_321 : vector<64x128xi1>, vector<64x128xi32>
    %max3A_348 = arith.maximumf %min3A_320, %slice3A_342 : vector<64x128xf32>
    %select_n3A_349 = arith.select %lt3A_345, %select_n3A_321, %broadcast_in_dim3A_344 : vector<64x128xi1>, vector<64x128xi32>
    %lt3A_350 = arith.cmpf olt, %max3A_348, %min3A_325 : vector<64x128xf32>
    %min3A_351 = arith.minimumf %min3A_325, %max3A_348 : vector<64x128xf32>
    %select_n3A_352 = arith.select %lt3A_350, %select_n3A_349, %select_n3A_326 : vector<64x128xi1>, vector<64x128xi32>
    %max3A_353 = arith.maximumf %min3A_325, %max3A_348 : vector<64x128xf32>
    %select_n3A_354 = arith.select %lt3A_350, %select_n3A_326, %select_n3A_349 : vector<64x128xi1>, vector<64x128xi32>
    %lt3A_355 = arith.cmpf olt, %max3A_353, %min3A_330 : vector<64x128xf32>
    %min3A_356 = arith.minimumf %min3A_330, %max3A_353 : vector<64x128xf32>
    %select_n3A_357 = arith.select %lt3A_355, %select_n3A_354, %select_n3A_331 : vector<64x128xi1>, vector<64x128xi32>
    %max3A_358 = arith.maximumf %min3A_330, %max3A_353 : vector<64x128xf32>
    %select_n3A_359 = arith.select %lt3A_355, %select_n3A_331, %select_n3A_354 : vector<64x128xi1>, vector<64x128xi32>
    %lt3A_360 = arith.cmpf olt, %max3A_358, %min3A_335 : vector<64x128xf32>
    %min3A_361 = arith.minimumf %min3A_335, %max3A_358 : vector<64x128xf32>
    %select_n3A_362 = arith.select %lt3A_360, %select_n3A_359, %select_n3A_336 : vector<64x128xi1>, vector<64x128xi32>
    %max3A_363 = arith.maximumf %min3A_335, %max3A_358 : vector<64x128xf32>
    %select_n3A_364 = arith.select %lt3A_360, %select_n3A_336, %select_n3A_359 : vector<64x128xi1>, vector<64x128xi32>
    %lt3A_365 = arith.cmpf olt, %max3A_363, %min3A_340 : vector<64x128xf32>
    %min3A_366 = arith.minimumf %min3A_340, %max3A_363 : vector<64x128xf32>
    %select_n3A_367 = arith.select %lt3A_365, %select_n3A_364, %select_n3A_341 : vector<64x128xi1>, vector<64x128xi32>
    %slice3A_368 = vector.extract_strided_slice %add3A_14 {offsets = [832, 0], sizes = [64, 128], strides = [1, 1]} : vector<4096x128xf32> to vector<64x128xf32>
    %broadcast_in_dim3A_369 = arith.constant 13 : i32
    %broadcast_in_dim3A_370 = vector.broadcast %broadcast_in_dim3A_369 : i32 to vector<64x128xi32>
    %lt3A_371 = arith.cmpf olt, %slice3A_368, %min3A_346 : vector<64x128xf32>
    %min3A_372 = arith.minimumf %min3A_346, %slice3A_368 : vector<64x128xf32>
    %select_n3A_373 = arith.select %lt3A_371, %broadcast_in_dim3A_370, %select_n3A_347 : vector<64x128xi1>, vector<64x128xi32>
    %max3A_374 = arith.maximumf %min3A_346, %slice3A_368 : vector<64x128xf32>
    %select_n3A_375 = arith.select %lt3A_371, %select_n3A_347, %broadcast_in_dim3A_370 : vector<64x128xi1>, vector<64x128xi32>
    %lt3A_376 = arith.cmpf olt, %max3A_374, %min3A_351 : vector<64x128xf32>
    %min3A_377 = arith.minimumf %min3A_351, %max3A_374 : vector<64x128xf32>
    %select_n3A_378 = arith.select %lt3A_376, %select_n3A_375, %select_n3A_352 : vector<64x128xi1>, vector<64x128xi32>
    %max3A_379 = arith.maximumf %min3A_351, %max3A_374 : vector<64x128xf32>
    %select_n3A_380 = arith.select %lt3A_376, %select_n3A_352, %select_n3A_375 : vector<64x128xi1>, vector<64x128xi32>
    %lt3A_381 = arith.cmpf olt, %max3A_379, %min3A_356 : vector<64x128xf32>
    %min3A_382 = arith.minimumf %min3A_356, %max3A_379 : vector<64x128xf32>
    %select_n3A_383 = arith.select %lt3A_381, %select_n3A_380, %select_n3A_357 : vector<64x128xi1>, vector<64x128xi32>
    %max3A_384 = arith.maximumf %min3A_356, %max3A_379 : vector<64x128xf32>
    %select_n3A_385 = arith.select %lt3A_381, %select_n3A_357, %select_n3A_380 : vector<64x128xi1>, vector<64x128xi32>
    %lt3A_386 = arith.cmpf olt, %max3A_384, %min3A_361 : vector<64x128xf32>
    %min3A_387 = arith.minimumf %min3A_361, %max3A_384 : vector<64x128xf32>
    %select_n3A_388 = arith.select %lt3A_386, %select_n3A_385, %select_n3A_362 : vector<64x128xi1>, vector<64x128xi32>
    %max3A_389 = arith.maximumf %min3A_361, %max3A_384 : vector<64x128xf32>
    %select_n3A_390 = arith.select %lt3A_386, %select_n3A_362, %select_n3A_385 : vector<64x128xi1>, vector<64x128xi32>
    %lt3A_391 = arith.cmpf olt, %max3A_389, %min3A_366 : vector<64x128xf32>
    %min3A_392 = arith.minimumf %min3A_366, %max3A_389 : vector<64x128xf32>
    %select_n3A_393 = arith.select %lt3A_391, %select_n3A_390, %select_n3A_367 : vector<64x128xi1>, vector<64x128xi32>
    %slice3A_394 = vector.extract_strided_slice %add3A_14 {offsets = [896, 0], sizes = [64, 128], strides = [1, 1]} : vector<4096x128xf32> to vector<64x128xf32>
    %broadcast_in_dim3A_395 = arith.constant 14 : i32
    %broadcast_in_dim3A_396 = vector.broadcast %broadcast_in_dim3A_395 : i32 to vector<64x128xi32>
    %lt3A_397 = arith.cmpf olt, %slice3A_394, %min3A_372 : vector<64x128xf32>
    %min3A_398 = arith.minimumf %min3A_372, %slice3A_394 : vector<64x128xf32>
    %select_n3A_399 = arith.select %lt3A_397, %broadcast_in_dim3A_396, %select_n3A_373 : vector<64x128xi1>, vector<64x128xi32>
    %max3A_400 = arith.maximumf %min3A_372, %slice3A_394 : vector<64x128xf32>
    %select_n3A_401 = arith.select %lt3A_397, %select_n3A_373, %broadcast_in_dim3A_396 : vector<64x128xi1>, vector<64x128xi32>
    %lt3A_402 = arith.cmpf olt, %max3A_400, %min3A_377 : vector<64x128xf32>
    %min3A_403 = arith.minimumf %min3A_377, %max3A_400 : vector<64x128xf32>
    %select_n3A_404 = arith.select %lt3A_402, %select_n3A_401, %select_n3A_378 : vector<64x128xi1>, vector<64x128xi32>
    %max3A_405 = arith.maximumf %min3A_377, %max3A_400 : vector<64x128xf32>
    %select_n3A_406 = arith.select %lt3A_402, %select_n3A_378, %select_n3A_401 : vector<64x128xi1>, vector<64x128xi32>
    %lt3A_407 = arith.cmpf olt, %max3A_405, %min3A_382 : vector<64x128xf32>
    %min3A_408 = arith.minimumf %min3A_382, %max3A_405 : vector<64x128xf32>
    %select_n3A_409 = arith.select %lt3A_407, %select_n3A_406, %select_n3A_383 : vector<64x128xi1>, vector<64x128xi32>
    %max3A_410 = arith.maximumf %min3A_382, %max3A_405 : vector<64x128xf32>
    %select_n3A_411 = arith.select %lt3A_407, %select_n3A_383, %select_n3A_406 : vector<64x128xi1>, vector<64x128xi32>
    %lt3A_412 = arith.cmpf olt, %max3A_410, %min3A_387 : vector<64x128xf32>
    %min3A_413 = arith.minimumf %min3A_387, %max3A_410 : vector<64x128xf32>
    %select_n3A_414 = arith.select %lt3A_412, %select_n3A_411, %select_n3A_388 : vector<64x128xi1>, vector<64x128xi32>
    %max3A_415 = arith.maximumf %min3A_387, %max3A_410 : vector<64x128xf32>
    %select_n3A_416 = arith.select %lt3A_412, %select_n3A_388, %select_n3A_411 : vector<64x128xi1>, vector<64x128xi32>
    %lt3A_417 = arith.cmpf olt, %max3A_415, %min3A_392 : vector<64x128xf32>
    %min3A_418 = arith.minimumf %min3A_392, %max3A_415 : vector<64x128xf32>
    %select_n3A_419 = arith.select %lt3A_417, %select_n3A_416, %select_n3A_393 : vector<64x128xi1>, vector<64x128xi32>
    %slice3A_420 = vector.extract_strided_slice %add3A_14 {offsets = [960, 0], sizes = [64, 128], strides = [1, 1]} : vector<4096x128xf32> to vector<64x128xf32>
    %broadcast_in_dim3A_421 = arith.constant 15 : i32
    %broadcast_in_dim3A_422 = vector.broadcast %broadcast_in_dim3A_421 : i32 to vector<64x128xi32>
    %lt3A_423 = arith.cmpf olt, %slice3A_420, %min3A_398 : vector<64x128xf32>
    %min3A_424 = arith.minimumf %min3A_398, %slice3A_420 : vector<64x128xf32>
    %select_n3A_425 = arith.select %lt3A_423, %broadcast_in_dim3A_422, %select_n3A_399 : vector<64x128xi1>, vector<64x128xi32>
    %max3A_426 = arith.maximumf %min3A_398, %slice3A_420 : vector<64x128xf32>
    %select_n3A_427 = arith.select %lt3A_423, %select_n3A_399, %broadcast_in_dim3A_422 : vector<64x128xi1>, vector<64x128xi32>
    %lt3A_428 = arith.cmpf olt, %max3A_426, %min3A_403 : vector<64x128xf32>
    %min3A_429 = arith.minimumf %min3A_403, %max3A_426 : vector<64x128xf32>
    %select_n3A_430 = arith.select %lt3A_428, %select_n3A_427, %select_n3A_404 : vector<64x128xi1>, vector<64x128xi32>
    %max3A_431 = arith.maximumf %min3A_403, %max3A_426 : vector<64x128xf32>
    %select_n3A_432 = arith.select %lt3A_428, %select_n3A_404, %select_n3A_427 : vector<64x128xi1>, vector<64x128xi32>
    %lt3A_433 = arith.cmpf olt, %max3A_431, %min3A_408 : vector<64x128xf32>
    %min3A_434 = arith.minimumf %min3A_408, %max3A_431 : vector<64x128xf32>
    %select_n3A_435 = arith.select %lt3A_433, %select_n3A_432, %select_n3A_409 : vector<64x128xi1>, vector<64x128xi32>
    %max3A_436 = arith.maximumf %min3A_408, %max3A_431 : vector<64x128xf32>
    %select_n3A_437 = arith.select %lt3A_433, %select_n3A_409, %select_n3A_432 : vector<64x128xi1>, vector<64x128xi32>
    %lt3A_438 = arith.cmpf olt, %max3A_436, %min3A_413 : vector<64x128xf32>
    %min3A_439 = arith.minimumf %min3A_413, %max3A_436 : vector<64x128xf32>
    %select_n3A_440 = arith.select %lt3A_438, %select_n3A_437, %select_n3A_414 : vector<64x128xi1>, vector<64x128xi32>
    %max3A_441 = arith.maximumf %min3A_413, %max3A_436 : vector<64x128xf32>
    %select_n3A_442 = arith.select %lt3A_438, %select_n3A_414, %select_n3A_437 : vector<64x128xi1>, vector<64x128xi32>
    %lt3A_443 = arith.cmpf olt, %max3A_441, %min3A_418 : vector<64x128xf32>
    %min3A_444 = arith.minimumf %min3A_418, %max3A_441 : vector<64x128xf32>
    %select_n3A_445 = arith.select %lt3A_443, %select_n3A_442, %select_n3A_419 : vector<64x128xi1>, vector<64x128xi32>
    %slice3A_446 = vector.extract_strided_slice %add3A_14 {offsets = [1024, 0], sizes = [64, 128], strides = [1, 1]} : vector<4096x128xf32> to vector<64x128xf32>
    %broadcast_in_dim3A_447 = arith.constant 16 : i32
    %broadcast_in_dim3A_448 = vector.broadcast %broadcast_in_dim3A_447 : i32 to vector<64x128xi32>
    %lt3A_449 = arith.cmpf olt, %slice3A_446, %min3A_424 : vector<64x128xf32>
    %min3A_450 = arith.minimumf %min3A_424, %slice3A_446 : vector<64x128xf32>
    %select_n3A_451 = arith.select %lt3A_449, %broadcast_in_dim3A_448, %select_n3A_425 : vector<64x128xi1>, vector<64x128xi32>
    %max3A_452 = arith.maximumf %min3A_424, %slice3A_446 : vector<64x128xf32>
    %select_n3A_453 = arith.select %lt3A_449, %select_n3A_425, %broadcast_in_dim3A_448 : vector<64x128xi1>, vector<64x128xi32>
    %lt3A_454 = arith.cmpf olt, %max3A_452, %min3A_429 : vector<64x128xf32>
    %min3A_455 = arith.minimumf %min3A_429, %max3A_452 : vector<64x128xf32>
    %select_n3A_456 = arith.select %lt3A_454, %select_n3A_453, %select_n3A_430 : vector<64x128xi1>, vector<64x128xi32>
    %max3A_457 = arith.maximumf %min3A_429, %max3A_452 : vector<64x128xf32>
    %select_n3A_458 = arith.select %lt3A_454, %select_n3A_430, %select_n3A_453 : vector<64x128xi1>, vector<64x128xi32>
    %lt3A_459 = arith.cmpf olt, %max3A_457, %min3A_434 : vector<64x128xf32>
    %min3A_460 = arith.minimumf %min3A_434, %max3A_457 : vector<64x128xf32>
    %select_n3A_461 = arith.select %lt3A_459, %select_n3A_458, %select_n3A_435 : vector<64x128xi1>, vector<64x128xi32>
    %max3A_462 = arith.maximumf %min3A_434, %max3A_457 : vector<64x128xf32>
    %select_n3A_463 = arith.select %lt3A_459, %select_n3A_435, %select_n3A_458 : vector<64x128xi1>, vector<64x128xi32>
    %lt3A_464 = arith.cmpf olt, %max3A_462, %min3A_439 : vector<64x128xf32>
    %min3A_465 = arith.minimumf %min3A_439, %max3A_462 : vector<64x128xf32>
    %select_n3A_466 = arith.select %lt3A_464, %select_n3A_463, %select_n3A_440 : vector<64x128xi1>, vector<64x128xi32>
    %max3A_467 = arith.maximumf %min3A_439, %max3A_462 : vector<64x128xf32>
    %select_n3A_468 = arith.select %lt3A_464, %select_n3A_440, %select_n3A_463 : vector<64x128xi1>, vector<64x128xi32>
    %lt3A_469 = arith.cmpf olt, %max3A_467, %min3A_444 : vector<64x128xf32>
    %min3A_470 = arith.minimumf %min3A_444, %max3A_467 : vector<64x128xf32>
    %select_n3A_471 = arith.select %lt3A_469, %select_n3A_468, %select_n3A_445 : vector<64x128xi1>, vector<64x128xi32>
    %slice3A_472 = vector.extract_strided_slice %add3A_14 {offsets = [1088, 0], sizes = [64, 128], strides = [1, 1]} : vector<4096x128xf32> to vector<64x128xf32>
    %broadcast_in_dim3A_473 = arith.constant 17 : i32
    %broadcast_in_dim3A_474 = vector.broadcast %broadcast_in_dim3A_473 : i32 to vector<64x128xi32>
    %lt3A_475 = arith.cmpf olt, %slice3A_472, %min3A_450 : vector<64x128xf32>
    %min3A_476 = arith.minimumf %min3A_450, %slice3A_472 : vector<64x128xf32>
    %select_n3A_477 = arith.select %lt3A_475, %broadcast_in_dim3A_474, %select_n3A_451 : vector<64x128xi1>, vector<64x128xi32>
    %max3A_478 = arith.maximumf %min3A_450, %slice3A_472 : vector<64x128xf32>
    %select_n3A_479 = arith.select %lt3A_475, %select_n3A_451, %broadcast_in_dim3A_474 : vector<64x128xi1>, vector<64x128xi32>
    %lt3A_480 = arith.cmpf olt, %max3A_478, %min3A_455 : vector<64x128xf32>
    %min3A_481 = arith.minimumf %min3A_455, %max3A_478 : vector<64x128xf32>
    %select_n3A_482 = arith.select %lt3A_480, %select_n3A_479, %select_n3A_456 : vector<64x128xi1>, vector<64x128xi32>
    %max3A_483 = arith.maximumf %min3A_455, %max3A_478 : vector<64x128xf32>
    %select_n3A_484 = arith.select %lt3A_480, %select_n3A_456, %select_n3A_479 : vector<64x128xi1>, vector<64x128xi32>
    %lt3A_485 = arith.cmpf olt, %max3A_483, %min3A_460 : vector<64x128xf32>
    %min3A_486 = arith.minimumf %min3A_460, %max3A_483 : vector<64x128xf32>
    %select_n3A_487 = arith.select %lt3A_485, %select_n3A_484, %select_n3A_461 : vector<64x128xi1>, vector<64x128xi32>
    %max3A_488 = arith.maximumf %min3A_460, %max3A_483 : vector<64x128xf32>
    %select_n3A_489 = arith.select %lt3A_485, %select_n3A_461, %select_n3A_484 : vector<64x128xi1>, vector<64x128xi32>
    %lt3A_490 = arith.cmpf olt, %max3A_488, %min3A_465 : vector<64x128xf32>
    %min3A_491 = arith.minimumf %min3A_465, %max3A_488 : vector<64x128xf32>
    %select_n3A_492 = arith.select %lt3A_490, %select_n3A_489, %select_n3A_466 : vector<64x128xi1>, vector<64x128xi32>
    %max3A_493 = arith.maximumf %min3A_465, %max3A_488 : vector<64x128xf32>
    %select_n3A_494 = arith.select %lt3A_490, %select_n3A_466, %select_n3A_489 : vector<64x128xi1>, vector<64x128xi32>
    %lt3A_495 = arith.cmpf olt, %max3A_493, %min3A_470 : vector<64x128xf32>
    %min3A_496 = arith.minimumf %min3A_470, %max3A_493 : vector<64x128xf32>
    %select_n3A_497 = arith.select %lt3A_495, %select_n3A_494, %select_n3A_471 : vector<64x128xi1>, vector<64x128xi32>
    %slice3A_498 = vector.extract_strided_slice %add3A_14 {offsets = [1152, 0], sizes = [64, 128], strides = [1, 1]} : vector<4096x128xf32> to vector<64x128xf32>
    %broadcast_in_dim3A_499 = arith.constant 18 : i32
    %broadcast_in_dim3A_500 = vector.broadcast %broadcast_in_dim3A_499 : i32 to vector<64x128xi32>
    %lt3A_501 = arith.cmpf olt, %slice3A_498, %min3A_476 : vector<64x128xf32>
    %min3A_502 = arith.minimumf %min3A_476, %slice3A_498 : vector<64x128xf32>
    %select_n3A_503 = arith.select %lt3A_501, %broadcast_in_dim3A_500, %select_n3A_477 : vector<64x128xi1>, vector<64x128xi32>
    %max3A_504 = arith.maximumf %min3A_476, %slice3A_498 : vector<64x128xf32>
    %select_n3A_505 = arith.select %lt3A_501, %select_n3A_477, %broadcast_in_dim3A_500 : vector<64x128xi1>, vector<64x128xi32>
    %lt3A_506 = arith.cmpf olt, %max3A_504, %min3A_481 : vector<64x128xf32>
    %min3A_507 = arith.minimumf %min3A_481, %max3A_504 : vector<64x128xf32>
    %select_n3A_508 = arith.select %lt3A_506, %select_n3A_505, %select_n3A_482 : vector<64x128xi1>, vector<64x128xi32>
    %max3A_509 = arith.maximumf %min3A_481, %max3A_504 : vector<64x128xf32>
    %select_n3A_510 = arith.select %lt3A_506, %select_n3A_482, %select_n3A_505 : vector<64x128xi1>, vector<64x128xi32>
    %lt3A_511 = arith.cmpf olt, %max3A_509, %min3A_486 : vector<64x128xf32>
    %min3A_512 = arith.minimumf %min3A_486, %max3A_509 : vector<64x128xf32>
    %select_n3A_513 = arith.select %lt3A_511, %select_n3A_510, %select_n3A_487 : vector<64x128xi1>, vector<64x128xi32>
    %max3A_514 = arith.maximumf %min3A_486, %max3A_509 : vector<64x128xf32>
    %select_n3A_515 = arith.select %lt3A_511, %select_n3A_487, %select_n3A_510 : vector<64x128xi1>, vector<64x128xi32>
    %lt3A_516 = arith.cmpf olt, %max3A_514, %min3A_491 : vector<64x128xf32>
    %min3A_517 = arith.minimumf %min3A_491, %max3A_514 : vector<64x128xf32>
    %select_n3A_518 = arith.select %lt3A_516, %select_n3A_515, %select_n3A_492 : vector<64x128xi1>, vector<64x128xi32>
    %max3A_519 = arith.maximumf %min3A_491, %max3A_514 : vector<64x128xf32>
    %select_n3A_520 = arith.select %lt3A_516, %select_n3A_492, %select_n3A_515 : vector<64x128xi1>, vector<64x128xi32>
    %lt3A_521 = arith.cmpf olt, %max3A_519, %min3A_496 : vector<64x128xf32>
    %min3A_522 = arith.minimumf %min3A_496, %max3A_519 : vector<64x128xf32>
    %select_n3A_523 = arith.select %lt3A_521, %select_n3A_520, %select_n3A_497 : vector<64x128xi1>, vector<64x128xi32>
    %slice3A_524 = vector.extract_strided_slice %add3A_14 {offsets = [1216, 0], sizes = [64, 128], strides = [1, 1]} : vector<4096x128xf32> to vector<64x128xf32>
    %broadcast_in_dim3A_525 = arith.constant 19 : i32
    %broadcast_in_dim3A_526 = vector.broadcast %broadcast_in_dim3A_525 : i32 to vector<64x128xi32>
    %lt3A_527 = arith.cmpf olt, %slice3A_524, %min3A_502 : vector<64x128xf32>
    %min3A_528 = arith.minimumf %min3A_502, %slice3A_524 : vector<64x128xf32>
    %select_n3A_529 = arith.select %lt3A_527, %broadcast_in_dim3A_526, %select_n3A_503 : vector<64x128xi1>, vector<64x128xi32>
    %max3A_530 = arith.maximumf %min3A_502, %slice3A_524 : vector<64x128xf32>
    %select_n3A_531 = arith.select %lt3A_527, %select_n3A_503, %broadcast_in_dim3A_526 : vector<64x128xi1>, vector<64x128xi32>
    %lt3A_532 = arith.cmpf olt, %max3A_530, %min3A_507 : vector<64x128xf32>
    %min3A_533 = arith.minimumf %min3A_507, %max3A_530 : vector<64x128xf32>
    %select_n3A_534 = arith.select %lt3A_532, %select_n3A_531, %select_n3A_508 : vector<64x128xi1>, vector<64x128xi32>
    %max3A_535 = arith.maximumf %min3A_507, %max3A_530 : vector<64x128xf32>
    %select_n3A_536 = arith.select %lt3A_532, %select_n3A_508, %select_n3A_531 : vector<64x128xi1>, vector<64x128xi32>
    %lt3A_537 = arith.cmpf olt, %max3A_535, %min3A_512 : vector<64x128xf32>
    %min3A_538 = arith.minimumf %min3A_512, %max3A_535 : vector<64x128xf32>
    %select_n3A_539 = arith.select %lt3A_537, %select_n3A_536, %select_n3A_513 : vector<64x128xi1>, vector<64x128xi32>
    %max3A_540 = arith.maximumf %min3A_512, %max3A_535 : vector<64x128xf32>
    %select_n3A_541 = arith.select %lt3A_537, %select_n3A_513, %select_n3A_536 : vector<64x128xi1>, vector<64x128xi32>
    %lt3A_542 = arith.cmpf olt, %max3A_540, %min3A_517 : vector<64x128xf32>
    %min3A_543 = arith.minimumf %min3A_517, %max3A_540 : vector<64x128xf32>
    %select_n3A_544 = arith.select %lt3A_542, %select_n3A_541, %select_n3A_518 : vector<64x128xi1>, vector<64x128xi32>
    %max3A_545 = arith.maximumf %min3A_517, %max3A_540 : vector<64x128xf32>
    %select_n3A_546 = arith.select %lt3A_542, %select_n3A_518, %select_n3A_541 : vector<64x128xi1>, vector<64x128xi32>
    %lt3A_547 = arith.cmpf olt, %max3A_545, %min3A_522 : vector<64x128xf32>
    %min3A_548 = arith.minimumf %min3A_522, %max3A_545 : vector<64x128xf32>
    %select_n3A_549 = arith.select %lt3A_547, %select_n3A_546, %select_n3A_523 : vector<64x128xi1>, vector<64x128xi32>
    %slice3A_550 = vector.extract_strided_slice %add3A_14 {offsets = [1280, 0], sizes = [64, 128], strides = [1, 1]} : vector<4096x128xf32> to vector<64x128xf32>
    %broadcast_in_dim3A_551 = arith.constant 20 : i32
    %broadcast_in_dim3A_552 = vector.broadcast %broadcast_in_dim3A_551 : i32 to vector<64x128xi32>
    %lt3A_553 = arith.cmpf olt, %slice3A_550, %min3A_528 : vector<64x128xf32>
    %min3A_554 = arith.minimumf %min3A_528, %slice3A_550 : vector<64x128xf32>
    %select_n3A_555 = arith.select %lt3A_553, %broadcast_in_dim3A_552, %select_n3A_529 : vector<64x128xi1>, vector<64x128xi32>
    %max3A_556 = arith.maximumf %min3A_528, %slice3A_550 : vector<64x128xf32>
    %select_n3A_557 = arith.select %lt3A_553, %select_n3A_529, %broadcast_in_dim3A_552 : vector<64x128xi1>, vector<64x128xi32>
    %lt3A_558 = arith.cmpf olt, %max3A_556, %min3A_533 : vector<64x128xf32>
    %min3A_559 = arith.minimumf %min3A_533, %max3A_556 : vector<64x128xf32>
    %select_n3A_560 = arith.select %lt3A_558, %select_n3A_557, %select_n3A_534 : vector<64x128xi1>, vector<64x128xi32>
    %max3A_561 = arith.maximumf %min3A_533, %max3A_556 : vector<64x128xf32>
    %select_n3A_562 = arith.select %lt3A_558, %select_n3A_534, %select_n3A_557 : vector<64x128xi1>, vector<64x128xi32>
    %lt3A_563 = arith.cmpf olt, %max3A_561, %min3A_538 : vector<64x128xf32>
    %min3A_564 = arith.minimumf %min3A_538, %max3A_561 : vector<64x128xf32>
    %select_n3A_565 = arith.select %lt3A_563, %select_n3A_562, %select_n3A_539 : vector<64x128xi1>, vector<64x128xi32>
    %max3A_566 = arith.maximumf %min3A_538, %max3A_561 : vector<64x128xf32>
    %select_n3A_567 = arith.select %lt3A_563, %select_n3A_539, %select_n3A_562 : vector<64x128xi1>, vector<64x128xi32>
    %lt3A_568 = arith.cmpf olt, %max3A_566, %min3A_543 : vector<64x128xf32>
    %min3A_569 = arith.minimumf %min3A_543, %max3A_566 : vector<64x128xf32>
    %select_n3A_570 = arith.select %lt3A_568, %select_n3A_567, %select_n3A_544 : vector<64x128xi1>, vector<64x128xi32>
    %max3A_571 = arith.maximumf %min3A_543, %max3A_566 : vector<64x128xf32>
    %select_n3A_572 = arith.select %lt3A_568, %select_n3A_544, %select_n3A_567 : vector<64x128xi1>, vector<64x128xi32>
    %lt3A_573 = arith.cmpf olt, %max3A_571, %min3A_548 : vector<64x128xf32>
    %min3A_574 = arith.minimumf %min3A_548, %max3A_571 : vector<64x128xf32>
    %select_n3A_575 = arith.select %lt3A_573, %select_n3A_572, %select_n3A_549 : vector<64x128xi1>, vector<64x128xi32>
    %slice3A_576 = vector.extract_strided_slice %add3A_14 {offsets = [1344, 0], sizes = [64, 128], strides = [1, 1]} : vector<4096x128xf32> to vector<64x128xf32>
    %broadcast_in_dim3A_577 = arith.constant 21 : i32
    %broadcast_in_dim3A_578 = vector.broadcast %broadcast_in_dim3A_577 : i32 to vector<64x128xi32>
    %lt3A_579 = arith.cmpf olt, %slice3A_576, %min3A_554 : vector<64x128xf32>
    %min3A_580 = arith.minimumf %min3A_554, %slice3A_576 : vector<64x128xf32>
    %select_n3A_581 = arith.select %lt3A_579, %broadcast_in_dim3A_578, %select_n3A_555 : vector<64x128xi1>, vector<64x128xi32>
    %max3A_582 = arith.maximumf %min3A_554, %slice3A_576 : vector<64x128xf32>
    %select_n3A_583 = arith.select %lt3A_579, %select_n3A_555, %broadcast_in_dim3A_578 : vector<64x128xi1>, vector<64x128xi32>
    %lt3A_584 = arith.cmpf olt, %max3A_582, %min3A_559 : vector<64x128xf32>
    %min3A_585 = arith.minimumf %min3A_559, %max3A_582 : vector<64x128xf32>
    %select_n3A_586 = arith.select %lt3A_584, %select_n3A_583, %select_n3A_560 : vector<64x128xi1>, vector<64x128xi32>
    %max3A_587 = arith.maximumf %min3A_559, %max3A_582 : vector<64x128xf32>
    %select_n3A_588 = arith.select %lt3A_584, %select_n3A_560, %select_n3A_583 : vector<64x128xi1>, vector<64x128xi32>
    %lt3A_589 = arith.cmpf olt, %max3A_587, %min3A_564 : vector<64x128xf32>
    %min3A_590 = arith.minimumf %min3A_564, %max3A_587 : vector<64x128xf32>
    %select_n3A_591 = arith.select %lt3A_589, %select_n3A_588, %select_n3A_565 : vector<64x128xi1>, vector<64x128xi32>
    %max3A_592 = arith.maximumf %min3A_564, %max3A_587 : vector<64x128xf32>
    %select_n3A_593 = arith.select %lt3A_589, %select_n3A_565, %select_n3A_588 : vector<64x128xi1>, vector<64x128xi32>
    %lt3A_594 = arith.cmpf olt, %max3A_592, %min3A_569 : vector<64x128xf32>
    %min3A_595 = arith.minimumf %min3A_569, %max3A_592 : vector<64x128xf32>
    %select_n3A_596 = arith.select %lt3A_594, %select_n3A_593, %select_n3A_570 : vector<64x128xi1>, vector<64x128xi32>
    %max3A_597 = arith.maximumf %min3A_569, %max3A_592 : vector<64x128xf32>
    %select_n3A_598 = arith.select %lt3A_594, %select_n3A_570, %select_n3A_593 : vector<64x128xi1>, vector<64x128xi32>
    %lt3A_599 = arith.cmpf olt, %max3A_597, %min3A_574 : vector<64x128xf32>
    %min3A_600 = arith.minimumf %min3A_574, %max3A_597 : vector<64x128xf32>
    %select_n3A_601 = arith.select %lt3A_599, %select_n3A_598, %select_n3A_575 : vector<64x128xi1>, vector<64x128xi32>
    %slice3A_602 = vector.extract_strided_slice %add3A_14 {offsets = [1408, 0], sizes = [64, 128], strides = [1, 1]} : vector<4096x128xf32> to vector<64x128xf32>
    %broadcast_in_dim3A_603 = arith.constant 22 : i32
    %broadcast_in_dim3A_604 = vector.broadcast %broadcast_in_dim3A_603 : i32 to vector<64x128xi32>
    %lt3A_605 = arith.cmpf olt, %slice3A_602, %min3A_580 : vector<64x128xf32>
    %min3A_606 = arith.minimumf %min3A_580, %slice3A_602 : vector<64x128xf32>
    %select_n3A_607 = arith.select %lt3A_605, %broadcast_in_dim3A_604, %select_n3A_581 : vector<64x128xi1>, vector<64x128xi32>
    %max3A_608 = arith.maximumf %min3A_580, %slice3A_602 : vector<64x128xf32>
    %select_n3A_609 = arith.select %lt3A_605, %select_n3A_581, %broadcast_in_dim3A_604 : vector<64x128xi1>, vector<64x128xi32>
    %lt3A_610 = arith.cmpf olt, %max3A_608, %min3A_585 : vector<64x128xf32>
    %min3A_611 = arith.minimumf %min3A_585, %max3A_608 : vector<64x128xf32>
    %select_n3A_612 = arith.select %lt3A_610, %select_n3A_609, %select_n3A_586 : vector<64x128xi1>, vector<64x128xi32>
    %max3A_613 = arith.maximumf %min3A_585, %max3A_608 : vector<64x128xf32>
    %select_n3A_614 = arith.select %lt3A_610, %select_n3A_586, %select_n3A_609 : vector<64x128xi1>, vector<64x128xi32>
    %lt3A_615 = arith.cmpf olt, %max3A_613, %min3A_590 : vector<64x128xf32>
    %min3A_616 = arith.minimumf %min3A_590, %max3A_613 : vector<64x128xf32>
    %select_n3A_617 = arith.select %lt3A_615, %select_n3A_614, %select_n3A_591 : vector<64x128xi1>, vector<64x128xi32>
    %max3A_618 = arith.maximumf %min3A_590, %max3A_613 : vector<64x128xf32>
    %select_n3A_619 = arith.select %lt3A_615, %select_n3A_591, %select_n3A_614 : vector<64x128xi1>, vector<64x128xi32>
    %lt3A_620 = arith.cmpf olt, %max3A_618, %min3A_595 : vector<64x128xf32>
    %min3A_621 = arith.minimumf %min3A_595, %max3A_618 : vector<64x128xf32>
    %select_n3A_622 = arith.select %lt3A_620, %select_n3A_619, %select_n3A_596 : vector<64x128xi1>, vector<64x128xi32>
    %max3A_623 = arith.maximumf %min3A_595, %max3A_618 : vector<64x128xf32>
    %select_n3A_624 = arith.select %lt3A_620, %select_n3A_596, %select_n3A_619 : vector<64x128xi1>, vector<64x128xi32>
    %lt3A_625 = arith.cmpf olt, %max3A_623, %min3A_600 : vector<64x128xf32>
    %min3A_626 = arith.minimumf %min3A_600, %max3A_623 : vector<64x128xf32>
    %select_n3A_627 = arith.select %lt3A_625, %select_n3A_624, %select_n3A_601 : vector<64x128xi1>, vector<64x128xi32>
    %slice3A_628 = vector.extract_strided_slice %add3A_14 {offsets = [1472, 0], sizes = [64, 128], strides = [1, 1]} : vector<4096x128xf32> to vector<64x128xf32>
    %broadcast_in_dim3A_629 = arith.constant 23 : i32
    %broadcast_in_dim3A_630 = vector.broadcast %broadcast_in_dim3A_629 : i32 to vector<64x128xi32>
    %lt3A_631 = arith.cmpf olt, %slice3A_628, %min3A_606 : vector<64x128xf32>
    %min3A_632 = arith.minimumf %min3A_606, %slice3A_628 : vector<64x128xf32>
    %select_n3A_633 = arith.select %lt3A_631, %broadcast_in_dim3A_630, %select_n3A_607 : vector<64x128xi1>, vector<64x128xi32>
    %max3A_634 = arith.maximumf %min3A_606, %slice3A_628 : vector<64x128xf32>
    %select_n3A_635 = arith.select %lt3A_631, %select_n3A_607, %broadcast_in_dim3A_630 : vector<64x128xi1>, vector<64x128xi32>
    %lt3A_636 = arith.cmpf olt, %max3A_634, %min3A_611 : vector<64x128xf32>
    %min3A_637 = arith.minimumf %min3A_611, %max3A_634 : vector<64x128xf32>
    %select_n3A_638 = arith.select %lt3A_636, %select_n3A_635, %select_n3A_612 : vector<64x128xi1>, vector<64x128xi32>
    %max3A_639 = arith.maximumf %min3A_611, %max3A_634 : vector<64x128xf32>
    %select_n3A_640 = arith.select %lt3A_636, %select_n3A_612, %select_n3A_635 : vector<64x128xi1>, vector<64x128xi32>
    %lt3A_641 = arith.cmpf olt, %max3A_639, %min3A_616 : vector<64x128xf32>
    %min3A_642 = arith.minimumf %min3A_616, %max3A_639 : vector<64x128xf32>
    %select_n3A_643 = arith.select %lt3A_641, %select_n3A_640, %select_n3A_617 : vector<64x128xi1>, vector<64x128xi32>
    %max3A_644 = arith.maximumf %min3A_616, %max3A_639 : vector<64x128xf32>
    %select_n3A_645 = arith.select %lt3A_641, %select_n3A_617, %select_n3A_640 : vector<64x128xi1>, vector<64x128xi32>
    %lt3A_646 = arith.cmpf olt, %max3A_644, %min3A_621 : vector<64x128xf32>
    %min3A_647 = arith.minimumf %min3A_621, %max3A_644 : vector<64x128xf32>
    %select_n3A_648 = arith.select %lt3A_646, %select_n3A_645, %select_n3A_622 : vector<64x128xi1>, vector<64x128xi32>
    %max3A_649 = arith.maximumf %min3A_621, %max3A_644 : vector<64x128xf32>
    %select_n3A_650 = arith.select %lt3A_646, %select_n3A_622, %select_n3A_645 : vector<64x128xi1>, vector<64x128xi32>
    %lt3A_651 = arith.cmpf olt, %max3A_649, %min3A_626 : vector<64x128xf32>
    %min3A_652 = arith.minimumf %min3A_626, %max3A_649 : vector<64x128xf32>
    %select_n3A_653 = arith.select %lt3A_651, %select_n3A_650, %select_n3A_627 : vector<64x128xi1>, vector<64x128xi32>
    %slice3A_654 = vector.extract_strided_slice %add3A_14 {offsets = [1536, 0], sizes = [64, 128], strides = [1, 1]} : vector<4096x128xf32> to vector<64x128xf32>
    %broadcast_in_dim3A_655 = arith.constant 24 : i32
    %broadcast_in_dim3A_656 = vector.broadcast %broadcast_in_dim3A_655 : i32 to vector<64x128xi32>
    %lt3A_657 = arith.cmpf olt, %slice3A_654, %min3A_632 : vector<64x128xf32>
    %min3A_658 = arith.minimumf %min3A_632, %slice3A_654 : vector<64x128xf32>
    %select_n3A_659 = arith.select %lt3A_657, %broadcast_in_dim3A_656, %select_n3A_633 : vector<64x128xi1>, vector<64x128xi32>
    %max3A_660 = arith.maximumf %min3A_632, %slice3A_654 : vector<64x128xf32>
    %select_n3A_661 = arith.select %lt3A_657, %select_n3A_633, %broadcast_in_dim3A_656 : vector<64x128xi1>, vector<64x128xi32>
    %lt3A_662 = arith.cmpf olt, %max3A_660, %min3A_637 : vector<64x128xf32>
    %min3A_663 = arith.minimumf %min3A_637, %max3A_660 : vector<64x128xf32>
    %select_n3A_664 = arith.select %lt3A_662, %select_n3A_661, %select_n3A_638 : vector<64x128xi1>, vector<64x128xi32>
    %max3A_665 = arith.maximumf %min3A_637, %max3A_660 : vector<64x128xf32>
    %select_n3A_666 = arith.select %lt3A_662, %select_n3A_638, %select_n3A_661 : vector<64x128xi1>, vector<64x128xi32>
    %lt3A_667 = arith.cmpf olt, %max3A_665, %min3A_642 : vector<64x128xf32>
    %min3A_668 = arith.minimumf %min3A_642, %max3A_665 : vector<64x128xf32>
    %select_n3A_669 = arith.select %lt3A_667, %select_n3A_666, %select_n3A_643 : vector<64x128xi1>, vector<64x128xi32>
    %max3A_670 = arith.maximumf %min3A_642, %max3A_665 : vector<64x128xf32>
    %select_n3A_671 = arith.select %lt3A_667, %select_n3A_643, %select_n3A_666 : vector<64x128xi1>, vector<64x128xi32>
    %lt3A_672 = arith.cmpf olt, %max3A_670, %min3A_647 : vector<64x128xf32>
    %min3A_673 = arith.minimumf %min3A_647, %max3A_670 : vector<64x128xf32>
    %select_n3A_674 = arith.select %lt3A_672, %select_n3A_671, %select_n3A_648 : vector<64x128xi1>, vector<64x128xi32>
    %max3A_675 = arith.maximumf %min3A_647, %max3A_670 : vector<64x128xf32>
    %select_n3A_676 = arith.select %lt3A_672, %select_n3A_648, %select_n3A_671 : vector<64x128xi1>, vector<64x128xi32>
    %lt3A_677 = arith.cmpf olt, %max3A_675, %min3A_652 : vector<64x128xf32>
    %min3A_678 = arith.minimumf %min3A_652, %max3A_675 : vector<64x128xf32>
    %select_n3A_679 = arith.select %lt3A_677, %select_n3A_676, %select_n3A_653 : vector<64x128xi1>, vector<64x128xi32>
    %slice3A_680 = vector.extract_strided_slice %add3A_14 {offsets = [1600, 0], sizes = [64, 128], strides = [1, 1]} : vector<4096x128xf32> to vector<64x128xf32>
    %broadcast_in_dim3A_681 = arith.constant 25 : i32
    %broadcast_in_dim3A_682 = vector.broadcast %broadcast_in_dim3A_681 : i32 to vector<64x128xi32>
    %lt3A_683 = arith.cmpf olt, %slice3A_680, %min3A_658 : vector<64x128xf32>
    %min3A_684 = arith.minimumf %min3A_658, %slice3A_680 : vector<64x128xf32>
    %select_n3A_685 = arith.select %lt3A_683, %broadcast_in_dim3A_682, %select_n3A_659 : vector<64x128xi1>, vector<64x128xi32>
    %max3A_686 = arith.maximumf %min3A_658, %slice3A_680 : vector<64x128xf32>
    %select_n3A_687 = arith.select %lt3A_683, %select_n3A_659, %broadcast_in_dim3A_682 : vector<64x128xi1>, vector<64x128xi32>
    %lt3A_688 = arith.cmpf olt, %max3A_686, %min3A_663 : vector<64x128xf32>
    %min3A_689 = arith.minimumf %min3A_663, %max3A_686 : vector<64x128xf32>
    %select_n3A_690 = arith.select %lt3A_688, %select_n3A_687, %select_n3A_664 : vector<64x128xi1>, vector<64x128xi32>
    %max3A_691 = arith.maximumf %min3A_663, %max3A_686 : vector<64x128xf32>
    %select_n3A_692 = arith.select %lt3A_688, %select_n3A_664, %select_n3A_687 : vector<64x128xi1>, vector<64x128xi32>
    %lt3A_693 = arith.cmpf olt, %max3A_691, %min3A_668 : vector<64x128xf32>
    %min3A_694 = arith.minimumf %min3A_668, %max3A_691 : vector<64x128xf32>
    %select_n3A_695 = arith.select %lt3A_693, %select_n3A_692, %select_n3A_669 : vector<64x128xi1>, vector<64x128xi32>
    %max3A_696 = arith.maximumf %min3A_668, %max3A_691 : vector<64x128xf32>
    %select_n3A_697 = arith.select %lt3A_693, %select_n3A_669, %select_n3A_692 : vector<64x128xi1>, vector<64x128xi32>
    %lt3A_698 = arith.cmpf olt, %max3A_696, %min3A_673 : vector<64x128xf32>
    %min3A_699 = arith.minimumf %min3A_673, %max3A_696 : vector<64x128xf32>
    %select_n3A_700 = arith.select %lt3A_698, %select_n3A_697, %select_n3A_674 : vector<64x128xi1>, vector<64x128xi32>
    %max3A_701 = arith.maximumf %min3A_673, %max3A_696 : vector<64x128xf32>
    %select_n3A_702 = arith.select %lt3A_698, %select_n3A_674, %select_n3A_697 : vector<64x128xi1>, vector<64x128xi32>
    %lt3A_703 = arith.cmpf olt, %max3A_701, %min3A_678 : vector<64x128xf32>
    %min3A_704 = arith.minimumf %min3A_678, %max3A_701 : vector<64x128xf32>
    %select_n3A_705 = arith.select %lt3A_703, %select_n3A_702, %select_n3A_679 : vector<64x128xi1>, vector<64x128xi32>
    %slice3A_706 = vector.extract_strided_slice %add3A_14 {offsets = [1664, 0], sizes = [64, 128], strides = [1, 1]} : vector<4096x128xf32> to vector<64x128xf32>
    %broadcast_in_dim3A_707 = arith.constant 26 : i32
    %broadcast_in_dim3A_708 = vector.broadcast %broadcast_in_dim3A_707 : i32 to vector<64x128xi32>
    %lt3A_709 = arith.cmpf olt, %slice3A_706, %min3A_684 : vector<64x128xf32>
    %min3A_710 = arith.minimumf %min3A_684, %slice3A_706 : vector<64x128xf32>
    %select_n3A_711 = arith.select %lt3A_709, %broadcast_in_dim3A_708, %select_n3A_685 : vector<64x128xi1>, vector<64x128xi32>
    %max3A_712 = arith.maximumf %min3A_684, %slice3A_706 : vector<64x128xf32>
    %select_n3A_713 = arith.select %lt3A_709, %select_n3A_685, %broadcast_in_dim3A_708 : vector<64x128xi1>, vector<64x128xi32>
    %lt3A_714 = arith.cmpf olt, %max3A_712, %min3A_689 : vector<64x128xf32>
    %min3A_715 = arith.minimumf %min3A_689, %max3A_712 : vector<64x128xf32>
    %select_n3A_716 = arith.select %lt3A_714, %select_n3A_713, %select_n3A_690 : vector<64x128xi1>, vector<64x128xi32>
    %max3A_717 = arith.maximumf %min3A_689, %max3A_712 : vector<64x128xf32>
    %select_n3A_718 = arith.select %lt3A_714, %select_n3A_690, %select_n3A_713 : vector<64x128xi1>, vector<64x128xi32>
    %lt3A_719 = arith.cmpf olt, %max3A_717, %min3A_694 : vector<64x128xf32>
    %min3A_720 = arith.minimumf %min3A_694, %max3A_717 : vector<64x128xf32>
    %select_n3A_721 = arith.select %lt3A_719, %select_n3A_718, %select_n3A_695 : vector<64x128xi1>, vector<64x128xi32>
    %max3A_722 = arith.maximumf %min3A_694, %max3A_717 : vector<64x128xf32>
    %select_n3A_723 = arith.select %lt3A_719, %select_n3A_695, %select_n3A_718 : vector<64x128xi1>, vector<64x128xi32>
    %lt3A_724 = arith.cmpf olt, %max3A_722, %min3A_699 : vector<64x128xf32>
    %min3A_725 = arith.minimumf %min3A_699, %max3A_722 : vector<64x128xf32>
    %select_n3A_726 = arith.select %lt3A_724, %select_n3A_723, %select_n3A_700 : vector<64x128xi1>, vector<64x128xi32>
    %max3A_727 = arith.maximumf %min3A_699, %max3A_722 : vector<64x128xf32>
    %select_n3A_728 = arith.select %lt3A_724, %select_n3A_700, %select_n3A_723 : vector<64x128xi1>, vector<64x128xi32>
    %lt3A_729 = arith.cmpf olt, %max3A_727, %min3A_704 : vector<64x128xf32>
    %min3A_730 = arith.minimumf %min3A_704, %max3A_727 : vector<64x128xf32>
    %select_n3A_731 = arith.select %lt3A_729, %select_n3A_728, %select_n3A_705 : vector<64x128xi1>, vector<64x128xi32>
    %slice3A_732 = vector.extract_strided_slice %add3A_14 {offsets = [1728, 0], sizes = [64, 128], strides = [1, 1]} : vector<4096x128xf32> to vector<64x128xf32>
    %broadcast_in_dim3A_733 = arith.constant 27 : i32
    %broadcast_in_dim3A_734 = vector.broadcast %broadcast_in_dim3A_733 : i32 to vector<64x128xi32>
    %lt3A_735 = arith.cmpf olt, %slice3A_732, %min3A_710 : vector<64x128xf32>
    %min3A_736 = arith.minimumf %min3A_710, %slice3A_732 : vector<64x128xf32>
    %select_n3A_737 = arith.select %lt3A_735, %broadcast_in_dim3A_734, %select_n3A_711 : vector<64x128xi1>, vector<64x128xi32>
    %max3A_738 = arith.maximumf %min3A_710, %slice3A_732 : vector<64x128xf32>
    %select_n3A_739 = arith.select %lt3A_735, %select_n3A_711, %broadcast_in_dim3A_734 : vector<64x128xi1>, vector<64x128xi32>
    %lt3A_740 = arith.cmpf olt, %max3A_738, %min3A_715 : vector<64x128xf32>
    %min3A_741 = arith.minimumf %min3A_715, %max3A_738 : vector<64x128xf32>
    %select_n3A_742 = arith.select %lt3A_740, %select_n3A_739, %select_n3A_716 : vector<64x128xi1>, vector<64x128xi32>
    %max3A_743 = arith.maximumf %min3A_715, %max3A_738 : vector<64x128xf32>
    %select_n3A_744 = arith.select %lt3A_740, %select_n3A_716, %select_n3A_739 : vector<64x128xi1>, vector<64x128xi32>
    %lt3A_745 = arith.cmpf olt, %max3A_743, %min3A_720 : vector<64x128xf32>
    %min3A_746 = arith.minimumf %min3A_720, %max3A_743 : vector<64x128xf32>
    %select_n3A_747 = arith.select %lt3A_745, %select_n3A_744, %select_n3A_721 : vector<64x128xi1>, vector<64x128xi32>
    %max3A_748 = arith.maximumf %min3A_720, %max3A_743 : vector<64x128xf32>
    %select_n3A_749 = arith.select %lt3A_745, %select_n3A_721, %select_n3A_744 : vector<64x128xi1>, vector<64x128xi32>
    %lt3A_750 = arith.cmpf olt, %max3A_748, %min3A_725 : vector<64x128xf32>
    %min3A_751 = arith.minimumf %min3A_725, %max3A_748 : vector<64x128xf32>
    %select_n3A_752 = arith.select %lt3A_750, %select_n3A_749, %select_n3A_726 : vector<64x128xi1>, vector<64x128xi32>
    %max3A_753 = arith.maximumf %min3A_725, %max3A_748 : vector<64x128xf32>
    %select_n3A_754 = arith.select %lt3A_750, %select_n3A_726, %select_n3A_749 : vector<64x128xi1>, vector<64x128xi32>
    %lt3A_755 = arith.cmpf olt, %max3A_753, %min3A_730 : vector<64x128xf32>
    %min3A_756 = arith.minimumf %min3A_730, %max3A_753 : vector<64x128xf32>
    %select_n3A_757 = arith.select %lt3A_755, %select_n3A_754, %select_n3A_731 : vector<64x128xi1>, vector<64x128xi32>
    %slice3A_758 = vector.extract_strided_slice %add3A_14 {offsets = [1792, 0], sizes = [64, 128], strides = [1, 1]} : vector<4096x128xf32> to vector<64x128xf32>
    %broadcast_in_dim3A_759 = arith.constant 28 : i32
    %broadcast_in_dim3A_760 = vector.broadcast %broadcast_in_dim3A_759 : i32 to vector<64x128xi32>
    %lt3A_761 = arith.cmpf olt, %slice3A_758, %min3A_736 : vector<64x128xf32>
    %min3A_762 = arith.minimumf %min3A_736, %slice3A_758 : vector<64x128xf32>
    %select_n3A_763 = arith.select %lt3A_761, %broadcast_in_dim3A_760, %select_n3A_737 : vector<64x128xi1>, vector<64x128xi32>
    %max3A_764 = arith.maximumf %min3A_736, %slice3A_758 : vector<64x128xf32>
    %select_n3A_765 = arith.select %lt3A_761, %select_n3A_737, %broadcast_in_dim3A_760 : vector<64x128xi1>, vector<64x128xi32>
    %lt3A_766 = arith.cmpf olt, %max3A_764, %min3A_741 : vector<64x128xf32>
    %min3A_767 = arith.minimumf %min3A_741, %max3A_764 : vector<64x128xf32>
    %select_n3A_768 = arith.select %lt3A_766, %select_n3A_765, %select_n3A_742 : vector<64x128xi1>, vector<64x128xi32>
    %max3A_769 = arith.maximumf %min3A_741, %max3A_764 : vector<64x128xf32>
    %select_n3A_770 = arith.select %lt3A_766, %select_n3A_742, %select_n3A_765 : vector<64x128xi1>, vector<64x128xi32>
    %lt3A_771 = arith.cmpf olt, %max3A_769, %min3A_746 : vector<64x128xf32>
    %min3A_772 = arith.minimumf %min3A_746, %max3A_769 : vector<64x128xf32>
    %select_n3A_773 = arith.select %lt3A_771, %select_n3A_770, %select_n3A_747 : vector<64x128xi1>, vector<64x128xi32>
    %max3A_774 = arith.maximumf %min3A_746, %max3A_769 : vector<64x128xf32>
    %select_n3A_775 = arith.select %lt3A_771, %select_n3A_747, %select_n3A_770 : vector<64x128xi1>, vector<64x128xi32>
    %lt3A_776 = arith.cmpf olt, %max3A_774, %min3A_751 : vector<64x128xf32>
    %min3A_777 = arith.minimumf %min3A_751, %max3A_774 : vector<64x128xf32>
    %select_n3A_778 = arith.select %lt3A_776, %select_n3A_775, %select_n3A_752 : vector<64x128xi1>, vector<64x128xi32>
    %max3A_779 = arith.maximumf %min3A_751, %max3A_774 : vector<64x128xf32>
    %select_n3A_780 = arith.select %lt3A_776, %select_n3A_752, %select_n3A_775 : vector<64x128xi1>, vector<64x128xi32>
    %lt3A_781 = arith.cmpf olt, %max3A_779, %min3A_756 : vector<64x128xf32>
    %min3A_782 = arith.minimumf %min3A_756, %max3A_779 : vector<64x128xf32>
    %select_n3A_783 = arith.select %lt3A_781, %select_n3A_780, %select_n3A_757 : vector<64x128xi1>, vector<64x128xi32>
    %slice3A_784 = vector.extract_strided_slice %add3A_14 {offsets = [1856, 0], sizes = [64, 128], strides = [1, 1]} : vector<4096x128xf32> to vector<64x128xf32>
    %broadcast_in_dim3A_785 = arith.constant 29 : i32
    %broadcast_in_dim3A_786 = vector.broadcast %broadcast_in_dim3A_785 : i32 to vector<64x128xi32>
    %lt3A_787 = arith.cmpf olt, %slice3A_784, %min3A_762 : vector<64x128xf32>
    %min3A_788 = arith.minimumf %min3A_762, %slice3A_784 : vector<64x128xf32>
    %select_n3A_789 = arith.select %lt3A_787, %broadcast_in_dim3A_786, %select_n3A_763 : vector<64x128xi1>, vector<64x128xi32>
    %max3A_790 = arith.maximumf %min3A_762, %slice3A_784 : vector<64x128xf32>
    %select_n3A_791 = arith.select %lt3A_787, %select_n3A_763, %broadcast_in_dim3A_786 : vector<64x128xi1>, vector<64x128xi32>
    %lt3A_792 = arith.cmpf olt, %max3A_790, %min3A_767 : vector<64x128xf32>
    %min3A_793 = arith.minimumf %min3A_767, %max3A_790 : vector<64x128xf32>
    %select_n3A_794 = arith.select %lt3A_792, %select_n3A_791, %select_n3A_768 : vector<64x128xi1>, vector<64x128xi32>
    %max3A_795 = arith.maximumf %min3A_767, %max3A_790 : vector<64x128xf32>
    %select_n3A_796 = arith.select %lt3A_792, %select_n3A_768, %select_n3A_791 : vector<64x128xi1>, vector<64x128xi32>
    %lt3A_797 = arith.cmpf olt, %max3A_795, %min3A_772 : vector<64x128xf32>
    %min3A_798 = arith.minimumf %min3A_772, %max3A_795 : vector<64x128xf32>
    %select_n3A_799 = arith.select %lt3A_797, %select_n3A_796, %select_n3A_773 : vector<64x128xi1>, vector<64x128xi32>
    %max3A_800 = arith.maximumf %min3A_772, %max3A_795 : vector<64x128xf32>
    %select_n3A_801 = arith.select %lt3A_797, %select_n3A_773, %select_n3A_796 : vector<64x128xi1>, vector<64x128xi32>
    %lt3A_802 = arith.cmpf olt, %max3A_800, %min3A_777 : vector<64x128xf32>
    %min3A_803 = arith.minimumf %min3A_777, %max3A_800 : vector<64x128xf32>
    %select_n3A_804 = arith.select %lt3A_802, %select_n3A_801, %select_n3A_778 : vector<64x128xi1>, vector<64x128xi32>
    %max3A_805 = arith.maximumf %min3A_777, %max3A_800 : vector<64x128xf32>
    %select_n3A_806 = arith.select %lt3A_802, %select_n3A_778, %select_n3A_801 : vector<64x128xi1>, vector<64x128xi32>
    %lt3A_807 = arith.cmpf olt, %max3A_805, %min3A_782 : vector<64x128xf32>
    %min3A_808 = arith.minimumf %min3A_782, %max3A_805 : vector<64x128xf32>
    %select_n3A_809 = arith.select %lt3A_807, %select_n3A_806, %select_n3A_783 : vector<64x128xi1>, vector<64x128xi32>
    %slice3A_810 = vector.extract_strided_slice %add3A_14 {offsets = [1920, 0], sizes = [64, 128], strides = [1, 1]} : vector<4096x128xf32> to vector<64x128xf32>
    %broadcast_in_dim3A_811 = arith.constant 30 : i32
    %broadcast_in_dim3A_812 = vector.broadcast %broadcast_in_dim3A_811 : i32 to vector<64x128xi32>
    %lt3A_813 = arith.cmpf olt, %slice3A_810, %min3A_788 : vector<64x128xf32>
    %min3A_814 = arith.minimumf %min3A_788, %slice3A_810 : vector<64x128xf32>
    %select_n3A_815 = arith.select %lt3A_813, %broadcast_in_dim3A_812, %select_n3A_789 : vector<64x128xi1>, vector<64x128xi32>
    %max3A_816 = arith.maximumf %min3A_788, %slice3A_810 : vector<64x128xf32>
    %select_n3A_817 = arith.select %lt3A_813, %select_n3A_789, %broadcast_in_dim3A_812 : vector<64x128xi1>, vector<64x128xi32>
    %lt3A_818 = arith.cmpf olt, %max3A_816, %min3A_793 : vector<64x128xf32>
    %min3A_819 = arith.minimumf %min3A_793, %max3A_816 : vector<64x128xf32>
    %select_n3A_820 = arith.select %lt3A_818, %select_n3A_817, %select_n3A_794 : vector<64x128xi1>, vector<64x128xi32>
    %max3A_821 = arith.maximumf %min3A_793, %max3A_816 : vector<64x128xf32>
    %select_n3A_822 = arith.select %lt3A_818, %select_n3A_794, %select_n3A_817 : vector<64x128xi1>, vector<64x128xi32>
    %lt3A_823 = arith.cmpf olt, %max3A_821, %min3A_798 : vector<64x128xf32>
    %min3A_824 = arith.minimumf %min3A_798, %max3A_821 : vector<64x128xf32>
    %select_n3A_825 = arith.select %lt3A_823, %select_n3A_822, %select_n3A_799 : vector<64x128xi1>, vector<64x128xi32>
    %max3A_826 = arith.maximumf %min3A_798, %max3A_821 : vector<64x128xf32>
    %select_n3A_827 = arith.select %lt3A_823, %select_n3A_799, %select_n3A_822 : vector<64x128xi1>, vector<64x128xi32>
    %lt3A_828 = arith.cmpf olt, %max3A_826, %min3A_803 : vector<64x128xf32>
    %min3A_829 = arith.minimumf %min3A_803, %max3A_826 : vector<64x128xf32>
    %select_n3A_830 = arith.select %lt3A_828, %select_n3A_827, %select_n3A_804 : vector<64x128xi1>, vector<64x128xi32>
    %max3A_831 = arith.maximumf %min3A_803, %max3A_826 : vector<64x128xf32>
    %select_n3A_832 = arith.select %lt3A_828, %select_n3A_804, %select_n3A_827 : vector<64x128xi1>, vector<64x128xi32>
    %lt3A_833 = arith.cmpf olt, %max3A_831, %min3A_808 : vector<64x128xf32>
    %min3A_834 = arith.minimumf %min3A_808, %max3A_831 : vector<64x128xf32>
    %select_n3A_835 = arith.select %lt3A_833, %select_n3A_832, %select_n3A_809 : vector<64x128xi1>, vector<64x128xi32>
    %slice3A_836 = vector.extract_strided_slice %add3A_14 {offsets = [1984, 0], sizes = [64, 128], strides = [1, 1]} : vector<4096x128xf32> to vector<64x128xf32>
    %broadcast_in_dim3A_837 = arith.constant 31 : i32
    %broadcast_in_dim3A_838 = vector.broadcast %broadcast_in_dim3A_837 : i32 to vector<64x128xi32>
    %lt3A_839 = arith.cmpf olt, %slice3A_836, %min3A_814 : vector<64x128xf32>
    %min3A_840 = arith.minimumf %min3A_814, %slice3A_836 : vector<64x128xf32>
    %select_n3A_841 = arith.select %lt3A_839, %broadcast_in_dim3A_838, %select_n3A_815 : vector<64x128xi1>, vector<64x128xi32>
    %max3A_842 = arith.maximumf %min3A_814, %slice3A_836 : vector<64x128xf32>
    %select_n3A_843 = arith.select %lt3A_839, %select_n3A_815, %broadcast_in_dim3A_838 : vector<64x128xi1>, vector<64x128xi32>
    %lt3A_844 = arith.cmpf olt, %max3A_842, %min3A_819 : vector<64x128xf32>
    %min3A_845 = arith.minimumf %min3A_819, %max3A_842 : vector<64x128xf32>
    %select_n3A_846 = arith.select %lt3A_844, %select_n3A_843, %select_n3A_820 : vector<64x128xi1>, vector<64x128xi32>
    %max3A_847 = arith.maximumf %min3A_819, %max3A_842 : vector<64x128xf32>
    %select_n3A_848 = arith.select %lt3A_844, %select_n3A_820, %select_n3A_843 : vector<64x128xi1>, vector<64x128xi32>
    %lt3A_849 = arith.cmpf olt, %max3A_847, %min3A_824 : vector<64x128xf32>
    %min3A_850 = arith.minimumf %min3A_824, %max3A_847 : vector<64x128xf32>
    %select_n3A_851 = arith.select %lt3A_849, %select_n3A_848, %select_n3A_825 : vector<64x128xi1>, vector<64x128xi32>
    %max3A_852 = arith.maximumf %min3A_824, %max3A_847 : vector<64x128xf32>
    %select_n3A_853 = arith.select %lt3A_849, %select_n3A_825, %select_n3A_848 : vector<64x128xi1>, vector<64x128xi32>
    %lt3A_854 = arith.cmpf olt, %max3A_852, %min3A_829 : vector<64x128xf32>
    %min3A_855 = arith.minimumf %min3A_829, %max3A_852 : vector<64x128xf32>
    %select_n3A_856 = arith.select %lt3A_854, %select_n3A_853, %select_n3A_830 : vector<64x128xi1>, vector<64x128xi32>
    %max3A_857 = arith.maximumf %min3A_829, %max3A_852 : vector<64x128xf32>
    %select_n3A_858 = arith.select %lt3A_854, %select_n3A_830, %select_n3A_853 : vector<64x128xi1>, vector<64x128xi32>
    %lt3A_859 = arith.cmpf olt, %max3A_857, %min3A_834 : vector<64x128xf32>
    %min3A_860 = arith.minimumf %min3A_834, %max3A_857 : vector<64x128xf32>
    %select_n3A_861 = arith.select %lt3A_859, %select_n3A_858, %select_n3A_835 : vector<64x128xi1>, vector<64x128xi32>
    %slice3A_862 = vector.extract_strided_slice %add3A_14 {offsets = [2048, 0], sizes = [64, 128], strides = [1, 1]} : vector<4096x128xf32> to vector<64x128xf32>
    %broadcast_in_dim3A_863 = arith.constant 32 : i32
    %broadcast_in_dim3A_864 = vector.broadcast %broadcast_in_dim3A_863 : i32 to vector<64x128xi32>
    %lt3A_865 = arith.cmpf olt, %slice3A_862, %min3A_840 : vector<64x128xf32>
    %min3A_866 = arith.minimumf %min3A_840, %slice3A_862 : vector<64x128xf32>
    %select_n3A_867 = arith.select %lt3A_865, %broadcast_in_dim3A_864, %select_n3A_841 : vector<64x128xi1>, vector<64x128xi32>
    %max3A_868 = arith.maximumf %min3A_840, %slice3A_862 : vector<64x128xf32>
    %select_n3A_869 = arith.select %lt3A_865, %select_n3A_841, %broadcast_in_dim3A_864 : vector<64x128xi1>, vector<64x128xi32>
    %lt3A_870 = arith.cmpf olt, %max3A_868, %min3A_845 : vector<64x128xf32>
    %min3A_871 = arith.minimumf %min3A_845, %max3A_868 : vector<64x128xf32>
    %select_n3A_872 = arith.select %lt3A_870, %select_n3A_869, %select_n3A_846 : vector<64x128xi1>, vector<64x128xi32>
    %max3A_873 = arith.maximumf %min3A_845, %max3A_868 : vector<64x128xf32>
    %select_n3A_874 = arith.select %lt3A_870, %select_n3A_846, %select_n3A_869 : vector<64x128xi1>, vector<64x128xi32>
    %lt3A_875 = arith.cmpf olt, %max3A_873, %min3A_850 : vector<64x128xf32>
    %min3A_876 = arith.minimumf %min3A_850, %max3A_873 : vector<64x128xf32>
    %select_n3A_877 = arith.select %lt3A_875, %select_n3A_874, %select_n3A_851 : vector<64x128xi1>, vector<64x128xi32>
    %max3A_878 = arith.maximumf %min3A_850, %max3A_873 : vector<64x128xf32>
    %select_n3A_879 = arith.select %lt3A_875, %select_n3A_851, %select_n3A_874 : vector<64x128xi1>, vector<64x128xi32>
    %lt3A_880 = arith.cmpf olt, %max3A_878, %min3A_855 : vector<64x128xf32>
    %min3A_881 = arith.minimumf %min3A_855, %max3A_878 : vector<64x128xf32>
    %select_n3A_882 = arith.select %lt3A_880, %select_n3A_879, %select_n3A_856 : vector<64x128xi1>, vector<64x128xi32>
    %max3A_883 = arith.maximumf %min3A_855, %max3A_878 : vector<64x128xf32>
    %select_n3A_884 = arith.select %lt3A_880, %select_n3A_856, %select_n3A_879 : vector<64x128xi1>, vector<64x128xi32>
    %lt3A_885 = arith.cmpf olt, %max3A_883, %min3A_860 : vector<64x128xf32>
    %min3A_886 = arith.minimumf %min3A_860, %max3A_883 : vector<64x128xf32>
    %select_n3A_887 = arith.select %lt3A_885, %select_n3A_884, %select_n3A_861 : vector<64x128xi1>, vector<64x128xi32>
    %slice3A_888 = vector.extract_strided_slice %add3A_14 {offsets = [2112, 0], sizes = [64, 128], strides = [1, 1]} : vector<4096x128xf32> to vector<64x128xf32>
    %broadcast_in_dim3A_889 = arith.constant 33 : i32
    %broadcast_in_dim3A_890 = vector.broadcast %broadcast_in_dim3A_889 : i32 to vector<64x128xi32>
    %lt3A_891 = arith.cmpf olt, %slice3A_888, %min3A_866 : vector<64x128xf32>
    %min3A_892 = arith.minimumf %min3A_866, %slice3A_888 : vector<64x128xf32>
    %select_n3A_893 = arith.select %lt3A_891, %broadcast_in_dim3A_890, %select_n3A_867 : vector<64x128xi1>, vector<64x128xi32>
    %max3A_894 = arith.maximumf %min3A_866, %slice3A_888 : vector<64x128xf32>
    %select_n3A_895 = arith.select %lt3A_891, %select_n3A_867, %broadcast_in_dim3A_890 : vector<64x128xi1>, vector<64x128xi32>
    %lt3A_896 = arith.cmpf olt, %max3A_894, %min3A_871 : vector<64x128xf32>
    %min3A_897 = arith.minimumf %min3A_871, %max3A_894 : vector<64x128xf32>
    %select_n3A_898 = arith.select %lt3A_896, %select_n3A_895, %select_n3A_872 : vector<64x128xi1>, vector<64x128xi32>
    %max3A_899 = arith.maximumf %min3A_871, %max3A_894 : vector<64x128xf32>
    %select_n3A_900 = arith.select %lt3A_896, %select_n3A_872, %select_n3A_895 : vector<64x128xi1>, vector<64x128xi32>
    %lt3A_901 = arith.cmpf olt, %max3A_899, %min3A_876 : vector<64x128xf32>
    %min3A_902 = arith.minimumf %min3A_876, %max3A_899 : vector<64x128xf32>
    %select_n3A_903 = arith.select %lt3A_901, %select_n3A_900, %select_n3A_877 : vector<64x128xi1>, vector<64x128xi32>
    %max3A_904 = arith.maximumf %min3A_876, %max3A_899 : vector<64x128xf32>
    %select_n3A_905 = arith.select %lt3A_901, %select_n3A_877, %select_n3A_900 : vector<64x128xi1>, vector<64x128xi32>
    %lt3A_906 = arith.cmpf olt, %max3A_904, %min3A_881 : vector<64x128xf32>
    %min3A_907 = arith.minimumf %min3A_881, %max3A_904 : vector<64x128xf32>
    %select_n3A_908 = arith.select %lt3A_906, %select_n3A_905, %select_n3A_882 : vector<64x128xi1>, vector<64x128xi32>
    %max3A_909 = arith.maximumf %min3A_881, %max3A_904 : vector<64x128xf32>
    %select_n3A_910 = arith.select %lt3A_906, %select_n3A_882, %select_n3A_905 : vector<64x128xi1>, vector<64x128xi32>
    %lt3A_911 = arith.cmpf olt, %max3A_909, %min3A_886 : vector<64x128xf32>
    %min3A_912 = arith.minimumf %min3A_886, %max3A_909 : vector<64x128xf32>
    %select_n3A_913 = arith.select %lt3A_911, %select_n3A_910, %select_n3A_887 : vector<64x128xi1>, vector<64x128xi32>
    %slice3A_914 = vector.extract_strided_slice %add3A_14 {offsets = [2176, 0], sizes = [64, 128], strides = [1, 1]} : vector<4096x128xf32> to vector<64x128xf32>
    %broadcast_in_dim3A_915 = arith.constant 34 : i32
    %broadcast_in_dim3A_916 = vector.broadcast %broadcast_in_dim3A_915 : i32 to vector<64x128xi32>
    %lt3A_917 = arith.cmpf olt, %slice3A_914, %min3A_892 : vector<64x128xf32>
    %min3A_918 = arith.minimumf %min3A_892, %slice3A_914 : vector<64x128xf32>
    %select_n3A_919 = arith.select %lt3A_917, %broadcast_in_dim3A_916, %select_n3A_893 : vector<64x128xi1>, vector<64x128xi32>
    %max3A_920 = arith.maximumf %min3A_892, %slice3A_914 : vector<64x128xf32>
    %select_n3A_921 = arith.select %lt3A_917, %select_n3A_893, %broadcast_in_dim3A_916 : vector<64x128xi1>, vector<64x128xi32>
    %lt3A_922 = arith.cmpf olt, %max3A_920, %min3A_897 : vector<64x128xf32>
    %min3A_923 = arith.minimumf %min3A_897, %max3A_920 : vector<64x128xf32>
    %select_n3A_924 = arith.select %lt3A_922, %select_n3A_921, %select_n3A_898 : vector<64x128xi1>, vector<64x128xi32>
    %max3A_925 = arith.maximumf %min3A_897, %max3A_920 : vector<64x128xf32>
    %select_n3A_926 = arith.select %lt3A_922, %select_n3A_898, %select_n3A_921 : vector<64x128xi1>, vector<64x128xi32>
    %lt3A_927 = arith.cmpf olt, %max3A_925, %min3A_902 : vector<64x128xf32>
    %min3A_928 = arith.minimumf %min3A_902, %max3A_925 : vector<64x128xf32>
    %select_n3A_929 = arith.select %lt3A_927, %select_n3A_926, %select_n3A_903 : vector<64x128xi1>, vector<64x128xi32>
    %max3A_930 = arith.maximumf %min3A_902, %max3A_925 : vector<64x128xf32>
    %select_n3A_931 = arith.select %lt3A_927, %select_n3A_903, %select_n3A_926 : vector<64x128xi1>, vector<64x128xi32>
    %lt3A_932 = arith.cmpf olt, %max3A_930, %min3A_907 : vector<64x128xf32>
    %min3A_933 = arith.minimumf %min3A_907, %max3A_930 : vector<64x128xf32>
    %select_n3A_934 = arith.select %lt3A_932, %select_n3A_931, %select_n3A_908 : vector<64x128xi1>, vector<64x128xi32>
    %max3A_935 = arith.maximumf %min3A_907, %max3A_930 : vector<64x128xf32>
    %select_n3A_936 = arith.select %lt3A_932, %select_n3A_908, %select_n3A_931 : vector<64x128xi1>, vector<64x128xi32>
    %lt3A_937 = arith.cmpf olt, %max3A_935, %min3A_912 : vector<64x128xf32>
    %min3A_938 = arith.minimumf %min3A_912, %max3A_935 : vector<64x128xf32>
    %select_n3A_939 = arith.select %lt3A_937, %select_n3A_936, %select_n3A_913 : vector<64x128xi1>, vector<64x128xi32>
    %slice3A_940 = vector.extract_strided_slice %add3A_14 {offsets = [2240, 0], sizes = [64, 128], strides = [1, 1]} : vector<4096x128xf32> to vector<64x128xf32>
    %broadcast_in_dim3A_941 = arith.constant 35 : i32
    %broadcast_in_dim3A_942 = vector.broadcast %broadcast_in_dim3A_941 : i32 to vector<64x128xi32>
    %lt3A_943 = arith.cmpf olt, %slice3A_940, %min3A_918 : vector<64x128xf32>
    %min3A_944 = arith.minimumf %min3A_918, %slice3A_940 : vector<64x128xf32>
    %select_n3A_945 = arith.select %lt3A_943, %broadcast_in_dim3A_942, %select_n3A_919 : vector<64x128xi1>, vector<64x128xi32>
    %max3A_946 = arith.maximumf %min3A_918, %slice3A_940 : vector<64x128xf32>
    %select_n3A_947 = arith.select %lt3A_943, %select_n3A_919, %broadcast_in_dim3A_942 : vector<64x128xi1>, vector<64x128xi32>
    %lt3A_948 = arith.cmpf olt, %max3A_946, %min3A_923 : vector<64x128xf32>
    %min3A_949 = arith.minimumf %min3A_923, %max3A_946 : vector<64x128xf32>
    %select_n3A_950 = arith.select %lt3A_948, %select_n3A_947, %select_n3A_924 : vector<64x128xi1>, vector<64x128xi32>
    %max3A_951 = arith.maximumf %min3A_923, %max3A_946 : vector<64x128xf32>
    %select_n3A_952 = arith.select %lt3A_948, %select_n3A_924, %select_n3A_947 : vector<64x128xi1>, vector<64x128xi32>
    %lt3A_953 = arith.cmpf olt, %max3A_951, %min3A_928 : vector<64x128xf32>
    %min3A_954 = arith.minimumf %min3A_928, %max3A_951 : vector<64x128xf32>
    %select_n3A_955 = arith.select %lt3A_953, %select_n3A_952, %select_n3A_929 : vector<64x128xi1>, vector<64x128xi32>
    %max3A_956 = arith.maximumf %min3A_928, %max3A_951 : vector<64x128xf32>
    %select_n3A_957 = arith.select %lt3A_953, %select_n3A_929, %select_n3A_952 : vector<64x128xi1>, vector<64x128xi32>
    %lt3A_958 = arith.cmpf olt, %max3A_956, %min3A_933 : vector<64x128xf32>
    %min3A_959 = arith.minimumf %min3A_933, %max3A_956 : vector<64x128xf32>
    %select_n3A_960 = arith.select %lt3A_958, %select_n3A_957, %select_n3A_934 : vector<64x128xi1>, vector<64x128xi32>
    %max3A_961 = arith.maximumf %min3A_933, %max3A_956 : vector<64x128xf32>
    %select_n3A_962 = arith.select %lt3A_958, %select_n3A_934, %select_n3A_957 : vector<64x128xi1>, vector<64x128xi32>
    %lt3A_963 = arith.cmpf olt, %max3A_961, %min3A_938 : vector<64x128xf32>
    %min3A_964 = arith.minimumf %min3A_938, %max3A_961 : vector<64x128xf32>
    %select_n3A_965 = arith.select %lt3A_963, %select_n3A_962, %select_n3A_939 : vector<64x128xi1>, vector<64x128xi32>
    %slice3A_966 = vector.extract_strided_slice %add3A_14 {offsets = [2304, 0], sizes = [64, 128], strides = [1, 1]} : vector<4096x128xf32> to vector<64x128xf32>
    %broadcast_in_dim3A_967 = arith.constant 36 : i32
    %broadcast_in_dim3A_968 = vector.broadcast %broadcast_in_dim3A_967 : i32 to vector<64x128xi32>
    %lt3A_969 = arith.cmpf olt, %slice3A_966, %min3A_944 : vector<64x128xf32>
    %min3A_970 = arith.minimumf %min3A_944, %slice3A_966 : vector<64x128xf32>
    %select_n3A_971 = arith.select %lt3A_969, %broadcast_in_dim3A_968, %select_n3A_945 : vector<64x128xi1>, vector<64x128xi32>
    %max3A_972 = arith.maximumf %min3A_944, %slice3A_966 : vector<64x128xf32>
    %select_n3A_973 = arith.select %lt3A_969, %select_n3A_945, %broadcast_in_dim3A_968 : vector<64x128xi1>, vector<64x128xi32>
    %lt3A_974 = arith.cmpf olt, %max3A_972, %min3A_949 : vector<64x128xf32>
    %min3A_975 = arith.minimumf %min3A_949, %max3A_972 : vector<64x128xf32>
    %select_n3A_976 = arith.select %lt3A_974, %select_n3A_973, %select_n3A_950 : vector<64x128xi1>, vector<64x128xi32>
    %max3A_977 = arith.maximumf %min3A_949, %max3A_972 : vector<64x128xf32>
    %select_n3A_978 = arith.select %lt3A_974, %select_n3A_950, %select_n3A_973 : vector<64x128xi1>, vector<64x128xi32>
    %lt3A_979 = arith.cmpf olt, %max3A_977, %min3A_954 : vector<64x128xf32>
    %min3A_980 = arith.minimumf %min3A_954, %max3A_977 : vector<64x128xf32>
    %select_n3A_981 = arith.select %lt3A_979, %select_n3A_978, %select_n3A_955 : vector<64x128xi1>, vector<64x128xi32>
    %max3A_982 = arith.maximumf %min3A_954, %max3A_977 : vector<64x128xf32>
    %select_n3A_983 = arith.select %lt3A_979, %select_n3A_955, %select_n3A_978 : vector<64x128xi1>, vector<64x128xi32>
    %lt3A_984 = arith.cmpf olt, %max3A_982, %min3A_959 : vector<64x128xf32>
    %min3A_985 = arith.minimumf %min3A_959, %max3A_982 : vector<64x128xf32>
    %select_n3A_986 = arith.select %lt3A_984, %select_n3A_983, %select_n3A_960 : vector<64x128xi1>, vector<64x128xi32>
    %max3A_987 = arith.maximumf %min3A_959, %max3A_982 : vector<64x128xf32>
    %select_n3A_988 = arith.select %lt3A_984, %select_n3A_960, %select_n3A_983 : vector<64x128xi1>, vector<64x128xi32>
    %lt3A_989 = arith.cmpf olt, %max3A_987, %min3A_964 : vector<64x128xf32>
    %min3A_990 = arith.minimumf %min3A_964, %max3A_987 : vector<64x128xf32>
    %select_n3A_991 = arith.select %lt3A_989, %select_n3A_988, %select_n3A_965 : vector<64x128xi1>, vector<64x128xi32>
    %slice3A_992 = vector.extract_strided_slice %add3A_14 {offsets = [2368, 0], sizes = [64, 128], strides = [1, 1]} : vector<4096x128xf32> to vector<64x128xf32>
    %broadcast_in_dim3A_993 = arith.constant 37 : i32
    %broadcast_in_dim3A_994 = vector.broadcast %broadcast_in_dim3A_993 : i32 to vector<64x128xi32>
    %lt3A_995 = arith.cmpf olt, %slice3A_992, %min3A_970 : vector<64x128xf32>
    %min3A_996 = arith.minimumf %min3A_970, %slice3A_992 : vector<64x128xf32>
    %select_n3A_997 = arith.select %lt3A_995, %broadcast_in_dim3A_994, %select_n3A_971 : vector<64x128xi1>, vector<64x128xi32>
    %max3A_998 = arith.maximumf %min3A_970, %slice3A_992 : vector<64x128xf32>
    %select_n3A_999 = arith.select %lt3A_995, %select_n3A_971, %broadcast_in_dim3A_994 : vector<64x128xi1>, vector<64x128xi32>
    %lt3A_1000 = arith.cmpf olt, %max3A_998, %min3A_975 : vector<64x128xf32>
    %min3A_1001 = arith.minimumf %min3A_975, %max3A_998 : vector<64x128xf32>
    %select_n3A_1002 = arith.select %lt3A_1000, %select_n3A_999, %select_n3A_976 : vector<64x128xi1>, vector<64x128xi32>
    %max3A_1003 = arith.maximumf %min3A_975, %max3A_998 : vector<64x128xf32>
    %select_n3A_1004 = arith.select %lt3A_1000, %select_n3A_976, %select_n3A_999 : vector<64x128xi1>, vector<64x128xi32>
    %lt3A_1005 = arith.cmpf olt, %max3A_1003, %min3A_980 : vector<64x128xf32>
    %min3A_1006 = arith.minimumf %min3A_980, %max3A_1003 : vector<64x128xf32>
    %select_n3A_1007 = arith.select %lt3A_1005, %select_n3A_1004, %select_n3A_981 : vector<64x128xi1>, vector<64x128xi32>
    %max3A_1008 = arith.maximumf %min3A_980, %max3A_1003 : vector<64x128xf32>
    %select_n3A_1009 = arith.select %lt3A_1005, %select_n3A_981, %select_n3A_1004 : vector<64x128xi1>, vector<64x128xi32>
    %lt3A_1010 = arith.cmpf olt, %max3A_1008, %min3A_985 : vector<64x128xf32>
    %min3A_1011 = arith.minimumf %min3A_985, %max3A_1008 : vector<64x128xf32>
    %select_n3A_1012 = arith.select %lt3A_1010, %select_n3A_1009, %select_n3A_986 : vector<64x128xi1>, vector<64x128xi32>
    %max3A_1013 = arith.maximumf %min3A_985, %max3A_1008 : vector<64x128xf32>
    %select_n3A_1014 = arith.select %lt3A_1010, %select_n3A_986, %select_n3A_1009 : vector<64x128xi1>, vector<64x128xi32>
    %lt3A_1015 = arith.cmpf olt, %max3A_1013, %min3A_990 : vector<64x128xf32>
    %min3A_1016 = arith.minimumf %min3A_990, %max3A_1013 : vector<64x128xf32>
    %select_n3A_1017 = arith.select %lt3A_1015, %select_n3A_1014, %select_n3A_991 : vector<64x128xi1>, vector<64x128xi32>
    %slice3A_1018 = vector.extract_strided_slice %add3A_14 {offsets = [2432, 0], sizes = [64, 128], strides = [1, 1]} : vector<4096x128xf32> to vector<64x128xf32>
    %broadcast_in_dim3A_1019 = arith.constant 38 : i32
    %broadcast_in_dim3A_1020 = vector.broadcast %broadcast_in_dim3A_1019 : i32 to vector<64x128xi32>
    %lt3A_1021 = arith.cmpf olt, %slice3A_1018, %min3A_996 : vector<64x128xf32>
    %min3A_1022 = arith.minimumf %min3A_996, %slice3A_1018 : vector<64x128xf32>
    %select_n3A_1023 = arith.select %lt3A_1021, %broadcast_in_dim3A_1020, %select_n3A_997 : vector<64x128xi1>, vector<64x128xi32>
    %max3A_1024 = arith.maximumf %min3A_996, %slice3A_1018 : vector<64x128xf32>
    %select_n3A_1025 = arith.select %lt3A_1021, %select_n3A_997, %broadcast_in_dim3A_1020 : vector<64x128xi1>, vector<64x128xi32>
    %lt3A_1026 = arith.cmpf olt, %max3A_1024, %min3A_1001 : vector<64x128xf32>
    %min3A_1027 = arith.minimumf %min3A_1001, %max3A_1024 : vector<64x128xf32>
    %select_n3A_1028 = arith.select %lt3A_1026, %select_n3A_1025, %select_n3A_1002 : vector<64x128xi1>, vector<64x128xi32>
    %max3A_1029 = arith.maximumf %min3A_1001, %max3A_1024 : vector<64x128xf32>
    %select_n3A_1030 = arith.select %lt3A_1026, %select_n3A_1002, %select_n3A_1025 : vector<64x128xi1>, vector<64x128xi32>
    %lt3A_1031 = arith.cmpf olt, %max3A_1029, %min3A_1006 : vector<64x128xf32>
    %min3A_1032 = arith.minimumf %min3A_1006, %max3A_1029 : vector<64x128xf32>
    %select_n3A_1033 = arith.select %lt3A_1031, %select_n3A_1030, %select_n3A_1007 : vector<64x128xi1>, vector<64x128xi32>
    %max3A_1034 = arith.maximumf %min3A_1006, %max3A_1029 : vector<64x128xf32>
    %select_n3A_1035 = arith.select %lt3A_1031, %select_n3A_1007, %select_n3A_1030 : vector<64x128xi1>, vector<64x128xi32>
    %lt3A_1036 = arith.cmpf olt, %max3A_1034, %min3A_1011 : vector<64x128xf32>
    %min3A_1037 = arith.minimumf %min3A_1011, %max3A_1034 : vector<64x128xf32>
    %select_n3A_1038 = arith.select %lt3A_1036, %select_n3A_1035, %select_n3A_1012 : vector<64x128xi1>, vector<64x128xi32>
    %max3A_1039 = arith.maximumf %min3A_1011, %max3A_1034 : vector<64x128xf32>
    %select_n3A_1040 = arith.select %lt3A_1036, %select_n3A_1012, %select_n3A_1035 : vector<64x128xi1>, vector<64x128xi32>
    %lt3A_1041 = arith.cmpf olt, %max3A_1039, %min3A_1016 : vector<64x128xf32>
    %min3A_1042 = arith.minimumf %min3A_1016, %max3A_1039 : vector<64x128xf32>
    %select_n3A_1043 = arith.select %lt3A_1041, %select_n3A_1040, %select_n3A_1017 : vector<64x128xi1>, vector<64x128xi32>
    %slice3A_1044 = vector.extract_strided_slice %add3A_14 {offsets = [2496, 0], sizes = [64, 128], strides = [1, 1]} : vector<4096x128xf32> to vector<64x128xf32>
    %broadcast_in_dim3A_1045 = arith.constant 39 : i32
    %broadcast_in_dim3A_1046 = vector.broadcast %broadcast_in_dim3A_1045 : i32 to vector<64x128xi32>
    %lt3A_1047 = arith.cmpf olt, %slice3A_1044, %min3A_1022 : vector<64x128xf32>
    %min3A_1048 = arith.minimumf %min3A_1022, %slice3A_1044 : vector<64x128xf32>
    %select_n3A_1049 = arith.select %lt3A_1047, %broadcast_in_dim3A_1046, %select_n3A_1023 : vector<64x128xi1>, vector<64x128xi32>
    %max3A_1050 = arith.maximumf %min3A_1022, %slice3A_1044 : vector<64x128xf32>
    %select_n3A_1051 = arith.select %lt3A_1047, %select_n3A_1023, %broadcast_in_dim3A_1046 : vector<64x128xi1>, vector<64x128xi32>
    %lt3A_1052 = arith.cmpf olt, %max3A_1050, %min3A_1027 : vector<64x128xf32>
    %min3A_1053 = arith.minimumf %min3A_1027, %max3A_1050 : vector<64x128xf32>
    %select_n3A_1054 = arith.select %lt3A_1052, %select_n3A_1051, %select_n3A_1028 : vector<64x128xi1>, vector<64x128xi32>
    %max3A_1055 = arith.maximumf %min3A_1027, %max3A_1050 : vector<64x128xf32>
    %select_n3A_1056 = arith.select %lt3A_1052, %select_n3A_1028, %select_n3A_1051 : vector<64x128xi1>, vector<64x128xi32>
    %lt3A_1057 = arith.cmpf olt, %max3A_1055, %min3A_1032 : vector<64x128xf32>
    %min3A_1058 = arith.minimumf %min3A_1032, %max3A_1055 : vector<64x128xf32>
    %select_n3A_1059 = arith.select %lt3A_1057, %select_n3A_1056, %select_n3A_1033 : vector<64x128xi1>, vector<64x128xi32>
    %max3A_1060 = arith.maximumf %min3A_1032, %max3A_1055 : vector<64x128xf32>
    %select_n3A_1061 = arith.select %lt3A_1057, %select_n3A_1033, %select_n3A_1056 : vector<64x128xi1>, vector<64x128xi32>
    %lt3A_1062 = arith.cmpf olt, %max3A_1060, %min3A_1037 : vector<64x128xf32>
    %min3A_1063 = arith.minimumf %min3A_1037, %max3A_1060 : vector<64x128xf32>
    %select_n3A_1064 = arith.select %lt3A_1062, %select_n3A_1061, %select_n3A_1038 : vector<64x128xi1>, vector<64x128xi32>
    %max3A_1065 = arith.maximumf %min3A_1037, %max3A_1060 : vector<64x128xf32>
    %select_n3A_1066 = arith.select %lt3A_1062, %select_n3A_1038, %select_n3A_1061 : vector<64x128xi1>, vector<64x128xi32>
    %lt3A_1067 = arith.cmpf olt, %max3A_1065, %min3A_1042 : vector<64x128xf32>
    %min3A_1068 = arith.minimumf %min3A_1042, %max3A_1065 : vector<64x128xf32>
    %select_n3A_1069 = arith.select %lt3A_1067, %select_n3A_1066, %select_n3A_1043 : vector<64x128xi1>, vector<64x128xi32>
    %slice3A_1070 = vector.extract_strided_slice %add3A_14 {offsets = [2560, 0], sizes = [64, 128], strides = [1, 1]} : vector<4096x128xf32> to vector<64x128xf32>
    %broadcast_in_dim3A_1071 = arith.constant 40 : i32
    %broadcast_in_dim3A_1072 = vector.broadcast %broadcast_in_dim3A_1071 : i32 to vector<64x128xi32>
    %lt3A_1073 = arith.cmpf olt, %slice3A_1070, %min3A_1048 : vector<64x128xf32>
    %min3A_1074 = arith.minimumf %min3A_1048, %slice3A_1070 : vector<64x128xf32>
    %select_n3A_1075 = arith.select %lt3A_1073, %broadcast_in_dim3A_1072, %select_n3A_1049 : vector<64x128xi1>, vector<64x128xi32>
    %max3A_1076 = arith.maximumf %min3A_1048, %slice3A_1070 : vector<64x128xf32>
    %select_n3A_1077 = arith.select %lt3A_1073, %select_n3A_1049, %broadcast_in_dim3A_1072 : vector<64x128xi1>, vector<64x128xi32>
    %lt3A_1078 = arith.cmpf olt, %max3A_1076, %min3A_1053 : vector<64x128xf32>
    %min3A_1079 = arith.minimumf %min3A_1053, %max3A_1076 : vector<64x128xf32>
    %select_n3A_1080 = arith.select %lt3A_1078, %select_n3A_1077, %select_n3A_1054 : vector<64x128xi1>, vector<64x128xi32>
    %max3A_1081 = arith.maximumf %min3A_1053, %max3A_1076 : vector<64x128xf32>
    %select_n3A_1082 = arith.select %lt3A_1078, %select_n3A_1054, %select_n3A_1077 : vector<64x128xi1>, vector<64x128xi32>
    %lt3A_1083 = arith.cmpf olt, %max3A_1081, %min3A_1058 : vector<64x128xf32>
    %min3A_1084 = arith.minimumf %min3A_1058, %max3A_1081 : vector<64x128xf32>
    %select_n3A_1085 = arith.select %lt3A_1083, %select_n3A_1082, %select_n3A_1059 : vector<64x128xi1>, vector<64x128xi32>
    %max3A_1086 = arith.maximumf %min3A_1058, %max3A_1081 : vector<64x128xf32>
    %select_n3A_1087 = arith.select %lt3A_1083, %select_n3A_1059, %select_n3A_1082 : vector<64x128xi1>, vector<64x128xi32>
    %lt3A_1088 = arith.cmpf olt, %max3A_1086, %min3A_1063 : vector<64x128xf32>
    %min3A_1089 = arith.minimumf %min3A_1063, %max3A_1086 : vector<64x128xf32>
    %select_n3A_1090 = arith.select %lt3A_1088, %select_n3A_1087, %select_n3A_1064 : vector<64x128xi1>, vector<64x128xi32>
    %max3A_1091 = arith.maximumf %min3A_1063, %max3A_1086 : vector<64x128xf32>
    %select_n3A_1092 = arith.select %lt3A_1088, %select_n3A_1064, %select_n3A_1087 : vector<64x128xi1>, vector<64x128xi32>
    %lt3A_1093 = arith.cmpf olt, %max3A_1091, %min3A_1068 : vector<64x128xf32>
    %min3A_1094 = arith.minimumf %min3A_1068, %max3A_1091 : vector<64x128xf32>
    %select_n3A_1095 = arith.select %lt3A_1093, %select_n3A_1092, %select_n3A_1069 : vector<64x128xi1>, vector<64x128xi32>
    %slice3A_1096 = vector.extract_strided_slice %add3A_14 {offsets = [2624, 0], sizes = [64, 128], strides = [1, 1]} : vector<4096x128xf32> to vector<64x128xf32>
    %broadcast_in_dim3A_1097 = arith.constant 41 : i32
    %broadcast_in_dim3A_1098 = vector.broadcast %broadcast_in_dim3A_1097 : i32 to vector<64x128xi32>
    %lt3A_1099 = arith.cmpf olt, %slice3A_1096, %min3A_1074 : vector<64x128xf32>
    %min3A_1100 = arith.minimumf %min3A_1074, %slice3A_1096 : vector<64x128xf32>
    %select_n3A_1101 = arith.select %lt3A_1099, %broadcast_in_dim3A_1098, %select_n3A_1075 : vector<64x128xi1>, vector<64x128xi32>
    %max3A_1102 = arith.maximumf %min3A_1074, %slice3A_1096 : vector<64x128xf32>
    %select_n3A_1103 = arith.select %lt3A_1099, %select_n3A_1075, %broadcast_in_dim3A_1098 : vector<64x128xi1>, vector<64x128xi32>
    %lt3A_1104 = arith.cmpf olt, %max3A_1102, %min3A_1079 : vector<64x128xf32>
    %min3A_1105 = arith.minimumf %min3A_1079, %max3A_1102 : vector<64x128xf32>
    %select_n3A_1106 = arith.select %lt3A_1104, %select_n3A_1103, %select_n3A_1080 : vector<64x128xi1>, vector<64x128xi32>
    %max3A_1107 = arith.maximumf %min3A_1079, %max3A_1102 : vector<64x128xf32>
    %select_n3A_1108 = arith.select %lt3A_1104, %select_n3A_1080, %select_n3A_1103 : vector<64x128xi1>, vector<64x128xi32>
    %lt3A_1109 = arith.cmpf olt, %max3A_1107, %min3A_1084 : vector<64x128xf32>
    %min3A_1110 = arith.minimumf %min3A_1084, %max3A_1107 : vector<64x128xf32>
    %select_n3A_1111 = arith.select %lt3A_1109, %select_n3A_1108, %select_n3A_1085 : vector<64x128xi1>, vector<64x128xi32>
    %max3A_1112 = arith.maximumf %min3A_1084, %max3A_1107 : vector<64x128xf32>
    %select_n3A_1113 = arith.select %lt3A_1109, %select_n3A_1085, %select_n3A_1108 : vector<64x128xi1>, vector<64x128xi32>
    %lt3A_1114 = arith.cmpf olt, %max3A_1112, %min3A_1089 : vector<64x128xf32>
    %min3A_1115 = arith.minimumf %min3A_1089, %max3A_1112 : vector<64x128xf32>
    %select_n3A_1116 = arith.select %lt3A_1114, %select_n3A_1113, %select_n3A_1090 : vector<64x128xi1>, vector<64x128xi32>
    %max3A_1117 = arith.maximumf %min3A_1089, %max3A_1112 : vector<64x128xf32>
    %select_n3A_1118 = arith.select %lt3A_1114, %select_n3A_1090, %select_n3A_1113 : vector<64x128xi1>, vector<64x128xi32>
    %lt3A_1119 = arith.cmpf olt, %max3A_1117, %min3A_1094 : vector<64x128xf32>
    %min3A_1120 = arith.minimumf %min3A_1094, %max3A_1117 : vector<64x128xf32>
    %select_n3A_1121 = arith.select %lt3A_1119, %select_n3A_1118, %select_n3A_1095 : vector<64x128xi1>, vector<64x128xi32>
    %slice3A_1122 = vector.extract_strided_slice %add3A_14 {offsets = [2688, 0], sizes = [64, 128], strides = [1, 1]} : vector<4096x128xf32> to vector<64x128xf32>
    %broadcast_in_dim3A_1123 = arith.constant 42 : i32
    %broadcast_in_dim3A_1124 = vector.broadcast %broadcast_in_dim3A_1123 : i32 to vector<64x128xi32>
    %lt3A_1125 = arith.cmpf olt, %slice3A_1122, %min3A_1100 : vector<64x128xf32>
    %min3A_1126 = arith.minimumf %min3A_1100, %slice3A_1122 : vector<64x128xf32>
    %select_n3A_1127 = arith.select %lt3A_1125, %broadcast_in_dim3A_1124, %select_n3A_1101 : vector<64x128xi1>, vector<64x128xi32>
    %max3A_1128 = arith.maximumf %min3A_1100, %slice3A_1122 : vector<64x128xf32>
    %select_n3A_1129 = arith.select %lt3A_1125, %select_n3A_1101, %broadcast_in_dim3A_1124 : vector<64x128xi1>, vector<64x128xi32>
    %lt3A_1130 = arith.cmpf olt, %max3A_1128, %min3A_1105 : vector<64x128xf32>
    %min3A_1131 = arith.minimumf %min3A_1105, %max3A_1128 : vector<64x128xf32>
    %select_n3A_1132 = arith.select %lt3A_1130, %select_n3A_1129, %select_n3A_1106 : vector<64x128xi1>, vector<64x128xi32>
    %max3A_1133 = arith.maximumf %min3A_1105, %max3A_1128 : vector<64x128xf32>
    %select_n3A_1134 = arith.select %lt3A_1130, %select_n3A_1106, %select_n3A_1129 : vector<64x128xi1>, vector<64x128xi32>
    %lt3A_1135 = arith.cmpf olt, %max3A_1133, %min3A_1110 : vector<64x128xf32>
    %min3A_1136 = arith.minimumf %min3A_1110, %max3A_1133 : vector<64x128xf32>
    %select_n3A_1137 = arith.select %lt3A_1135, %select_n3A_1134, %select_n3A_1111 : vector<64x128xi1>, vector<64x128xi32>
    %max3A_1138 = arith.maximumf %min3A_1110, %max3A_1133 : vector<64x128xf32>
    %select_n3A_1139 = arith.select %lt3A_1135, %select_n3A_1111, %select_n3A_1134 : vector<64x128xi1>, vector<64x128xi32>
    %lt3A_1140 = arith.cmpf olt, %max3A_1138, %min3A_1115 : vector<64x128xf32>
    %min3A_1141 = arith.minimumf %min3A_1115, %max3A_1138 : vector<64x128xf32>
    %select_n3A_1142 = arith.select %lt3A_1140, %select_n3A_1139, %select_n3A_1116 : vector<64x128xi1>, vector<64x128xi32>
    %max3A_1143 = arith.maximumf %min3A_1115, %max3A_1138 : vector<64x128xf32>
    %select_n3A_1144 = arith.select %lt3A_1140, %select_n3A_1116, %select_n3A_1139 : vector<64x128xi1>, vector<64x128xi32>
    %lt3A_1145 = arith.cmpf olt, %max3A_1143, %min3A_1120 : vector<64x128xf32>
    %min3A_1146 = arith.minimumf %min3A_1120, %max3A_1143 : vector<64x128xf32>
    %select_n3A_1147 = arith.select %lt3A_1145, %select_n3A_1144, %select_n3A_1121 : vector<64x128xi1>, vector<64x128xi32>
    %slice3A_1148 = vector.extract_strided_slice %add3A_14 {offsets = [2752, 0], sizes = [64, 128], strides = [1, 1]} : vector<4096x128xf32> to vector<64x128xf32>
    %broadcast_in_dim3A_1149 = arith.constant 43 : i32
    %broadcast_in_dim3A_1150 = vector.broadcast %broadcast_in_dim3A_1149 : i32 to vector<64x128xi32>
    %lt3A_1151 = arith.cmpf olt, %slice3A_1148, %min3A_1126 : vector<64x128xf32>
    %min3A_1152 = arith.minimumf %min3A_1126, %slice3A_1148 : vector<64x128xf32>
    %select_n3A_1153 = arith.select %lt3A_1151, %broadcast_in_dim3A_1150, %select_n3A_1127 : vector<64x128xi1>, vector<64x128xi32>
    %max3A_1154 = arith.maximumf %min3A_1126, %slice3A_1148 : vector<64x128xf32>
    %select_n3A_1155 = arith.select %lt3A_1151, %select_n3A_1127, %broadcast_in_dim3A_1150 : vector<64x128xi1>, vector<64x128xi32>
    %lt3A_1156 = arith.cmpf olt, %max3A_1154, %min3A_1131 : vector<64x128xf32>
    %min3A_1157 = arith.minimumf %min3A_1131, %max3A_1154 : vector<64x128xf32>
    %select_n3A_1158 = arith.select %lt3A_1156, %select_n3A_1155, %select_n3A_1132 : vector<64x128xi1>, vector<64x128xi32>
    %max3A_1159 = arith.maximumf %min3A_1131, %max3A_1154 : vector<64x128xf32>
    %select_n3A_1160 = arith.select %lt3A_1156, %select_n3A_1132, %select_n3A_1155 : vector<64x128xi1>, vector<64x128xi32>
    %lt3A_1161 = arith.cmpf olt, %max3A_1159, %min3A_1136 : vector<64x128xf32>
    %min3A_1162 = arith.minimumf %min3A_1136, %max3A_1159 : vector<64x128xf32>
    %select_n3A_1163 = arith.select %lt3A_1161, %select_n3A_1160, %select_n3A_1137 : vector<64x128xi1>, vector<64x128xi32>
    %max3A_1164 = arith.maximumf %min3A_1136, %max3A_1159 : vector<64x128xf32>
    %select_n3A_1165 = arith.select %lt3A_1161, %select_n3A_1137, %select_n3A_1160 : vector<64x128xi1>, vector<64x128xi32>
    %lt3A_1166 = arith.cmpf olt, %max3A_1164, %min3A_1141 : vector<64x128xf32>
    %min3A_1167 = arith.minimumf %min3A_1141, %max3A_1164 : vector<64x128xf32>
    %select_n3A_1168 = arith.select %lt3A_1166, %select_n3A_1165, %select_n3A_1142 : vector<64x128xi1>, vector<64x128xi32>
    %max3A_1169 = arith.maximumf %min3A_1141, %max3A_1164 : vector<64x128xf32>
    %select_n3A_1170 = arith.select %lt3A_1166, %select_n3A_1142, %select_n3A_1165 : vector<64x128xi1>, vector<64x128xi32>
    %lt3A_1171 = arith.cmpf olt, %max3A_1169, %min3A_1146 : vector<64x128xf32>
    %min3A_1172 = arith.minimumf %min3A_1146, %max3A_1169 : vector<64x128xf32>
    %select_n3A_1173 = arith.select %lt3A_1171, %select_n3A_1170, %select_n3A_1147 : vector<64x128xi1>, vector<64x128xi32>
    %slice3A_1174 = vector.extract_strided_slice %add3A_14 {offsets = [2816, 0], sizes = [64, 128], strides = [1, 1]} : vector<4096x128xf32> to vector<64x128xf32>
    %broadcast_in_dim3A_1175 = arith.constant 44 : i32
    %broadcast_in_dim3A_1176 = vector.broadcast %broadcast_in_dim3A_1175 : i32 to vector<64x128xi32>
    %lt3A_1177 = arith.cmpf olt, %slice3A_1174, %min3A_1152 : vector<64x128xf32>
    %min3A_1178 = arith.minimumf %min3A_1152, %slice3A_1174 : vector<64x128xf32>
    %select_n3A_1179 = arith.select %lt3A_1177, %broadcast_in_dim3A_1176, %select_n3A_1153 : vector<64x128xi1>, vector<64x128xi32>
    %max3A_1180 = arith.maximumf %min3A_1152, %slice3A_1174 : vector<64x128xf32>
    %select_n3A_1181 = arith.select %lt3A_1177, %select_n3A_1153, %broadcast_in_dim3A_1176 : vector<64x128xi1>, vector<64x128xi32>
    %lt3A_1182 = arith.cmpf olt, %max3A_1180, %min3A_1157 : vector<64x128xf32>
    %min3A_1183 = arith.minimumf %min3A_1157, %max3A_1180 : vector<64x128xf32>
    %select_n3A_1184 = arith.select %lt3A_1182, %select_n3A_1181, %select_n3A_1158 : vector<64x128xi1>, vector<64x128xi32>
    %max3A_1185 = arith.maximumf %min3A_1157, %max3A_1180 : vector<64x128xf32>
    %select_n3A_1186 = arith.select %lt3A_1182, %select_n3A_1158, %select_n3A_1181 : vector<64x128xi1>, vector<64x128xi32>
    %lt3A_1187 = arith.cmpf olt, %max3A_1185, %min3A_1162 : vector<64x128xf32>
    %min3A_1188 = arith.minimumf %min3A_1162, %max3A_1185 : vector<64x128xf32>
    %select_n3A_1189 = arith.select %lt3A_1187, %select_n3A_1186, %select_n3A_1163 : vector<64x128xi1>, vector<64x128xi32>
    %max3A_1190 = arith.maximumf %min3A_1162, %max3A_1185 : vector<64x128xf32>
    %select_n3A_1191 = arith.select %lt3A_1187, %select_n3A_1163, %select_n3A_1186 : vector<64x128xi1>, vector<64x128xi32>
    %lt3A_1192 = arith.cmpf olt, %max3A_1190, %min3A_1167 : vector<64x128xf32>
    %min3A_1193 = arith.minimumf %min3A_1167, %max3A_1190 : vector<64x128xf32>
    %select_n3A_1194 = arith.select %lt3A_1192, %select_n3A_1191, %select_n3A_1168 : vector<64x128xi1>, vector<64x128xi32>
    %max3A_1195 = arith.maximumf %min3A_1167, %max3A_1190 : vector<64x128xf32>
    %select_n3A_1196 = arith.select %lt3A_1192, %select_n3A_1168, %select_n3A_1191 : vector<64x128xi1>, vector<64x128xi32>
    %lt3A_1197 = arith.cmpf olt, %max3A_1195, %min3A_1172 : vector<64x128xf32>
    %min3A_1198 = arith.minimumf %min3A_1172, %max3A_1195 : vector<64x128xf32>
    %select_n3A_1199 = arith.select %lt3A_1197, %select_n3A_1196, %select_n3A_1173 : vector<64x128xi1>, vector<64x128xi32>
    %slice3A_1200 = vector.extract_strided_slice %add3A_14 {offsets = [2880, 0], sizes = [64, 128], strides = [1, 1]} : vector<4096x128xf32> to vector<64x128xf32>
    %broadcast_in_dim3A_1201 = arith.constant 45 : i32
    %broadcast_in_dim3A_1202 = vector.broadcast %broadcast_in_dim3A_1201 : i32 to vector<64x128xi32>
    %lt3A_1203 = arith.cmpf olt, %slice3A_1200, %min3A_1178 : vector<64x128xf32>
    %min3A_1204 = arith.minimumf %min3A_1178, %slice3A_1200 : vector<64x128xf32>
    %select_n3A_1205 = arith.select %lt3A_1203, %broadcast_in_dim3A_1202, %select_n3A_1179 : vector<64x128xi1>, vector<64x128xi32>
    %max3A_1206 = arith.maximumf %min3A_1178, %slice3A_1200 : vector<64x128xf32>
    %select_n3A_1207 = arith.select %lt3A_1203, %select_n3A_1179, %broadcast_in_dim3A_1202 : vector<64x128xi1>, vector<64x128xi32>
    %lt3A_1208 = arith.cmpf olt, %max3A_1206, %min3A_1183 : vector<64x128xf32>
    %min3A_1209 = arith.minimumf %min3A_1183, %max3A_1206 : vector<64x128xf32>
    %select_n3A_1210 = arith.select %lt3A_1208, %select_n3A_1207, %select_n3A_1184 : vector<64x128xi1>, vector<64x128xi32>
    %max3A_1211 = arith.maximumf %min3A_1183, %max3A_1206 : vector<64x128xf32>
    %select_n3A_1212 = arith.select %lt3A_1208, %select_n3A_1184, %select_n3A_1207 : vector<64x128xi1>, vector<64x128xi32>
    %lt3A_1213 = arith.cmpf olt, %max3A_1211, %min3A_1188 : vector<64x128xf32>
    %min3A_1214 = arith.minimumf %min3A_1188, %max3A_1211 : vector<64x128xf32>
    %select_n3A_1215 = arith.select %lt3A_1213, %select_n3A_1212, %select_n3A_1189 : vector<64x128xi1>, vector<64x128xi32>
    %max3A_1216 = arith.maximumf %min3A_1188, %max3A_1211 : vector<64x128xf32>
    %select_n3A_1217 = arith.select %lt3A_1213, %select_n3A_1189, %select_n3A_1212 : vector<64x128xi1>, vector<64x128xi32>
    %lt3A_1218 = arith.cmpf olt, %max3A_1216, %min3A_1193 : vector<64x128xf32>
    %min3A_1219 = arith.minimumf %min3A_1193, %max3A_1216 : vector<64x128xf32>
    %select_n3A_1220 = arith.select %lt3A_1218, %select_n3A_1217, %select_n3A_1194 : vector<64x128xi1>, vector<64x128xi32>
    %max3A_1221 = arith.maximumf %min3A_1193, %max3A_1216 : vector<64x128xf32>
    %select_n3A_1222 = arith.select %lt3A_1218, %select_n3A_1194, %select_n3A_1217 : vector<64x128xi1>, vector<64x128xi32>
    %lt3A_1223 = arith.cmpf olt, %max3A_1221, %min3A_1198 : vector<64x128xf32>
    %min3A_1224 = arith.minimumf %min3A_1198, %max3A_1221 : vector<64x128xf32>
    %select_n3A_1225 = arith.select %lt3A_1223, %select_n3A_1222, %select_n3A_1199 : vector<64x128xi1>, vector<64x128xi32>
    %slice3A_1226 = vector.extract_strided_slice %add3A_14 {offsets = [2944, 0], sizes = [64, 128], strides = [1, 1]} : vector<4096x128xf32> to vector<64x128xf32>
    %broadcast_in_dim3A_1227 = arith.constant 46 : i32
    %broadcast_in_dim3A_1228 = vector.broadcast %broadcast_in_dim3A_1227 : i32 to vector<64x128xi32>
    %lt3A_1229 = arith.cmpf olt, %slice3A_1226, %min3A_1204 : vector<64x128xf32>
    %min3A_1230 = arith.minimumf %min3A_1204, %slice3A_1226 : vector<64x128xf32>
    %select_n3A_1231 = arith.select %lt3A_1229, %broadcast_in_dim3A_1228, %select_n3A_1205 : vector<64x128xi1>, vector<64x128xi32>
    %max3A_1232 = arith.maximumf %min3A_1204, %slice3A_1226 : vector<64x128xf32>
    %select_n3A_1233 = arith.select %lt3A_1229, %select_n3A_1205, %broadcast_in_dim3A_1228 : vector<64x128xi1>, vector<64x128xi32>
    %lt3A_1234 = arith.cmpf olt, %max3A_1232, %min3A_1209 : vector<64x128xf32>
    %min3A_1235 = arith.minimumf %min3A_1209, %max3A_1232 : vector<64x128xf32>
    %select_n3A_1236 = arith.select %lt3A_1234, %select_n3A_1233, %select_n3A_1210 : vector<64x128xi1>, vector<64x128xi32>
    %max3A_1237 = arith.maximumf %min3A_1209, %max3A_1232 : vector<64x128xf32>
    %select_n3A_1238 = arith.select %lt3A_1234, %select_n3A_1210, %select_n3A_1233 : vector<64x128xi1>, vector<64x128xi32>
    %lt3A_1239 = arith.cmpf olt, %max3A_1237, %min3A_1214 : vector<64x128xf32>
    %min3A_1240 = arith.minimumf %min3A_1214, %max3A_1237 : vector<64x128xf32>
    %select_n3A_1241 = arith.select %lt3A_1239, %select_n3A_1238, %select_n3A_1215 : vector<64x128xi1>, vector<64x128xi32>
    %max3A_1242 = arith.maximumf %min3A_1214, %max3A_1237 : vector<64x128xf32>
    %select_n3A_1243 = arith.select %lt3A_1239, %select_n3A_1215, %select_n3A_1238 : vector<64x128xi1>, vector<64x128xi32>
    %lt3A_1244 = arith.cmpf olt, %max3A_1242, %min3A_1219 : vector<64x128xf32>
    %min3A_1245 = arith.minimumf %min3A_1219, %max3A_1242 : vector<64x128xf32>
    %select_n3A_1246 = arith.select %lt3A_1244, %select_n3A_1243, %select_n3A_1220 : vector<64x128xi1>, vector<64x128xi32>
    %max3A_1247 = arith.maximumf %min3A_1219, %max3A_1242 : vector<64x128xf32>
    %select_n3A_1248 = arith.select %lt3A_1244, %select_n3A_1220, %select_n3A_1243 : vector<64x128xi1>, vector<64x128xi32>
    %lt3A_1249 = arith.cmpf olt, %max3A_1247, %min3A_1224 : vector<64x128xf32>
    %min3A_1250 = arith.minimumf %min3A_1224, %max3A_1247 : vector<64x128xf32>
    %select_n3A_1251 = arith.select %lt3A_1249, %select_n3A_1248, %select_n3A_1225 : vector<64x128xi1>, vector<64x128xi32>
    %slice3A_1252 = vector.extract_strided_slice %add3A_14 {offsets = [3008, 0], sizes = [64, 128], strides = [1, 1]} : vector<4096x128xf32> to vector<64x128xf32>
    %broadcast_in_dim3A_1253 = arith.constant 47 : i32
    %broadcast_in_dim3A_1254 = vector.broadcast %broadcast_in_dim3A_1253 : i32 to vector<64x128xi32>
    %lt3A_1255 = arith.cmpf olt, %slice3A_1252, %min3A_1230 : vector<64x128xf32>
    %min3A_1256 = arith.minimumf %min3A_1230, %slice3A_1252 : vector<64x128xf32>
    %select_n3A_1257 = arith.select %lt3A_1255, %broadcast_in_dim3A_1254, %select_n3A_1231 : vector<64x128xi1>, vector<64x128xi32>
    %max3A_1258 = arith.maximumf %min3A_1230, %slice3A_1252 : vector<64x128xf32>
    %select_n3A_1259 = arith.select %lt3A_1255, %select_n3A_1231, %broadcast_in_dim3A_1254 : vector<64x128xi1>, vector<64x128xi32>
    %lt3A_1260 = arith.cmpf olt, %max3A_1258, %min3A_1235 : vector<64x128xf32>
    %min3A_1261 = arith.minimumf %min3A_1235, %max3A_1258 : vector<64x128xf32>
    %select_n3A_1262 = arith.select %lt3A_1260, %select_n3A_1259, %select_n3A_1236 : vector<64x128xi1>, vector<64x128xi32>
    %max3A_1263 = arith.maximumf %min3A_1235, %max3A_1258 : vector<64x128xf32>
    %select_n3A_1264 = arith.select %lt3A_1260, %select_n3A_1236, %select_n3A_1259 : vector<64x128xi1>, vector<64x128xi32>
    %lt3A_1265 = arith.cmpf olt, %max3A_1263, %min3A_1240 : vector<64x128xf32>
    %min3A_1266 = arith.minimumf %min3A_1240, %max3A_1263 : vector<64x128xf32>
    %select_n3A_1267 = arith.select %lt3A_1265, %select_n3A_1264, %select_n3A_1241 : vector<64x128xi1>, vector<64x128xi32>
    %max3A_1268 = arith.maximumf %min3A_1240, %max3A_1263 : vector<64x128xf32>
    %select_n3A_1269 = arith.select %lt3A_1265, %select_n3A_1241, %select_n3A_1264 : vector<64x128xi1>, vector<64x128xi32>
    %lt3A_1270 = arith.cmpf olt, %max3A_1268, %min3A_1245 : vector<64x128xf32>
    %min3A_1271 = arith.minimumf %min3A_1245, %max3A_1268 : vector<64x128xf32>
    %select_n3A_1272 = arith.select %lt3A_1270, %select_n3A_1269, %select_n3A_1246 : vector<64x128xi1>, vector<64x128xi32>
    %max3A_1273 = arith.maximumf %min3A_1245, %max3A_1268 : vector<64x128xf32>
    %select_n3A_1274 = arith.select %lt3A_1270, %select_n3A_1246, %select_n3A_1269 : vector<64x128xi1>, vector<64x128xi32>
    %lt3A_1275 = arith.cmpf olt, %max3A_1273, %min3A_1250 : vector<64x128xf32>
    %min3A_1276 = arith.minimumf %min3A_1250, %max3A_1273 : vector<64x128xf32>
    %select_n3A_1277 = arith.select %lt3A_1275, %select_n3A_1274, %select_n3A_1251 : vector<64x128xi1>, vector<64x128xi32>
    %slice3A_1278 = vector.extract_strided_slice %add3A_14 {offsets = [3072, 0], sizes = [64, 128], strides = [1, 1]} : vector<4096x128xf32> to vector<64x128xf32>
    %broadcast_in_dim3A_1279 = arith.constant 48 : i32
    %broadcast_in_dim3A_1280 = vector.broadcast %broadcast_in_dim3A_1279 : i32 to vector<64x128xi32>
    %lt3A_1281 = arith.cmpf olt, %slice3A_1278, %min3A_1256 : vector<64x128xf32>
    %min3A_1282 = arith.minimumf %min3A_1256, %slice3A_1278 : vector<64x128xf32>
    %select_n3A_1283 = arith.select %lt3A_1281, %broadcast_in_dim3A_1280, %select_n3A_1257 : vector<64x128xi1>, vector<64x128xi32>
    %max3A_1284 = arith.maximumf %min3A_1256, %slice3A_1278 : vector<64x128xf32>
    %select_n3A_1285 = arith.select %lt3A_1281, %select_n3A_1257, %broadcast_in_dim3A_1280 : vector<64x128xi1>, vector<64x128xi32>
    %lt3A_1286 = arith.cmpf olt, %max3A_1284, %min3A_1261 : vector<64x128xf32>
    %min3A_1287 = arith.minimumf %min3A_1261, %max3A_1284 : vector<64x128xf32>
    %select_n3A_1288 = arith.select %lt3A_1286, %select_n3A_1285, %select_n3A_1262 : vector<64x128xi1>, vector<64x128xi32>
    %max3A_1289 = arith.maximumf %min3A_1261, %max3A_1284 : vector<64x128xf32>
    %select_n3A_1290 = arith.select %lt3A_1286, %select_n3A_1262, %select_n3A_1285 : vector<64x128xi1>, vector<64x128xi32>
    %lt3A_1291 = arith.cmpf olt, %max3A_1289, %min3A_1266 : vector<64x128xf32>
    %min3A_1292 = arith.minimumf %min3A_1266, %max3A_1289 : vector<64x128xf32>
    %select_n3A_1293 = arith.select %lt3A_1291, %select_n3A_1290, %select_n3A_1267 : vector<64x128xi1>, vector<64x128xi32>
    %max3A_1294 = arith.maximumf %min3A_1266, %max3A_1289 : vector<64x128xf32>
    %select_n3A_1295 = arith.select %lt3A_1291, %select_n3A_1267, %select_n3A_1290 : vector<64x128xi1>, vector<64x128xi32>
    %lt3A_1296 = arith.cmpf olt, %max3A_1294, %min3A_1271 : vector<64x128xf32>
    %min3A_1297 = arith.minimumf %min3A_1271, %max3A_1294 : vector<64x128xf32>
    %select_n3A_1298 = arith.select %lt3A_1296, %select_n3A_1295, %select_n3A_1272 : vector<64x128xi1>, vector<64x128xi32>
    %max3A_1299 = arith.maximumf %min3A_1271, %max3A_1294 : vector<64x128xf32>
    %select_n3A_1300 = arith.select %lt3A_1296, %select_n3A_1272, %select_n3A_1295 : vector<64x128xi1>, vector<64x128xi32>
    %lt3A_1301 = arith.cmpf olt, %max3A_1299, %min3A_1276 : vector<64x128xf32>
    %min3A_1302 = arith.minimumf %min3A_1276, %max3A_1299 : vector<64x128xf32>
    %select_n3A_1303 = arith.select %lt3A_1301, %select_n3A_1300, %select_n3A_1277 : vector<64x128xi1>, vector<64x128xi32>
    %slice3A_1304 = vector.extract_strided_slice %add3A_14 {offsets = [3136, 0], sizes = [64, 128], strides = [1, 1]} : vector<4096x128xf32> to vector<64x128xf32>
    %broadcast_in_dim3A_1305 = arith.constant 49 : i32
    %broadcast_in_dim3A_1306 = vector.broadcast %broadcast_in_dim3A_1305 : i32 to vector<64x128xi32>
    %lt3A_1307 = arith.cmpf olt, %slice3A_1304, %min3A_1282 : vector<64x128xf32>
    %min3A_1308 = arith.minimumf %min3A_1282, %slice3A_1304 : vector<64x128xf32>
    %select_n3A_1309 = arith.select %lt3A_1307, %broadcast_in_dim3A_1306, %select_n3A_1283 : vector<64x128xi1>, vector<64x128xi32>
    %max3A_1310 = arith.maximumf %min3A_1282, %slice3A_1304 : vector<64x128xf32>
    %select_n3A_1311 = arith.select %lt3A_1307, %select_n3A_1283, %broadcast_in_dim3A_1306 : vector<64x128xi1>, vector<64x128xi32>
    %lt3A_1312 = arith.cmpf olt, %max3A_1310, %min3A_1287 : vector<64x128xf32>
    %min3A_1313 = arith.minimumf %min3A_1287, %max3A_1310 : vector<64x128xf32>
    %select_n3A_1314 = arith.select %lt3A_1312, %select_n3A_1311, %select_n3A_1288 : vector<64x128xi1>, vector<64x128xi32>
    %max3A_1315 = arith.maximumf %min3A_1287, %max3A_1310 : vector<64x128xf32>
    %select_n3A_1316 = arith.select %lt3A_1312, %select_n3A_1288, %select_n3A_1311 : vector<64x128xi1>, vector<64x128xi32>
    %lt3A_1317 = arith.cmpf olt, %max3A_1315, %min3A_1292 : vector<64x128xf32>
    %min3A_1318 = arith.minimumf %min3A_1292, %max3A_1315 : vector<64x128xf32>
    %select_n3A_1319 = arith.select %lt3A_1317, %select_n3A_1316, %select_n3A_1293 : vector<64x128xi1>, vector<64x128xi32>
    %max3A_1320 = arith.maximumf %min3A_1292, %max3A_1315 : vector<64x128xf32>
    %select_n3A_1321 = arith.select %lt3A_1317, %select_n3A_1293, %select_n3A_1316 : vector<64x128xi1>, vector<64x128xi32>
    %lt3A_1322 = arith.cmpf olt, %max3A_1320, %min3A_1297 : vector<64x128xf32>
    %min3A_1323 = arith.minimumf %min3A_1297, %max3A_1320 : vector<64x128xf32>
    %select_n3A_1324 = arith.select %lt3A_1322, %select_n3A_1321, %select_n3A_1298 : vector<64x128xi1>, vector<64x128xi32>
    %max3A_1325 = arith.maximumf %min3A_1297, %max3A_1320 : vector<64x128xf32>
    %select_n3A_1326 = arith.select %lt3A_1322, %select_n3A_1298, %select_n3A_1321 : vector<64x128xi1>, vector<64x128xi32>
    %lt3A_1327 = arith.cmpf olt, %max3A_1325, %min3A_1302 : vector<64x128xf32>
    %min3A_1328 = arith.minimumf %min3A_1302, %max3A_1325 : vector<64x128xf32>
    %select_n3A_1329 = arith.select %lt3A_1327, %select_n3A_1326, %select_n3A_1303 : vector<64x128xi1>, vector<64x128xi32>
    %slice3A_1330 = vector.extract_strided_slice %add3A_14 {offsets = [3200, 0], sizes = [64, 128], strides = [1, 1]} : vector<4096x128xf32> to vector<64x128xf32>
    %broadcast_in_dim3A_1331 = arith.constant 50 : i32
    %broadcast_in_dim3A_1332 = vector.broadcast %broadcast_in_dim3A_1331 : i32 to vector<64x128xi32>
    %lt3A_1333 = arith.cmpf olt, %slice3A_1330, %min3A_1308 : vector<64x128xf32>
    %min3A_1334 = arith.minimumf %min3A_1308, %slice3A_1330 : vector<64x128xf32>
    %select_n3A_1335 = arith.select %lt3A_1333, %broadcast_in_dim3A_1332, %select_n3A_1309 : vector<64x128xi1>, vector<64x128xi32>
    %max3A_1336 = arith.maximumf %min3A_1308, %slice3A_1330 : vector<64x128xf32>
    %select_n3A_1337 = arith.select %lt3A_1333, %select_n3A_1309, %broadcast_in_dim3A_1332 : vector<64x128xi1>, vector<64x128xi32>
    %lt3A_1338 = arith.cmpf olt, %max3A_1336, %min3A_1313 : vector<64x128xf32>
    %min3A_1339 = arith.minimumf %min3A_1313, %max3A_1336 : vector<64x128xf32>
    %select_n3A_1340 = arith.select %lt3A_1338, %select_n3A_1337, %select_n3A_1314 : vector<64x128xi1>, vector<64x128xi32>
    %max3A_1341 = arith.maximumf %min3A_1313, %max3A_1336 : vector<64x128xf32>
    %select_n3A_1342 = arith.select %lt3A_1338, %select_n3A_1314, %select_n3A_1337 : vector<64x128xi1>, vector<64x128xi32>
    %lt3A_1343 = arith.cmpf olt, %max3A_1341, %min3A_1318 : vector<64x128xf32>
    %min3A_1344 = arith.minimumf %min3A_1318, %max3A_1341 : vector<64x128xf32>
    %select_n3A_1345 = arith.select %lt3A_1343, %select_n3A_1342, %select_n3A_1319 : vector<64x128xi1>, vector<64x128xi32>
    %max3A_1346 = arith.maximumf %min3A_1318, %max3A_1341 : vector<64x128xf32>
    %select_n3A_1347 = arith.select %lt3A_1343, %select_n3A_1319, %select_n3A_1342 : vector<64x128xi1>, vector<64x128xi32>
    %lt3A_1348 = arith.cmpf olt, %max3A_1346, %min3A_1323 : vector<64x128xf32>
    %min3A_1349 = arith.minimumf %min3A_1323, %max3A_1346 : vector<64x128xf32>
    %select_n3A_1350 = arith.select %lt3A_1348, %select_n3A_1347, %select_n3A_1324 : vector<64x128xi1>, vector<64x128xi32>
    %max3A_1351 = arith.maximumf %min3A_1323, %max3A_1346 : vector<64x128xf32>
    %select_n3A_1352 = arith.select %lt3A_1348, %select_n3A_1324, %select_n3A_1347 : vector<64x128xi1>, vector<64x128xi32>
    %lt3A_1353 = arith.cmpf olt, %max3A_1351, %min3A_1328 : vector<64x128xf32>
    %min3A_1354 = arith.minimumf %min3A_1328, %max3A_1351 : vector<64x128xf32>
    %select_n3A_1355 = arith.select %lt3A_1353, %select_n3A_1352, %select_n3A_1329 : vector<64x128xi1>, vector<64x128xi32>
    %slice3A_1356 = vector.extract_strided_slice %add3A_14 {offsets = [3264, 0], sizes = [64, 128], strides = [1, 1]} : vector<4096x128xf32> to vector<64x128xf32>
    %broadcast_in_dim3A_1357 = arith.constant 51 : i32
    %broadcast_in_dim3A_1358 = vector.broadcast %broadcast_in_dim3A_1357 : i32 to vector<64x128xi32>
    %lt3A_1359 = arith.cmpf olt, %slice3A_1356, %min3A_1334 : vector<64x128xf32>
    %min3A_1360 = arith.minimumf %min3A_1334, %slice3A_1356 : vector<64x128xf32>
    %select_n3A_1361 = arith.select %lt3A_1359, %broadcast_in_dim3A_1358, %select_n3A_1335 : vector<64x128xi1>, vector<64x128xi32>
    %max3A_1362 = arith.maximumf %min3A_1334, %slice3A_1356 : vector<64x128xf32>
    %select_n3A_1363 = arith.select %lt3A_1359, %select_n3A_1335, %broadcast_in_dim3A_1358 : vector<64x128xi1>, vector<64x128xi32>
    %lt3A_1364 = arith.cmpf olt, %max3A_1362, %min3A_1339 : vector<64x128xf32>
    %min3A_1365 = arith.minimumf %min3A_1339, %max3A_1362 : vector<64x128xf32>
    %select_n3A_1366 = arith.select %lt3A_1364, %select_n3A_1363, %select_n3A_1340 : vector<64x128xi1>, vector<64x128xi32>
    %max3A_1367 = arith.maximumf %min3A_1339, %max3A_1362 : vector<64x128xf32>
    %select_n3A_1368 = arith.select %lt3A_1364, %select_n3A_1340, %select_n3A_1363 : vector<64x128xi1>, vector<64x128xi32>
    %lt3A_1369 = arith.cmpf olt, %max3A_1367, %min3A_1344 : vector<64x128xf32>
    %min3A_1370 = arith.minimumf %min3A_1344, %max3A_1367 : vector<64x128xf32>
    %select_n3A_1371 = arith.select %lt3A_1369, %select_n3A_1368, %select_n3A_1345 : vector<64x128xi1>, vector<64x128xi32>
    %max3A_1372 = arith.maximumf %min3A_1344, %max3A_1367 : vector<64x128xf32>
    %select_n3A_1373 = arith.select %lt3A_1369, %select_n3A_1345, %select_n3A_1368 : vector<64x128xi1>, vector<64x128xi32>
    %lt3A_1374 = arith.cmpf olt, %max3A_1372, %min3A_1349 : vector<64x128xf32>
    %min3A_1375 = arith.minimumf %min3A_1349, %max3A_1372 : vector<64x128xf32>
    %select_n3A_1376 = arith.select %lt3A_1374, %select_n3A_1373, %select_n3A_1350 : vector<64x128xi1>, vector<64x128xi32>
    %max3A_1377 = arith.maximumf %min3A_1349, %max3A_1372 : vector<64x128xf32>
    %select_n3A_1378 = arith.select %lt3A_1374, %select_n3A_1350, %select_n3A_1373 : vector<64x128xi1>, vector<64x128xi32>
    %lt3A_1379 = arith.cmpf olt, %max3A_1377, %min3A_1354 : vector<64x128xf32>
    %min3A_1380 = arith.minimumf %min3A_1354, %max3A_1377 : vector<64x128xf32>
    %select_n3A_1381 = arith.select %lt3A_1379, %select_n3A_1378, %select_n3A_1355 : vector<64x128xi1>, vector<64x128xi32>
    %slice3A_1382 = vector.extract_strided_slice %add3A_14 {offsets = [3328, 0], sizes = [64, 128], strides = [1, 1]} : vector<4096x128xf32> to vector<64x128xf32>
    %broadcast_in_dim3A_1383 = arith.constant 52 : i32
    %broadcast_in_dim3A_1384 = vector.broadcast %broadcast_in_dim3A_1383 : i32 to vector<64x128xi32>
    %lt3A_1385 = arith.cmpf olt, %slice3A_1382, %min3A_1360 : vector<64x128xf32>
    %min3A_1386 = arith.minimumf %min3A_1360, %slice3A_1382 : vector<64x128xf32>
    %select_n3A_1387 = arith.select %lt3A_1385, %broadcast_in_dim3A_1384, %select_n3A_1361 : vector<64x128xi1>, vector<64x128xi32>
    %max3A_1388 = arith.maximumf %min3A_1360, %slice3A_1382 : vector<64x128xf32>
    %select_n3A_1389 = arith.select %lt3A_1385, %select_n3A_1361, %broadcast_in_dim3A_1384 : vector<64x128xi1>, vector<64x128xi32>
    %lt3A_1390 = arith.cmpf olt, %max3A_1388, %min3A_1365 : vector<64x128xf32>
    %min3A_1391 = arith.minimumf %min3A_1365, %max3A_1388 : vector<64x128xf32>
    %select_n3A_1392 = arith.select %lt3A_1390, %select_n3A_1389, %select_n3A_1366 : vector<64x128xi1>, vector<64x128xi32>
    %max3A_1393 = arith.maximumf %min3A_1365, %max3A_1388 : vector<64x128xf32>
    %select_n3A_1394 = arith.select %lt3A_1390, %select_n3A_1366, %select_n3A_1389 : vector<64x128xi1>, vector<64x128xi32>
    %lt3A_1395 = arith.cmpf olt, %max3A_1393, %min3A_1370 : vector<64x128xf32>
    %min3A_1396 = arith.minimumf %min3A_1370, %max3A_1393 : vector<64x128xf32>
    %select_n3A_1397 = arith.select %lt3A_1395, %select_n3A_1394, %select_n3A_1371 : vector<64x128xi1>, vector<64x128xi32>
    %max3A_1398 = arith.maximumf %min3A_1370, %max3A_1393 : vector<64x128xf32>
    %select_n3A_1399 = arith.select %lt3A_1395, %select_n3A_1371, %select_n3A_1394 : vector<64x128xi1>, vector<64x128xi32>
    %lt3A_1400 = arith.cmpf olt, %max3A_1398, %min3A_1375 : vector<64x128xf32>
    %min3A_1401 = arith.minimumf %min3A_1375, %max3A_1398 : vector<64x128xf32>
    %select_n3A_1402 = arith.select %lt3A_1400, %select_n3A_1399, %select_n3A_1376 : vector<64x128xi1>, vector<64x128xi32>
    %max3A_1403 = arith.maximumf %min3A_1375, %max3A_1398 : vector<64x128xf32>
    %select_n3A_1404 = arith.select %lt3A_1400, %select_n3A_1376, %select_n3A_1399 : vector<64x128xi1>, vector<64x128xi32>
    %lt3A_1405 = arith.cmpf olt, %max3A_1403, %min3A_1380 : vector<64x128xf32>
    %min3A_1406 = arith.minimumf %min3A_1380, %max3A_1403 : vector<64x128xf32>
    %select_n3A_1407 = arith.select %lt3A_1405, %select_n3A_1404, %select_n3A_1381 : vector<64x128xi1>, vector<64x128xi32>
    %slice3A_1408 = vector.extract_strided_slice %add3A_14 {offsets = [3392, 0], sizes = [64, 128], strides = [1, 1]} : vector<4096x128xf32> to vector<64x128xf32>
    %broadcast_in_dim3A_1409 = arith.constant 53 : i32
    %broadcast_in_dim3A_1410 = vector.broadcast %broadcast_in_dim3A_1409 : i32 to vector<64x128xi32>
    %lt3A_1411 = arith.cmpf olt, %slice3A_1408, %min3A_1386 : vector<64x128xf32>
    %min3A_1412 = arith.minimumf %min3A_1386, %slice3A_1408 : vector<64x128xf32>
    %select_n3A_1413 = arith.select %lt3A_1411, %broadcast_in_dim3A_1410, %select_n3A_1387 : vector<64x128xi1>, vector<64x128xi32>
    %max3A_1414 = arith.maximumf %min3A_1386, %slice3A_1408 : vector<64x128xf32>
    %select_n3A_1415 = arith.select %lt3A_1411, %select_n3A_1387, %broadcast_in_dim3A_1410 : vector<64x128xi1>, vector<64x128xi32>
    %lt3A_1416 = arith.cmpf olt, %max3A_1414, %min3A_1391 : vector<64x128xf32>
    %min3A_1417 = arith.minimumf %min3A_1391, %max3A_1414 : vector<64x128xf32>
    %select_n3A_1418 = arith.select %lt3A_1416, %select_n3A_1415, %select_n3A_1392 : vector<64x128xi1>, vector<64x128xi32>
    %max3A_1419 = arith.maximumf %min3A_1391, %max3A_1414 : vector<64x128xf32>
    %select_n3A_1420 = arith.select %lt3A_1416, %select_n3A_1392, %select_n3A_1415 : vector<64x128xi1>, vector<64x128xi32>
    %lt3A_1421 = arith.cmpf olt, %max3A_1419, %min3A_1396 : vector<64x128xf32>
    %min3A_1422 = arith.minimumf %min3A_1396, %max3A_1419 : vector<64x128xf32>
    %select_n3A_1423 = arith.select %lt3A_1421, %select_n3A_1420, %select_n3A_1397 : vector<64x128xi1>, vector<64x128xi32>
    %max3A_1424 = arith.maximumf %min3A_1396, %max3A_1419 : vector<64x128xf32>
    %select_n3A_1425 = arith.select %lt3A_1421, %select_n3A_1397, %select_n3A_1420 : vector<64x128xi1>, vector<64x128xi32>
    %lt3A_1426 = arith.cmpf olt, %max3A_1424, %min3A_1401 : vector<64x128xf32>
    %min3A_1427 = arith.minimumf %min3A_1401, %max3A_1424 : vector<64x128xf32>
    %select_n3A_1428 = arith.select %lt3A_1426, %select_n3A_1425, %select_n3A_1402 : vector<64x128xi1>, vector<64x128xi32>
    %max3A_1429 = arith.maximumf %min3A_1401, %max3A_1424 : vector<64x128xf32>
    %select_n3A_1430 = arith.select %lt3A_1426, %select_n3A_1402, %select_n3A_1425 : vector<64x128xi1>, vector<64x128xi32>
    %lt3A_1431 = arith.cmpf olt, %max3A_1429, %min3A_1406 : vector<64x128xf32>
    %min3A_1432 = arith.minimumf %min3A_1406, %max3A_1429 : vector<64x128xf32>
    %select_n3A_1433 = arith.select %lt3A_1431, %select_n3A_1430, %select_n3A_1407 : vector<64x128xi1>, vector<64x128xi32>
    %slice3A_1434 = vector.extract_strided_slice %add3A_14 {offsets = [3456, 0], sizes = [64, 128], strides = [1, 1]} : vector<4096x128xf32> to vector<64x128xf32>
    %broadcast_in_dim3A_1435 = arith.constant 54 : i32
    %broadcast_in_dim3A_1436 = vector.broadcast %broadcast_in_dim3A_1435 : i32 to vector<64x128xi32>
    %lt3A_1437 = arith.cmpf olt, %slice3A_1434, %min3A_1412 : vector<64x128xf32>
    %min3A_1438 = arith.minimumf %min3A_1412, %slice3A_1434 : vector<64x128xf32>
    %select_n3A_1439 = arith.select %lt3A_1437, %broadcast_in_dim3A_1436, %select_n3A_1413 : vector<64x128xi1>, vector<64x128xi32>
    %max3A_1440 = arith.maximumf %min3A_1412, %slice3A_1434 : vector<64x128xf32>
    %select_n3A_1441 = arith.select %lt3A_1437, %select_n3A_1413, %broadcast_in_dim3A_1436 : vector<64x128xi1>, vector<64x128xi32>
    %lt3A_1442 = arith.cmpf olt, %max3A_1440, %min3A_1417 : vector<64x128xf32>
    %min3A_1443 = arith.minimumf %min3A_1417, %max3A_1440 : vector<64x128xf32>
    %select_n3A_1444 = arith.select %lt3A_1442, %select_n3A_1441, %select_n3A_1418 : vector<64x128xi1>, vector<64x128xi32>
    %max3A_1445 = arith.maximumf %min3A_1417, %max3A_1440 : vector<64x128xf32>
    %select_n3A_1446 = arith.select %lt3A_1442, %select_n3A_1418, %select_n3A_1441 : vector<64x128xi1>, vector<64x128xi32>
    %lt3A_1447 = arith.cmpf olt, %max3A_1445, %min3A_1422 : vector<64x128xf32>
    %min3A_1448 = arith.minimumf %min3A_1422, %max3A_1445 : vector<64x128xf32>
    %select_n3A_1449 = arith.select %lt3A_1447, %select_n3A_1446, %select_n3A_1423 : vector<64x128xi1>, vector<64x128xi32>
    %max3A_1450 = arith.maximumf %min3A_1422, %max3A_1445 : vector<64x128xf32>
    %select_n3A_1451 = arith.select %lt3A_1447, %select_n3A_1423, %select_n3A_1446 : vector<64x128xi1>, vector<64x128xi32>
    %lt3A_1452 = arith.cmpf olt, %max3A_1450, %min3A_1427 : vector<64x128xf32>
    %min3A_1453 = arith.minimumf %min3A_1427, %max3A_1450 : vector<64x128xf32>
    %select_n3A_1454 = arith.select %lt3A_1452, %select_n3A_1451, %select_n3A_1428 : vector<64x128xi1>, vector<64x128xi32>
    %max3A_1455 = arith.maximumf %min3A_1427, %max3A_1450 : vector<64x128xf32>
    %select_n3A_1456 = arith.select %lt3A_1452, %select_n3A_1428, %select_n3A_1451 : vector<64x128xi1>, vector<64x128xi32>
    %lt3A_1457 = arith.cmpf olt, %max3A_1455, %min3A_1432 : vector<64x128xf32>
    %min3A_1458 = arith.minimumf %min3A_1432, %max3A_1455 : vector<64x128xf32>
    %select_n3A_1459 = arith.select %lt3A_1457, %select_n3A_1456, %select_n3A_1433 : vector<64x128xi1>, vector<64x128xi32>
    %slice3A_1460 = vector.extract_strided_slice %add3A_14 {offsets = [3520, 0], sizes = [64, 128], strides = [1, 1]} : vector<4096x128xf32> to vector<64x128xf32>
    %broadcast_in_dim3A_1461 = arith.constant 55 : i32
    %broadcast_in_dim3A_1462 = vector.broadcast %broadcast_in_dim3A_1461 : i32 to vector<64x128xi32>
    %lt3A_1463 = arith.cmpf olt, %slice3A_1460, %min3A_1438 : vector<64x128xf32>
    %min3A_1464 = arith.minimumf %min3A_1438, %slice3A_1460 : vector<64x128xf32>
    %select_n3A_1465 = arith.select %lt3A_1463, %broadcast_in_dim3A_1462, %select_n3A_1439 : vector<64x128xi1>, vector<64x128xi32>
    %max3A_1466 = arith.maximumf %min3A_1438, %slice3A_1460 : vector<64x128xf32>
    %select_n3A_1467 = arith.select %lt3A_1463, %select_n3A_1439, %broadcast_in_dim3A_1462 : vector<64x128xi1>, vector<64x128xi32>
    %lt3A_1468 = arith.cmpf olt, %max3A_1466, %min3A_1443 : vector<64x128xf32>
    %min3A_1469 = arith.minimumf %min3A_1443, %max3A_1466 : vector<64x128xf32>
    %select_n3A_1470 = arith.select %lt3A_1468, %select_n3A_1467, %select_n3A_1444 : vector<64x128xi1>, vector<64x128xi32>
    %max3A_1471 = arith.maximumf %min3A_1443, %max3A_1466 : vector<64x128xf32>
    %select_n3A_1472 = arith.select %lt3A_1468, %select_n3A_1444, %select_n3A_1467 : vector<64x128xi1>, vector<64x128xi32>
    %lt3A_1473 = arith.cmpf olt, %max3A_1471, %min3A_1448 : vector<64x128xf32>
    %min3A_1474 = arith.minimumf %min3A_1448, %max3A_1471 : vector<64x128xf32>
    %select_n3A_1475 = arith.select %lt3A_1473, %select_n3A_1472, %select_n3A_1449 : vector<64x128xi1>, vector<64x128xi32>
    %max3A_1476 = arith.maximumf %min3A_1448, %max3A_1471 : vector<64x128xf32>
    %select_n3A_1477 = arith.select %lt3A_1473, %select_n3A_1449, %select_n3A_1472 : vector<64x128xi1>, vector<64x128xi32>
    %lt3A_1478 = arith.cmpf olt, %max3A_1476, %min3A_1453 : vector<64x128xf32>
    %min3A_1479 = arith.minimumf %min3A_1453, %max3A_1476 : vector<64x128xf32>
    %select_n3A_1480 = arith.select %lt3A_1478, %select_n3A_1477, %select_n3A_1454 : vector<64x128xi1>, vector<64x128xi32>
    %max3A_1481 = arith.maximumf %min3A_1453, %max3A_1476 : vector<64x128xf32>
    %select_n3A_1482 = arith.select %lt3A_1478, %select_n3A_1454, %select_n3A_1477 : vector<64x128xi1>, vector<64x128xi32>
    %lt3A_1483 = arith.cmpf olt, %max3A_1481, %min3A_1458 : vector<64x128xf32>
    %min3A_1484 = arith.minimumf %min3A_1458, %max3A_1481 : vector<64x128xf32>
    %select_n3A_1485 = arith.select %lt3A_1483, %select_n3A_1482, %select_n3A_1459 : vector<64x128xi1>, vector<64x128xi32>
    %slice3A_1486 = vector.extract_strided_slice %add3A_14 {offsets = [3584, 0], sizes = [64, 128], strides = [1, 1]} : vector<4096x128xf32> to vector<64x128xf32>
    %broadcast_in_dim3A_1487 = arith.constant 56 : i32
    %broadcast_in_dim3A_1488 = vector.broadcast %broadcast_in_dim3A_1487 : i32 to vector<64x128xi32>
    %lt3A_1489 = arith.cmpf olt, %slice3A_1486, %min3A_1464 : vector<64x128xf32>
    %min3A_1490 = arith.minimumf %min3A_1464, %slice3A_1486 : vector<64x128xf32>
    %select_n3A_1491 = arith.select %lt3A_1489, %broadcast_in_dim3A_1488, %select_n3A_1465 : vector<64x128xi1>, vector<64x128xi32>
    %max3A_1492 = arith.maximumf %min3A_1464, %slice3A_1486 : vector<64x128xf32>
    %select_n3A_1493 = arith.select %lt3A_1489, %select_n3A_1465, %broadcast_in_dim3A_1488 : vector<64x128xi1>, vector<64x128xi32>
    %lt3A_1494 = arith.cmpf olt, %max3A_1492, %min3A_1469 : vector<64x128xf32>
    %min3A_1495 = arith.minimumf %min3A_1469, %max3A_1492 : vector<64x128xf32>
    %select_n3A_1496 = arith.select %lt3A_1494, %select_n3A_1493, %select_n3A_1470 : vector<64x128xi1>, vector<64x128xi32>
    %max3A_1497 = arith.maximumf %min3A_1469, %max3A_1492 : vector<64x128xf32>
    %select_n3A_1498 = arith.select %lt3A_1494, %select_n3A_1470, %select_n3A_1493 : vector<64x128xi1>, vector<64x128xi32>
    %lt3A_1499 = arith.cmpf olt, %max3A_1497, %min3A_1474 : vector<64x128xf32>
    %min3A_1500 = arith.minimumf %min3A_1474, %max3A_1497 : vector<64x128xf32>
    %select_n3A_1501 = arith.select %lt3A_1499, %select_n3A_1498, %select_n3A_1475 : vector<64x128xi1>, vector<64x128xi32>
    %max3A_1502 = arith.maximumf %min3A_1474, %max3A_1497 : vector<64x128xf32>
    %select_n3A_1503 = arith.select %lt3A_1499, %select_n3A_1475, %select_n3A_1498 : vector<64x128xi1>, vector<64x128xi32>
    %lt3A_1504 = arith.cmpf olt, %max3A_1502, %min3A_1479 : vector<64x128xf32>
    %min3A_1505 = arith.minimumf %min3A_1479, %max3A_1502 : vector<64x128xf32>
    %select_n3A_1506 = arith.select %lt3A_1504, %select_n3A_1503, %select_n3A_1480 : vector<64x128xi1>, vector<64x128xi32>
    %max3A_1507 = arith.maximumf %min3A_1479, %max3A_1502 : vector<64x128xf32>
    %select_n3A_1508 = arith.select %lt3A_1504, %select_n3A_1480, %select_n3A_1503 : vector<64x128xi1>, vector<64x128xi32>
    %lt3A_1509 = arith.cmpf olt, %max3A_1507, %min3A_1484 : vector<64x128xf32>
    %min3A_1510 = arith.minimumf %min3A_1484, %max3A_1507 : vector<64x128xf32>
    %select_n3A_1511 = arith.select %lt3A_1509, %select_n3A_1508, %select_n3A_1485 : vector<64x128xi1>, vector<64x128xi32>
    %slice3A_1512 = vector.extract_strided_slice %add3A_14 {offsets = [3648, 0], sizes = [64, 128], strides = [1, 1]} : vector<4096x128xf32> to vector<64x128xf32>
    %broadcast_in_dim3A_1513 = arith.constant 57 : i32
    %broadcast_in_dim3A_1514 = vector.broadcast %broadcast_in_dim3A_1513 : i32 to vector<64x128xi32>
    %lt3A_1515 = arith.cmpf olt, %slice3A_1512, %min3A_1490 : vector<64x128xf32>
    %min3A_1516 = arith.minimumf %min3A_1490, %slice3A_1512 : vector<64x128xf32>
    %select_n3A_1517 = arith.select %lt3A_1515, %broadcast_in_dim3A_1514, %select_n3A_1491 : vector<64x128xi1>, vector<64x128xi32>
    %max3A_1518 = arith.maximumf %min3A_1490, %slice3A_1512 : vector<64x128xf32>
    %select_n3A_1519 = arith.select %lt3A_1515, %select_n3A_1491, %broadcast_in_dim3A_1514 : vector<64x128xi1>, vector<64x128xi32>
    %lt3A_1520 = arith.cmpf olt, %max3A_1518, %min3A_1495 : vector<64x128xf32>
    %min3A_1521 = arith.minimumf %min3A_1495, %max3A_1518 : vector<64x128xf32>
    %select_n3A_1522 = arith.select %lt3A_1520, %select_n3A_1519, %select_n3A_1496 : vector<64x128xi1>, vector<64x128xi32>
    %max3A_1523 = arith.maximumf %min3A_1495, %max3A_1518 : vector<64x128xf32>
    %select_n3A_1524 = arith.select %lt3A_1520, %select_n3A_1496, %select_n3A_1519 : vector<64x128xi1>, vector<64x128xi32>
    %lt3A_1525 = arith.cmpf olt, %max3A_1523, %min3A_1500 : vector<64x128xf32>
    %min3A_1526 = arith.minimumf %min3A_1500, %max3A_1523 : vector<64x128xf32>
    %select_n3A_1527 = arith.select %lt3A_1525, %select_n3A_1524, %select_n3A_1501 : vector<64x128xi1>, vector<64x128xi32>
    %max3A_1528 = arith.maximumf %min3A_1500, %max3A_1523 : vector<64x128xf32>
    %select_n3A_1529 = arith.select %lt3A_1525, %select_n3A_1501, %select_n3A_1524 : vector<64x128xi1>, vector<64x128xi32>
    %lt3A_1530 = arith.cmpf olt, %max3A_1528, %min3A_1505 : vector<64x128xf32>
    %min3A_1531 = arith.minimumf %min3A_1505, %max3A_1528 : vector<64x128xf32>
    %select_n3A_1532 = arith.select %lt3A_1530, %select_n3A_1529, %select_n3A_1506 : vector<64x128xi1>, vector<64x128xi32>
    %max3A_1533 = arith.maximumf %min3A_1505, %max3A_1528 : vector<64x128xf32>
    %select_n3A_1534 = arith.select %lt3A_1530, %select_n3A_1506, %select_n3A_1529 : vector<64x128xi1>, vector<64x128xi32>
    %lt3A_1535 = arith.cmpf olt, %max3A_1533, %min3A_1510 : vector<64x128xf32>
    %min3A_1536 = arith.minimumf %min3A_1510, %max3A_1533 : vector<64x128xf32>
    %select_n3A_1537 = arith.select %lt3A_1535, %select_n3A_1534, %select_n3A_1511 : vector<64x128xi1>, vector<64x128xi32>
    %slice3A_1538 = vector.extract_strided_slice %add3A_14 {offsets = [3712, 0], sizes = [64, 128], strides = [1, 1]} : vector<4096x128xf32> to vector<64x128xf32>
    %broadcast_in_dim3A_1539 = arith.constant 58 : i32
    %broadcast_in_dim3A_1540 = vector.broadcast %broadcast_in_dim3A_1539 : i32 to vector<64x128xi32>
    %lt3A_1541 = arith.cmpf olt, %slice3A_1538, %min3A_1516 : vector<64x128xf32>
    %min3A_1542 = arith.minimumf %min3A_1516, %slice3A_1538 : vector<64x128xf32>
    %select_n3A_1543 = arith.select %lt3A_1541, %broadcast_in_dim3A_1540, %select_n3A_1517 : vector<64x128xi1>, vector<64x128xi32>
    %max3A_1544 = arith.maximumf %min3A_1516, %slice3A_1538 : vector<64x128xf32>
    %select_n3A_1545 = arith.select %lt3A_1541, %select_n3A_1517, %broadcast_in_dim3A_1540 : vector<64x128xi1>, vector<64x128xi32>
    %lt3A_1546 = arith.cmpf olt, %max3A_1544, %min3A_1521 : vector<64x128xf32>
    %min3A_1547 = arith.minimumf %min3A_1521, %max3A_1544 : vector<64x128xf32>
    %select_n3A_1548 = arith.select %lt3A_1546, %select_n3A_1545, %select_n3A_1522 : vector<64x128xi1>, vector<64x128xi32>
    %max3A_1549 = arith.maximumf %min3A_1521, %max3A_1544 : vector<64x128xf32>
    %select_n3A_1550 = arith.select %lt3A_1546, %select_n3A_1522, %select_n3A_1545 : vector<64x128xi1>, vector<64x128xi32>
    %lt3A_1551 = arith.cmpf olt, %max3A_1549, %min3A_1526 : vector<64x128xf32>
    %min3A_1552 = arith.minimumf %min3A_1526, %max3A_1549 : vector<64x128xf32>
    %select_n3A_1553 = arith.select %lt3A_1551, %select_n3A_1550, %select_n3A_1527 : vector<64x128xi1>, vector<64x128xi32>
    %max3A_1554 = arith.maximumf %min3A_1526, %max3A_1549 : vector<64x128xf32>
    %select_n3A_1555 = arith.select %lt3A_1551, %select_n3A_1527, %select_n3A_1550 : vector<64x128xi1>, vector<64x128xi32>
    %lt3A_1556 = arith.cmpf olt, %max3A_1554, %min3A_1531 : vector<64x128xf32>
    %min3A_1557 = arith.minimumf %min3A_1531, %max3A_1554 : vector<64x128xf32>
    %select_n3A_1558 = arith.select %lt3A_1556, %select_n3A_1555, %select_n3A_1532 : vector<64x128xi1>, vector<64x128xi32>
    %max3A_1559 = arith.maximumf %min3A_1531, %max3A_1554 : vector<64x128xf32>
    %select_n3A_1560 = arith.select %lt3A_1556, %select_n3A_1532, %select_n3A_1555 : vector<64x128xi1>, vector<64x128xi32>
    %lt3A_1561 = arith.cmpf olt, %max3A_1559, %min3A_1536 : vector<64x128xf32>
    %min3A_1562 = arith.minimumf %min3A_1536, %max3A_1559 : vector<64x128xf32>
    %select_n3A_1563 = arith.select %lt3A_1561, %select_n3A_1560, %select_n3A_1537 : vector<64x128xi1>, vector<64x128xi32>
    %slice3A_1564 = vector.extract_strided_slice %add3A_14 {offsets = [3776, 0], sizes = [64, 128], strides = [1, 1]} : vector<4096x128xf32> to vector<64x128xf32>
    %broadcast_in_dim3A_1565 = arith.constant 59 : i32
    %broadcast_in_dim3A_1566 = vector.broadcast %broadcast_in_dim3A_1565 : i32 to vector<64x128xi32>
    %lt3A_1567 = arith.cmpf olt, %slice3A_1564, %min3A_1542 : vector<64x128xf32>
    %min3A_1568 = arith.minimumf %min3A_1542, %slice3A_1564 : vector<64x128xf32>
    %select_n3A_1569 = arith.select %lt3A_1567, %broadcast_in_dim3A_1566, %select_n3A_1543 : vector<64x128xi1>, vector<64x128xi32>
    %max3A_1570 = arith.maximumf %min3A_1542, %slice3A_1564 : vector<64x128xf32>
    %select_n3A_1571 = arith.select %lt3A_1567, %select_n3A_1543, %broadcast_in_dim3A_1566 : vector<64x128xi1>, vector<64x128xi32>
    %lt3A_1572 = arith.cmpf olt, %max3A_1570, %min3A_1547 : vector<64x128xf32>
    %min3A_1573 = arith.minimumf %min3A_1547, %max3A_1570 : vector<64x128xf32>
    %select_n3A_1574 = arith.select %lt3A_1572, %select_n3A_1571, %select_n3A_1548 : vector<64x128xi1>, vector<64x128xi32>
    %max3A_1575 = arith.maximumf %min3A_1547, %max3A_1570 : vector<64x128xf32>
    %select_n3A_1576 = arith.select %lt3A_1572, %select_n3A_1548, %select_n3A_1571 : vector<64x128xi1>, vector<64x128xi32>
    %lt3A_1577 = arith.cmpf olt, %max3A_1575, %min3A_1552 : vector<64x128xf32>
    %min3A_1578 = arith.minimumf %min3A_1552, %max3A_1575 : vector<64x128xf32>
    %select_n3A_1579 = arith.select %lt3A_1577, %select_n3A_1576, %select_n3A_1553 : vector<64x128xi1>, vector<64x128xi32>
    %max3A_1580 = arith.maximumf %min3A_1552, %max3A_1575 : vector<64x128xf32>
    %select_n3A_1581 = arith.select %lt3A_1577, %select_n3A_1553, %select_n3A_1576 : vector<64x128xi1>, vector<64x128xi32>
    %lt3A_1582 = arith.cmpf olt, %max3A_1580, %min3A_1557 : vector<64x128xf32>
    %min3A_1583 = arith.minimumf %min3A_1557, %max3A_1580 : vector<64x128xf32>
    %select_n3A_1584 = arith.select %lt3A_1582, %select_n3A_1581, %select_n3A_1558 : vector<64x128xi1>, vector<64x128xi32>
    %max3A_1585 = arith.maximumf %min3A_1557, %max3A_1580 : vector<64x128xf32>
    %select_n3A_1586 = arith.select %lt3A_1582, %select_n3A_1558, %select_n3A_1581 : vector<64x128xi1>, vector<64x128xi32>
    %lt3A_1587 = arith.cmpf olt, %max3A_1585, %min3A_1562 : vector<64x128xf32>
    %min3A_1588 = arith.minimumf %min3A_1562, %max3A_1585 : vector<64x128xf32>
    %select_n3A_1589 = arith.select %lt3A_1587, %select_n3A_1586, %select_n3A_1563 : vector<64x128xi1>, vector<64x128xi32>
    %slice3A_1590 = vector.extract_strided_slice %add3A_14 {offsets = [3840, 0], sizes = [64, 128], strides = [1, 1]} : vector<4096x128xf32> to vector<64x128xf32>
    %broadcast_in_dim3A_1591 = arith.constant 60 : i32
    %broadcast_in_dim3A_1592 = vector.broadcast %broadcast_in_dim3A_1591 : i32 to vector<64x128xi32>
    %lt3A_1593 = arith.cmpf olt, %slice3A_1590, %min3A_1568 : vector<64x128xf32>
    %min3A_1594 = arith.minimumf %min3A_1568, %slice3A_1590 : vector<64x128xf32>
    %select_n3A_1595 = arith.select %lt3A_1593, %broadcast_in_dim3A_1592, %select_n3A_1569 : vector<64x128xi1>, vector<64x128xi32>
    %max3A_1596 = arith.maximumf %min3A_1568, %slice3A_1590 : vector<64x128xf32>
    %select_n3A_1597 = arith.select %lt3A_1593, %select_n3A_1569, %broadcast_in_dim3A_1592 : vector<64x128xi1>, vector<64x128xi32>
    %lt3A_1598 = arith.cmpf olt, %max3A_1596, %min3A_1573 : vector<64x128xf32>
    %min3A_1599 = arith.minimumf %min3A_1573, %max3A_1596 : vector<64x128xf32>
    %select_n3A_1600 = arith.select %lt3A_1598, %select_n3A_1597, %select_n3A_1574 : vector<64x128xi1>, vector<64x128xi32>
    %max3A_1601 = arith.maximumf %min3A_1573, %max3A_1596 : vector<64x128xf32>
    %select_n3A_1602 = arith.select %lt3A_1598, %select_n3A_1574, %select_n3A_1597 : vector<64x128xi1>, vector<64x128xi32>
    %lt3A_1603 = arith.cmpf olt, %max3A_1601, %min3A_1578 : vector<64x128xf32>
    %min3A_1604 = arith.minimumf %min3A_1578, %max3A_1601 : vector<64x128xf32>
    %select_n3A_1605 = arith.select %lt3A_1603, %select_n3A_1602, %select_n3A_1579 : vector<64x128xi1>, vector<64x128xi32>
    %max3A_1606 = arith.maximumf %min3A_1578, %max3A_1601 : vector<64x128xf32>
    %select_n3A_1607 = arith.select %lt3A_1603, %select_n3A_1579, %select_n3A_1602 : vector<64x128xi1>, vector<64x128xi32>
    %lt3A_1608 = arith.cmpf olt, %max3A_1606, %min3A_1583 : vector<64x128xf32>
    %min3A_1609 = arith.minimumf %min3A_1583, %max3A_1606 : vector<64x128xf32>
    %select_n3A_1610 = arith.select %lt3A_1608, %select_n3A_1607, %select_n3A_1584 : vector<64x128xi1>, vector<64x128xi32>
    %max3A_1611 = arith.maximumf %min3A_1583, %max3A_1606 : vector<64x128xf32>
    %select_n3A_1612 = arith.select %lt3A_1608, %select_n3A_1584, %select_n3A_1607 : vector<64x128xi1>, vector<64x128xi32>
    %lt3A_1613 = arith.cmpf olt, %max3A_1611, %min3A_1588 : vector<64x128xf32>
    %min3A_1614 = arith.minimumf %min3A_1588, %max3A_1611 : vector<64x128xf32>
    %select_n3A_1615 = arith.select %lt3A_1613, %select_n3A_1612, %select_n3A_1589 : vector<64x128xi1>, vector<64x128xi32>
    %slice3A_1616 = vector.extract_strided_slice %add3A_14 {offsets = [3904, 0], sizes = [64, 128], strides = [1, 1]} : vector<4096x128xf32> to vector<64x128xf32>
    %broadcast_in_dim3A_1617 = arith.constant 61 : i32
    %broadcast_in_dim3A_1618 = vector.broadcast %broadcast_in_dim3A_1617 : i32 to vector<64x128xi32>
    %lt3A_1619 = arith.cmpf olt, %slice3A_1616, %min3A_1594 : vector<64x128xf32>
    %min3A_1620 = arith.minimumf %min3A_1594, %slice3A_1616 : vector<64x128xf32>
    %select_n3A_1621 = arith.select %lt3A_1619, %broadcast_in_dim3A_1618, %select_n3A_1595 : vector<64x128xi1>, vector<64x128xi32>
    %max3A_1622 = arith.maximumf %min3A_1594, %slice3A_1616 : vector<64x128xf32>
    %select_n3A_1623 = arith.select %lt3A_1619, %select_n3A_1595, %broadcast_in_dim3A_1618 : vector<64x128xi1>, vector<64x128xi32>
    %lt3A_1624 = arith.cmpf olt, %max3A_1622, %min3A_1599 : vector<64x128xf32>
    %min3A_1625 = arith.minimumf %min3A_1599, %max3A_1622 : vector<64x128xf32>
    %select_n3A_1626 = arith.select %lt3A_1624, %select_n3A_1623, %select_n3A_1600 : vector<64x128xi1>, vector<64x128xi32>
    %max3A_1627 = arith.maximumf %min3A_1599, %max3A_1622 : vector<64x128xf32>
    %select_n3A_1628 = arith.select %lt3A_1624, %select_n3A_1600, %select_n3A_1623 : vector<64x128xi1>, vector<64x128xi32>
    %lt3A_1629 = arith.cmpf olt, %max3A_1627, %min3A_1604 : vector<64x128xf32>
    %min3A_1630 = arith.minimumf %min3A_1604, %max3A_1627 : vector<64x128xf32>
    %select_n3A_1631 = arith.select %lt3A_1629, %select_n3A_1628, %select_n3A_1605 : vector<64x128xi1>, vector<64x128xi32>
    %max3A_1632 = arith.maximumf %min3A_1604, %max3A_1627 : vector<64x128xf32>
    %select_n3A_1633 = arith.select %lt3A_1629, %select_n3A_1605, %select_n3A_1628 : vector<64x128xi1>, vector<64x128xi32>
    %lt3A_1634 = arith.cmpf olt, %max3A_1632, %min3A_1609 : vector<64x128xf32>
    %min3A_1635 = arith.minimumf %min3A_1609, %max3A_1632 : vector<64x128xf32>
    %select_n3A_1636 = arith.select %lt3A_1634, %select_n3A_1633, %select_n3A_1610 : vector<64x128xi1>, vector<64x128xi32>
    %max3A_1637 = arith.maximumf %min3A_1609, %max3A_1632 : vector<64x128xf32>
    %select_n3A_1638 = arith.select %lt3A_1634, %select_n3A_1610, %select_n3A_1633 : vector<64x128xi1>, vector<64x128xi32>
    %lt3A_1639 = arith.cmpf olt, %max3A_1637, %min3A_1614 : vector<64x128xf32>
    %min3A_1640 = arith.minimumf %min3A_1614, %max3A_1637 : vector<64x128xf32>
    %select_n3A_1641 = arith.select %lt3A_1639, %select_n3A_1638, %select_n3A_1615 : vector<64x128xi1>, vector<64x128xi32>
    %slice3A_1642 = vector.extract_strided_slice %add3A_14 {offsets = [3968, 0], sizes = [64, 128], strides = [1, 1]} : vector<4096x128xf32> to vector<64x128xf32>
    %broadcast_in_dim3A_1643 = arith.constant 62 : i32
    %broadcast_in_dim3A_1644 = vector.broadcast %broadcast_in_dim3A_1643 : i32 to vector<64x128xi32>
    %lt3A_1645 = arith.cmpf olt, %slice3A_1642, %min3A_1620 : vector<64x128xf32>
    %min3A_1646 = arith.minimumf %min3A_1620, %slice3A_1642 : vector<64x128xf32>
    %select_n3A_1647 = arith.select %lt3A_1645, %broadcast_in_dim3A_1644, %select_n3A_1621 : vector<64x128xi1>, vector<64x128xi32>
    %max3A_1648 = arith.maximumf %min3A_1620, %slice3A_1642 : vector<64x128xf32>
    %select_n3A_1649 = arith.select %lt3A_1645, %select_n3A_1621, %broadcast_in_dim3A_1644 : vector<64x128xi1>, vector<64x128xi32>
    %lt3A_1650 = arith.cmpf olt, %max3A_1648, %min3A_1625 : vector<64x128xf32>
    %min3A_1651 = arith.minimumf %min3A_1625, %max3A_1648 : vector<64x128xf32>
    %select_n3A_1652 = arith.select %lt3A_1650, %select_n3A_1649, %select_n3A_1626 : vector<64x128xi1>, vector<64x128xi32>
    %max3A_1653 = arith.maximumf %min3A_1625, %max3A_1648 : vector<64x128xf32>
    %select_n3A_1654 = arith.select %lt3A_1650, %select_n3A_1626, %select_n3A_1649 : vector<64x128xi1>, vector<64x128xi32>
    %lt3A_1655 = arith.cmpf olt, %max3A_1653, %min3A_1630 : vector<64x128xf32>
    %min3A_1656 = arith.minimumf %min3A_1630, %max3A_1653 : vector<64x128xf32>
    %select_n3A_1657 = arith.select %lt3A_1655, %select_n3A_1654, %select_n3A_1631 : vector<64x128xi1>, vector<64x128xi32>
    %max3A_1658 = arith.maximumf %min3A_1630, %max3A_1653 : vector<64x128xf32>
    %select_n3A_1659 = arith.select %lt3A_1655, %select_n3A_1631, %select_n3A_1654 : vector<64x128xi1>, vector<64x128xi32>
    %lt3A_1660 = arith.cmpf olt, %max3A_1658, %min3A_1635 : vector<64x128xf32>
    %min3A_1661 = arith.minimumf %min3A_1635, %max3A_1658 : vector<64x128xf32>
    %select_n3A_1662 = arith.select %lt3A_1660, %select_n3A_1659, %select_n3A_1636 : vector<64x128xi1>, vector<64x128xi32>
    %max3A_1663 = arith.maximumf %min3A_1635, %max3A_1658 : vector<64x128xf32>
    %select_n3A_1664 = arith.select %lt3A_1660, %select_n3A_1636, %select_n3A_1659 : vector<64x128xi1>, vector<64x128xi32>
    %lt3A_1665 = arith.cmpf olt, %max3A_1663, %min3A_1640 : vector<64x128xf32>
    %min3A_1666 = arith.minimumf %min3A_1640, %max3A_1663 : vector<64x128xf32>
    %select_n3A_1667 = arith.select %lt3A_1665, %select_n3A_1664, %select_n3A_1641 : vector<64x128xi1>, vector<64x128xi32>
    %slice3A_1668 = vector.extract_strided_slice %add3A_14 {offsets = [4032, 0], sizes = [64, 128], strides = [1, 1]} : vector<4096x128xf32> to vector<64x128xf32>
    %broadcast_in_dim3A_1669 = arith.constant 63 : i32
    %broadcast_in_dim3A_1670 = vector.broadcast %broadcast_in_dim3A_1669 : i32 to vector<64x128xi32>
    %lt3A_1671 = arith.cmpf olt, %slice3A_1668, %min3A_1646 : vector<64x128xf32>
    %min3A_1672 = arith.minimumf %min3A_1646, %slice3A_1668 : vector<64x128xf32>
    %select_n3A_1673 = arith.select %lt3A_1671, %broadcast_in_dim3A_1670, %select_n3A_1647 : vector<64x128xi1>, vector<64x128xi32>
    %max3A_1674 = arith.maximumf %min3A_1646, %slice3A_1668 : vector<64x128xf32>
    %select_n3A_1675 = arith.select %lt3A_1671, %select_n3A_1647, %broadcast_in_dim3A_1670 : vector<64x128xi1>, vector<64x128xi32>
    %lt3A_1676 = arith.cmpf olt, %max3A_1674, %min3A_1651 : vector<64x128xf32>
    %min3A_1677 = arith.minimumf %min3A_1651, %max3A_1674 : vector<64x128xf32>
    %select_n3A_1678 = arith.select %lt3A_1676, %select_n3A_1675, %select_n3A_1652 : vector<64x128xi1>, vector<64x128xi32>
    %max3A_1679 = arith.maximumf %min3A_1651, %max3A_1674 : vector<64x128xf32>
    %select_n3A_1680 = arith.select %lt3A_1676, %select_n3A_1652, %select_n3A_1675 : vector<64x128xi1>, vector<64x128xi32>
    %lt3A_1681 = arith.cmpf olt, %max3A_1679, %min3A_1656 : vector<64x128xf32>
    %min3A_1682 = arith.minimumf %min3A_1656, %max3A_1679 : vector<64x128xf32>
    %select_n3A_1683 = arith.select %lt3A_1681, %select_n3A_1680, %select_n3A_1657 : vector<64x128xi1>, vector<64x128xi32>
    %max3A_1684 = arith.maximumf %min3A_1656, %max3A_1679 : vector<64x128xf32>
    %select_n3A_1685 = arith.select %lt3A_1681, %select_n3A_1657, %select_n3A_1680 : vector<64x128xi1>, vector<64x128xi32>
    %lt3A_1686 = arith.cmpf olt, %max3A_1684, %min3A_1661 : vector<64x128xf32>
    %min3A_1687 = arith.minimumf %min3A_1661, %max3A_1684 : vector<64x128xf32>
    %select_n3A_1688 = arith.select %lt3A_1686, %select_n3A_1685, %select_n3A_1662 : vector<64x128xi1>, vector<64x128xi32>
    %max3A_1689 = arith.maximumf %min3A_1661, %max3A_1684 : vector<64x128xf32>
    %select_n3A_1690 = arith.select %lt3A_1686, %select_n3A_1662, %select_n3A_1685 : vector<64x128xi1>, vector<64x128xi32>
    %lt3A_1691 = arith.cmpf olt, %max3A_1689, %min3A_1666 : vector<64x128xf32>
    %min3A_1692 = arith.minimumf %min3A_1666, %max3A_1689 : vector<64x128xf32>
    %select_n3A_1693 = arith.select %lt3A_1691, %select_n3A_1690, %select_n3A_1667 : vector<64x128xi1>, vector<64x128xi32>
    %iota3A = tpu.iota {dimensions = array<i32: 0>} : vector<64x128xi32>
    %broadcast_in_dim3A_1694 = arith.constant 0 : i32
    %broadcast_in_dim3A_1695 = vector.broadcast %broadcast_in_dim3A_1694 : i32 to vector<64x128xi32>
    %broadcast_in_dim3A_1696 = arith.constant false
    %broadcast_in_dim3A_1697 = vector.broadcast %broadcast_in_dim3A_1696 : i1 to vector<64x128xi1>
    %broadcast_in_dim3A_1698 = arith.constant 0x7F800000 : f32
    %broadcast_in_dim3A_1699 = vector.broadcast %broadcast_in_dim3A_1698 : f32 to vector<64x128xf32>
    %broadcast_in_dim3A_1700 = arith.constant 0 : i32
    %broadcast_in_dim3A_1701 = vector.broadcast %broadcast_in_dim3A_1700 : i32 to vector<64x128xi32>
    %reduce_min3A = arith.constant dense<0x7F800000> : vector<128xf32>
    %reduce_min3A_1702 = vector.multi_reduction <minimumf>, %min3A_1672, %reduce_min3A [0] : vector<64x128xf32> to vector<128xf32>
    %broadcast_in_dim3A_1703 = vector.shape_cast %reduce_min3A_1702 : vector<128xf32> to vector<1x128xf32>
    %le3A = vector.broadcast %broadcast_in_dim3A_1703 : vector<1x128xf32> to vector<64x128xf32>
    %le3A_1704 = arith.cmpf ole, %min3A_1672, %le3A : vector<64x128xf32>
    %jit3A = arith.constant 64 : i32
    %broadcast_in_dim3A_1705 = vector.broadcast %jit3A : i32 to vector<64x128xi32>
    %select_n3A_1706 = arith.select %le3A_1704, %iota3A, %broadcast_in_dim3A_1705 : vector<64x128xi1>, vector<64x128xi32>
    %reduce_min3A_1707 = arith.constant dense<2147483647> : vector<128xi32>
    %reduce_min3A_1708 = vector.multi_reduction <minsi>, %select_n3A_1706, %reduce_min3A_1707 [0] : vector<64x128xi32> to vector<128xi32>
    %broadcast_in_dim3A_1709 = vector.shape_cast %reduce_min3A_1708 : vector<128xi32> to vector<1x128xi32>
    %eq3A = vector.broadcast %broadcast_in_dim3A_1709 : vector<1x128xi32> to vector<64x128xi32>
    %eq3A_1710 = arith.cmpi eq, %iota3A, %eq3A : vector<64x128xi32>
    %eq3A_1711 = arith.constant 4 : i32
    %eq3A_1712 = vector.broadcast %eq3A_1711 : i32 to vector<64x128xi32>
    %eq3A_1713 = arith.cmpi eq, %broadcast_in_dim3A_1695, %eq3A_1712 : vector<64x128xi32>
    %and3A = arith.andi %eq3A_1710, %eq3A_1713 : vector<64x128xi1>
    %or3A = arith.ori %broadcast_in_dim3A_1697, %and3A : vector<64x128xi1>
    %jit3A_1714 = arith.constant 64 : i32
    %broadcast_in_dim3A_1715 = vector.broadcast %jit3A_1714 : i32 to vector<64x128xi32>
    %select_n3A_1716 = arith.select %eq3A_1710, %select_n3A_1673, %broadcast_in_dim3A_1715 : vector<64x128xi1>, vector<64x128xi32>
    %reduce_min3A_1717 = arith.constant dense<2147483647> : vector<128xi32>
    %reduce_min3A_1718 = vector.multi_reduction <minsi>, %select_n3A_1716, %reduce_min3A_1717 [0] : vector<64x128xi32> to vector<128xi32>
    %broadcast_in_dim3A_1719 = vector.shape_cast %reduce_min3A_1718 : vector<128xi32> to vector<1x128xi32>
    %mul3A_1720 = arith.constant 64 : i32
    %mul3A_1721 = vector.broadcast %mul3A_1720 : i32 to vector<1x128xi32>
    %mul3A_1722 = arith.muli %broadcast_in_dim3A_1719, %mul3A_1721 : vector<1x128xi32>
    %add3A_1723 = arith.addi %mul3A_1722, %broadcast_in_dim3A_1709 : vector<1x128xi32>
    %eq3A_1724 = arith.constant 3 : i32
    %eq3A_1725 = vector.broadcast %eq3A_1724 : i32 to vector<64x128xi32>
    %eq3A_1726 = arith.cmpi eq, %broadcast_in_dim3A_1695, %eq3A_1725 : vector<64x128xi32>
    %select_n3A_1727 = arith.select %eq3A_1726, %min3A_1692, %broadcast_in_dim3A_1699 : vector<64x128xi1>, vector<64x128xf32>
    %select_n3A_1728 = arith.select %eq3A_1726, %select_n3A_1693, %broadcast_in_dim3A_1701 : vector<64x128xi1>, vector<64x128xi32>
    %eq3A_1729 = arith.constant 2 : i32
    %eq3A_1730 = vector.broadcast %eq3A_1729 : i32 to vector<64x128xi32>
    %eq3A_1731 = arith.cmpi eq, %broadcast_in_dim3A_1695, %eq3A_1730 : vector<64x128xi32>
    %select_n3A_1732 = arith.select %eq3A_1731, %min3A_1687, %select_n3A_1727 : vector<64x128xi1>, vector<64x128xf32>
    %select_n3A_1733 = arith.select %eq3A_1731, %select_n3A_1688, %select_n3A_1728 : vector<64x128xi1>, vector<64x128xi32>
    %eq3A_1734 = arith.constant 1 : i32
    %eq3A_1735 = vector.broadcast %eq3A_1734 : i32 to vector<64x128xi32>
    %eq3A_1736 = arith.cmpi eq, %broadcast_in_dim3A_1695, %eq3A_1735 : vector<64x128xi32>
    %select_n3A_1737 = arith.select %eq3A_1736, %min3A_1682, %select_n3A_1732 : vector<64x128xi1>, vector<64x128xf32>
    %select_n3A_1738 = arith.select %eq3A_1736, %select_n3A_1683, %select_n3A_1733 : vector<64x128xi1>, vector<64x128xi32>
    %eq3A_1739 = arith.constant 0 : i32
    %eq3A_1740 = vector.broadcast %eq3A_1739 : i32 to vector<64x128xi32>
    %eq3A_1741 = arith.cmpi eq, %broadcast_in_dim3A_1695, %eq3A_1740 : vector<64x128xi32>
    %select_n3A_1742 = arith.select %eq3A_1741, %min3A_1677, %select_n3A_1737 : vector<64x128xi1>, vector<64x128xf32>
    %select_n3A_1743 = arith.select %eq3A_1741, %select_n3A_1678, %select_n3A_1738 : vector<64x128xi1>, vector<64x128xi32>
    %select_n3A_1744 = arith.select %eq3A_1710, %select_n3A_1742, %min3A_1672 : vector<64x128xi1>, vector<64x128xf32>
    %select_n3A_1745 = arith.select %eq3A_1710, %select_n3A_1743, %select_n3A_1673 : vector<64x128xi1>, vector<64x128xi32>
    %add3A_1746 = arith.constant 1 : i32
    %add3A_1747 = vector.broadcast %add3A_1746 : i32 to vector<64x128xi32>
    %add3A_1748 = arith.addi %broadcast_in_dim3A_1695, %add3A_1747 : vector<64x128xi32>
    %min3A_1749 = arith.constant 4 : i32
    %min3A_1750 = vector.broadcast %min3A_1749 : i32 to vector<64x128xi32>
    %min3A_1751 = arith.minsi %add3A_1748, %min3A_1750 : vector<64x128xi32>
    %select_n3A_1752 = arith.select %eq3A_1710, %min3A_1751, %broadcast_in_dim3A_1695 : vector<64x128xi1>, vector<64x128xi32>
    %reduce_min3A_1753 = arith.constant dense<0x7F800000> : vector<128xf32>
    %reduce_min3A_1754 = vector.multi_reduction <minimumf>, %select_n3A_1744, %reduce_min3A_1753 [0] : vector<64x128xf32> to vector<128xf32>
    %broadcast_in_dim3A_1755 = vector.shape_cast %reduce_min3A_1754 : vector<128xf32> to vector<1x128xf32>
    %le3A_1756 = vector.broadcast %broadcast_in_dim3A_1755 : vector<1x128xf32> to vector<64x128xf32>
    %le3A_1757 = arith.cmpf ole, %select_n3A_1744, %le3A_1756 : vector<64x128xf32>
    %jit3A_1758 = arith.constant 64 : i32
    %broadcast_in_dim3A_1759 = vector.broadcast %jit3A_1758 : i32 to vector<64x128xi32>
    %select_n3A_1760 = arith.select %le3A_1757, %iota3A, %broadcast_in_dim3A_1759 : vector<64x128xi1>, vector<64x128xi32>
    %reduce_min3A_1761 = arith.constant dense<2147483647> : vector<128xi32>
    %reduce_min3A_1762 = vector.multi_reduction <minsi>, %select_n3A_1760, %reduce_min3A_1761 [0] : vector<64x128xi32> to vector<128xi32>
    %broadcast_in_dim3A_1763 = vector.shape_cast %reduce_min3A_1762 : vector<128xi32> to vector<1x128xi32>
    %eq3A_1764 = vector.broadcast %broadcast_in_dim3A_1763 : vector<1x128xi32> to vector<64x128xi32>
    %eq3A_1765 = arith.cmpi eq, %iota3A, %eq3A_1764 : vector<64x128xi32>
    %eq3A_1766 = arith.constant 4 : i32
    %eq3A_1767 = vector.broadcast %eq3A_1766 : i32 to vector<64x128xi32>
    %eq3A_1768 = arith.cmpi eq, %select_n3A_1752, %eq3A_1767 : vector<64x128xi32>
    %and3A_1769 = arith.andi %eq3A_1765, %eq3A_1768 : vector<64x128xi1>
    %or3A_1770 = arith.ori %or3A, %and3A_1769 : vector<64x128xi1>
    %jit3A_1771 = arith.constant 64 : i32
    %broadcast_in_dim3A_1772 = vector.broadcast %jit3A_1771 : i32 to vector<64x128xi32>
    %select_n3A_1773 = arith.select %eq3A_1765, %select_n3A_1745, %broadcast_in_dim3A_1772 : vector<64x128xi1>, vector<64x128xi32>
    %reduce_min3A_1774 = arith.constant dense<2147483647> : vector<128xi32>
    %reduce_min3A_1775 = vector.multi_reduction <minsi>, %select_n3A_1773, %reduce_min3A_1774 [0] : vector<64x128xi32> to vector<128xi32>
    %broadcast_in_dim3A_1776 = vector.shape_cast %reduce_min3A_1775 : vector<128xi32> to vector<1x128xi32>
    %mul3A_1777 = arith.constant 64 : i32
    %mul3A_1778 = vector.broadcast %mul3A_1777 : i32 to vector<1x128xi32>
    %mul3A_1779 = arith.muli %broadcast_in_dim3A_1776, %mul3A_1778 : vector<1x128xi32>
    %add3A_1780 = arith.addi %mul3A_1779, %broadcast_in_dim3A_1763 : vector<1x128xi32>
    %eq3A_1781 = arith.constant 3 : i32
    %eq3A_1782 = vector.broadcast %eq3A_1781 : i32 to vector<64x128xi32>
    %eq3A_1783 = arith.cmpi eq, %select_n3A_1752, %eq3A_1782 : vector<64x128xi32>
    %select_n3A_1784 = arith.select %eq3A_1783, %min3A_1692, %broadcast_in_dim3A_1699 : vector<64x128xi1>, vector<64x128xf32>
    %select_n3A_1785 = arith.select %eq3A_1783, %select_n3A_1693, %broadcast_in_dim3A_1701 : vector<64x128xi1>, vector<64x128xi32>
    %eq3A_1786 = arith.constant 2 : i32
    %eq3A_1787 = vector.broadcast %eq3A_1786 : i32 to vector<64x128xi32>
    %eq3A_1788 = arith.cmpi eq, %select_n3A_1752, %eq3A_1787 : vector<64x128xi32>
    %select_n3A_1789 = arith.select %eq3A_1788, %min3A_1687, %select_n3A_1784 : vector<64x128xi1>, vector<64x128xf32>
    %select_n3A_1790 = arith.select %eq3A_1788, %select_n3A_1688, %select_n3A_1785 : vector<64x128xi1>, vector<64x128xi32>
    %eq3A_1791 = arith.constant 1 : i32
    %eq3A_1792 = vector.broadcast %eq3A_1791 : i32 to vector<64x128xi32>
    %eq3A_1793 = arith.cmpi eq, %select_n3A_1752, %eq3A_1792 : vector<64x128xi32>
    %select_n3A_1794 = arith.select %eq3A_1793, %min3A_1682, %select_n3A_1789 : vector<64x128xi1>, vector<64x128xf32>
    %select_n3A_1795 = arith.select %eq3A_1793, %select_n3A_1683, %select_n3A_1790 : vector<64x128xi1>, vector<64x128xi32>
    %eq3A_1796 = arith.constant 0 : i32
    %eq3A_1797 = vector.broadcast %eq3A_1796 : i32 to vector<64x128xi32>
    %eq3A_1798 = arith.cmpi eq, %select_n3A_1752, %eq3A_1797 : vector<64x128xi32>
    %select_n3A_1799 = arith.select %eq3A_1798, %min3A_1677, %select_n3A_1794 : vector<64x128xi1>, vector<64x128xf32>
    %select_n3A_1800 = arith.select %eq3A_1798, %select_n3A_1678, %select_n3A_1795 : vector<64x128xi1>, vector<64x128xi32>
    %select_n3A_1801 = arith.select %eq3A_1765, %select_n3A_1799, %select_n3A_1744 : vector<64x128xi1>, vector<64x128xf32>
    %select_n3A_1802 = arith.select %eq3A_1765, %select_n3A_1800, %select_n3A_1745 : vector<64x128xi1>, vector<64x128xi32>
    %add3A_1803 = arith.constant 1 : i32
    %add3A_1804 = vector.broadcast %add3A_1803 : i32 to vector<64x128xi32>
    %add3A_1805 = arith.addi %select_n3A_1752, %add3A_1804 : vector<64x128xi32>
    %min3A_1806 = arith.constant 4 : i32
    %min3A_1807 = vector.broadcast %min3A_1806 : i32 to vector<64x128xi32>
    %min3A_1808 = arith.minsi %add3A_1805, %min3A_1807 : vector<64x128xi32>
    %select_n3A_1809 = arith.select %eq3A_1765, %min3A_1808, %select_n3A_1752 : vector<64x128xi1>, vector<64x128xi32>
    %reduce_min3A_1810 = arith.constant dense<0x7F800000> : vector<128xf32>
    %reduce_min3A_1811 = vector.multi_reduction <minimumf>, %select_n3A_1801, %reduce_min3A_1810 [0] : vector<64x128xf32> to vector<128xf32>
    %broadcast_in_dim3A_1812 = vector.shape_cast %reduce_min3A_1811 : vector<128xf32> to vector<1x128xf32>
    %le3A_1813 = vector.broadcast %broadcast_in_dim3A_1812 : vector<1x128xf32> to vector<64x128xf32>
    %le3A_1814 = arith.cmpf ole, %select_n3A_1801, %le3A_1813 : vector<64x128xf32>
    %jit3A_1815 = arith.constant 64 : i32
    %broadcast_in_dim3A_1816 = vector.broadcast %jit3A_1815 : i32 to vector<64x128xi32>
    %select_n3A_1817 = arith.select %le3A_1814, %iota3A, %broadcast_in_dim3A_1816 : vector<64x128xi1>, vector<64x128xi32>
    %reduce_min3A_1818 = arith.constant dense<2147483647> : vector<128xi32>
    %reduce_min3A_1819 = vector.multi_reduction <minsi>, %select_n3A_1817, %reduce_min3A_1818 [0] : vector<64x128xi32> to vector<128xi32>
    %broadcast_in_dim3A_1820 = vector.shape_cast %reduce_min3A_1819 : vector<128xi32> to vector<1x128xi32>
    %eq3A_1821 = vector.broadcast %broadcast_in_dim3A_1820 : vector<1x128xi32> to vector<64x128xi32>
    %eq3A_1822 = arith.cmpi eq, %iota3A, %eq3A_1821 : vector<64x128xi32>
    %eq3A_1823 = arith.constant 4 : i32
    %eq3A_1824 = vector.broadcast %eq3A_1823 : i32 to vector<64x128xi32>
    %eq3A_1825 = arith.cmpi eq, %select_n3A_1809, %eq3A_1824 : vector<64x128xi32>
    %and3A_1826 = arith.andi %eq3A_1822, %eq3A_1825 : vector<64x128xi1>
    %or3A_1827 = arith.ori %or3A_1770, %and3A_1826 : vector<64x128xi1>
    %jit3A_1828 = arith.constant 64 : i32
    %broadcast_in_dim3A_1829 = vector.broadcast %jit3A_1828 : i32 to vector<64x128xi32>
    %select_n3A_1830 = arith.select %eq3A_1822, %select_n3A_1802, %broadcast_in_dim3A_1829 : vector<64x128xi1>, vector<64x128xi32>
    %reduce_min3A_1831 = arith.constant dense<2147483647> : vector<128xi32>
    %reduce_min3A_1832 = vector.multi_reduction <minsi>, %select_n3A_1830, %reduce_min3A_1831 [0] : vector<64x128xi32> to vector<128xi32>
    %broadcast_in_dim3A_1833 = vector.shape_cast %reduce_min3A_1832 : vector<128xi32> to vector<1x128xi32>
    %mul3A_1834 = arith.constant 64 : i32
    %mul3A_1835 = vector.broadcast %mul3A_1834 : i32 to vector<1x128xi32>
    %mul3A_1836 = arith.muli %broadcast_in_dim3A_1833, %mul3A_1835 : vector<1x128xi32>
    %add3A_1837 = arith.addi %mul3A_1836, %broadcast_in_dim3A_1820 : vector<1x128xi32>
    %eq3A_1838 = arith.constant 3 : i32
    %eq3A_1839 = vector.broadcast %eq3A_1838 : i32 to vector<64x128xi32>
    %eq3A_1840 = arith.cmpi eq, %select_n3A_1809, %eq3A_1839 : vector<64x128xi32>
    %select_n3A_1841 = arith.select %eq3A_1840, %min3A_1692, %broadcast_in_dim3A_1699 : vector<64x128xi1>, vector<64x128xf32>
    %select_n3A_1842 = arith.select %eq3A_1840, %select_n3A_1693, %broadcast_in_dim3A_1701 : vector<64x128xi1>, vector<64x128xi32>
    %eq3A_1843 = arith.constant 2 : i32
    %eq3A_1844 = vector.broadcast %eq3A_1843 : i32 to vector<64x128xi32>
    %eq3A_1845 = arith.cmpi eq, %select_n3A_1809, %eq3A_1844 : vector<64x128xi32>
    %select_n3A_1846 = arith.select %eq3A_1845, %min3A_1687, %select_n3A_1841 : vector<64x128xi1>, vector<64x128xf32>
    %select_n3A_1847 = arith.select %eq3A_1845, %select_n3A_1688, %select_n3A_1842 : vector<64x128xi1>, vector<64x128xi32>
    %eq3A_1848 = arith.constant 1 : i32
    %eq3A_1849 = vector.broadcast %eq3A_1848 : i32 to vector<64x128xi32>
    %eq3A_1850 = arith.cmpi eq, %select_n3A_1809, %eq3A_1849 : vector<64x128xi32>
    %select_n3A_1851 = arith.select %eq3A_1850, %min3A_1682, %select_n3A_1846 : vector<64x128xi1>, vector<64x128xf32>
    %select_n3A_1852 = arith.select %eq3A_1850, %select_n3A_1683, %select_n3A_1847 : vector<64x128xi1>, vector<64x128xi32>
    %eq3A_1853 = arith.constant 0 : i32
    %eq3A_1854 = vector.broadcast %eq3A_1853 : i32 to vector<64x128xi32>
    %eq3A_1855 = arith.cmpi eq, %select_n3A_1809, %eq3A_1854 : vector<64x128xi32>
    %select_n3A_1856 = arith.select %eq3A_1855, %min3A_1677, %select_n3A_1851 : vector<64x128xi1>, vector<64x128xf32>
    %select_n3A_1857 = arith.select %eq3A_1855, %select_n3A_1678, %select_n3A_1852 : vector<64x128xi1>, vector<64x128xi32>
    %select_n3A_1858 = arith.select %eq3A_1822, %select_n3A_1856, %select_n3A_1801 : vector<64x128xi1>, vector<64x128xf32>
    %select_n3A_1859 = arith.select %eq3A_1822, %select_n3A_1857, %select_n3A_1802 : vector<64x128xi1>, vector<64x128xi32>
    %add3A_1860 = arith.constant 1 : i32
    %add3A_1861 = vector.broadcast %add3A_1860 : i32 to vector<64x128xi32>
    %add3A_1862 = arith.addi %select_n3A_1809, %add3A_1861 : vector<64x128xi32>
    %min3A_1863 = arith.constant 4 : i32
    %min3A_1864 = vector.broadcast %min3A_1863 : i32 to vector<64x128xi32>
    %min3A_1865 = arith.minsi %add3A_1862, %min3A_1864 : vector<64x128xi32>
    %select_n3A_1866 = arith.select %eq3A_1822, %min3A_1865, %select_n3A_1809 : vector<64x128xi1>, vector<64x128xi32>
    %reduce_min3A_1867 = arith.constant dense<0x7F800000> : vector<128xf32>
    %reduce_min3A_1868 = vector.multi_reduction <minimumf>, %select_n3A_1858, %reduce_min3A_1867 [0] : vector<64x128xf32> to vector<128xf32>
    %broadcast_in_dim3A_1869 = vector.shape_cast %reduce_min3A_1868 : vector<128xf32> to vector<1x128xf32>
    %le3A_1870 = vector.broadcast %broadcast_in_dim3A_1869 : vector<1x128xf32> to vector<64x128xf32>
    %le3A_1871 = arith.cmpf ole, %select_n3A_1858, %le3A_1870 : vector<64x128xf32>
    %jit3A_1872 = arith.constant 64 : i32
    %broadcast_in_dim3A_1873 = vector.broadcast %jit3A_1872 : i32 to vector<64x128xi32>
    %select_n3A_1874 = arith.select %le3A_1871, %iota3A, %broadcast_in_dim3A_1873 : vector<64x128xi1>, vector<64x128xi32>
    %reduce_min3A_1875 = arith.constant dense<2147483647> : vector<128xi32>
    %reduce_min3A_1876 = vector.multi_reduction <minsi>, %select_n3A_1874, %reduce_min3A_1875 [0] : vector<64x128xi32> to vector<128xi32>
    %broadcast_in_dim3A_1877 = vector.shape_cast %reduce_min3A_1876 : vector<128xi32> to vector<1x128xi32>
    %eq3A_1878 = vector.broadcast %broadcast_in_dim3A_1877 : vector<1x128xi32> to vector<64x128xi32>
    %eq3A_1879 = arith.cmpi eq, %iota3A, %eq3A_1878 : vector<64x128xi32>
    %eq3A_1880 = arith.constant 4 : i32
    %eq3A_1881 = vector.broadcast %eq3A_1880 : i32 to vector<64x128xi32>
    %eq3A_1882 = arith.cmpi eq, %select_n3A_1866, %eq3A_1881 : vector<64x128xi32>
    %and3A_1883 = arith.andi %eq3A_1879, %eq3A_1882 : vector<64x128xi1>
    %or3A_1884 = arith.ori %or3A_1827, %and3A_1883 : vector<64x128xi1>
    %jit3A_1885 = arith.constant 64 : i32
    %broadcast_in_dim3A_1886 = vector.broadcast %jit3A_1885 : i32 to vector<64x128xi32>
    %select_n3A_1887 = arith.select %eq3A_1879, %select_n3A_1859, %broadcast_in_dim3A_1886 : vector<64x128xi1>, vector<64x128xi32>
    %reduce_min3A_1888 = arith.constant dense<2147483647> : vector<128xi32>
    %reduce_min3A_1889 = vector.multi_reduction <minsi>, %select_n3A_1887, %reduce_min3A_1888 [0] : vector<64x128xi32> to vector<128xi32>
    %broadcast_in_dim3A_1890 = vector.shape_cast %reduce_min3A_1889 : vector<128xi32> to vector<1x128xi32>
    %mul3A_1891 = arith.constant 64 : i32
    %mul3A_1892 = vector.broadcast %mul3A_1891 : i32 to vector<1x128xi32>
    %mul3A_1893 = arith.muli %broadcast_in_dim3A_1890, %mul3A_1892 : vector<1x128xi32>
    %add3A_1894 = arith.addi %mul3A_1893, %broadcast_in_dim3A_1877 : vector<1x128xi32>
    %eq3A_1895 = arith.constant 3 : i32
    %eq3A_1896 = vector.broadcast %eq3A_1895 : i32 to vector<64x128xi32>
    %eq3A_1897 = arith.cmpi eq, %select_n3A_1866, %eq3A_1896 : vector<64x128xi32>
    %select_n3A_1898 = arith.select %eq3A_1897, %min3A_1692, %broadcast_in_dim3A_1699 : vector<64x128xi1>, vector<64x128xf32>
    %select_n3A_1899 = arith.select %eq3A_1897, %select_n3A_1693, %broadcast_in_dim3A_1701 : vector<64x128xi1>, vector<64x128xi32>
    %eq3A_1900 = arith.constant 2 : i32
    %eq3A_1901 = vector.broadcast %eq3A_1900 : i32 to vector<64x128xi32>
    %eq3A_1902 = arith.cmpi eq, %select_n3A_1866, %eq3A_1901 : vector<64x128xi32>
    %select_n3A_1903 = arith.select %eq3A_1902, %min3A_1687, %select_n3A_1898 : vector<64x128xi1>, vector<64x128xf32>
    %select_n3A_1904 = arith.select %eq3A_1902, %select_n3A_1688, %select_n3A_1899 : vector<64x128xi1>, vector<64x128xi32>
    %eq3A_1905 = arith.constant 1 : i32
    %eq3A_1906 = vector.broadcast %eq3A_1905 : i32 to vector<64x128xi32>
    %eq3A_1907 = arith.cmpi eq, %select_n3A_1866, %eq3A_1906 : vector<64x128xi32>
    %select_n3A_1908 = arith.select %eq3A_1907, %min3A_1682, %select_n3A_1903 : vector<64x128xi1>, vector<64x128xf32>
    %select_n3A_1909 = arith.select %eq3A_1907, %select_n3A_1683, %select_n3A_1904 : vector<64x128xi1>, vector<64x128xi32>
    %eq3A_1910 = arith.constant 0 : i32
    %eq3A_1911 = vector.broadcast %eq3A_1910 : i32 to vector<64x128xi32>
    %eq3A_1912 = arith.cmpi eq, %select_n3A_1866, %eq3A_1911 : vector<64x128xi32>
    %select_n3A_1913 = arith.select %eq3A_1912, %min3A_1677, %select_n3A_1908 : vector<64x128xi1>, vector<64x128xf32>
    %select_n3A_1914 = arith.select %eq3A_1912, %select_n3A_1678, %select_n3A_1909 : vector<64x128xi1>, vector<64x128xi32>
    %select_n3A_1915 = arith.select %eq3A_1879, %select_n3A_1913, %select_n3A_1858 : vector<64x128xi1>, vector<64x128xf32>
    %select_n3A_1916 = arith.select %eq3A_1879, %select_n3A_1914, %select_n3A_1859 : vector<64x128xi1>, vector<64x128xi32>
    %add3A_1917 = arith.constant 1 : i32
    %add3A_1918 = vector.broadcast %add3A_1917 : i32 to vector<64x128xi32>
    %add3A_1919 = arith.addi %select_n3A_1866, %add3A_1918 : vector<64x128xi32>
    %min3A_1920 = arith.constant 4 : i32
    %min3A_1921 = vector.broadcast %min3A_1920 : i32 to vector<64x128xi32>
    %min3A_1922 = arith.minsi %add3A_1919, %min3A_1921 : vector<64x128xi32>
    %select_n3A_1923 = arith.select %eq3A_1879, %min3A_1922, %select_n3A_1866 : vector<64x128xi1>, vector<64x128xi32>
    %reduce_min3A_1924 = arith.constant dense<0x7F800000> : vector<128xf32>
    %reduce_min3A_1925 = vector.multi_reduction <minimumf>, %select_n3A_1915, %reduce_min3A_1924 [0] : vector<64x128xf32> to vector<128xf32>
    %broadcast_in_dim3A_1926 = vector.shape_cast %reduce_min3A_1925 : vector<128xf32> to vector<1x128xf32>
    %le3A_1927 = vector.broadcast %broadcast_in_dim3A_1926 : vector<1x128xf32> to vector<64x128xf32>
    %le3A_1928 = arith.cmpf ole, %select_n3A_1915, %le3A_1927 : vector<64x128xf32>
    %jit3A_1929 = arith.constant 64 : i32
    %broadcast_in_dim3A_1930 = vector.broadcast %jit3A_1929 : i32 to vector<64x128xi32>
    %select_n3A_1931 = arith.select %le3A_1928, %iota3A, %broadcast_in_dim3A_1930 : vector<64x128xi1>, vector<64x128xi32>
    %reduce_min3A_1932 = arith.constant dense<2147483647> : vector<128xi32>
    %reduce_min3A_1933 = vector.multi_reduction <minsi>, %select_n3A_1931, %reduce_min3A_1932 [0] : vector<64x128xi32> to vector<128xi32>
    %broadcast_in_dim3A_1934 = vector.shape_cast %reduce_min3A_1933 : vector<128xi32> to vector<1x128xi32>
    %eq3A_1935 = vector.broadcast %broadcast_in_dim3A_1934 : vector<1x128xi32> to vector<64x128xi32>
    %eq3A_1936 = arith.cmpi eq, %iota3A, %eq3A_1935 : vector<64x128xi32>
    %eq3A_1937 = arith.constant 4 : i32
    %eq3A_1938 = vector.broadcast %eq3A_1937 : i32 to vector<64x128xi32>
    %eq3A_1939 = arith.cmpi eq, %select_n3A_1923, %eq3A_1938 : vector<64x128xi32>
    %and3A_1940 = arith.andi %eq3A_1936, %eq3A_1939 : vector<64x128xi1>
    %or3A_1941 = arith.ori %or3A_1884, %and3A_1940 : vector<64x128xi1>
    %jit3A_1942 = arith.constant 64 : i32
    %broadcast_in_dim3A_1943 = vector.broadcast %jit3A_1942 : i32 to vector<64x128xi32>
    %select_n3A_1944 = arith.select %eq3A_1936, %select_n3A_1916, %broadcast_in_dim3A_1943 : vector<64x128xi1>, vector<64x128xi32>
    %reduce_min3A_1945 = arith.constant dense<2147483647> : vector<128xi32>
    %reduce_min3A_1946 = vector.multi_reduction <minsi>, %select_n3A_1944, %reduce_min3A_1945 [0] : vector<64x128xi32> to vector<128xi32>
    %broadcast_in_dim3A_1947 = vector.shape_cast %reduce_min3A_1946 : vector<128xi32> to vector<1x128xi32>
    %mul3A_1948 = arith.constant 64 : i32
    %mul3A_1949 = vector.broadcast %mul3A_1948 : i32 to vector<1x128xi32>
    %mul3A_1950 = arith.muli %broadcast_in_dim3A_1947, %mul3A_1949 : vector<1x128xi32>
    %add3A_1951 = arith.addi %mul3A_1950, %broadcast_in_dim3A_1934 : vector<1x128xi32>
    %eq3A_1952 = arith.constant 3 : i32
    %eq3A_1953 = vector.broadcast %eq3A_1952 : i32 to vector<64x128xi32>
    %eq3A_1954 = arith.cmpi eq, %select_n3A_1923, %eq3A_1953 : vector<64x128xi32>
    %select_n3A_1955 = arith.select %eq3A_1954, %min3A_1692, %broadcast_in_dim3A_1699 : vector<64x128xi1>, vector<64x128xf32>
    %select_n3A_1956 = arith.select %eq3A_1954, %select_n3A_1693, %broadcast_in_dim3A_1701 : vector<64x128xi1>, vector<64x128xi32>
    %eq3A_1957 = arith.constant 2 : i32
    %eq3A_1958 = vector.broadcast %eq3A_1957 : i32 to vector<64x128xi32>
    %eq3A_1959 = arith.cmpi eq, %select_n3A_1923, %eq3A_1958 : vector<64x128xi32>
    %select_n3A_1960 = arith.select %eq3A_1959, %min3A_1687, %select_n3A_1955 : vector<64x128xi1>, vector<64x128xf32>
    %select_n3A_1961 = arith.select %eq3A_1959, %select_n3A_1688, %select_n3A_1956 : vector<64x128xi1>, vector<64x128xi32>
    %eq3A_1962 = arith.constant 1 : i32
    %eq3A_1963 = vector.broadcast %eq3A_1962 : i32 to vector<64x128xi32>
    %eq3A_1964 = arith.cmpi eq, %select_n3A_1923, %eq3A_1963 : vector<64x128xi32>
    %select_n3A_1965 = arith.select %eq3A_1964, %min3A_1682, %select_n3A_1960 : vector<64x128xi1>, vector<64x128xf32>
    %select_n3A_1966 = arith.select %eq3A_1964, %select_n3A_1683, %select_n3A_1961 : vector<64x128xi1>, vector<64x128xi32>
    %eq3A_1967 = arith.constant 0 : i32
    %eq3A_1968 = vector.broadcast %eq3A_1967 : i32 to vector<64x128xi32>
    %eq3A_1969 = arith.cmpi eq, %select_n3A_1923, %eq3A_1968 : vector<64x128xi32>
    %select_n3A_1970 = arith.select %eq3A_1969, %min3A_1677, %select_n3A_1965 : vector<64x128xi1>, vector<64x128xf32>
    %select_n3A_1971 = arith.select %eq3A_1969, %select_n3A_1678, %select_n3A_1966 : vector<64x128xi1>, vector<64x128xi32>
    %select_n3A_1972 = arith.select %eq3A_1936, %select_n3A_1970, %select_n3A_1915 : vector<64x128xi1>, vector<64x128xf32>
    %select_n3A_1973 = arith.select %eq3A_1936, %select_n3A_1971, %select_n3A_1916 : vector<64x128xi1>, vector<64x128xi32>
    %add3A_1974 = arith.constant 1 : i32
    %add3A_1975 = vector.broadcast %add3A_1974 : i32 to vector<64x128xi32>
    %add3A_1976 = arith.addi %select_n3A_1923, %add3A_1975 : vector<64x128xi32>
    %min3A_1977 = arith.constant 4 : i32
    %min3A_1978 = vector.broadcast %min3A_1977 : i32 to vector<64x128xi32>
    %min3A_1979 = arith.minsi %add3A_1976, %min3A_1978 : vector<64x128xi32>
    %select_n3A_1980 = arith.select %eq3A_1936, %min3A_1979, %select_n3A_1923 : vector<64x128xi1>, vector<64x128xi32>
    %reduce_min3A_1981 = arith.constant dense<0x7F800000> : vector<128xf32>
    %reduce_min3A_1982 = vector.multi_reduction <minimumf>, %select_n3A_1972, %reduce_min3A_1981 [0] : vector<64x128xf32> to vector<128xf32>
    %broadcast_in_dim3A_1983 = vector.shape_cast %reduce_min3A_1982 : vector<128xf32> to vector<1x128xf32>
    %le3A_1984 = vector.broadcast %broadcast_in_dim3A_1983 : vector<1x128xf32> to vector<64x128xf32>
    %le3A_1985 = arith.cmpf ole, %select_n3A_1972, %le3A_1984 : vector<64x128xf32>
    %jit3A_1986 = arith.constant 64 : i32
    %broadcast_in_dim3A_1987 = vector.broadcast %jit3A_1986 : i32 to vector<64x128xi32>
    %select_n3A_1988 = arith.select %le3A_1985, %iota3A, %broadcast_in_dim3A_1987 : vector<64x128xi1>, vector<64x128xi32>
    %reduce_min3A_1989 = arith.constant dense<2147483647> : vector<128xi32>
    %reduce_min3A_1990 = vector.multi_reduction <minsi>, %select_n3A_1988, %reduce_min3A_1989 [0] : vector<64x128xi32> to vector<128xi32>
    %broadcast_in_dim3A_1991 = vector.shape_cast %reduce_min3A_1990 : vector<128xi32> to vector<1x128xi32>
    %eq3A_1992 = vector.broadcast %broadcast_in_dim3A_1991 : vector<1x128xi32> to vector<64x128xi32>
    %eq3A_1993 = arith.cmpi eq, %iota3A, %eq3A_1992 : vector<64x128xi32>
    %eq3A_1994 = arith.constant 4 : i32
    %eq3A_1995 = vector.broadcast %eq3A_1994 : i32 to vector<64x128xi32>
    %eq3A_1996 = arith.cmpi eq, %select_n3A_1980, %eq3A_1995 : vector<64x128xi32>
    %and3A_1997 = arith.andi %eq3A_1993, %eq3A_1996 : vector<64x128xi1>
    %or3A_1998 = arith.ori %or3A_1941, %and3A_1997 : vector<64x128xi1>
    %jit3A_1999 = arith.constant 64 : i32
    %broadcast_in_dim3A_2000 = vector.broadcast %jit3A_1999 : i32 to vector<64x128xi32>
    %select_n3A_2001 = arith.select %eq3A_1993, %select_n3A_1973, %broadcast_in_dim3A_2000 : vector<64x128xi1>, vector<64x128xi32>
    %reduce_min3A_2002 = arith.constant dense<2147483647> : vector<128xi32>
    %reduce_min3A_2003 = vector.multi_reduction <minsi>, %select_n3A_2001, %reduce_min3A_2002 [0] : vector<64x128xi32> to vector<128xi32>
    %broadcast_in_dim3A_2004 = vector.shape_cast %reduce_min3A_2003 : vector<128xi32> to vector<1x128xi32>
    %mul3A_2005 = arith.constant 64 : i32
    %mul3A_2006 = vector.broadcast %mul3A_2005 : i32 to vector<1x128xi32>
    %mul3A_2007 = arith.muli %broadcast_in_dim3A_2004, %mul3A_2006 : vector<1x128xi32>
    %add3A_2008 = arith.addi %mul3A_2007, %broadcast_in_dim3A_1991 : vector<1x128xi32>
    %eq3A_2009 = arith.constant 3 : i32
    %eq3A_2010 = vector.broadcast %eq3A_2009 : i32 to vector<64x128xi32>
    %eq3A_2011 = arith.cmpi eq, %select_n3A_1980, %eq3A_2010 : vector<64x128xi32>
    %select_n3A_2012 = arith.select %eq3A_2011, %min3A_1692, %broadcast_in_dim3A_1699 : vector<64x128xi1>, vector<64x128xf32>
    %select_n3A_2013 = arith.select %eq3A_2011, %select_n3A_1693, %broadcast_in_dim3A_1701 : vector<64x128xi1>, vector<64x128xi32>
    %eq3A_2014 = arith.constant 2 : i32
    %eq3A_2015 = vector.broadcast %eq3A_2014 : i32 to vector<64x128xi32>
    %eq3A_2016 = arith.cmpi eq, %select_n3A_1980, %eq3A_2015 : vector<64x128xi32>
    %select_n3A_2017 = arith.select %eq3A_2016, %min3A_1687, %select_n3A_2012 : vector<64x128xi1>, vector<64x128xf32>
    %select_n3A_2018 = arith.select %eq3A_2016, %select_n3A_1688, %select_n3A_2013 : vector<64x128xi1>, vector<64x128xi32>
    %eq3A_2019 = arith.constant 1 : i32
    %eq3A_2020 = vector.broadcast %eq3A_2019 : i32 to vector<64x128xi32>
    %eq3A_2021 = arith.cmpi eq, %select_n3A_1980, %eq3A_2020 : vector<64x128xi32>
    %select_n3A_2022 = arith.select %eq3A_2021, %min3A_1682, %select_n3A_2017 : vector<64x128xi1>, vector<64x128xf32>
    %select_n3A_2023 = arith.select %eq3A_2021, %select_n3A_1683, %select_n3A_2018 : vector<64x128xi1>, vector<64x128xi32>
    %eq3A_2024 = arith.constant 0 : i32
    %eq3A_2025 = vector.broadcast %eq3A_2024 : i32 to vector<64x128xi32>
    %eq3A_2026 = arith.cmpi eq, %select_n3A_1980, %eq3A_2025 : vector<64x128xi32>
    %select_n3A_2027 = arith.select %eq3A_2026, %min3A_1677, %select_n3A_2022 : vector<64x128xi1>, vector<64x128xf32>
    %select_n3A_2028 = arith.select %eq3A_2026, %select_n3A_1678, %select_n3A_2023 : vector<64x128xi1>, vector<64x128xi32>
    %select_n3A_2029 = arith.select %eq3A_1993, %select_n3A_2027, %select_n3A_1972 : vector<64x128xi1>, vector<64x128xf32>
    %select_n3A_2030 = arith.select %eq3A_1993, %select_n3A_2028, %select_n3A_1973 : vector<64x128xi1>, vector<64x128xi32>
    %add3A_2031 = arith.constant 1 : i32
    %add3A_2032 = vector.broadcast %add3A_2031 : i32 to vector<64x128xi32>
    %add3A_2033 = arith.addi %select_n3A_1980, %add3A_2032 : vector<64x128xi32>
    %min3A_2034 = arith.constant 4 : i32
    %min3A_2035 = vector.broadcast %min3A_2034 : i32 to vector<64x128xi32>
    %min3A_2036 = arith.minsi %add3A_2033, %min3A_2035 : vector<64x128xi32>
    %select_n3A_2037 = arith.select %eq3A_1993, %min3A_2036, %select_n3A_1980 : vector<64x128xi1>, vector<64x128xi32>
    %reduce_min3A_2038 = arith.constant dense<0x7F800000> : vector<128xf32>
    %reduce_min3A_2039 = vector.multi_reduction <minimumf>, %select_n3A_2029, %reduce_min3A_2038 [0] : vector<64x128xf32> to vector<128xf32>
    %broadcast_in_dim3A_2040 = vector.shape_cast %reduce_min3A_2039 : vector<128xf32> to vector<1x128xf32>
    %le3A_2041 = vector.broadcast %broadcast_in_dim3A_2040 : vector<1x128xf32> to vector<64x128xf32>
    %le3A_2042 = arith.cmpf ole, %select_n3A_2029, %le3A_2041 : vector<64x128xf32>
    %jit3A_2043 = arith.constant 64 : i32
    %broadcast_in_dim3A_2044 = vector.broadcast %jit3A_2043 : i32 to vector<64x128xi32>
    %select_n3A_2045 = arith.select %le3A_2042, %iota3A, %broadcast_in_dim3A_2044 : vector<64x128xi1>, vector<64x128xi32>
    %reduce_min3A_2046 = arith.constant dense<2147483647> : vector<128xi32>
    %reduce_min3A_2047 = vector.multi_reduction <minsi>, %select_n3A_2045, %reduce_min3A_2046 [0] : vector<64x128xi32> to vector<128xi32>
    %broadcast_in_dim3A_2048 = vector.shape_cast %reduce_min3A_2047 : vector<128xi32> to vector<1x128xi32>
    %eq3A_2049 = vector.broadcast %broadcast_in_dim3A_2048 : vector<1x128xi32> to vector<64x128xi32>
    %eq3A_2050 = arith.cmpi eq, %iota3A, %eq3A_2049 : vector<64x128xi32>
    %eq3A_2051 = arith.constant 4 : i32
    %eq3A_2052 = vector.broadcast %eq3A_2051 : i32 to vector<64x128xi32>
    %eq3A_2053 = arith.cmpi eq, %select_n3A_2037, %eq3A_2052 : vector<64x128xi32>
    %and3A_2054 = arith.andi %eq3A_2050, %eq3A_2053 : vector<64x128xi1>
    %or3A_2055 = arith.ori %or3A_1998, %and3A_2054 : vector<64x128xi1>
    %jit3A_2056 = arith.constant 64 : i32
    %broadcast_in_dim3A_2057 = vector.broadcast %jit3A_2056 : i32 to vector<64x128xi32>
    %select_n3A_2058 = arith.select %eq3A_2050, %select_n3A_2030, %broadcast_in_dim3A_2057 : vector<64x128xi1>, vector<64x128xi32>
    %reduce_min3A_2059 = arith.constant dense<2147483647> : vector<128xi32>
    %reduce_min3A_2060 = vector.multi_reduction <minsi>, %select_n3A_2058, %reduce_min3A_2059 [0] : vector<64x128xi32> to vector<128xi32>
    %broadcast_in_dim3A_2061 = vector.shape_cast %reduce_min3A_2060 : vector<128xi32> to vector<1x128xi32>
    %mul3A_2062 = arith.constant 64 : i32
    %mul3A_2063 = vector.broadcast %mul3A_2062 : i32 to vector<1x128xi32>
    %mul3A_2064 = arith.muli %broadcast_in_dim3A_2061, %mul3A_2063 : vector<1x128xi32>
    %add3A_2065 = arith.addi %mul3A_2064, %broadcast_in_dim3A_2048 : vector<1x128xi32>
    %eq3A_2066 = arith.constant 3 : i32
    %eq3A_2067 = vector.broadcast %eq3A_2066 : i32 to vector<64x128xi32>
    %eq3A_2068 = arith.cmpi eq, %select_n3A_2037, %eq3A_2067 : vector<64x128xi32>
    %select_n3A_2069 = arith.select %eq3A_2068, %min3A_1692, %broadcast_in_dim3A_1699 : vector<64x128xi1>, vector<64x128xf32>
    %select_n3A_2070 = arith.select %eq3A_2068, %select_n3A_1693, %broadcast_in_dim3A_1701 : vector<64x128xi1>, vector<64x128xi32>
    %eq3A_2071 = arith.constant 2 : i32
    %eq3A_2072 = vector.broadcast %eq3A_2071 : i32 to vector<64x128xi32>
    %eq3A_2073 = arith.cmpi eq, %select_n3A_2037, %eq3A_2072 : vector<64x128xi32>
    %select_n3A_2074 = arith.select %eq3A_2073, %min3A_1687, %select_n3A_2069 : vector<64x128xi1>, vector<64x128xf32>
    %select_n3A_2075 = arith.select %eq3A_2073, %select_n3A_1688, %select_n3A_2070 : vector<64x128xi1>, vector<64x128xi32>
    %eq3A_2076 = arith.constant 1 : i32
    %eq3A_2077 = vector.broadcast %eq3A_2076 : i32 to vector<64x128xi32>
    %eq3A_2078 = arith.cmpi eq, %select_n3A_2037, %eq3A_2077 : vector<64x128xi32>
    %select_n3A_2079 = arith.select %eq3A_2078, %min3A_1682, %select_n3A_2074 : vector<64x128xi1>, vector<64x128xf32>
    %select_n3A_2080 = arith.select %eq3A_2078, %select_n3A_1683, %select_n3A_2075 : vector<64x128xi1>, vector<64x128xi32>
    %eq3A_2081 = arith.constant 0 : i32
    %eq3A_2082 = vector.broadcast %eq3A_2081 : i32 to vector<64x128xi32>
    %eq3A_2083 = arith.cmpi eq, %select_n3A_2037, %eq3A_2082 : vector<64x128xi32>
    %select_n3A_2084 = arith.select %eq3A_2083, %min3A_1677, %select_n3A_2079 : vector<64x128xi1>, vector<64x128xf32>
    %select_n3A_2085 = arith.select %eq3A_2083, %select_n3A_1678, %select_n3A_2080 : vector<64x128xi1>, vector<64x128xi32>
    %select_n3A_2086 = arith.select %eq3A_2050, %select_n3A_2084, %select_n3A_2029 : vector<64x128xi1>, vector<64x128xf32>
    %select_n3A_2087 = arith.select %eq3A_2050, %select_n3A_2085, %select_n3A_2030 : vector<64x128xi1>, vector<64x128xi32>
    %add3A_2088 = arith.constant 1 : i32
    %add3A_2089 = vector.broadcast %add3A_2088 : i32 to vector<64x128xi32>
    %add3A_2090 = arith.addi %select_n3A_2037, %add3A_2089 : vector<64x128xi32>
    %min3A_2091 = arith.constant 4 : i32
    %min3A_2092 = vector.broadcast %min3A_2091 : i32 to vector<64x128xi32>
    %min3A_2093 = arith.minsi %add3A_2090, %min3A_2092 : vector<64x128xi32>
    %select_n3A_2094 = arith.select %eq3A_2050, %min3A_2093, %select_n3A_2037 : vector<64x128xi1>, vector<64x128xi32>
    %reduce_min3A_2095 = arith.constant dense<0x7F800000> : vector<128xf32>
    %reduce_min3A_2096 = vector.multi_reduction <minimumf>, %select_n3A_2086, %reduce_min3A_2095 [0] : vector<64x128xf32> to vector<128xf32>
    %broadcast_in_dim3A_2097 = vector.shape_cast %reduce_min3A_2096 : vector<128xf32> to vector<1x128xf32>
    %le3A_2098 = vector.broadcast %broadcast_in_dim3A_2097 : vector<1x128xf32> to vector<64x128xf32>
    %le3A_2099 = arith.cmpf ole, %select_n3A_2086, %le3A_2098 : vector<64x128xf32>
    %jit3A_2100 = arith.constant 64 : i32
    %broadcast_in_dim3A_2101 = vector.broadcast %jit3A_2100 : i32 to vector<64x128xi32>
    %select_n3A_2102 = arith.select %le3A_2099, %iota3A, %broadcast_in_dim3A_2101 : vector<64x128xi1>, vector<64x128xi32>
    %reduce_min3A_2103 = arith.constant dense<2147483647> : vector<128xi32>
    %reduce_min3A_2104 = vector.multi_reduction <minsi>, %select_n3A_2102, %reduce_min3A_2103 [0] : vector<64x128xi32> to vector<128xi32>
    %broadcast_in_dim3A_2105 = vector.shape_cast %reduce_min3A_2104 : vector<128xi32> to vector<1x128xi32>
    %eq3A_2106 = vector.broadcast %broadcast_in_dim3A_2105 : vector<1x128xi32> to vector<64x128xi32>
    %eq3A_2107 = arith.cmpi eq, %iota3A, %eq3A_2106 : vector<64x128xi32>
    %eq3A_2108 = arith.constant 4 : i32
    %eq3A_2109 = vector.broadcast %eq3A_2108 : i32 to vector<64x128xi32>
    %eq3A_2110 = arith.cmpi eq, %select_n3A_2094, %eq3A_2109 : vector<64x128xi32>
    %and3A_2111 = arith.andi %eq3A_2107, %eq3A_2110 : vector<64x128xi1>
    %or3A_2112 = arith.ori %or3A_2055, %and3A_2111 : vector<64x128xi1>
    %jit3A_2113 = arith.constant 64 : i32
    %broadcast_in_dim3A_2114 = vector.broadcast %jit3A_2113 : i32 to vector<64x128xi32>
    %select_n3A_2115 = arith.select %eq3A_2107, %select_n3A_2087, %broadcast_in_dim3A_2114 : vector<64x128xi1>, vector<64x128xi32>
    %reduce_min3A_2116 = arith.constant dense<2147483647> : vector<128xi32>
    %reduce_min3A_2117 = vector.multi_reduction <minsi>, %select_n3A_2115, %reduce_min3A_2116 [0] : vector<64x128xi32> to vector<128xi32>
    %broadcast_in_dim3A_2118 = vector.shape_cast %reduce_min3A_2117 : vector<128xi32> to vector<1x128xi32>
    %mul3A_2119 = arith.constant 64 : i32
    %mul3A_2120 = vector.broadcast %mul3A_2119 : i32 to vector<1x128xi32>
    %mul3A_2121 = arith.muli %broadcast_in_dim3A_2118, %mul3A_2120 : vector<1x128xi32>
    %add3A_2122 = arith.addi %mul3A_2121, %broadcast_in_dim3A_2105 : vector<1x128xi32>
    %eq3A_2123 = arith.constant 3 : i32
    %eq3A_2124 = vector.broadcast %eq3A_2123 : i32 to vector<64x128xi32>
    %eq3A_2125 = arith.cmpi eq, %select_n3A_2094, %eq3A_2124 : vector<64x128xi32>
    %select_n3A_2126 = arith.select %eq3A_2125, %min3A_1692, %broadcast_in_dim3A_1699 : vector<64x128xi1>, vector<64x128xf32>
    %select_n3A_2127 = arith.select %eq3A_2125, %select_n3A_1693, %broadcast_in_dim3A_1701 : vector<64x128xi1>, vector<64x128xi32>
    %eq3A_2128 = arith.constant 2 : i32
    %eq3A_2129 = vector.broadcast %eq3A_2128 : i32 to vector<64x128xi32>
    %eq3A_2130 = arith.cmpi eq, %select_n3A_2094, %eq3A_2129 : vector<64x128xi32>
    %select_n3A_2131 = arith.select %eq3A_2130, %min3A_1687, %select_n3A_2126 : vector<64x128xi1>, vector<64x128xf32>
    %select_n3A_2132 = arith.select %eq3A_2130, %select_n3A_1688, %select_n3A_2127 : vector<64x128xi1>, vector<64x128xi32>
    %eq3A_2133 = arith.constant 1 : i32
    %eq3A_2134 = vector.broadcast %eq3A_2133 : i32 to vector<64x128xi32>
    %eq3A_2135 = arith.cmpi eq, %select_n3A_2094, %eq3A_2134 : vector<64x128xi32>
    %select_n3A_2136 = arith.select %eq3A_2135, %min3A_1682, %select_n3A_2131 : vector<64x128xi1>, vector<64x128xf32>
    %select_n3A_2137 = arith.select %eq3A_2135, %select_n3A_1683, %select_n3A_2132 : vector<64x128xi1>, vector<64x128xi32>
    %eq3A_2138 = arith.constant 0 : i32
    %eq3A_2139 = vector.broadcast %eq3A_2138 : i32 to vector<64x128xi32>
    %eq3A_2140 = arith.cmpi eq, %select_n3A_2094, %eq3A_2139 : vector<64x128xi32>
    %select_n3A_2141 = arith.select %eq3A_2140, %min3A_1677, %select_n3A_2136 : vector<64x128xi1>, vector<64x128xf32>
    %select_n3A_2142 = arith.select %eq3A_2140, %select_n3A_1678, %select_n3A_2137 : vector<64x128xi1>, vector<64x128xi32>
    %select_n3A_2143 = arith.select %eq3A_2107, %select_n3A_2141, %select_n3A_2086 : vector<64x128xi1>, vector<64x128xf32>
    %select_n3A_2144 = arith.select %eq3A_2107, %select_n3A_2142, %select_n3A_2087 : vector<64x128xi1>, vector<64x128xi32>
    %add3A_2145 = arith.constant 1 : i32
    %add3A_2146 = vector.broadcast %add3A_2145 : i32 to vector<64x128xi32>
    %add3A_2147 = arith.addi %select_n3A_2094, %add3A_2146 : vector<64x128xi32>
    %min3A_2148 = arith.constant 4 : i32
    %min3A_2149 = vector.broadcast %min3A_2148 : i32 to vector<64x128xi32>
    %min3A_2150 = arith.minsi %add3A_2147, %min3A_2149 : vector<64x128xi32>
    %select_n3A_2151 = arith.select %eq3A_2107, %min3A_2150, %select_n3A_2094 : vector<64x128xi1>, vector<64x128xi32>
    %reduce_min3A_2152 = arith.constant dense<0x7F800000> : vector<128xf32>
    %reduce_min3A_2153 = vector.multi_reduction <minimumf>, %select_n3A_2143, %reduce_min3A_2152 [0] : vector<64x128xf32> to vector<128xf32>
    %broadcast_in_dim3A_2154 = vector.shape_cast %reduce_min3A_2153 : vector<128xf32> to vector<1x128xf32>
    %le3A_2155 = vector.broadcast %broadcast_in_dim3A_2154 : vector<1x128xf32> to vector<64x128xf32>
    %le3A_2156 = arith.cmpf ole, %select_n3A_2143, %le3A_2155 : vector<64x128xf32>
    %jit3A_2157 = arith.constant 64 : i32
    %broadcast_in_dim3A_2158 = vector.broadcast %jit3A_2157 : i32 to vector<64x128xi32>
    %select_n3A_2159 = arith.select %le3A_2156, %iota3A, %broadcast_in_dim3A_2158 : vector<64x128xi1>, vector<64x128xi32>
    %reduce_min3A_2160 = arith.constant dense<2147483647> : vector<128xi32>
    %reduce_min3A_2161 = vector.multi_reduction <minsi>, %select_n3A_2159, %reduce_min3A_2160 [0] : vector<64x128xi32> to vector<128xi32>
    %broadcast_in_dim3A_2162 = vector.shape_cast %reduce_min3A_2161 : vector<128xi32> to vector<1x128xi32>
    %eq3A_2163 = vector.broadcast %broadcast_in_dim3A_2162 : vector<1x128xi32> to vector<64x128xi32>
    %eq3A_2164 = arith.cmpi eq, %iota3A, %eq3A_2163 : vector<64x128xi32>
    %eq3A_2165 = arith.constant 4 : i32
    %eq3A_2166 = vector.broadcast %eq3A_2165 : i32 to vector<64x128xi32>
    %eq3A_2167 = arith.cmpi eq, %select_n3A_2151, %eq3A_2166 : vector<64x128xi32>
    %and3A_2168 = arith.andi %eq3A_2164, %eq3A_2167 : vector<64x128xi1>
    %or3A_2169 = arith.ori %or3A_2112, %and3A_2168 : vector<64x128xi1>
    %jit3A_2170 = arith.constant 64 : i32
    %broadcast_in_dim3A_2171 = vector.broadcast %jit3A_2170 : i32 to vector<64x128xi32>
    %select_n3A_2172 = arith.select %eq3A_2164, %select_n3A_2144, %broadcast_in_dim3A_2171 : vector<64x128xi1>, vector<64x128xi32>
    %reduce_min3A_2173 = arith.constant dense<2147483647> : vector<128xi32>
    %reduce_min3A_2174 = vector.multi_reduction <minsi>, %select_n3A_2172, %reduce_min3A_2173 [0] : vector<64x128xi32> to vector<128xi32>
    %broadcast_in_dim3A_2175 = vector.shape_cast %reduce_min3A_2174 : vector<128xi32> to vector<1x128xi32>
    %mul3A_2176 = arith.constant 64 : i32
    %mul3A_2177 = vector.broadcast %mul3A_2176 : i32 to vector<1x128xi32>
    %mul3A_2178 = arith.muli %broadcast_in_dim3A_2175, %mul3A_2177 : vector<1x128xi32>
    %add3A_2179 = arith.addi %mul3A_2178, %broadcast_in_dim3A_2162 : vector<1x128xi32>
    %eq3A_2180 = arith.constant 3 : i32
    %eq3A_2181 = vector.broadcast %eq3A_2180 : i32 to vector<64x128xi32>
    %eq3A_2182 = arith.cmpi eq, %select_n3A_2151, %eq3A_2181 : vector<64x128xi32>
    %select_n3A_2183 = arith.select %eq3A_2182, %min3A_1692, %broadcast_in_dim3A_1699 : vector<64x128xi1>, vector<64x128xf32>
    %select_n3A_2184 = arith.select %eq3A_2182, %select_n3A_1693, %broadcast_in_dim3A_1701 : vector<64x128xi1>, vector<64x128xi32>
    %eq3A_2185 = arith.constant 2 : i32
    %eq3A_2186 = vector.broadcast %eq3A_2185 : i32 to vector<64x128xi32>
    %eq3A_2187 = arith.cmpi eq, %select_n3A_2151, %eq3A_2186 : vector<64x128xi32>
    %select_n3A_2188 = arith.select %eq3A_2187, %min3A_1687, %select_n3A_2183 : vector<64x128xi1>, vector<64x128xf32>
    %select_n3A_2189 = arith.select %eq3A_2187, %select_n3A_1688, %select_n3A_2184 : vector<64x128xi1>, vector<64x128xi32>
    %eq3A_2190 = arith.constant 1 : i32
    %eq3A_2191 = vector.broadcast %eq3A_2190 : i32 to vector<64x128xi32>
    %eq3A_2192 = arith.cmpi eq, %select_n3A_2151, %eq3A_2191 : vector<64x128xi32>
    %select_n3A_2193 = arith.select %eq3A_2192, %min3A_1682, %select_n3A_2188 : vector<64x128xi1>, vector<64x128xf32>
    %select_n3A_2194 = arith.select %eq3A_2192, %select_n3A_1683, %select_n3A_2189 : vector<64x128xi1>, vector<64x128xi32>
    %eq3A_2195 = arith.constant 0 : i32
    %eq3A_2196 = vector.broadcast %eq3A_2195 : i32 to vector<64x128xi32>
    %eq3A_2197 = arith.cmpi eq, %select_n3A_2151, %eq3A_2196 : vector<64x128xi32>
    %select_n3A_2198 = arith.select %eq3A_2197, %min3A_1677, %select_n3A_2193 : vector<64x128xi1>, vector<64x128xf32>
    %select_n3A_2199 = arith.select %eq3A_2197, %select_n3A_1678, %select_n3A_2194 : vector<64x128xi1>, vector<64x128xi32>
    %select_n3A_2200 = arith.select %eq3A_2164, %select_n3A_2198, %select_n3A_2143 : vector<64x128xi1>, vector<64x128xf32>
    %select_n3A_2201 = arith.select %eq3A_2164, %select_n3A_2199, %select_n3A_2144 : vector<64x128xi1>, vector<64x128xi32>
    %add3A_2202 = arith.constant 1 : i32
    %add3A_2203 = vector.broadcast %add3A_2202 : i32 to vector<64x128xi32>
    %add3A_2204 = arith.addi %select_n3A_2151, %add3A_2203 : vector<64x128xi32>
    %min3A_2205 = arith.constant 4 : i32
    %min3A_2206 = vector.broadcast %min3A_2205 : i32 to vector<64x128xi32>
    %min3A_2207 = arith.minsi %add3A_2204, %min3A_2206 : vector<64x128xi32>
    %select_n3A_2208 = arith.select %eq3A_2164, %min3A_2207, %select_n3A_2151 : vector<64x128xi1>, vector<64x128xi32>
    %reduce_min3A_2209 = arith.constant dense<0x7F800000> : vector<128xf32>
    %reduce_min3A_2210 = vector.multi_reduction <minimumf>, %select_n3A_2200, %reduce_min3A_2209 [0] : vector<64x128xf32> to vector<128xf32>
    %broadcast_in_dim3A_2211 = vector.shape_cast %reduce_min3A_2210 : vector<128xf32> to vector<1x128xf32>
    %le3A_2212 = vector.broadcast %broadcast_in_dim3A_2211 : vector<1x128xf32> to vector<64x128xf32>
    %le3A_2213 = arith.cmpf ole, %select_n3A_2200, %le3A_2212 : vector<64x128xf32>
    %jit3A_2214 = arith.constant 64 : i32
    %broadcast_in_dim3A_2215 = vector.broadcast %jit3A_2214 : i32 to vector<64x128xi32>
    %select_n3A_2216 = arith.select %le3A_2213, %iota3A, %broadcast_in_dim3A_2215 : vector<64x128xi1>, vector<64x128xi32>
    %reduce_min3A_2217 = arith.constant dense<2147483647> : vector<128xi32>
    %reduce_min3A_2218 = vector.multi_reduction <minsi>, %select_n3A_2216, %reduce_min3A_2217 [0] : vector<64x128xi32> to vector<128xi32>
    %broadcast_in_dim3A_2219 = vector.shape_cast %reduce_min3A_2218 : vector<128xi32> to vector<1x128xi32>
    %eq3A_2220 = vector.broadcast %broadcast_in_dim3A_2219 : vector<1x128xi32> to vector<64x128xi32>
    %eq3A_2221 = arith.cmpi eq, %iota3A, %eq3A_2220 : vector<64x128xi32>
    %eq3A_2222 = arith.constant 4 : i32
    %eq3A_2223 = vector.broadcast %eq3A_2222 : i32 to vector<64x128xi32>
    %eq3A_2224 = arith.cmpi eq, %select_n3A_2208, %eq3A_2223 : vector<64x128xi32>
    %and3A_2225 = arith.andi %eq3A_2221, %eq3A_2224 : vector<64x128xi1>
    %or3A_2226 = arith.ori %or3A_2169, %and3A_2225 : vector<64x128xi1>
    %jit3A_2227 = arith.constant 64 : i32
    %broadcast_in_dim3A_2228 = vector.broadcast %jit3A_2227 : i32 to vector<64x128xi32>
    %select_n3A_2229 = arith.select %eq3A_2221, %select_n3A_2201, %broadcast_in_dim3A_2228 : vector<64x128xi1>, vector<64x128xi32>
    %reduce_min3A_2230 = arith.constant dense<2147483647> : vector<128xi32>
    %reduce_min3A_2231 = vector.multi_reduction <minsi>, %select_n3A_2229, %reduce_min3A_2230 [0] : vector<64x128xi32> to vector<128xi32>
    %broadcast_in_dim3A_2232 = vector.shape_cast %reduce_min3A_2231 : vector<128xi32> to vector<1x128xi32>
    %mul3A_2233 = arith.constant 64 : i32
    %mul3A_2234 = vector.broadcast %mul3A_2233 : i32 to vector<1x128xi32>
    %mul3A_2235 = arith.muli %broadcast_in_dim3A_2232, %mul3A_2234 : vector<1x128xi32>
    %add3A_2236 = arith.addi %mul3A_2235, %broadcast_in_dim3A_2219 : vector<1x128xi32>
    %eq3A_2237 = arith.constant 3 : i32
    %eq3A_2238 = vector.broadcast %eq3A_2237 : i32 to vector<64x128xi32>
    %eq3A_2239 = arith.cmpi eq, %select_n3A_2208, %eq3A_2238 : vector<64x128xi32>
    %select_n3A_2240 = arith.select %eq3A_2239, %min3A_1692, %broadcast_in_dim3A_1699 : vector<64x128xi1>, vector<64x128xf32>
    %select_n3A_2241 = arith.select %eq3A_2239, %select_n3A_1693, %broadcast_in_dim3A_1701 : vector<64x128xi1>, vector<64x128xi32>
    %eq3A_2242 = arith.constant 2 : i32
    %eq3A_2243 = vector.broadcast %eq3A_2242 : i32 to vector<64x128xi32>
    %eq3A_2244 = arith.cmpi eq, %select_n3A_2208, %eq3A_2243 : vector<64x128xi32>
    %select_n3A_2245 = arith.select %eq3A_2244, %min3A_1687, %select_n3A_2240 : vector<64x128xi1>, vector<64x128xf32>
    %select_n3A_2246 = arith.select %eq3A_2244, %select_n3A_1688, %select_n3A_2241 : vector<64x128xi1>, vector<64x128xi32>
    %eq3A_2247 = arith.constant 1 : i32
    %eq3A_2248 = vector.broadcast %eq3A_2247 : i32 to vector<64x128xi32>
    %eq3A_2249 = arith.cmpi eq, %select_n3A_2208, %eq3A_2248 : vector<64x128xi32>
    %select_n3A_2250 = arith.select %eq3A_2249, %min3A_1682, %select_n3A_2245 : vector<64x128xi1>, vector<64x128xf32>
    %select_n3A_2251 = arith.select %eq3A_2249, %select_n3A_1683, %select_n3A_2246 : vector<64x128xi1>, vector<64x128xi32>
    %eq3A_2252 = arith.constant 0 : i32
    %eq3A_2253 = vector.broadcast %eq3A_2252 : i32 to vector<64x128xi32>
    %eq3A_2254 = arith.cmpi eq, %select_n3A_2208, %eq3A_2253 : vector<64x128xi32>
    %select_n3A_2255 = arith.select %eq3A_2254, %min3A_1677, %select_n3A_2250 : vector<64x128xi1>, vector<64x128xf32>
    %select_n3A_2256 = arith.select %eq3A_2254, %select_n3A_1678, %select_n3A_2251 : vector<64x128xi1>, vector<64x128xi32>
    %select_n3A_2257 = arith.select %eq3A_2221, %select_n3A_2255, %select_n3A_2200 : vector<64x128xi1>, vector<64x128xf32>
    %select_n3A_2258 = arith.select %eq3A_2221, %select_n3A_2256, %select_n3A_2201 : vector<64x128xi1>, vector<64x128xi32>
    %add3A_2259 = arith.constant 1 : i32
    %add3A_2260 = vector.broadcast %add3A_2259 : i32 to vector<64x128xi32>
    %add3A_2261 = arith.addi %select_n3A_2208, %add3A_2260 : vector<64x128xi32>
    %min3A_2262 = arith.constant 4 : i32
    %min3A_2263 = vector.broadcast %min3A_2262 : i32 to vector<64x128xi32>
    %min3A_2264 = arith.minsi %add3A_2261, %min3A_2263 : vector<64x128xi32>
    %select_n3A_2265 = arith.select %eq3A_2221, %min3A_2264, %select_n3A_2208 : vector<64x128xi1>, vector<64x128xi32>
    %reduce_min3A_2266 = arith.constant dense<0x7F800000> : vector<128xf32>
    %reduce_min3A_2267 = vector.multi_reduction <minimumf>, %select_n3A_2257, %reduce_min3A_2266 [0] : vector<64x128xf32> to vector<128xf32>
    %broadcast_in_dim3A_2268 = vector.shape_cast %reduce_min3A_2267 : vector<128xf32> to vector<1x128xf32>
    %le3A_2269 = vector.broadcast %broadcast_in_dim3A_2268 : vector<1x128xf32> to vector<64x128xf32>
    %le3A_2270 = arith.cmpf ole, %select_n3A_2257, %le3A_2269 : vector<64x128xf32>
    %jit3A_2271 = arith.constant 64 : i32
    %broadcast_in_dim3A_2272 = vector.broadcast %jit3A_2271 : i32 to vector<64x128xi32>
    %select_n3A_2273 = arith.select %le3A_2270, %iota3A, %broadcast_in_dim3A_2272 : vector<64x128xi1>, vector<64x128xi32>
    %reduce_min3A_2274 = arith.constant dense<2147483647> : vector<128xi32>
    %reduce_min3A_2275 = vector.multi_reduction <minsi>, %select_n3A_2273, %reduce_min3A_2274 [0] : vector<64x128xi32> to vector<128xi32>
    %broadcast_in_dim3A_2276 = vector.shape_cast %reduce_min3A_2275 : vector<128xi32> to vector<1x128xi32>
    %eq3A_2277 = vector.broadcast %broadcast_in_dim3A_2276 : vector<1x128xi32> to vector<64x128xi32>
    %eq3A_2278 = arith.cmpi eq, %iota3A, %eq3A_2277 : vector<64x128xi32>
    %eq3A_2279 = arith.constant 4 : i32
    %eq3A_2280 = vector.broadcast %eq3A_2279 : i32 to vector<64x128xi32>
    %eq3A_2281 = arith.cmpi eq, %select_n3A_2265, %eq3A_2280 : vector<64x128xi32>
    %and3A_2282 = arith.andi %eq3A_2278, %eq3A_2281 : vector<64x128xi1>
    %or3A_2283 = arith.ori %or3A_2226, %and3A_2282 : vector<64x128xi1>
    %jit3A_2284 = arith.constant 64 : i32
    %broadcast_in_dim3A_2285 = vector.broadcast %jit3A_2284 : i32 to vector<64x128xi32>
    %select_n3A_2286 = arith.select %eq3A_2278, %select_n3A_2258, %broadcast_in_dim3A_2285 : vector<64x128xi1>, vector<64x128xi32>
    %reduce_min3A_2287 = arith.constant dense<2147483647> : vector<128xi32>
    %reduce_min3A_2288 = vector.multi_reduction <minsi>, %select_n3A_2286, %reduce_min3A_2287 [0] : vector<64x128xi32> to vector<128xi32>
    %broadcast_in_dim3A_2289 = vector.shape_cast %reduce_min3A_2288 : vector<128xi32> to vector<1x128xi32>
    %mul3A_2290 = arith.constant 64 : i32
    %mul3A_2291 = vector.broadcast %mul3A_2290 : i32 to vector<1x128xi32>
    %mul3A_2292 = arith.muli %broadcast_in_dim3A_2289, %mul3A_2291 : vector<1x128xi32>
    %add3A_2293 = arith.addi %mul3A_2292, %broadcast_in_dim3A_2276 : vector<1x128xi32>
    %eq3A_2294 = arith.constant 3 : i32
    %eq3A_2295 = vector.broadcast %eq3A_2294 : i32 to vector<64x128xi32>
    %eq3A_2296 = arith.cmpi eq, %select_n3A_2265, %eq3A_2295 : vector<64x128xi32>
    %select_n3A_2297 = arith.select %eq3A_2296, %min3A_1692, %broadcast_in_dim3A_1699 : vector<64x128xi1>, vector<64x128xf32>
    %select_n3A_2298 = arith.select %eq3A_2296, %select_n3A_1693, %broadcast_in_dim3A_1701 : vector<64x128xi1>, vector<64x128xi32>
    %eq3A_2299 = arith.constant 2 : i32
    %eq3A_2300 = vector.broadcast %eq3A_2299 : i32 to vector<64x128xi32>
    %eq3A_2301 = arith.cmpi eq, %select_n3A_2265, %eq3A_2300 : vector<64x128xi32>
    %select_n3A_2302 = arith.select %eq3A_2301, %min3A_1687, %select_n3A_2297 : vector<64x128xi1>, vector<64x128xf32>
    %select_n3A_2303 = arith.select %eq3A_2301, %select_n3A_1688, %select_n3A_2298 : vector<64x128xi1>, vector<64x128xi32>
    %eq3A_2304 = arith.constant 1 : i32
    %eq3A_2305 = vector.broadcast %eq3A_2304 : i32 to vector<64x128xi32>
    %eq3A_2306 = arith.cmpi eq, %select_n3A_2265, %eq3A_2305 : vector<64x128xi32>
    %select_n3A_2307 = arith.select %eq3A_2306, %min3A_1682, %select_n3A_2302 : vector<64x128xi1>, vector<64x128xf32>
    %select_n3A_2308 = arith.select %eq3A_2306, %select_n3A_1683, %select_n3A_2303 : vector<64x128xi1>, vector<64x128xi32>
    %eq3A_2309 = arith.constant 0 : i32
    %eq3A_2310 = vector.broadcast %eq3A_2309 : i32 to vector<64x128xi32>
    %eq3A_2311 = arith.cmpi eq, %select_n3A_2265, %eq3A_2310 : vector<64x128xi32>
    %select_n3A_2312 = arith.select %eq3A_2311, %min3A_1677, %select_n3A_2307 : vector<64x128xi1>, vector<64x128xf32>
    %select_n3A_2313 = arith.select %eq3A_2311, %select_n3A_1678, %select_n3A_2308 : vector<64x128xi1>, vector<64x128xi32>
    %select_n3A_2314 = arith.select %eq3A_2278, %select_n3A_2312, %select_n3A_2257 : vector<64x128xi1>, vector<64x128xf32>
    %select_n3A_2315 = arith.select %eq3A_2278, %select_n3A_2313, %select_n3A_2258 : vector<64x128xi1>, vector<64x128xi32>
    %add3A_2316 = arith.constant 1 : i32
    %add3A_2317 = vector.broadcast %add3A_2316 : i32 to vector<64x128xi32>
    %add3A_2318 = arith.addi %select_n3A_2265, %add3A_2317 : vector<64x128xi32>
    %min3A_2319 = arith.constant 4 : i32
    %min3A_2320 = vector.broadcast %min3A_2319 : i32 to vector<64x128xi32>
    %min3A_2321 = arith.minsi %add3A_2318, %min3A_2320 : vector<64x128xi32>
    %select_n3A_2322 = arith.select %eq3A_2278, %min3A_2321, %select_n3A_2265 : vector<64x128xi1>, vector<64x128xi32>
    %reduce_min3A_2323 = arith.constant dense<0x7F800000> : vector<128xf32>
    %reduce_min3A_2324 = vector.multi_reduction <minimumf>, %select_n3A_2314, %reduce_min3A_2323 [0] : vector<64x128xf32> to vector<128xf32>
    %broadcast_in_dim3A_2325 = vector.shape_cast %reduce_min3A_2324 : vector<128xf32> to vector<1x128xf32>
    %le3A_2326 = vector.broadcast %broadcast_in_dim3A_2325 : vector<1x128xf32> to vector<64x128xf32>
    %le3A_2327 = arith.cmpf ole, %select_n3A_2314, %le3A_2326 : vector<64x128xf32>
    %jit3A_2328 = arith.constant 64 : i32
    %broadcast_in_dim3A_2329 = vector.broadcast %jit3A_2328 : i32 to vector<64x128xi32>
    %select_n3A_2330 = arith.select %le3A_2327, %iota3A, %broadcast_in_dim3A_2329 : vector<64x128xi1>, vector<64x128xi32>
    %reduce_min3A_2331 = arith.constant dense<2147483647> : vector<128xi32>
    %reduce_min3A_2332 = vector.multi_reduction <minsi>, %select_n3A_2330, %reduce_min3A_2331 [0] : vector<64x128xi32> to vector<128xi32>
    %broadcast_in_dim3A_2333 = vector.shape_cast %reduce_min3A_2332 : vector<128xi32> to vector<1x128xi32>
    %eq3A_2334 = vector.broadcast %broadcast_in_dim3A_2333 : vector<1x128xi32> to vector<64x128xi32>
    %eq3A_2335 = arith.cmpi eq, %iota3A, %eq3A_2334 : vector<64x128xi32>
    %eq3A_2336 = arith.constant 4 : i32
    %eq3A_2337 = vector.broadcast %eq3A_2336 : i32 to vector<64x128xi32>
    %eq3A_2338 = arith.cmpi eq, %select_n3A_2322, %eq3A_2337 : vector<64x128xi32>
    %and3A_2339 = arith.andi %eq3A_2335, %eq3A_2338 : vector<64x128xi1>
    %or3A_2340 = arith.ori %or3A_2283, %and3A_2339 : vector<64x128xi1>
    %jit3A_2341 = arith.constant 64 : i32
    %broadcast_in_dim3A_2342 = vector.broadcast %jit3A_2341 : i32 to vector<64x128xi32>
    %select_n3A_2343 = arith.select %eq3A_2335, %select_n3A_2315, %broadcast_in_dim3A_2342 : vector<64x128xi1>, vector<64x128xi32>
    %reduce_min3A_2344 = arith.constant dense<2147483647> : vector<128xi32>
    %reduce_min3A_2345 = vector.multi_reduction <minsi>, %select_n3A_2343, %reduce_min3A_2344 [0] : vector<64x128xi32> to vector<128xi32>
    %broadcast_in_dim3A_2346 = vector.shape_cast %reduce_min3A_2345 : vector<128xi32> to vector<1x128xi32>
    %mul3A_2347 = arith.constant 64 : i32
    %mul3A_2348 = vector.broadcast %mul3A_2347 : i32 to vector<1x128xi32>
    %mul3A_2349 = arith.muli %broadcast_in_dim3A_2346, %mul3A_2348 : vector<1x128xi32>
    %add3A_2350 = arith.addi %mul3A_2349, %broadcast_in_dim3A_2333 : vector<1x128xi32>
    %eq3A_2351 = arith.constant 3 : i32
    %eq3A_2352 = vector.broadcast %eq3A_2351 : i32 to vector<64x128xi32>
    %eq3A_2353 = arith.cmpi eq, %select_n3A_2322, %eq3A_2352 : vector<64x128xi32>
    %select_n3A_2354 = arith.select %eq3A_2353, %min3A_1692, %broadcast_in_dim3A_1699 : vector<64x128xi1>, vector<64x128xf32>
    %select_n3A_2355 = arith.select %eq3A_2353, %select_n3A_1693, %broadcast_in_dim3A_1701 : vector<64x128xi1>, vector<64x128xi32>
    %eq3A_2356 = arith.constant 2 : i32
    %eq3A_2357 = vector.broadcast %eq3A_2356 : i32 to vector<64x128xi32>
    %eq3A_2358 = arith.cmpi eq, %select_n3A_2322, %eq3A_2357 : vector<64x128xi32>
    %select_n3A_2359 = arith.select %eq3A_2358, %min3A_1687, %select_n3A_2354 : vector<64x128xi1>, vector<64x128xf32>
    %select_n3A_2360 = arith.select %eq3A_2358, %select_n3A_1688, %select_n3A_2355 : vector<64x128xi1>, vector<64x128xi32>
    %eq3A_2361 = arith.constant 1 : i32
    %eq3A_2362 = vector.broadcast %eq3A_2361 : i32 to vector<64x128xi32>
    %eq3A_2363 = arith.cmpi eq, %select_n3A_2322, %eq3A_2362 : vector<64x128xi32>
    %select_n3A_2364 = arith.select %eq3A_2363, %min3A_1682, %select_n3A_2359 : vector<64x128xi1>, vector<64x128xf32>
    %select_n3A_2365 = arith.select %eq3A_2363, %select_n3A_1683, %select_n3A_2360 : vector<64x128xi1>, vector<64x128xi32>
    %eq3A_2366 = arith.constant 0 : i32
    %eq3A_2367 = vector.broadcast %eq3A_2366 : i32 to vector<64x128xi32>
    %eq3A_2368 = arith.cmpi eq, %select_n3A_2322, %eq3A_2367 : vector<64x128xi32>
    %select_n3A_2369 = arith.select %eq3A_2368, %min3A_1677, %select_n3A_2364 : vector<64x128xi1>, vector<64x128xf32>
    %select_n3A_2370 = arith.select %eq3A_2368, %select_n3A_1678, %select_n3A_2365 : vector<64x128xi1>, vector<64x128xi32>
    %select_n3A_2371 = arith.select %eq3A_2335, %select_n3A_2369, %select_n3A_2314 : vector<64x128xi1>, vector<64x128xf32>
    %select_n3A_2372 = arith.select %eq3A_2335, %select_n3A_2370, %select_n3A_2315 : vector<64x128xi1>, vector<64x128xi32>
    %add3A_2373 = arith.constant 1 : i32
    %add3A_2374 = vector.broadcast %add3A_2373 : i32 to vector<64x128xi32>
    %add3A_2375 = arith.addi %select_n3A_2322, %add3A_2374 : vector<64x128xi32>
    %min3A_2376 = arith.constant 4 : i32
    %min3A_2377 = vector.broadcast %min3A_2376 : i32 to vector<64x128xi32>
    %min3A_2378 = arith.minsi %add3A_2375, %min3A_2377 : vector<64x128xi32>
    %select_n3A_2379 = arith.select %eq3A_2335, %min3A_2378, %select_n3A_2322 : vector<64x128xi1>, vector<64x128xi32>
    %reduce_min3A_2380 = arith.constant dense<0x7F800000> : vector<128xf32>
    %reduce_min3A_2381 = vector.multi_reduction <minimumf>, %select_n3A_2371, %reduce_min3A_2380 [0] : vector<64x128xf32> to vector<128xf32>
    %broadcast_in_dim3A_2382 = vector.shape_cast %reduce_min3A_2381 : vector<128xf32> to vector<1x128xf32>
    %le3A_2383 = vector.broadcast %broadcast_in_dim3A_2382 : vector<1x128xf32> to vector<64x128xf32>
    %le3A_2384 = arith.cmpf ole, %select_n3A_2371, %le3A_2383 : vector<64x128xf32>
    %jit3A_2385 = arith.constant 64 : i32
    %broadcast_in_dim3A_2386 = vector.broadcast %jit3A_2385 : i32 to vector<64x128xi32>
    %select_n3A_2387 = arith.select %le3A_2384, %iota3A, %broadcast_in_dim3A_2386 : vector<64x128xi1>, vector<64x128xi32>
    %reduce_min3A_2388 = arith.constant dense<2147483647> : vector<128xi32>
    %reduce_min3A_2389 = vector.multi_reduction <minsi>, %select_n3A_2387, %reduce_min3A_2388 [0] : vector<64x128xi32> to vector<128xi32>
    %broadcast_in_dim3A_2390 = vector.shape_cast %reduce_min3A_2389 : vector<128xi32> to vector<1x128xi32>
    %eq3A_2391 = vector.broadcast %broadcast_in_dim3A_2390 : vector<1x128xi32> to vector<64x128xi32>
    %eq3A_2392 = arith.cmpi eq, %iota3A, %eq3A_2391 : vector<64x128xi32>
    %eq3A_2393 = arith.constant 4 : i32
    %eq3A_2394 = vector.broadcast %eq3A_2393 : i32 to vector<64x128xi32>
    %eq3A_2395 = arith.cmpi eq, %select_n3A_2379, %eq3A_2394 : vector<64x128xi32>
    %and3A_2396 = arith.andi %eq3A_2392, %eq3A_2395 : vector<64x128xi1>
    %or3A_2397 = arith.ori %or3A_2340, %and3A_2396 : vector<64x128xi1>
    %jit3A_2398 = arith.constant 64 : i32
    %broadcast_in_dim3A_2399 = vector.broadcast %jit3A_2398 : i32 to vector<64x128xi32>
    %select_n3A_2400 = arith.select %eq3A_2392, %select_n3A_2372, %broadcast_in_dim3A_2399 : vector<64x128xi1>, vector<64x128xi32>
    %reduce_min3A_2401 = arith.constant dense<2147483647> : vector<128xi32>
    %reduce_min3A_2402 = vector.multi_reduction <minsi>, %select_n3A_2400, %reduce_min3A_2401 [0] : vector<64x128xi32> to vector<128xi32>
    %broadcast_in_dim3A_2403 = vector.shape_cast %reduce_min3A_2402 : vector<128xi32> to vector<1x128xi32>
    %mul3A_2404 = arith.constant 64 : i32
    %mul3A_2405 = vector.broadcast %mul3A_2404 : i32 to vector<1x128xi32>
    %mul3A_2406 = arith.muli %broadcast_in_dim3A_2403, %mul3A_2405 : vector<1x128xi32>
    %add3A_2407 = arith.addi %mul3A_2406, %broadcast_in_dim3A_2390 : vector<1x128xi32>
    %eq3A_2408 = arith.constant 3 : i32
    %eq3A_2409 = vector.broadcast %eq3A_2408 : i32 to vector<64x128xi32>
    %eq3A_2410 = arith.cmpi eq, %select_n3A_2379, %eq3A_2409 : vector<64x128xi32>
    %select_n3A_2411 = arith.select %eq3A_2410, %min3A_1692, %broadcast_in_dim3A_1699 : vector<64x128xi1>, vector<64x128xf32>
    %select_n3A_2412 = arith.select %eq3A_2410, %select_n3A_1693, %broadcast_in_dim3A_1701 : vector<64x128xi1>, vector<64x128xi32>
    %eq3A_2413 = arith.constant 2 : i32
    %eq3A_2414 = vector.broadcast %eq3A_2413 : i32 to vector<64x128xi32>
    %eq3A_2415 = arith.cmpi eq, %select_n3A_2379, %eq3A_2414 : vector<64x128xi32>
    %select_n3A_2416 = arith.select %eq3A_2415, %min3A_1687, %select_n3A_2411 : vector<64x128xi1>, vector<64x128xf32>
    %select_n3A_2417 = arith.select %eq3A_2415, %select_n3A_1688, %select_n3A_2412 : vector<64x128xi1>, vector<64x128xi32>
    %eq3A_2418 = arith.constant 1 : i32
    %eq3A_2419 = vector.broadcast %eq3A_2418 : i32 to vector<64x128xi32>
    %eq3A_2420 = arith.cmpi eq, %select_n3A_2379, %eq3A_2419 : vector<64x128xi32>
    %select_n3A_2421 = arith.select %eq3A_2420, %min3A_1682, %select_n3A_2416 : vector<64x128xi1>, vector<64x128xf32>
    %select_n3A_2422 = arith.select %eq3A_2420, %select_n3A_1683, %select_n3A_2417 : vector<64x128xi1>, vector<64x128xi32>
    %eq3A_2423 = arith.constant 0 : i32
    %eq3A_2424 = vector.broadcast %eq3A_2423 : i32 to vector<64x128xi32>
    %eq3A_2425 = arith.cmpi eq, %select_n3A_2379, %eq3A_2424 : vector<64x128xi32>
    %select_n3A_2426 = arith.select %eq3A_2425, %min3A_1677, %select_n3A_2421 : vector<64x128xi1>, vector<64x128xf32>
    %select_n3A_2427 = arith.select %eq3A_2425, %select_n3A_1678, %select_n3A_2422 : vector<64x128xi1>, vector<64x128xi32>
    %select_n3A_2428 = arith.select %eq3A_2392, %select_n3A_2426, %select_n3A_2371 : vector<64x128xi1>, vector<64x128xf32>
    %select_n3A_2429 = arith.select %eq3A_2392, %select_n3A_2427, %select_n3A_2372 : vector<64x128xi1>, vector<64x128xi32>
    %add3A_2430 = arith.constant 1 : i32
    %add3A_2431 = vector.broadcast %add3A_2430 : i32 to vector<64x128xi32>
    %add3A_2432 = arith.addi %select_n3A_2379, %add3A_2431 : vector<64x128xi32>
    %min3A_2433 = arith.constant 4 : i32
    %min3A_2434 = vector.broadcast %min3A_2433 : i32 to vector<64x128xi32>
    %min3A_2435 = arith.minsi %add3A_2432, %min3A_2434 : vector<64x128xi32>
    %select_n3A_2436 = arith.select %eq3A_2392, %min3A_2435, %select_n3A_2379 : vector<64x128xi1>, vector<64x128xi32>
    %reduce_min3A_2437 = arith.constant dense<0x7F800000> : vector<128xf32>
    %reduce_min3A_2438 = vector.multi_reduction <minimumf>, %select_n3A_2428, %reduce_min3A_2437 [0] : vector<64x128xf32> to vector<128xf32>
    %broadcast_in_dim3A_2439 = vector.shape_cast %reduce_min3A_2438 : vector<128xf32> to vector<1x128xf32>
    %le3A_2440 = vector.broadcast %broadcast_in_dim3A_2439 : vector<1x128xf32> to vector<64x128xf32>
    %le3A_2441 = arith.cmpf ole, %select_n3A_2428, %le3A_2440 : vector<64x128xf32>
    %jit3A_2442 = arith.constant 64 : i32
    %broadcast_in_dim3A_2443 = vector.broadcast %jit3A_2442 : i32 to vector<64x128xi32>
    %select_n3A_2444 = arith.select %le3A_2441, %iota3A, %broadcast_in_dim3A_2443 : vector<64x128xi1>, vector<64x128xi32>
    %reduce_min3A_2445 = arith.constant dense<2147483647> : vector<128xi32>
    %reduce_min3A_2446 = vector.multi_reduction <minsi>, %select_n3A_2444, %reduce_min3A_2445 [0] : vector<64x128xi32> to vector<128xi32>
    %broadcast_in_dim3A_2447 = vector.shape_cast %reduce_min3A_2446 : vector<128xi32> to vector<1x128xi32>
    %eq3A_2448 = vector.broadcast %broadcast_in_dim3A_2447 : vector<1x128xi32> to vector<64x128xi32>
    %eq3A_2449 = arith.cmpi eq, %iota3A, %eq3A_2448 : vector<64x128xi32>
    %eq3A_2450 = arith.constant 4 : i32
    %eq3A_2451 = vector.broadcast %eq3A_2450 : i32 to vector<64x128xi32>
    %eq3A_2452 = arith.cmpi eq, %select_n3A_2436, %eq3A_2451 : vector<64x128xi32>
    %and3A_2453 = arith.andi %eq3A_2449, %eq3A_2452 : vector<64x128xi1>
    %or3A_2454 = arith.ori %or3A_2397, %and3A_2453 : vector<64x128xi1>
    %jit3A_2455 = arith.constant 64 : i32
    %broadcast_in_dim3A_2456 = vector.broadcast %jit3A_2455 : i32 to vector<64x128xi32>
    %select_n3A_2457 = arith.select %eq3A_2449, %select_n3A_2429, %broadcast_in_dim3A_2456 : vector<64x128xi1>, vector<64x128xi32>
    %reduce_min3A_2458 = arith.constant dense<2147483647> : vector<128xi32>
    %reduce_min3A_2459 = vector.multi_reduction <minsi>, %select_n3A_2457, %reduce_min3A_2458 [0] : vector<64x128xi32> to vector<128xi32>
    %broadcast_in_dim3A_2460 = vector.shape_cast %reduce_min3A_2459 : vector<128xi32> to vector<1x128xi32>
    %mul3A_2461 = arith.constant 64 : i32
    %mul3A_2462 = vector.broadcast %mul3A_2461 : i32 to vector<1x128xi32>
    %mul3A_2463 = arith.muli %broadcast_in_dim3A_2460, %mul3A_2462 : vector<1x128xi32>
    %add3A_2464 = arith.addi %mul3A_2463, %broadcast_in_dim3A_2447 : vector<1x128xi32>
    %eq3A_2465 = arith.constant 3 : i32
    %eq3A_2466 = vector.broadcast %eq3A_2465 : i32 to vector<64x128xi32>
    %eq3A_2467 = arith.cmpi eq, %select_n3A_2436, %eq3A_2466 : vector<64x128xi32>
    %select_n3A_2468 = arith.select %eq3A_2467, %min3A_1692, %broadcast_in_dim3A_1699 : vector<64x128xi1>, vector<64x128xf32>
    %select_n3A_2469 = arith.select %eq3A_2467, %select_n3A_1693, %broadcast_in_dim3A_1701 : vector<64x128xi1>, vector<64x128xi32>
    %eq3A_2470 = arith.constant 2 : i32
    %eq3A_2471 = vector.broadcast %eq3A_2470 : i32 to vector<64x128xi32>
    %eq3A_2472 = arith.cmpi eq, %select_n3A_2436, %eq3A_2471 : vector<64x128xi32>
    %select_n3A_2473 = arith.select %eq3A_2472, %min3A_1687, %select_n3A_2468 : vector<64x128xi1>, vector<64x128xf32>
    %select_n3A_2474 = arith.select %eq3A_2472, %select_n3A_1688, %select_n3A_2469 : vector<64x128xi1>, vector<64x128xi32>
    %eq3A_2475 = arith.constant 1 : i32
    %eq3A_2476 = vector.broadcast %eq3A_2475 : i32 to vector<64x128xi32>
    %eq3A_2477 = arith.cmpi eq, %select_n3A_2436, %eq3A_2476 : vector<64x128xi32>
    %select_n3A_2478 = arith.select %eq3A_2477, %min3A_1682, %select_n3A_2473 : vector<64x128xi1>, vector<64x128xf32>
    %select_n3A_2479 = arith.select %eq3A_2477, %select_n3A_1683, %select_n3A_2474 : vector<64x128xi1>, vector<64x128xi32>
    %eq3A_2480 = arith.constant 0 : i32
    %eq3A_2481 = vector.broadcast %eq3A_2480 : i32 to vector<64x128xi32>
    %eq3A_2482 = arith.cmpi eq, %select_n3A_2436, %eq3A_2481 : vector<64x128xi32>
    %select_n3A_2483 = arith.select %eq3A_2482, %min3A_1677, %select_n3A_2478 : vector<64x128xi1>, vector<64x128xf32>
    %select_n3A_2484 = arith.select %eq3A_2482, %select_n3A_1678, %select_n3A_2479 : vector<64x128xi1>, vector<64x128xi32>
    %select_n3A_2485 = arith.select %eq3A_2449, %select_n3A_2483, %select_n3A_2428 : vector<64x128xi1>, vector<64x128xf32>
    %select_n3A_2486 = arith.select %eq3A_2449, %select_n3A_2484, %select_n3A_2429 : vector<64x128xi1>, vector<64x128xi32>
    %add3A_2487 = arith.constant 1 : i32
    %add3A_2488 = vector.broadcast %add3A_2487 : i32 to vector<64x128xi32>
    %add3A_2489 = arith.addi %select_n3A_2436, %add3A_2488 : vector<64x128xi32>
    %min3A_2490 = arith.constant 4 : i32
    %min3A_2491 = vector.broadcast %min3A_2490 : i32 to vector<64x128xi32>
    %min3A_2492 = arith.minsi %add3A_2489, %min3A_2491 : vector<64x128xi32>
    %select_n3A_2493 = arith.select %eq3A_2449, %min3A_2492, %select_n3A_2436 : vector<64x128xi1>, vector<64x128xi32>
    %reduce_min3A_2494 = arith.constant dense<0x7F800000> : vector<128xf32>
    %reduce_min3A_2495 = vector.multi_reduction <minimumf>, %select_n3A_2485, %reduce_min3A_2494 [0] : vector<64x128xf32> to vector<128xf32>
    %broadcast_in_dim3A_2496 = vector.shape_cast %reduce_min3A_2495 : vector<128xf32> to vector<1x128xf32>
    %le3A_2497 = vector.broadcast %broadcast_in_dim3A_2496 : vector<1x128xf32> to vector<64x128xf32>
    %le3A_2498 = arith.cmpf ole, %select_n3A_2485, %le3A_2497 : vector<64x128xf32>
    %jit3A_2499 = arith.constant 64 : i32
    %broadcast_in_dim3A_2500 = vector.broadcast %jit3A_2499 : i32 to vector<64x128xi32>
    %select_n3A_2501 = arith.select %le3A_2498, %iota3A, %broadcast_in_dim3A_2500 : vector<64x128xi1>, vector<64x128xi32>
    %reduce_min3A_2502 = arith.constant dense<2147483647> : vector<128xi32>
    %reduce_min3A_2503 = vector.multi_reduction <minsi>, %select_n3A_2501, %reduce_min3A_2502 [0] : vector<64x128xi32> to vector<128xi32>
    %broadcast_in_dim3A_2504 = vector.shape_cast %reduce_min3A_2503 : vector<128xi32> to vector<1x128xi32>
    %eq3A_2505 = vector.broadcast %broadcast_in_dim3A_2504 : vector<1x128xi32> to vector<64x128xi32>
    %eq3A_2506 = arith.cmpi eq, %iota3A, %eq3A_2505 : vector<64x128xi32>
    %eq3A_2507 = arith.constant 4 : i32
    %eq3A_2508 = vector.broadcast %eq3A_2507 : i32 to vector<64x128xi32>
    %eq3A_2509 = arith.cmpi eq, %select_n3A_2493, %eq3A_2508 : vector<64x128xi32>
    %and3A_2510 = arith.andi %eq3A_2506, %eq3A_2509 : vector<64x128xi1>
    %or3A_2511 = arith.ori %or3A_2454, %and3A_2510 : vector<64x128xi1>
    %jit3A_2512 = arith.constant 64 : i32
    %broadcast_in_dim3A_2513 = vector.broadcast %jit3A_2512 : i32 to vector<64x128xi32>
    %select_n3A_2514 = arith.select %eq3A_2506, %select_n3A_2486, %broadcast_in_dim3A_2513 : vector<64x128xi1>, vector<64x128xi32>
    %reduce_min3A_2515 = arith.constant dense<2147483647> : vector<128xi32>
    %reduce_min3A_2516 = vector.multi_reduction <minsi>, %select_n3A_2514, %reduce_min3A_2515 [0] : vector<64x128xi32> to vector<128xi32>
    %broadcast_in_dim3A_2517 = vector.shape_cast %reduce_min3A_2516 : vector<128xi32> to vector<1x128xi32>
    %mul3A_2518 = arith.constant 64 : i32
    %mul3A_2519 = vector.broadcast %mul3A_2518 : i32 to vector<1x128xi32>
    %mul3A_2520 = arith.muli %broadcast_in_dim3A_2517, %mul3A_2519 : vector<1x128xi32>
    %add3A_2521 = arith.addi %mul3A_2520, %broadcast_in_dim3A_2504 : vector<1x128xi32>
    %eq3A_2522 = arith.constant 3 : i32
    %eq3A_2523 = vector.broadcast %eq3A_2522 : i32 to vector<64x128xi32>
    %eq3A_2524 = arith.cmpi eq, %select_n3A_2493, %eq3A_2523 : vector<64x128xi32>
    %select_n3A_2525 = arith.select %eq3A_2524, %min3A_1692, %broadcast_in_dim3A_1699 : vector<64x128xi1>, vector<64x128xf32>
    %select_n3A_2526 = arith.select %eq3A_2524, %select_n3A_1693, %broadcast_in_dim3A_1701 : vector<64x128xi1>, vector<64x128xi32>
    %eq3A_2527 = arith.constant 2 : i32
    %eq3A_2528 = vector.broadcast %eq3A_2527 : i32 to vector<64x128xi32>
    %eq3A_2529 = arith.cmpi eq, %select_n3A_2493, %eq3A_2528 : vector<64x128xi32>
    %select_n3A_2530 = arith.select %eq3A_2529, %min3A_1687, %select_n3A_2525 : vector<64x128xi1>, vector<64x128xf32>
    %select_n3A_2531 = arith.select %eq3A_2529, %select_n3A_1688, %select_n3A_2526 : vector<64x128xi1>, vector<64x128xi32>
    %eq3A_2532 = arith.constant 1 : i32
    %eq3A_2533 = vector.broadcast %eq3A_2532 : i32 to vector<64x128xi32>
    %eq3A_2534 = arith.cmpi eq, %select_n3A_2493, %eq3A_2533 : vector<64x128xi32>
    %select_n3A_2535 = arith.select %eq3A_2534, %min3A_1682, %select_n3A_2530 : vector<64x128xi1>, vector<64x128xf32>
    %select_n3A_2536 = arith.select %eq3A_2534, %select_n3A_1683, %select_n3A_2531 : vector<64x128xi1>, vector<64x128xi32>
    %eq3A_2537 = arith.constant 0 : i32
    %eq3A_2538 = vector.broadcast %eq3A_2537 : i32 to vector<64x128xi32>
    %eq3A_2539 = arith.cmpi eq, %select_n3A_2493, %eq3A_2538 : vector<64x128xi32>
    %select_n3A_2540 = arith.select %eq3A_2539, %min3A_1677, %select_n3A_2535 : vector<64x128xi1>, vector<64x128xf32>
    %select_n3A_2541 = arith.select %eq3A_2539, %select_n3A_1678, %select_n3A_2536 : vector<64x128xi1>, vector<64x128xi32>
    %select_n3A_2542 = arith.select %eq3A_2506, %select_n3A_2540, %select_n3A_2485 : vector<64x128xi1>, vector<64x128xf32>
    %select_n3A_2543 = arith.select %eq3A_2506, %select_n3A_2541, %select_n3A_2486 : vector<64x128xi1>, vector<64x128xi32>
    %add3A_2544 = arith.constant 1 : i32
    %add3A_2545 = vector.broadcast %add3A_2544 : i32 to vector<64x128xi32>
    %add3A_2546 = arith.addi %select_n3A_2493, %add3A_2545 : vector<64x128xi32>
    %min3A_2547 = arith.constant 4 : i32
    %min3A_2548 = vector.broadcast %min3A_2547 : i32 to vector<64x128xi32>
    %min3A_2549 = arith.minsi %add3A_2546, %min3A_2548 : vector<64x128xi32>
    %select_n3A_2550 = arith.select %eq3A_2506, %min3A_2549, %select_n3A_2493 : vector<64x128xi1>, vector<64x128xi32>
    %reduce_min3A_2551 = arith.constant dense<0x7F800000> : vector<128xf32>
    %reduce_min3A_2552 = vector.multi_reduction <minimumf>, %select_n3A_2542, %reduce_min3A_2551 [0] : vector<64x128xf32> to vector<128xf32>
    %broadcast_in_dim3A_2553 = vector.shape_cast %reduce_min3A_2552 : vector<128xf32> to vector<1x128xf32>
    %le3A_2554 = vector.broadcast %broadcast_in_dim3A_2553 : vector<1x128xf32> to vector<64x128xf32>
    %le3A_2555 = arith.cmpf ole, %select_n3A_2542, %le3A_2554 : vector<64x128xf32>
    %jit3A_2556 = arith.constant 64 : i32
    %broadcast_in_dim3A_2557 = vector.broadcast %jit3A_2556 : i32 to vector<64x128xi32>
    %select_n3A_2558 = arith.select %le3A_2555, %iota3A, %broadcast_in_dim3A_2557 : vector<64x128xi1>, vector<64x128xi32>
    %reduce_min3A_2559 = arith.constant dense<2147483647> : vector<128xi32>
    %reduce_min3A_2560 = vector.multi_reduction <minsi>, %select_n3A_2558, %reduce_min3A_2559 [0] : vector<64x128xi32> to vector<128xi32>
    %broadcast_in_dim3A_2561 = vector.shape_cast %reduce_min3A_2560 : vector<128xi32> to vector<1x128xi32>
    %eq3A_2562 = vector.broadcast %broadcast_in_dim3A_2561 : vector<1x128xi32> to vector<64x128xi32>
    %eq3A_2563 = arith.cmpi eq, %iota3A, %eq3A_2562 : vector<64x128xi32>
    %eq3A_2564 = arith.constant 4 : i32
    %eq3A_2565 = vector.broadcast %eq3A_2564 : i32 to vector<64x128xi32>
    %eq3A_2566 = arith.cmpi eq, %select_n3A_2550, %eq3A_2565 : vector<64x128xi32>
    %and3A_2567 = arith.andi %eq3A_2563, %eq3A_2566 : vector<64x128xi1>
    %or3A_2568 = arith.ori %or3A_2511, %and3A_2567 : vector<64x128xi1>
    %jit3A_2569 = arith.constant 64 : i32
    %broadcast_in_dim3A_2570 = vector.broadcast %jit3A_2569 : i32 to vector<64x128xi32>
    %select_n3A_2571 = arith.select %eq3A_2563, %select_n3A_2543, %broadcast_in_dim3A_2570 : vector<64x128xi1>, vector<64x128xi32>
    %reduce_min3A_2572 = arith.constant dense<2147483647> : vector<128xi32>
    %reduce_min3A_2573 = vector.multi_reduction <minsi>, %select_n3A_2571, %reduce_min3A_2572 [0] : vector<64x128xi32> to vector<128xi32>
    %broadcast_in_dim3A_2574 = vector.shape_cast %reduce_min3A_2573 : vector<128xi32> to vector<1x128xi32>
    %mul3A_2575 = arith.constant 64 : i32
    %mul3A_2576 = vector.broadcast %mul3A_2575 : i32 to vector<1x128xi32>
    %mul3A_2577 = arith.muli %broadcast_in_dim3A_2574, %mul3A_2576 : vector<1x128xi32>
    %add3A_2578 = arith.addi %mul3A_2577, %broadcast_in_dim3A_2561 : vector<1x128xi32>
    %concatenate3A = tpu.concatenate %add3A_1723, %add3A_1780, %add3A_1837, %add3A_1894, %add3A_1951, %add3A_2008, %add3A_2065, %add3A_2122, %add3A_2179, %add3A_2236, %add3A_2293, %add3A_2350, %add3A_2407, %add3A_2464, %add3A_2521, %add3A_2578 in 0 : vector<1x128xi32>, vector<1x128xi32>, vector<1x128xi32>, vector<1x128xi32>, vector<1x128xi32>, vector<1x128xi32>, vector<1x128xi32>, vector<1x128xi32>, vector<1x128xi32>, vector<1x128xi32>, vector<1x128xi32>, vector<1x128xi32>, vector<1x128xi32>, vector<1x128xi32>, vector<1x128xi32>, vector<1x128xi32> -> vector<16x128xi32>
    %mul3A_2579 = arith.constant 4096 : i32
    %mul3A_2580 = arith.muli %arg0, %mul3A_2579 : i32
    %add3A_2581 = vector.broadcast %mul3A_2580 : i32 to vector<16x128xi32>
    %add3A_2582 = arith.addi %concatenate3A, %add3A_2581 : vector<16x128xi32>
    %swap3A = arith.constant 0 : index
    %swap3A_2583 = arith.constant 0 : index
    %swap3A_2584 = arith.constant 0 : index
    %swap3A_2585 = vector.load %arg4[%swap3A, %swap3A_2583, %swap3A_2584] : memref<1x16x128xi32, #tpu.memory_space<vmem>>, vector<1x16x128xi32>
    %swap3A_2586 = vector.shape_cast %swap3A_2585 : vector<1x16x128xi32> to vector<16x128xi32>
    %swap3A_2587 = vector.shape_cast %add3A_2582 : vector<16x128xi32> to vector<1x16x128xi32>
    tpu.vector_store %arg4[%swap3A, %swap3A_2583, %swap3A_2584], %swap3A_2587 {strides = array<i32>} : memref<1x16x128xi32, #tpu.memory_space<vmem>>, vector<1x16x128xi32>,
    %reduce_or3A = arith.constant 1.000000e+00 : f32
    %reduce_or3A_2588 = arith.constant 0.000000e+00 : f32
    %reduce_or3A_2589 = vector.broadcast %reduce_or3A : f32 to vector<64x128xf32>
    %reduce_or3A_2590 = vector.broadcast %reduce_or3A_2588 : f32 to vector<64x128xf32>
    %reduce_or3A_2591 = arith.select %or3A_2568, %reduce_or3A_2589, %reduce_or3A_2590 : vector<64x128xi1>, vector<64x128xf32>
    %reduce_or3A_2592 = vector.shape_cast %reduce_or3A_2591 : vector<64x128xf32> to vector<1x64x128xf32>
    %reduce_or3A_2593 = arith.constant dense<0xFF800000> : vector<1xf32>
    %reduce_or3A_2594 = vector.multi_reduction <maximumf>, %reduce_or3A_2592, %reduce_or3A_2593 [1, 2] : vector<1x64x128xf32> to vector<1xf32>
    %reduce_or3A_2595 = vector.shape_cast %reduce_or3A_2594 : vector<1xf32> to vector<1x1x1xf32>
    %reduce_or3A_2596 = vector.extract %reduce_or3A_2595[0, 0, 0] : f32 from vector<1x1x1xf32>
    %reduce_or3A_2597 = arith.constant 0.000000e+00 : f32
    %reduce_or3A_2598 = arith.cmpf ogt, %reduce_or3A_2596, %reduce_or3A_2597 : f32
    %convert_element_type3A = arith.extui %reduce_or3A_2598 : i1 to i32
    %cond3A = arith.constant 0x7F800000 : f32
    %cond3A_2599 = arith.constant 0 : i32
    %cond3A_2600 = arith.cmpi ne, %convert_element_type3A, %cond3A_2599 : i32
    scf.if %cond3A_2600 {
      %iota3A_2601 = tpu.iota {dimensions = array<i32: 0>} : vector<4096x128xi32>
      %reduce_min3A_2602 = arith.constant dense<0x7F800000> : vector<128xf32>
      %reduce_min3A_2603 = vector.multi_reduction <minimumf>, %add3A_14, %reduce_min3A_2602 [0] : vector<4096x128xf32> to vector<128xf32>
      %broadcast_in_dim3A_2604 = vector.shape_cast %reduce_min3A_2603 : vector<128xf32> to vector<1x128xf32>
      %le3A_2605 = vector.broadcast %broadcast_in_dim3A_2604 : vector<1x128xf32> to vector<4096x128xf32>
      %le3A_2606 = arith.cmpf ole, %add3A_14, %le3A_2605 : vector<4096x128xf32>
      %jit3A_2607 = arith.constant 4096 : i32
      %broadcast_in_dim3A_2608 = vector.broadcast %jit3A_2607 : i32 to vector<4096x128xi32>
      %select_n3A_2609 = arith.select %le3A_2606, %iota3A_2601, %broadcast_in_dim3A_2608 : vector<4096x128xi1>, vector<4096x128xi32>
      %reduce_min3A_2610 = arith.constant dense<2147483647> : vector<128xi32>
      %reduce_min3A_2611 = vector.multi_reduction <minsi>, %select_n3A_2609, %reduce_min3A_2610 [0] : vector<4096x128xi32> to vector<128xi32>
      %broadcast_in_dim3A_2612 = vector.shape_cast %reduce_min3A_2611 : vector<128xi32> to vector<1x128xi32>
      %eq3A_2613 = vector.broadcast %broadcast_in_dim3A_2612 : vector<1x128xi32> to vector<4096x128xi32>
      %eq3A_2614 = arith.cmpi eq, %iota3A_2601, %eq3A_2613 : vector<4096x128xi32>
      %broadcast_in_dim3A_2615 = vector.broadcast %cond3A : f32 to vector<4096x128xf32>
      %select_n3A_2616 = arith.select %eq3A_2614, %broadcast_in_dim3A_2615, %add3A_14 : vector<4096x128xi1>, vector<4096x128xf32>
      %reduce_min3A_2617 = arith.constant dense<0x7F800000> : vector<128xf32>
      %reduce_min3A_2618 = vector.multi_reduction <minimumf>, %select_n3A_2616, %reduce_min3A_2617 [0] : vector<4096x128xf32> to vector<128xf32>
      %broadcast_in_dim3A_2619 = vector.shape_cast %reduce_min3A_2618 : vector<128xf32> to vector<1x128xf32>
      %le3A_2620 = vector.broadcast %broadcast_in_dim3A_2619 : vector<1x128xf32> to vector<4096x128xf32>
      %le3A_2621 = arith.cmpf ole, %select_n3A_2616, %le3A_2620 : vector<4096x128xf32>
      %jit3A_2622 = arith.constant 4096 : i32
      %broadcast_in_dim3A_2623 = vector.broadcast %jit3A_2622 : i32 to vector<4096x128xi32>
      %select_n3A_2624 = arith.select %le3A_2621, %iota3A_2601, %broadcast_in_dim3A_2623 : vector<4096x128xi1>, vector<4096x128xi32>
      %reduce_min3A_2625 = arith.constant dense<2147483647> : vector<128xi32>
      %reduce_min3A_2626 = vector.multi_reduction <minsi>, %select_n3A_2624, %reduce_min3A_2625 [0] : vector<4096x128xi32> to vector<128xi32>
      %broadcast_in_dim3A_2627 = vector.shape_cast %reduce_min3A_2626 : vector<128xi32> to vector<1x128xi32>
      %eq3A_2628 = vector.broadcast %broadcast_in_dim3A_2627 : vector<1x128xi32> to vector<4096x128xi32>
      %eq3A_2629 = arith.cmpi eq, %iota3A_2601, %eq3A_2628 : vector<4096x128xi32>
      %broadcast_in_dim3A_2630 = vector.broadcast %cond3A : f32 to vector<4096x128xf32>
      %select_n3A_2631 = arith.select %eq3A_2629, %broadcast_in_dim3A_2630, %select_n3A_2616 : vector<4096x128xi1>, vector<4096x128xf32>
      %reduce_min3A_2632 = arith.constant dense<0x7F800000> : vector<128xf32>
      %reduce_min3A_2633 = vector.multi_reduction <minimumf>, %select_n3A_2631, %reduce_min3A_2632 [0] : vector<4096x128xf32> to vector<128xf32>
      %broadcast_in_dim3A_2634 = vector.shape_cast %reduce_min3A_2633 : vector<128xf32> to vector<1x128xf32>
      %le3A_2635 = vector.broadcast %broadcast_in_dim3A_2634 : vector<1x128xf32> to vector<4096x128xf32>
      %le3A_2636 = arith.cmpf ole, %select_n3A_2631, %le3A_2635 : vector<4096x128xf32>
      %jit3A_2637 = arith.constant 4096 : i32
      %broadcast_in_dim3A_2638 = vector.broadcast %jit3A_2637 : i32 to vector<4096x128xi32>
      %select_n3A_2639 = arith.select %le3A_2636, %iota3A_2601, %broadcast_in_dim3A_2638 : vector<4096x128xi1>, vector<4096x128xi32>
      %reduce_min3A_2640 = arith.constant dense<2147483647> : vector<128xi32>
      %reduce_min3A_2641 = vector.multi_reduction <minsi>, %select_n3A_2639, %reduce_min3A_2640 [0] : vector<4096x128xi32> to vector<128xi32>
      %broadcast_in_dim3A_2642 = vector.shape_cast %reduce_min3A_2641 : vector<128xi32> to vector<1x128xi32>
      %eq3A_2643 = vector.broadcast %broadcast_in_dim3A_2642 : vector<1x128xi32> to vector<4096x128xi32>
      %eq3A_2644 = arith.cmpi eq, %iota3A_2601, %eq3A_2643 : vector<4096x128xi32>
      %broadcast_in_dim3A_2645 = vector.broadcast %cond3A : f32 to vector<4096x128xf32>
      %select_n3A_2646 = arith.select %eq3A_2644, %broadcast_in_dim3A_2645, %select_n3A_2631 : vector<4096x128xi1>, vector<4096x128xf32>
      %reduce_min3A_2647 = arith.constant dense<0x7F800000> : vector<128xf32>
      %reduce_min3A_2648 = vector.multi_reduction <minimumf>, %select_n3A_2646, %reduce_min3A_2647 [0] : vector<4096x128xf32> to vector<128xf32>
      %broadcast_in_dim3A_2649 = vector.shape_cast %reduce_min3A_2648 : vector<128xf32> to vector<1x128xf32>
      %le3A_2650 = vector.broadcast %broadcast_in_dim3A_2649 : vector<1x128xf32> to vector<4096x128xf32>
      %le3A_2651 = arith.cmpf ole, %select_n3A_2646, %le3A_2650 : vector<4096x128xf32>
      %jit3A_2652 = arith.constant 4096 : i32
      %broadcast_in_dim3A_2653 = vector.broadcast %jit3A_2652 : i32 to vector<4096x128xi32>
      %select_n3A_2654 = arith.select %le3A_2651, %iota3A_2601, %broadcast_in_dim3A_2653 : vector<4096x128xi1>, vector<4096x128xi32>
      %reduce_min3A_2655 = arith.constant dense<2147483647> : vector<128xi32>
      %reduce_min3A_2656 = vector.multi_reduction <minsi>, %select_n3A_2654, %reduce_min3A_2655 [0] : vector<4096x128xi32> to vector<128xi32>
      %broadcast_in_dim3A_2657 = vector.shape_cast %reduce_min3A_2656 : vector<128xi32> to vector<1x128xi32>
      %eq3A_2658 = vector.broadcast %broadcast_in_dim3A_2657 : vector<1x128xi32> to vector<4096x128xi32>
      %eq3A_2659 = arith.cmpi eq, %iota3A_2601, %eq3A_2658 : vector<4096x128xi32>
      %broadcast_in_dim3A_2660 = vector.broadcast %cond3A : f32 to vector<4096x128xf32>
      %select_n3A_2661 = arith.select %eq3A_2659, %broadcast_in_dim3A_2660, %select_n3A_2646 : vector<4096x128xi1>, vector<4096x128xf32>
      %reduce_min3A_2662 = arith.constant dense<0x7F800000> : vector<128xf32>
      %reduce_min3A_2663 = vector.multi_reduction <minimumf>, %select_n3A_2661, %reduce_min3A_2662 [0] : vector<4096x128xf32> to vector<128xf32>
      %broadcast_in_dim3A_2664 = vector.shape_cast %reduce_min3A_2663 : vector<128xf32> to vector<1x128xf32>
      %le3A_2665 = vector.broadcast %broadcast_in_dim3A_2664 : vector<1x128xf32> to vector<4096x128xf32>
      %le3A_2666 = arith.cmpf ole, %select_n3A_2661, %le3A_2665 : vector<4096x128xf32>
      %jit3A_2667 = arith.constant 4096 : i32
      %broadcast_in_dim3A_2668 = vector.broadcast %jit3A_2667 : i32 to vector<4096x128xi32>
      %select_n3A_2669 = arith.select %le3A_2666, %iota3A_2601, %broadcast_in_dim3A_2668 : vector<4096x128xi1>, vector<4096x128xi32>
      %reduce_min3A_2670 = arith.constant dense<2147483647> : vector<128xi32>
      %reduce_min3A_2671 = vector.multi_reduction <minsi>, %select_n3A_2669, %reduce_min3A_2670 [0] : vector<4096x128xi32> to vector<128xi32>
      %broadcast_in_dim3A_2672 = vector.shape_cast %reduce_min3A_2671 : vector<128xi32> to vector<1x128xi32>
      %eq3A_2673 = vector.broadcast %broadcast_in_dim3A_2672 : vector<1x128xi32> to vector<4096x128xi32>
      %eq3A_2674 = arith.cmpi eq, %iota3A_2601, %eq3A_2673 : vector<4096x128xi32>
      %broadcast_in_dim3A_2675 = vector.broadcast %cond3A : f32 to vector<4096x128xf32>
      %select_n3A_2676 = arith.select %eq3A_2674, %broadcast_in_dim3A_2675, %select_n3A_2661 : vector<4096x128xi1>, vector<4096x128xf32>
      %reduce_min3A_2677 = arith.constant dense<0x7F800000> : vector<128xf32>
      %reduce_min3A_2678 = vector.multi_reduction <minimumf>, %select_n3A_2676, %reduce_min3A_2677 [0] : vector<4096x128xf32> to vector<128xf32>
      %broadcast_in_dim3A_2679 = vector.shape_cast %reduce_min3A_2678 : vector<128xf32> to vector<1x128xf32>
      %le3A_2680 = vector.broadcast %broadcast_in_dim3A_2679 : vector<1x128xf32> to vector<4096x128xf32>
      %le3A_2681 = arith.cmpf ole, %select_n3A_2676, %le3A_2680 : vector<4096x128xf32>
      %jit3A_2682 = arith.constant 4096 : i32
      %broadcast_in_dim3A_2683 = vector.broadcast %jit3A_2682 : i32 to vector<4096x128xi32>
      %select_n3A_2684 = arith.select %le3A_2681, %iota3A_2601, %broadcast_in_dim3A_2683 : vector<4096x128xi1>, vector<4096x128xi32>
      %reduce_min3A_2685 = arith.constant dense<2147483647> : vector<128xi32>
      %reduce_min3A_2686 = vector.multi_reduction <minsi>, %select_n3A_2684, %reduce_min3A_2685 [0] : vector<4096x128xi32> to vector<128xi32>
      %broadcast_in_dim3A_2687 = vector.shape_cast %reduce_min3A_2686 : vector<128xi32> to vector<1x128xi32>
      %eq3A_2688 = vector.broadcast %broadcast_in_dim3A_2687 : vector<1x128xi32> to vector<4096x128xi32>
      %eq3A_2689 = arith.cmpi eq, %iota3A_2601, %eq3A_2688 : vector<4096x128xi32>
      %broadcast_in_dim3A_2690 = vector.broadcast %cond3A : f32 to vector<4096x128xf32>
      %select_n3A_2691 = arith.select %eq3A_2689, %broadcast_in_dim3A_2690, %select_n3A_2676 : vector<4096x128xi1>, vector<4096x128xf32>
      %reduce_min3A_2692 = arith.constant dense<0x7F800000> : vector<128xf32>
      %reduce_min3A_2693 = vector.multi_reduction <minimumf>, %select_n3A_2691, %reduce_min3A_2692 [0] : vector<4096x128xf32> to vector<128xf32>
      %broadcast_in_dim3A_2694 = vector.shape_cast %reduce_min3A_2693 : vector<128xf32> to vector<1x128xf32>
      %le3A_2695 = vector.broadcast %broadcast_in_dim3A_2694 : vector<1x128xf32> to vector<4096x128xf32>
      %le3A_2696 = arith.cmpf ole, %select_n3A_2691, %le3A_2695 : vector<4096x128xf32>
      %jit3A_2697 = arith.constant 4096 : i32
      %broadcast_in_dim3A_2698 = vector.broadcast %jit3A_2697 : i32 to vector<4096x128xi32>
      %select_n3A_2699 = arith.select %le3A_2696, %iota3A_2601, %broadcast_in_dim3A_2698 : vector<4096x128xi1>, vector<4096x128xi32>
      %reduce_min3A_2700 = arith.constant dense<2147483647> : vector<128xi32>
      %reduce_min3A_2701 = vector.multi_reduction <minsi>, %select_n3A_2699, %reduce_min3A_2700 [0] : vector<4096x128xi32> to vector<128xi32>
      %broadcast_in_dim3A_2702 = vector.shape_cast %reduce_min3A_2701 : vector<128xi32> to vector<1x128xi32>
      %eq3A_2703 = vector.broadcast %broadcast_in_dim3A_2702 : vector<1x128xi32> to vector<4096x128xi32>
      %eq3A_2704 = arith.cmpi eq, %iota3A_2601, %eq3A_2703 : vector<4096x128xi32>
      %broadcast_in_dim3A_2705 = vector.broadcast %cond3A : f32 to vector<4096x128xf32>
      %select_n3A_2706 = arith.select %eq3A_2704, %broadcast_in_dim3A_2705, %select_n3A_2691 : vector<4096x128xi1>, vector<4096x128xf32>
      %reduce_min3A_2707 = arith.constant dense<0x7F800000> : vector<128xf32>
      %reduce_min3A_2708 = vector.multi_reduction <minimumf>, %select_n3A_2706, %reduce_min3A_2707 [0] : vector<4096x128xf32> to vector<128xf32>
      %broadcast_in_dim3A_2709 = vector.shape_cast %reduce_min3A_2708 : vector<128xf32> to vector<1x128xf32>
      %le3A_2710 = vector.broadcast %broadcast_in_dim3A_2709 : vector<1x128xf32> to vector<4096x128xf32>
      %le3A_2711 = arith.cmpf ole, %select_n3A_2706, %le3A_2710 : vector<4096x128xf32>
      %jit3A_2712 = arith.constant 4096 : i32
      %broadcast_in_dim3A_2713 = vector.broadcast %jit3A_2712 : i32 to vector<4096x128xi32>
      %select_n3A_2714 = arith.select %le3A_2711, %iota3A_2601, %broadcast_in_dim3A_2713 : vector<4096x128xi1>, vector<4096x128xi32>
      %reduce_min3A_2715 = arith.constant dense<2147483647> : vector<128xi32>
      %reduce_min3A_2716 = vector.multi_reduction <minsi>, %select_n3A_2714, %reduce_min3A_2715 [0] : vector<4096x128xi32> to vector<128xi32>
      %broadcast_in_dim3A_2717 = vector.shape_cast %reduce_min3A_2716 : vector<128xi32> to vector<1x128xi32>
      %eq3A_2718 = vector.broadcast %broadcast_in_dim3A_2717 : vector<1x128xi32> to vector<4096x128xi32>
      %eq3A_2719 = arith.cmpi eq, %iota3A_2601, %eq3A_2718 : vector<4096x128xi32>
      %broadcast_in_dim3A_2720 = vector.broadcast %cond3A : f32 to vector<4096x128xf32>
      %select_n3A_2721 = arith.select %eq3A_2719, %broadcast_in_dim3A_2720, %select_n3A_2706 : vector<4096x128xi1>, vector<4096x128xf32>
      %reduce_min3A_2722 = arith.constant dense<0x7F800000> : vector<128xf32>
      %reduce_min3A_2723 = vector.multi_reduction <minimumf>, %select_n3A_2721, %reduce_min3A_2722 [0] : vector<4096x128xf32> to vector<128xf32>
      %broadcast_in_dim3A_2724 = vector.shape_cast %reduce_min3A_2723 : vector<128xf32> to vector<1x128xf32>
      %le3A_2725 = vector.broadcast %broadcast_in_dim3A_2724 : vector<1x128xf32> to vector<4096x128xf32>
      %le3A_2726 = arith.cmpf ole, %select_n3A_2721, %le3A_2725 : vector<4096x128xf32>
      %jit3A_2727 = arith.constant 4096 : i32
      %broadcast_in_dim3A_2728 = vector.broadcast %jit3A_2727 : i32 to vector<4096x128xi32>
      %select_n3A_2729 = arith.select %le3A_2726, %iota3A_2601, %broadcast_in_dim3A_2728 : vector<4096x128xi1>, vector<4096x128xi32>
      %reduce_min3A_2730 = arith.constant dense<2147483647> : vector<128xi32>
      %reduce_min3A_2731 = vector.multi_reduction <minsi>, %select_n3A_2729, %reduce_min3A_2730 [0] : vector<4096x128xi32> to vector<128xi32>
      %broadcast_in_dim3A_2732 = vector.shape_cast %reduce_min3A_2731 : vector<128xi32> to vector<1x128xi32>
      %eq3A_2733 = vector.broadcast %broadcast_in_dim3A_2732 : vector<1x128xi32> to vector<4096x128xi32>
      %eq3A_2734 = arith.cmpi eq, %iota3A_2601, %eq3A_2733 : vector<4096x128xi32>
      %broadcast_in_dim3A_2735 = vector.broadcast %cond3A : f32 to vector<4096x128xf32>
      %select_n3A_2736 = arith.select %eq3A_2734, %broadcast_in_dim3A_2735, %select_n3A_2721 : vector<4096x128xi1>, vector<4096x128xf32>
      %reduce_min3A_2737 = arith.constant dense<0x7F800000> : vector<128xf32>
      %reduce_min3A_2738 = vector.multi_reduction <minimumf>, %select_n3A_2736, %reduce_min3A_2737 [0] : vector<4096x128xf32> to vector<128xf32>
      %broadcast_in_dim3A_2739 = vector.shape_cast %reduce_min3A_2738 : vector<128xf32> to vector<1x128xf32>
      %le3A_2740 = vector.broadcast %broadcast_in_dim3A_2739 : vector<1x128xf32> to vector<4096x128xf32>
      %le3A_2741 = arith.cmpf ole, %select_n3A_2736, %le3A_2740 : vector<4096x128xf32>
      %jit3A_2742 = arith.constant 4096 : i32
      %broadcast_in_dim3A_2743 = vector.broadcast %jit3A_2742 : i32 to vector<4096x128xi32>
      %select_n3A_2744 = arith.select %le3A_2741, %iota3A_2601, %broadcast_in_dim3A_2743 : vector<4096x128xi1>, vector<4096x128xi32>
      %reduce_min3A_2745 = arith.constant dense<2147483647> : vector<128xi32>
      %reduce_min3A_2746 = vector.multi_reduction <minsi>, %select_n3A_2744, %reduce_min3A_2745 [0] : vector<4096x128xi32> to vector<128xi32>
      %broadcast_in_dim3A_2747 = vector.shape_cast %reduce_min3A_2746 : vector<128xi32> to vector<1x128xi32>
      %eq3A_2748 = vector.broadcast %broadcast_in_dim3A_2747 : vector<1x128xi32> to vector<4096x128xi32>
      %eq3A_2749 = arith.cmpi eq, %iota3A_2601, %eq3A_2748 : vector<4096x128xi32>
      %broadcast_in_dim3A_2750 = vector.broadcast %cond3A : f32 to vector<4096x128xf32>
      %select_n3A_2751 = arith.select %eq3A_2749, %broadcast_in_dim3A_2750, %select_n3A_2736 : vector<4096x128xi1>, vector<4096x128xf32>
      %reduce_min3A_2752 = arith.constant dense<0x7F800000> : vector<128xf32>
      %reduce_min3A_2753 = vector.multi_reduction <minimumf>, %select_n3A_2751, %reduce_min3A_2752 [0] : vector<4096x128xf32> to vector<128xf32>
      %broadcast_in_dim3A_2754 = vector.shape_cast %reduce_min3A_2753 : vector<128xf32> to vector<1x128xf32>
      %le3A_2755 = vector.broadcast %broadcast_in_dim3A_2754 : vector<1x128xf32> to vector<4096x128xf32>
      %le3A_2756 = arith.cmpf ole, %select_n3A_2751, %le3A_2755 : vector<4096x128xf32>
      %jit3A_2757 = arith.constant 4096 : i32
      %broadcast_in_dim3A_2758 = vector.broadcast %jit3A_2757 : i32 to vector<4096x128xi32>
      %select_n3A_2759 = arith.select %le3A_2756, %iota3A_2601, %broadcast_in_dim3A_2758 : vector<4096x128xi1>, vector<4096x128xi32>
      %reduce_min3A_2760 = arith.constant dense<2147483647> : vector<128xi32>
      %reduce_min3A_2761 = vector.multi_reduction <minsi>, %select_n3A_2759, %reduce_min3A_2760 [0] : vector<4096x128xi32> to vector<128xi32>
      %broadcast_in_dim3A_2762 = vector.shape_cast %reduce_min3A_2761 : vector<128xi32> to vector<1x128xi32>
      %eq3A_2763 = vector.broadcast %broadcast_in_dim3A_2762 : vector<1x128xi32> to vector<4096x128xi32>
      %eq3A_2764 = arith.cmpi eq, %iota3A_2601, %eq3A_2763 : vector<4096x128xi32>
      %broadcast_in_dim3A_2765 = vector.broadcast %cond3A : f32 to vector<4096x128xf32>
      %select_n3A_2766 = arith.select %eq3A_2764, %broadcast_in_dim3A_2765, %select_n3A_2751 : vector<4096x128xi1>, vector<4096x128xf32>
      %reduce_min3A_2767 = arith.constant dense<0x7F800000> : vector<128xf32>
      %reduce_min3A_2768 = vector.multi_reduction <minimumf>, %select_n3A_2766, %reduce_min3A_2767 [0] : vector<4096x128xf32> to vector<128xf32>
      %broadcast_in_dim3A_2769 = vector.shape_cast %reduce_min3A_2768 : vector<128xf32> to vector<1x128xf32>
      %le3A_2770 = vector.broadcast %broadcast_in_dim3A_2769 : vector<1x128xf32> to vector<4096x128xf32>
      %le3A_2771 = arith.cmpf ole, %select_n3A_2766, %le3A_2770 : vector<4096x128xf32>
      %jit3A_2772 = arith.constant 4096 : i32
      %broadcast_in_dim3A_2773 = vector.broadcast %jit3A_2772 : i32 to vector<4096x128xi32>
      %select_n3A_2774 = arith.select %le3A_2771, %iota3A_2601, %broadcast_in_dim3A_2773 : vector<4096x128xi1>, vector<4096x128xi32>
      %reduce_min3A_2775 = arith.constant dense<2147483647> : vector<128xi32>
      %reduce_min3A_2776 = vector.multi_reduction <minsi>, %select_n3A_2774, %reduce_min3A_2775 [0] : vector<4096x128xi32> to vector<128xi32>
      %broadcast_in_dim3A_2777 = vector.shape_cast %reduce_min3A_2776 : vector<128xi32> to vector<1x128xi32>
      %eq3A_2778 = vector.broadcast %broadcast_in_dim3A_2777 : vector<1x128xi32> to vector<4096x128xi32>
      %eq3A_2779 = arith.cmpi eq, %iota3A_2601, %eq3A_2778 : vector<4096x128xi32>
      %broadcast_in_dim3A_2780 = vector.broadcast %cond3A : f32 to vector<4096x128xf32>
      %select_n3A_2781 = arith.select %eq3A_2779, %broadcast_in_dim3A_2780, %select_n3A_2766 : vector<4096x128xi1>, vector<4096x128xf32>
      %reduce_min3A_2782 = arith.constant dense<0x7F800000> : vector<128xf32>
      %reduce_min3A_2783 = vector.multi_reduction <minimumf>, %select_n3A_2781, %reduce_min3A_2782 [0] : vector<4096x128xf32> to vector<128xf32>
      %broadcast_in_dim3A_2784 = vector.shape_cast %reduce_min3A_2783 : vector<128xf32> to vector<1x128xf32>
      %le3A_2785 = vector.broadcast %broadcast_in_dim3A_2784 : vector<1x128xf32> to vector<4096x128xf32>
      %le3A_2786 = arith.cmpf ole, %select_n3A_2781, %le3A_2785 : vector<4096x128xf32>
      %jit3A_2787 = arith.constant 4096 : i32
      %broadcast_in_dim3A_2788 = vector.broadcast %jit3A_2787 : i32 to vector<4096x128xi32>
      %select_n3A_2789 = arith.select %le3A_2786, %iota3A_2601, %broadcast_in_dim3A_2788 : vector<4096x128xi1>, vector<4096x128xi32>
      %reduce_min3A_2790 = arith.constant dense<2147483647> : vector<128xi32>
      %reduce_min3A_2791 = vector.multi_reduction <minsi>, %select_n3A_2789, %reduce_min3A_2790 [0] : vector<4096x128xi32> to vector<128xi32>
      %broadcast_in_dim3A_2792 = vector.shape_cast %reduce_min3A_2791 : vector<128xi32> to vector<1x128xi32>
      %eq3A_2793 = vector.broadcast %broadcast_in_dim3A_2792 : vector<1x128xi32> to vector<4096x128xi32>
      %eq3A_2794 = arith.cmpi eq, %iota3A_2601, %eq3A_2793 : vector<4096x128xi32>
      %broadcast_in_dim3A_2795 = vector.broadcast %cond3A : f32 to vector<4096x128xf32>
      %select_n3A_2796 = arith.select %eq3A_2794, %broadcast_in_dim3A_2795, %select_n3A_2781 : vector<4096x128xi1>, vector<4096x128xf32>
      %reduce_min3A_2797 = arith.constant dense<0x7F800000> : vector<128xf32>
      %reduce_min3A_2798 = vector.multi_reduction <minimumf>, %select_n3A_2796, %reduce_min3A_2797 [0] : vector<4096x128xf32> to vector<128xf32>
      %broadcast_in_dim3A_2799 = vector.shape_cast %reduce_min3A_2798 : vector<128xf32> to vector<1x128xf32>
      %le3A_2800 = vector.broadcast %broadcast_in_dim3A_2799 : vector<1x128xf32> to vector<4096x128xf32>
      %le3A_2801 = arith.cmpf ole, %select_n3A_2796, %le3A_2800 : vector<4096x128xf32>
      %jit3A_2802 = arith.constant 4096 : i32
      %broadcast_in_dim3A_2803 = vector.broadcast %jit3A_2802 : i32 to vector<4096x128xi32>
      %select_n3A_2804 = arith.select %le3A_2801, %iota3A_2601, %broadcast_in_dim3A_2803 : vector<4096x128xi1>, vector<4096x128xi32>
      %reduce_min3A_2805 = arith.constant dense<2147483647> : vector<128xi32>
      %reduce_min3A_2806 = vector.multi_reduction <minsi>, %select_n3A_2804, %reduce_min3A_2805 [0] : vector<4096x128xi32> to vector<128xi32>
      %broadcast_in_dim3A_2807 = vector.shape_cast %reduce_min3A_2806 : vector<128xi32> to vector<1x128xi32>
      %eq3A_2808 = vector.broadcast %broadcast_in_dim3A_2807 : vector<1x128xi32> to vector<4096x128xi32>
      %eq3A_2809 = arith.cmpi eq, %iota3A_2601, %eq3A_2808 : vector<4096x128xi32>
      %broadcast_in_dim3A_2810 = vector.broadcast %cond3A : f32 to vector<4096x128xf32>
      %select_n3A_2811 = arith.select %eq3A_2809, %broadcast_in_dim3A_2810, %select_n3A_2796 : vector<4096x128xi1>, vector<4096x128xf32>
      %reduce_min3A_2812 = arith.constant dense<0x7F800000> : vector<128xf32>
      %reduce_min3A_2813 = vector.multi_reduction <minimumf>, %select_n3A_2811, %reduce_min3A_2812 [0] : vector<4096x128xf32> to vector<128xf32>
      %broadcast_in_dim3A_2814 = vector.shape_cast %reduce_min3A_2813 : vector<128xf32> to vector<1x128xf32>
      %le3A_2815 = vector.broadcast %broadcast_in_dim3A_2814 : vector<1x128xf32> to vector<4096x128xf32>
      %le3A_2816 = arith.cmpf ole, %select_n3A_2811, %le3A_2815 : vector<4096x128xf32>
      %jit3A_2817 = arith.constant 4096 : i32
      %broadcast_in_dim3A_2818 = vector.broadcast %jit3A_2817 : i32 to vector<4096x128xi32>
      %select_n3A_2819 = arith.select %le3A_2816, %iota3A_2601, %broadcast_in_dim3A_2818 : vector<4096x128xi1>, vector<4096x128xi32>
      %reduce_min3A_2820 = arith.constant dense<2147483647> : vector<128xi32>
      %reduce_min3A_2821 = vector.multi_reduction <minsi>, %select_n3A_2819, %reduce_min3A_2820 [0] : vector<4096x128xi32> to vector<128xi32>
      %broadcast_in_dim3A_2822 = vector.shape_cast %reduce_min3A_2821 : vector<128xi32> to vector<1x128xi32>
      %eq3A_2823 = vector.broadcast %broadcast_in_dim3A_2822 : vector<1x128xi32> to vector<4096x128xi32>
      %eq3A_2824 = arith.cmpi eq, %iota3A_2601, %eq3A_2823 : vector<4096x128xi32>
      %broadcast_in_dim3A_2825 = vector.broadcast %cond3A : f32 to vector<4096x128xf32>
      %select_n3A_2826 = arith.select %eq3A_2824, %broadcast_in_dim3A_2825, %select_n3A_2811 : vector<4096x128xi1>, vector<4096x128xf32>
      %reduce_min3A_2827 = arith.constant dense<0x7F800000> : vector<128xf32>
      %reduce_min3A_2828 = vector.multi_reduction <minimumf>, %select_n3A_2826, %reduce_min3A_2827 [0] : vector<4096x128xf32> to vector<128xf32>
      %broadcast_in_dim3A_2829 = vector.shape_cast %reduce_min3A_2828 : vector<128xf32> to vector<1x128xf32>
      %le3A_2830 = vector.broadcast %broadcast_in_dim3A_2829 : vector<1x128xf32> to vector<4096x128xf32>
      %le3A_2831 = arith.cmpf ole, %select_n3A_2826, %le3A_2830 : vector<4096x128xf32>
      %jit3A_2832 = arith.constant 4096 : i32
      %broadcast_in_dim3A_2833 = vector.broadcast %jit3A_2832 : i32 to vector<4096x128xi32>
      %select_n3A_2834 = arith.select %le3A_2831, %iota3A_2601, %broadcast_in_dim3A_2833 : vector<4096x128xi1>, vector<4096x128xi32>
      %reduce_min3A_2835 = arith.constant dense<2147483647> : vector<128xi32>
      %reduce_min3A_2836 = vector.multi_reduction <minsi>, %select_n3A_2834, %reduce_min3A_2835 [0] : vector<4096x128xi32> to vector<128xi32>
      %broadcast_in_dim3A_2837 = vector.shape_cast %reduce_min3A_2836 : vector<128xi32> to vector<1x128xi32>
      %concatenate3A_2838 = tpu.concatenate %broadcast_in_dim3A_2612, %broadcast_in_dim3A_2627, %broadcast_in_dim3A_2642, %broadcast_in_dim3A_2657, %broadcast_in_dim3A_2672, %broadcast_in_dim3A_2687, %broadcast_in_dim3A_2702, %broadcast_in_dim3A_2717, %broadcast_in_dim3A_2732, %broadcast_in_dim3A_2747, %broadcast_in_dim3A_2762, %broadcast_in_dim3A_2777, %broadcast_in_dim3A_2792, %broadcast_in_dim3A_2807, %broadcast_in_dim3A_2822, %broadcast_in_dim3A_2837 in 0 : vector<1x128xi32>, vector<1x128xi32>, vector<1x128xi32>, vector<1x128xi32>, vector<1x128xi32>, vector<1x128xi32>, vector<1x128xi32>, vector<1x128xi32>, vector<1x128xi32>, vector<1x128xi32>, vector<1x128xi32>, vector<1x128xi32>, vector<1x128xi32>, vector<1x128xi32>, vector<1x128xi32>, vector<1x128xi32> -> vector<16x128xi32>
      %mul3A_2839 = arith.constant 4096 : i32
      %mul3A_2840 = arith.muli %arg0, %mul3A_2839 : i32
      %add3A_2841 = vector.broadcast %mul3A_2840 : i32 to vector<16x128xi32>
      %add3A_2842 = arith.addi %concatenate3A_2838, %add3A_2841 : vector<16x128xi32>
      %swap3A_2843 = arith.constant 0 : index
      %swap3A_2844 = arith.constant 0 : index
      %swap3A_2845 = arith.constant 0 : index
      %swap3A_2846 = vector.load %arg4[%swap3A_2843, %swap3A_2844, %swap3A_2845] : memref<1x16x128xi32, #tpu.memory_space<vmem>>, vector<1x16x128xi32>
      %swap3A_2847 = vector.shape_cast %swap3A_2846 : vector<1x16x128xi32> to vector<16x128xi32>
      %swap3A_2848 = vector.shape_cast %add3A_2842 : vector<16x128xi32> to vector<1x16x128xi32>
      tpu.vector_store %arg4[%swap3A_2843, %swap3A_2844, %swap3A_2845], %swap3A_2848 {strides = array<i32>} : memref<1x16x128xi32, #tpu.memory_space<vmem>>, vector<1x16x128xi32>,
    } else {
    }
    return
  }
  func.func @transform_0(%arg0: i32, %arg1: i32) -> (i32, i32, i32) {
    %c0_i32 = arith.constant 0 : i32
    %c0_i32_0 = arith.constant 0 : i32
    %c0_i32_1 = arith.constant 0 : i32
    return %arg0, %c0_i32, %c0_i32_0 : i32, i32, i32
  }
  func.func @transform_1(%arg0: i32, %arg1: i32) -> (i32, i32, i32) {
    %c0_i32 = arith.constant 0 : i32
    %c0_i32_0 = arith.constant 0 : i32
    return %arg0, %c0_i32, %arg1 : i32, i32, i32
  }
  func.func @transform_2(%arg0: i32, %arg1: i32) -> (i32, i32, i32) {
    %c0_i32 = arith.constant 0 : i32
    %c0_i32_0 = arith.constant 0 : i32
    return %arg0, %c0_i32, %arg1 : i32, i32, i32
  }
}

module attributes {stable_mosaic.version = 14 : i64} {
  func.func @_mlp_body(%arg0: i32, %arg1: i32, %arg2: memref<1x16x256x64xf32, #tpu.memory_space<vmem>>, %arg3: memref<1x256x64xf32, #tpu.memory_space<vmem>>, %arg4: memref<64x128xf32, #tpu.memory_space<vmem>>, %arg5: memref<1x128xf32, #tpu.memory_space<vmem>>, %arg6: memref<1x256x128xf32, #tpu.memory_space<vmem>>) attributes {dimension_semantics = [#tpu.dimension_semantics<arbitrary>, #tpu.dimension_semantics<arbitrary>], iteration_bounds = array<i64: 1, 16>, scalar_prefetch = 0 : i64, scratch_operands = 0 : i64, tpu.core_type = #tpu.core_type<tc>, window_params = [{transform_indices = @transform_0, window_bounds = array<i64: 1, 16, 256, 64>}, {transform_indices = @transform_1, window_bounds = array<i64: 1, 256, 64>}, {pipeline_mode = #tpu.pipeline_mode<synchronous>, transform_indices = @transform_2, window_bounds = array<i64: 64, 128>}, {pipeline_mode = #tpu.pipeline_mode<synchronous>, transform_indices = @transform_3, window_bounds = array<i64: 1, 128>}, {transform_indices = @transform_4, window_bounds = array<i64: 1, 256, 128>}]} {
    %get3A = arith.constant 0 : index
    %get3A_0 = arith.constant 0 : index
    %get3A_1 = arith.constant 0 : index
    %get3A_2 = arith.constant 0 : index
    %get3A_3 = vector.load %arg2[%get3A, %get3A_0, %get3A_1, %get3A_2] : memref<1x16x256x64xf32, #tpu.memory_space<vmem>>, vector<1x16x256x64xf32>
    %get3A_4 = vector.shape_cast %get3A_3 : vector<1x16x256x64xf32> to vector<16x256x64xf32>
    %get3A_5 = arith.constant 0 : index
    %get3A_6 = arith.constant 0 : index
    %get3A_7 = arith.constant 0 : index
    %get3A_8 = vector.load %arg3[%get3A_5, %get3A_6, %get3A_7] : memref<1x256x64xf32, #tpu.memory_space<vmem>>, vector<1x256x64xf32>
    %get3A_9 = vector.shape_cast %get3A_8 : vector<1x256x64xf32> to vector<256x64xf32>
    %broadcast_in_dim3A = vector.shape_cast %get3A_9 : vector<256x64xf32> to vector<1x256x64xf32>
    %add3A = vector.broadcast %broadcast_in_dim3A : vector<1x256x64xf32> to vector<16x256x64xf32>
    %add3A_10 = arith.addf %get3A_4, %add3A : vector<16x256x64xf32>
    %max3A = arith.constant 0.000000e+00 : f32
    %max3A_11 = vector.broadcast %max3A : f32 to vector<16x256x64xf32>
    %max3A_12 = arith.maximumf %add3A_10, %max3A_11 : vector<16x256x64xf32>
    %reshape3A = vector.shape_cast %max3A_12 : vector<16x256x64xf32> to vector<4096x64xf32>
    %get3A_13 = arith.constant 0 : index
    %get3A_14 = arith.constant 0 : index
    %get3A_15 = vector.load %arg4[%get3A_13, %get3A_14] : memref<64x128xf32, #tpu.memory_space<vmem>>, vector<64x128xf32>
    %dot_general3A = arith.constant dense<0.000000e+00> : vector<4096x128xf32>
    %dot_general3A_16 = tpu.matmul %reshape3A, %get3A_15, %dot_general3A {dimension_numbers = #tpu.dot_dimension_numbers<[1], [0], [0], [1], [0, 0, 1, 1], [], []>, precision = #tpu.contract_precision<fp32>, transpose_lhs_hint = false} : vector<4096x64xf32>, vector<64x128xf32>, vector<4096x128xf32> -> vector<4096x128xf32>
    %reshape3A_17 = vector.shape_cast %dot_general3A_16 : vector<4096x128xf32> to vector<16x256x128xf32>
    %reduce_max3A = arith.constant dense<0xFF800000> : vector<256x128xf32>
    %reduce_max3A_18 = vector.multi_reduction <maximumf>, %reshape3A_17, %reduce_max3A [0] : vector<16x256x128xf32> to vector<256x128xf32>
    %get3A_19 = arith.constant 0 : index
    %get3A_20 = arith.constant 0 : index
    %get3A_21 = vector.load %arg5[%get3A_19, %get3A_20] : memref<1x128xf32, #tpu.memory_space<vmem>>, vector<1x128xf32>
    %add3A_22 = vector.broadcast %get3A_21 : vector<1x128xf32> to vector<256x128xf32>
    %add3A_23 = arith.addf %reduce_max3A_18, %add3A_22 : vector<256x128xf32>
    %swap3A = arith.constant 0 : index
    %swap3A_24 = arith.constant 0 : index
    %swap3A_25 = arith.constant 0 : index
    %swap3A_26 = vector.load %arg6[%swap3A, %swap3A_24, %swap3A_25] : memref<1x256x128xf32, #tpu.memory_space<vmem>>, vector<1x256x128xf32>
    %swap3A_27 = vector.shape_cast %swap3A_26 : vector<1x256x128xf32> to vector<256x128xf32>
    %swap3A_28 = vector.shape_cast %add3A_23 : vector<256x128xf32> to vector<1x256x128xf32>
    tpu.vector_store %arg6[%swap3A, %swap3A_24, %swap3A_25], %swap3A_28 {strides = array<i32>} : memref<1x256x128xf32, #tpu.memory_space<vmem>>, vector<1x256x128xf32>,
    return
  }
  func.func @transform_0(%arg0: i32, %arg1: i32) -> (i32, i32, i32, i32) {
    %c0_i32 = arith.constant 0 : i32
    %c0_i32_0 = arith.constant 0 : i32
    %c0_i32_1 = arith.constant 0 : i32
    return %arg0, %c0_i32, %arg1, %c0_i32_0 : i32, i32, i32, i32
  }
  func.func @transform_1(%arg0: i32, %arg1: i32) -> (i32, i32, i32) {
    %c0_i32 = arith.constant 0 : i32
    %c0_i32_0 = arith.constant 0 : i32
    return %arg0, %arg1, %c0_i32 : i32, i32, i32
  }
  func.func @transform_2(%arg0: i32, %arg1: i32) -> (i32, i32) {
    %c0_i32 = arith.constant 0 : i32
    %c0_i32_0 = arith.constant 0 : i32
    %c0_i32_1 = arith.constant 0 : i32
    return %c0_i32, %c0_i32_0 : i32, i32
  }
  func.func @transform_3(%arg0: i32, %arg1: i32) -> (i32, i32) {
    %c0_i32 = arith.constant 0 : i32
    %c0_i32_0 = arith.constant 0 : i32
    %c0_i32_1 = arith.constant 0 : i32
    return %c0_i32, %c0_i32_0 : i32, i32
  }
  func.func @transform_4(%arg0: i32, %arg1: i32) -> (i32, i32, i32) {
    %c0_i32 = arith.constant 0 : i32
    %c0_i32_0 = arith.constant 0 : i32
    return %arg0, %arg1, %c0_i32 : i32, i32, i32
  }
}

</mosaic_0001>

<sc_bundles>
// kernel: kernel.12.cloned.1.call-start
scs
__scs_entry_jumppad:
0x0: {  	(pc) =	sbr.rel $0x88, $3  }
0x1: {  	(tag) =	ssettag $0x0;
	lr =	simm.s32 $0x1  }
0x2: {  	[smem:$0x3F9B] =	sst lr;
	_ =	strace $0xD0000000  }
0x3: {  	_ = 	snop  }
0x4: {  	_ = 	snop  }
0x5: {  	_ = 	snop  }
0x6: {  	_ = 	snop  }
0x7: {  	_ = 	snop  }
__scs_overlays_trampoline_lowered:
0x8: {  	[smem:$0x3FAA] =	sst s0  }
0x9: {  	[smem:$0x3FAB] =	sst s1  }
0xa: {  	[smem:$0x3FAC] =	sst s2  }
0xb: {  	[smem:$0x3FAD] =	sst s3  }
0xc: {  	[smem:$0x3FAE] =	sst s4  }
0xd: {  	[smem:$0x3FAF] =	sst s5  }
0xe: {  	[smem:$0x3FB0] =	sst s6  }
0xf: {  	[smem:$0x3FB1] =	sst s7  }
0x10: {  	[smem:$0x3FB2] =	sst s8  }
0x11: {  	[smem:$0x3FB3] =	sst s9;
	s0 =	simm.s32 @!p0 $0x0  }
0x12: {  	s1 =	sld [smem:$0x3F99];
	s0 =	simm.s32 @p0 $0x1  }
0x13: {  	[smem:$0x3FB4] =	sst s0;
	s0 =	simm.s32 @!p1 $0x0  }
0x14: {  	s2 =	sld [smem:$0x3F98];
	s0 =	simm.s32 @p1 $0x1  }
0x15: {  	[smem:$0x3FB5] =	sst s0;
	s0 =	simm.s32 @!p2 $0x0  }
0x16: {  	s3 =	sld [smem:$0x3FDB];
	s0 =	simm.s32 @p2 $0x1  }
0x17: {  	s4 =	simm.s32 $0x1BF5;
	[smem:$0x3FB7] =	sst s0  }
0x18: {  	s0 =	sld [smem:$0x3F9A];
	_ =	swait.ge [sflag:s4], $0x0  }
0x19: {  	s7 =	sld [smem:$0x3F9B]  }
0x1a: {  	s8 =	sadd.s32 $0xFFFFE003, lr  }
0x1b: {  	s9 =	sadd.s32 $0xFFFFFEF7, lr;
	s5 =	simm.s32 $0xFFFFFFFF;
	p2 =	slt.u32 s8, $0xFFFFF086  }
0x1c: {  	p1 =	slt.u32 s9, $0xF7A;
	s5 =	simm.s32 @!p2 $0x0  }
0x1d: {  	s5 =	simm.s32 @p1 $0x1;
	p0 =	seq.s32 s7, s2  }
0x1e: {  	s7 =	smul.u32 @!p0 $0xF7A, s2;
	p2 =	seq.s32 @!p0 s5, $0x0  }
0x1f: {  	s9 =	smul.u32 $0xF7A, s1;
	s8 =	simm.s32 @!p0 $0x1BF5;
	p2 =	por !p2, p0  }
0x20: {  	[sflag:s8] =	ssyncset.s32 @!p0 $0xFFFFF086;
	s6 =	sadd.s32 @!p0 s3, s7;
	s7 =	simm.s32 @!p0 $0x108  }
0x21: {  	s3 =	sadd.s32 s3, s9;
	s6 =	sadd.s32 @!p0 $0x88, s6;
	s7 =	simm.s32 @p2 $0x1082  }
0x22: {  	[simem:s7], [sflag:s8] =	dma.local @!p0 [hbm:s6], $0xF7A  }
0x23: {  	s9 =	sor.u32 $0xD0000000, s2;
	s6 =	simm.s32 $0x108;
	_ =	swait.ge @!p0 [sflag:s8], $0x0  }
0x24: {  	s3 =	sadd.s32 $0x88, s3;
	s6 =	simm.s32 @!p1 $0x1082;
	[sflag:s4] =	ssyncset.s32 $0xFFFFF086  }
0x25: {  	[simem:s6], [sflag:s4] =	dma.local [hbm:s3], $0xF7A  }
0x26: {  	[smem:$0x3F9B] =	sst s1;
	(tag) =	ssettag s2;
	_ =	strace s9  }
0x27: {  	s1 =	sld [smem:$0x3FAB]  }
0x28: {  	s2 =	sld [smem:$0x3FAC]  }
0x29: {  	s4 =	sld [smem:$0x3FAE]  }
0x2a: {  	p0 =	seq.s32 s5, $0x0;
	s5 =	sld [smem:$0x3FAF]  }
0x2b: {  	s6 =	sld [smem:$0x3FB0]  }
0x2c: {  	s7 =	sld [smem:$0x3FB1]  }
0x2d: {  	s3 =	simm.s32 $0x108;
	s8 =	sld [smem:$0x3FB2]  }
0x2e: {  	s3 =	simm.s32 @!p0 $0x1082;
	s9 =	sld [smem:$0x3FB3]  }
0x2f: {  	lr =	sadd.s32 s0, s3;
	s0 =	sld [smem:$0x3FAA]  }
0x30: {  	s3 =	sld [smem:$0x3FAD]  }
0x31: {  	[smem:$0x3FB6] =	sst s10  }
0x32: {  	s10 =	sld [smem:$0x3FB4];
	_ =	sdelay $0x3  }
0x33: {  	p0 =	seq.s32 s10, $0x1;
	s10 =	sld [smem:$0x3FB6];
	_ =	sdelay $0x3  }
0x34: {  	[smem:$0x3FB6] =	sst s10  }
0x35: {  	s10 =	sld [smem:$0x3FB5];
	_ =	sdelay $0x3  }
0x36: {  	p1 =	seq.s32 s10, $0x1;
	s10 =	sld [smem:$0x3FB6];
	_ =	sdelay $0x3  }
0x37: {  	[smem:$0x3FB6] =	sst s10  }
0x38: {  	s10 =	sld [smem:$0x3FB7]  }
0x39: {  	_ = 	snop;
	(pc) =	sbr.ind lr, $3  }
0x3a: {  	_ = 	snop  }
0x3b: {  	_ = 	snop  }
0x3c: {  	p2 =	seq.s32 s10, $0x1;
	s10 =	sld [smem:$0x3FB6]  }
0x3d: {  	_ =	shalt  }
0x3e: {  	_ =	shalt  }
0x3f: {  	_ =	shalt  }
0x40: {  	_ =	shalt  }
0x41: {  	_ =	shalt  }
0x42: {  	_ =	shalt  }
0x43: {  	_ =	shalt  }
0x44: {  	_ =	shalt  }
0x45: {  	_ =	shalt  }
0x46: {  	_ =	shalt  }
0x47: {  	_ =	shalt  }
0x48: {  	_ =	shalt  }
0x49: {  	_ =	shalt  }
0x4a: {  	_ =	shalt  }
0x4b: {  	_ =	shalt  }
0x4c: {  	_ =	shalt  }
0x4d: {  	_ =	shalt  }
0x4e: {  	_ =	shalt  }
0x4f: {  	_ =	shalt  }
0x50: {  	_ =	shalt  }
0x51: {  	_ =	shalt  }
0x52: {  	_ =	shalt  }
0x53: {  	_ =	shalt  }
0x54: {  	_ =	shalt  }
0x55: {  	_ =	shalt  }
0x56: {  	_ =	shalt  }
0x57: {  	_ =	shalt  }
0x58: {  	_ =	shalt  }
0x59: {  	_ =	shalt  }
0x5a: {  	_ =	shalt  }
0x5b: {  	_ =	shalt  }
0x5c: {  	_ =	shalt  }
0x5d: {  	_ =	shalt  }
0x5e: {  	_ =	shalt  }
0x5f: {  	_ =	shalt  }
0x60: {  	_ =	shalt  }
0x61: {  	_ =	shalt  }
0x62: {  	_ =	shalt  }
0x63: {  	_ =	shalt  }
0x64: {  	_ =	shalt  }
0x65: {  	_ =	shalt  }
0x66: {  	_ =	shalt  }
0x67: {  	_ =	shalt  }
0x68: {  	_ =	shalt  }
0x69: {  	_ =	shalt  }
0x6a: {  	_ =	shalt  }
0x6b: {  	_ =	shalt  }
0x6c: {  	_ =	shalt  }
0x6d: {  	_ =	shalt  }
0x6e: {  	_ =	shalt  }
0x6f: {  	_ =	shalt  }
0x70: {  	_ =	shalt  }
0x71: {  	_ =	shalt  }
0x72: {  	_ =	shalt  }
0x73: {  	_ =	shalt  }
0x74: {  	_ =	shalt  }
0x75: {  	_ =	shalt  }
0x76: {  	_ =	shalt  }
0x77: {  	_ =	shalt  }
0x78: {  	_ =	shalt  }
0x79: {  	_ =	shalt  }
0x7a: {  	_ =	shalt  }
0x7b: {  	_ =	shalt  }
0x7c: {  	_ =	shalt  }
0x7d: {  	_ =	shalt  }
0x7e: {  	_ =	shalt  }
0x7f: {  	_ =	shalt  }
0x80: {  	_ =	shalt  }
0x81: {  	_ =	shalt  }
0x82: {  	_ =	shalt  }
0x83: {  	_ =	shalt  }
0x84: {  	_ =	shalt  }
0x85: {  	_ =	shalt  }
0x86: {  	_ =	shalt  }
0x87: {  	_ =	shalt  }
.Lfunc_end0:
.L_simem_size_0:
called_computation.1_lowered:
.L_overlay_start_0:
0x88: {  	s2 =	sld [smem:$0x3FD9]  }
0x89: {  	s3 =	sld [smem:$0x3FFE];
	_ =	sdelay $0x1  }
0x8a: {  	s1 =	srdreg.scid  }
0x8b: {  	s0 =	sand.u32 $0x1, s1  }
0x8c: {  	s17 =	sshll.u32 s0, $0xA;
	s2 =	sadd.s32 s3, s2  }
0x8d: {  	s2 =	sadd.s32 s2, s17  }
0x8e: {  	[smem:$0x3FC2] =	sst s2  }
0x8f: {  	_ = 	snop  }
0x90: {  	s2 =	sld [smem:$0x3FD0];
	(tm) =	ssettm $0x1  }
0x91: {  	s18 =	sld [smem:$0x3FFB];
	_ =	sdelay $0x3  }
0x92: {  	_ =	strace s18  }
0x93: {  	s3 =	sld [smem:$0x3FFC];
	_ =	sdelay $0x3  }
0x94: {  	_ =	strace s3  }
0x95: {  	s3 =	sld [smem:$0x3FFD];
	_ =	sdelay $0x3  }
0x96: {  	_ =	strace s3  }
0x97: {  	_ =	strace $0x8FFFFFFF  }
0x98: {  	s19 =	sld [smem:$0x3FDB];
	_ =	sdelay $0x1  }
0x99: {  	s4 =	simm.s32 $_scs_section_size  }
0x9a: {  	s5 =	simm.s32 $_size__tile_overlayer_lowered;
	s6 =	simm.s32 $_tile_overlayer_lowered  }
0x9b: {  	s22 =	simm.s32 $0x1BFF;
	s21 =	sshll.u32 s6, $0x1;
	s3 =	sadd.s32 s4, s19  }
0x9c: {  	s7 =	simm.s32 $0x0;
	s20 =	sshll.u32 s5, $0x1;
	s5 =	sadd.s32 s21, s3  }
0x9d: {  	[timem:s7], [sflag:s22] =	dma.local [hbm:s5], s20  }
0x9e: {  	_ =	swait.ge [sflag:s22], s20  }
0x9f: {  	s4 =	ssub.s32 $0x0, s20;
	[sflag:s22] =	ssyncset.done $0x0  }
0xa0: {  	[sflag:s22] =	ssyncadd.s32 s4;
	_ =	sdelay $0x1  }
0xa1: {  	s23 =	simm.s32 $0x1B8B  }
0xa2: {  	_ =	swait.ge [sflag:s23], $0x1  }
0xa3: {  	[sflag:s23] =	ssyncset.done $0x0  }
0xa4: {  	s25 =	simm.s32 $0x1B8E;
	s24 =	sld [smem:$0x3FFE];
	[sflag:s23] =	ssyncadd.s32 $0xFFFFFFFF  }
0xa5: {  	s26 =	simm.s32 $execute0_lowered;
	[smem:$0x3FD2] =	sst s25  }
0xa6: {  	s5 =	sshll.u32 s26, $0x1;
	_ =	strace $0x80000046;
	[dreg:$0x1] =	wrdreg $0xFFFFFFFF  }
0xa7: {  	s28 =	simm.s32 $_size_execute0_lowered;
	s3 =	sadd.s32 s3, s5;
	[dreg:$0x0] =	wrdreg $0x0  }
0xa8: {  	s5 =	sshll.u32 s28, $0x1;
	[dreg:$0x2] =	wrdreg s3  }
0xa9: {  	[dreg:$0x3] =	wrdreg s5  }
0xaa: {  	[dreg:$0x4] =	wrdreg $0xC0  }
0xab: {  	_ =	task [dreg:s7], $0x5FFFF  }
0xac: {  	[dreg:$0x1] =	wrdreg $0xFFFFFFFF  }
0xad: {  	[dreg:$0x0] =	wrdreg $0x60  }
0xae: {  	[dreg:$0x2] =	wrdreg s2  }
0xaf: {  	[dreg:$0x3] =	wrdreg s24  }
0xb0: {  	[dreg:$0x4] =	wrdreg $0xA  }
0xb1: {  	_ =	task.clear_ibuf [dreg:s7], $0x5FFFF;
	_ =	strace $0x90000046  }
0xb2: {  	s29 =	simm.s32 $0xA;
	_ =	strace $0x80000048  }
0xb3: {  	_ =	swait.ge [sflag:s29], $0x1  }
0xb4: {  	[sflag:s29] =	ssyncadd.s32 $0xFFFFFFFF  }
0xb5: {  	_ =	strace $0x90000048  }
0xb6: {  	_ =	sfence  }
0xb7: {  	s30 =	sld [smem:$0x0];
	_ =	sdelay $0x2  }
0xb8: {  	s31 =	sshll.u32 s1, $0xD;
	s1 =	sshrl.u32 s1, $0x2  }
0xb9: {  	s3 =	sand.u32 $0x4000, s31;
	s1 =	sadd.s32 s1, s30  }
0xba: {  	s0 =	sor.u32 s3, s0;
	s1 =	sshll.u32 s1, $0x11  }
0xbb: {  	s0 =	sor.u32 s1, s0  }
0xbc: {  	s0 =	sadd.s32 $0x8F2B, s0  }
0xbd: {  	[sflag:s0] =	ssyncadd.remote.s32 $0x1  }
0xbe: {  	_ =	sfence.sel $0xFFFF  }
0xbf: {  	[dreg:$0x0] =	wrdreg $0xFFFFFFFF;
	(pc) =	sbr.abs _section_cstart, $3  }
0xc0: {  	[dreg:$0x1] =	wrdreg $0xFFFFFFFF  }
0xc1: {  	_ =	task.clear_ibuf [dreg:s7], $0x2FFFF;
	_ =	strace $0x9FFFFFFF  }
0xc2: {  	(tm) =	ssettm $0x7FFFFFFF  }
0xc3: {  	_ =	shalt  }
tec
execute0_lowered:
.L_overlay_start_1:
0x0: {  	(tag) =	ssettag $0x1  }
0x1: {  	s1 =	rddreg [dreg:$0x0]  }
0x2: {  	s4 =	rddreg [dreg:$0x1]  }
0x3: {  	s0 =	rddreg [dreg:$0x2];
	s5 =	srdreg.scid  }
0x4: {  	s3 =	simm.s32 $0x0;
	s2 =	stileid.u32;
	s10 =	simm.s32 $0x0  }
0x5: {  	s5 =	sand.u32 $0x1, s5;
	[smem:$0x7FF] =	sst s3;
	s6 =	sshll.u32 s2, $0xC  }
0x6: {  	s8 =	sshll.u32 s2, $0xF;
	s7 =	sshll.u32 s5, $0xB;
	_ =	strace $0x80000047  }
0x7: {  	s31 =	ssub.s32 $0x2, s5;
	s8 =	sadd.s32 s8, s4;
	s5 =	sshll.u32 s5, $0xE  }
0x8: {  	s6 =	sor.u32 s7, s6;
	s9 =	sshrl.u32 s31, $0x1;
	s5 =	sadd.s32 s5, s8  }
0x9: {  	s8 =	simm.s32 $0x80;
	s6 =	sshrl.u32 s6, $0x3;
	s7 =	ssub.s32 s31, s9  }
0xa: {  	s5 =	sadd.s32 $0x3A00, s5;
	s9 =	simm.s32 $0x1;
	s6 =	sadd.s32 s6, s4  }
0xb: {  	s4 =	smax.u32 s7, $0x1;
	s7 =	simm.s32 $0x2;
	s6 =	sadd.s32 $0x1A00, s6  }
.LBB2_1:
0xc: {  	s11 =	sadd.s32 $0x0, s6  }
0xd: {  	[tilespmem:s3], [sflag:$0x2] =	stream.linear.gather [hbm4b:s11+s3], $0x80, $0x38;
	[tilespmem:$0x2080] =	vst v63  }
0xe: {  	_ =	swait.ge [sflag:s7], $0x80  }
0xf: {  	[sflag:s7] =	ssyncset.done $0x0  }
0x10: {  	[sflag:s7] =	ssyncadd.s32 $0xFFFFFF80  }
0x11: {  	[tilespmem:s8], [sflag:$0x1] =	stream.indirect.gather [hbm4b:s1+s8], $0x40, s3, s8, $0xb8;
	[tilespmem:$0x2080] =	vst v63  }
0x12: {  	_ =	swait.ge [sflag:s9], $0x2000  }
0x13: {  	[sflag:s9] =	ssyncset.done $0x0  }
0x14: {  	[sflag:s9] =	ssyncadd.s32 $0xFFFFE000  }
0x15: {  	[hbm4b:s5+s3] =	stream.linear.scatter [tilespmem:s8], [sflag:$0x2], $0x2000, $0x38;
	[tilespmem:$0x2080] =	vst v63  }
0x16: {  	s12 =	simm.s32 $0x10;
	_ =	swait.ge [sflag:s7], $0x2000  }
0x17: {  	s13 =	simm.s32 $0x20;
	s11 =	sadd.s32 $0x400, s5;
	[sflag:s7] =	ssyncset.done $0x0  }
.LBB2_2:
0x18: {  	s14 =	sadd.s32 s12, s6  }
0x19: {  	[sflag:s7] =	ssyncadd.s32 $0xFFFFE000;
	s12 =	smov.u32 s13;
	s15 =	sadd.s32 $0x10, s13  }
0x1a: {  	[tilespmem:s3], [sflag:$0x2] =	stream.linear.gather [hbm4b:s14+s3], $0x80, $0x38;
	[tilespmem:$0x2080] =	vst v63  }
0x1b: {  	p0 =	sne.s32 s13, $0xF0;
	_ =	swait.ge [sflag:s7], $0x80  }
0x1c: {  	[sflag:s7] =	ssyncset.done $0x0  }
0x1d: {  	[sflag:s7] =	ssyncadd.s32 $0xFFFFFF80  }
0x1e: {  	[tilespmem:s8], [sflag:$0x1] =	stream.indirect.gather [hbm4b:s1+s8], $0x40, s3, s8, $0xb8;
	[tilespmem:$0x2080] =	vst v63  }
0x1f: {  	_ =	swait.ge [sflag:s9], $0x2000  }
.Ltmp0:
0x20: {  	[sflag:s9] =	ssyncset.done $0x0;
	(pc) =	sbr.rel @p0 .LBB2_2-.Ltmp0, $4  }
0x21: {  	[sflag:s9] =	ssyncadd.s32 $0xFFFFE000  }
0x22: {  	[hbm4b:s11+s3] =	stream.linear.scatter [tilespmem:s8], [sflag:$0x2], $0x2000, $0x38;
	[tilespmem:$0x2080] =	vst v63  }
0x23: {  	_ =	swait.ge [sflag:s7], $0x2000  }
0x24: {  	s13 =	smov.u32 s15;
	s11 =	sadd.s32 $0x400, s11;
	[sflag:s7] =	ssyncset.done $0x0  }
0x25: {  	s12 =	sadd.s32 s12, s6;
	[sflag:s7] =	ssyncadd.s32 $0xFFFFE000  }
0x26: {  	[tilespmem:s3], [sflag:$0x2] =	stream.linear.gather [hbm4b:s12+s3], $0x80, $0x38;
	[tilespmem:$0x2080] =	vst v63  }
0x27: {  	_ =	swait.ge [sflag:s7], $0x80  }
0x28: {  	[sflag:s7] =	ssyncset.done $0x0  }
0x29: {  	[sflag:s7] =	ssyncadd.s32 $0xFFFFFF80  }
0x2a: {  	[tilespmem:s8], [sflag:$0x1] =	stream.indirect.gather [hbm4b:s1+s8], $0x40, s3, s8, $0xb8;
	[tilespmem:$0x2080] =	vst v63  }
0x2b: {  	s10 =	sadd.s32 $0x1, s10;
	_ =	swait.ge [sflag:s9], $0x2000  }
0x2c: {  	p0 =	sne.s32 s10, s4;
	[sflag:s9] =	ssyncset.done $0x0  }
.Ltmp1:
0x2d: {  	[sflag:s9] =	ssyncadd.s32 $0xFFFFE000;
	(pc) =	sbr.rel @p0 .LBB2_1-.Ltmp1, $4  }
0x2e: {  	[hbm4b:s11+s3] =	stream.linear.scatter [tilespmem:s8], [sflag:$0x2], $0x2000, $0x38;
	[tilespmem:$0x2080] =	vst v63  }
0x2f: {  	_ =	swait.ge [sflag:s7], $0x2000  }
0x30: {  	[sflag:s7] =	ssyncset.done $0x0  }
0x31: {  	[sflag:s7] =	ssyncadd.s32 $0xFFFFE000  }
0x32: {  	_ =	sfence.sel $0x180000  }
0x33: {  	[bflag:$0x0] =	sbarrier.arrive $0xFFFF  }
0x34: {  	p0 =	sne.s32 s2, $0x0;
	_ =	strace $0x90000047  }
0x35: {  	s0 =	sadd.s32 @!p0 $0x100000, s0;
	[bflag:$0x2] =	sbarrier.arrive $0xFFFF  }
0x36: {  	[sflag:s0] =	ssyncadd.tile.s32 @!p0 $0x1;
	_ =	shalt  }
.Lfunc_end2:
_tile_overlayer_lowered:
.L_overlay_start_2:
0x37: {  	(tag) =	ssettag $0x2  }
0x38: {  	s0 =	rddreg [dreg:$0x0];
	s2 =	stileid.u32  }
0x39: {  	s1 =	rddreg [dreg:$0x1];
	p0 =	sne.s32 s2, $0x0  }
0x3a: {  	s3 =	rddreg [dreg:$0x2];
	[bflag:$0x3] =	sbarrier.arrive $0xFFFF;
	s2 =	simm.s32 @!p0 $0x1C02  }
0x3b: {  	[timem:s3], [sflag:s2] =	dma.local @!p0 [hbm:s0], s1  }
0x3c: {  	s0 =	simm.s32 @!p0 $0x2  }
0x3d: {  	_ =	swait.ge @!p0 [sflag:s0], s1  }
0x3e: {  	s1 =	ssub.s32 @!p0 $0x0, s1;
	[sflag:s0] =	ssyncset.done @!p0 $0x0  }
0x3f: {  	[sflag:s0] =	ssyncadd.s32 @!p0 s1  }
0x40: {  	[bflag:$0x3] =	sbarrier.arrive $0xFFFF  }
0x41: {  	_ =	shalt  }

// kernel: kernel.9.cloned.1.call-start
scs
__scs_entry_jumppad:
0x0: {  	(pc) =	sbr.rel $0x88, $3  }
0x1: {  	(tag) =	ssettag $0x0;
	lr =	simm.s32 $0x1  }
0x2: {  	[smem:$0x3F9B] =	sst lr;
	_ =	strace $0xD0000000  }
0x3: {  	_ = 	snop  }
0x4: {  	_ = 	snop  }
0x5: {  	_ = 	snop  }
0x6: {  	_ = 	snop  }
0x7: {  	_ = 	snop  }
__scs_overlays_trampoline_lowered:
0x8: {  	[smem:$0x3FAA] =	sst s0  }
0x9: {  	[smem:$0x3FAB] =	sst s1  }
0xa: {  	[smem:$0x3FAC] =	sst s2  }
0xb: {  	[smem:$0x3FAD] =	sst s3  }
0xc: {  	[smem:$0x3FAE] =	sst s4  }
0xd: {  	[smem:$0x3FAF] =	sst s5  }
0xe: {  	[smem:$0x3FB0] =	sst s6  }
0xf: {  	[smem:$0x3FB1] =	sst s7  }
0x10: {  	[smem:$0x3FB2] =	sst s8  }
0x11: {  	[smem:$0x3FB3] =	sst s9;
	s0 =	simm.s32 @!p0 $0x0  }
0x12: {  	s1 =	sld [smem:$0x3F99];
	s0 =	simm.s32 @p0 $0x1  }
0x13: {  	[smem:$0x3FB4] =	sst s0;
	s0 =	simm.s32 @!p1 $0x0  }
0x14: {  	s2 =	sld [smem:$0x3F98];
	s0 =	simm.s32 @p1 $0x1  }
0x15: {  	[smem:$0x3FB5] =	sst s0;
	s0 =	simm.s32 @!p2 $0x0  }
0x16: {  	s3 =	sld [smem:$0x3FDB];
	s0 =	simm.s32 @p2 $0x1  }
0x17: {  	s4 =	simm.s32 $0x1BF5;
	[smem:$0x3FB7] =	sst s0  }
0x18: {  	s0 =	sld [smem:$0x3F9A];
	_ =	swait.ge [sflag:s4], $0x0  }
0x19: {  	s7 =	sld [smem:$0x3F9B]  }
0x1a: {  	s8 =	sadd.s32 $0xFFFFE003, lr  }
0x1b: {  	s9 =	sadd.s32 $0xFFFFFEF7, lr;
	s5 =	simm.s32 $0xFFFFFFFF;
	p2 =	slt.u32 s8, $0xFFFFF086  }
0x1c: {  	p1 =	slt.u32 s9, $0xF7A;
	s5 =	simm.s32 @!p2 $0x0  }
0x1d: {  	s5 =	simm.s32 @p1 $0x1;
	p0 =	seq.s32 s7, s2  }
0x1e: {  	s7 =	smul.u32 @!p0 $0xF7A, s2;
	p2 =	seq.s32 @!p0 s5, $0x0  }
0x1f: {  	s9 =	smul.u32 $0xF7A, s1;
	s8 =	simm.s32 @!p0 $0x1BF5;
	p2 =	por !p2, p0  }
0x20: {  	[sflag:s8] =	ssyncset.s32 @!p0 $0xFFFFF086;
	s6 =	sadd.s32 @!p0 s3, s7;
	s7 =	simm.s32 @!p0 $0x108  }
0x21: {  	s3 =	sadd.s32 s3, s9;
	s6 =	sadd.s32 @!p0 $0x88, s6;
	s7 =	simm.s32 @p2 $0x1082  }
0x22: {  	[simem:s7], [sflag:s8] =	dma.local @!p0 [hbm:s6], $0xF7A  }
0x23: {  	s9 =	sor.u32 $0xD0000000, s2;
	s6 =	simm.s32 $0x108;
	_ =	swait.ge @!p0 [sflag:s8], $0x0  }
0x24: {  	s3 =	sadd.s32 $0x88, s3;
	s6 =	simm.s32 @!p1 $0x1082;
	[sflag:s4] =	ssyncset.s32 $0xFFFFF086  }
0x25: {  	[simem:s6], [sflag:s4] =	dma.local [hbm:s3], $0xF7A  }
0x26: {  	[smem:$0x3F9B] =	sst s1;
	(tag) =	ssettag s2;
	_ =	strace s9  }
0x27: {  	s1 =	sld [smem:$0x3FAB]  }
0x28: {  	s2 =	sld [smem:$0x3FAC]  }
0x29: {  	s4 =	sld [smem:$0x3FAE]  }
0x2a: {  	p0 =	seq.s32 s5, $0x0;
	s5 =	sld [smem:$0x3FAF]  }
0x2b: {  	s6 =	sld [smem:$0x3FB0]  }
0x2c: {  	s7 =	sld [smem:$0x3FB1]  }
0x2d: {  	s3 =	simm.s32 $0x108;
	s8 =	sld [smem:$0x3FB2]  }
0x2e: {  	s3 =	simm.s32 @!p0 $0x1082;
	s9 =	sld [smem:$0x3FB3]  }
0x2f: {  	lr =	sadd.s32 s0, s3;
	s0 =	sld [smem:$0x3FAA]  }
0x30: {  	s3 =	sld [smem:$0x3FAD]  }
0x31: {  	[smem:$0x3FB6] =	sst s10  }
0x32: {  	s10 =	sld [smem:$0x3FB4];
	_ =	sdelay $0x3  }
0x33: {  	p0 =	seq.s32 s10, $0x1;
	s10 =	sld [smem:$0x3FB6];
	_ =	sdelay $0x3  }
0x34: {  	[smem:$0x3FB6] =	sst s10  }
0x35: {  	s10 =	sld [smem:$0x3FB5];
	_ =	sdelay $0x3  }
0x36: {  	p1 =	seq.s32 s10, $0x1;
	s10 =	sld [smem:$0x3FB6];
	_ =	sdelay $0x3  }
0x37: {  	[smem:$0x3FB6] =	sst s10  }
0x38: {  	s10 =	sld [smem:$0x3FB7]  }
0x39: {  	_ = 	snop;
	(pc) =	sbr.ind lr, $3  }
0x3a: {  	_ = 	snop  }
0x3b: {  	_ = 	snop  }
0x3c: {  	p2 =	seq.s32 s10, $0x1;
	s10 =	sld [smem:$0x3FB6]  }
0x3d: {  	_ =	shalt  }
0x3e: {  	_ =	shalt  }
0x3f: {  	_ =	shalt  }
0x40: {  	_ =	shalt  }
0x41: {  	_ =	shalt  }
0x42: {  	_ =	shalt  }
0x43: {  	_ =	shalt  }
0x44: {  	_ =	shalt  }
0x45: {  	_ =	shalt  }
0x46: {  	_ =	shalt  }
0x47: {  	_ =	shalt  }
0x48: {  	_ =	shalt  }
0x49: {  	_ =	shalt  }
0x4a: {  	_ =	shalt  }
0x4b: {  	_ =	shalt  }
0x4c: {  	_ =	shalt  }
0x4d: {  	_ =	shalt  }
0x4e: {  	_ =	shalt  }
0x4f: {  	_ =	shalt  }
0x50: {  	_ =	shalt  }
0x51: {  	_ =	shalt  }
0x52: {  	_ =	shalt  }
0x53: {  	_ =	shalt  }
0x54: {  	_ =	shalt  }
0x55: {  	_ =	shalt  }
0x56: {  	_ =	shalt  }
0x57: {  	_ =	shalt  }
0x58: {  	_ =	shalt  }
0x59: {  	_ =	shalt  }
0x5a: {  	_ =	shalt  }
0x5b: {  	_ =	shalt  }
0x5c: {  	_ =	shalt  }
0x5d: {  	_ =	shalt  }
0x5e: {  	_ =	shalt  }
0x5f: {  	_ =	shalt  }
0x60: {  	_ =	shalt  }
0x61: {  	_ =	shalt  }
0x62: {  	_ =	shalt  }
0x63: {  	_ =	shalt  }
0x64: {  	_ =	shalt  }
0x65: {  	_ =	shalt  }
0x66: {  	_ =	shalt  }
0x67: {  	_ =	shalt  }
0x68: {  	_ =	shalt  }
0x69: {  	_ =	shalt  }
0x6a: {  	_ =	shalt  }
0x6b: {  	_ =	shalt  }
0x6c: {  	_ =	shalt  }
0x6d: {  	_ =	shalt  }
0x6e: {  	_ =	shalt  }
0x6f: {  	_ =	shalt  }
0x70: {  	_ =	shalt  }
0x71: {  	_ =	shalt  }
0x72: {  	_ =	shalt  }
0x73: {  	_ =	shalt  }
0x74: {  	_ =	shalt  }
0x75: {  	_ =	shalt  }
0x76: {  	_ =	shalt  }
0x77: {  	_ =	shalt  }
0x78: {  	_ =	shalt  }
0x79: {  	_ =	shalt  }
0x7a: {  	_ =	shalt  }
0x7b: {  	_ =	shalt  }
0x7c: {  	_ =	shalt  }
0x7d: {  	_ =	shalt  }
0x7e: {  	_ =	shalt  }
0x7f: {  	_ =	shalt  }
0x80: {  	_ =	shalt  }
0x81: {  	_ =	shalt  }
0x82: {  	_ =	shalt  }
0x83: {  	_ =	shalt  }
0x84: {  	_ =	shalt  }
0x85: {  	_ =	shalt  }
0x86: {  	_ =	shalt  }
0x87: {  	_ =	shalt  }
.Lfunc_end0:
.L_simem_size_0:
called_computation_lowered:
.L_overlay_start_0:
0x88: {  	s2 =	sld [smem:$0x3FD9]  }
0x89: {  	s3 =	sld [smem:$0x3FFE];
	_ =	sdelay $0x1  }
0x8a: {  	s1 =	srdreg.scid  }
0x8b: {  	s0 =	sand.u32 $0x1, s1  }
0x8c: {  	s17 =	sshll.u32 s0, $0xA;
	s2 =	sadd.s32 s3, s2  }
0x8d: {  	s2 =	sadd.s32 s2, s17  }
0x8e: {  	[smem:$0x3FC2] =	sst s2  }
0x8f: {  	_ = 	snop  }
0x90: {  	s18 =	sld [smem:$0x3FD0];
	(tm) =	ssettm $0x1  }
0x91: {  	s19 =	sld [smem:$0x3FFB];
	_ =	sdelay $0x3  }
0x92: {  	_ =	strace s19  }
0x93: {  	s2 =	sld [smem:$0x3FFC];
	_ =	sdelay $0x3  }
0x94: {  	_ =	strace s2  }
0x95: {  	s2 =	sld [smem:$0x3FFD];
	_ =	sdelay $0x3  }
0x96: {  	_ =	strace s2  }
0x97: {  	_ =	strace $0x8FFFFFFF  }
0x98: {  	s20 =	sld [smem:$0x3FDB];
	_ =	sdelay $0x1  }
0x99: {  	s4 =	simm.s32 $_scs_section_size  }
0x9a: {  	s5 =	simm.s32 $_size__tile_overlayer_lowered;
	s6 =	simm.s32 $_tile_overlayer_lowered  }
0x9b: {  	s7 =	simm.s32 $0x1BFF;
	s21 =	sshll.u32 s6, $0x1;
	s4 =	sadd.s32 s4, s20  }
0x9c: {  	s22 =	simm.s32 $0x0;
	s5 =	sshll.u32 s5, $0x1;
	s6 =	sadd.s32 s21, s4  }
0x9d: {  	[timem:s22], [sflag:s7] =	dma.local [hbm:s6], s5  }
0x9e: {  	_ =	swait.ge [sflag:s7], s5  }
0x9f: {  	s5 =	ssub.s32 $0x0, s5;
	[sflag:s7] =	ssyncset.done $0x0  }
0xa0: {  	[sflag:s7] =	ssyncadd.s32 s5;
	_ =	sdelay $0x1  }
0xa1: {  	s23 =	simm.s32 $0x1B8B  }
0xa2: {  	_ =	swait.ge [sflag:s23], $0x1  }
0xa3: {  	[sflag:s23] =	ssyncset.done $0x0  }
0xa4: {  	[sflag:s23] =	ssyncadd.s32 $0xFFFFFFFF  }
0xa5: {  	s5 =	sld [smem:$0x0]  }
0xa6: {  	s6 =	sand.u32 $0xFFFFFFFE, s1  }
0xa7: {  	p0 =	sne.s32 s1, s6  }
0xa8: {  	s6 =	sshll.u32 @p0 s6, $0xE  }
0xa9: {  	s6 =	sadd.s32 @p0 $0x11B8D, s6;
	s7 =	sshll.u32 @p0 s5, $0x11  }
0xaa: {  	s6 =	sor.u32 @p0 s7, s6  }
0xab: {  	[sflag:s6] =	ssyncadd.remote.s32 @p0 $0x1;
	_ =	sdelay $0x1  }
0xac: {  	s6 =	simm.s32 @p0 $0x1B8D  }
0xad: {  	_ =	swait.eq @p0 [sflag:s6], $0x1  }
0xae: {  	[sflag:s6] =	ssyncadd.s32 @p0 $0xFFFFFFFF  }
0xaf: {  	s7 =	sshll.u32 @!p0 s1, $0xE  }
0xb0: {  	s7 =	sor.u32 @!p0 $0x4000, s7;
	s6 =	simm.s32 @!p0 $0x1B8D  }
0xb1: {  	s5 =	sshll.u32 @!p0 s5, $0x11;
	s7 =	sadd.s32 @!p0 $0x11B8D, s7;
	_ =	swait.eq @!p0 [sflag:s6], $0x1  }
0xb2: {  	s5 =	sor.u32 @!p0 s5, s7;
	[sflag:s6] =	ssyncadd.s32 @!p0 $0xFFFFFFFF  }
0xb3: {  	s25 =	simm.s32 $0x1B8E;
	s24 =	sld [smem:$0x3FFE];
	[sflag:s5] =	ssyncadd.remote.s32 @!p0 $0x1  }
0xb4: {  	s26 =	simm.s32 $execute0_lowered;
	[smem:$0x3FD2] =	sst s25  }
0xb5: {  	s6 =	sshll.u32 s26, $0x1;
	_ =	strace $0x80000049;
	[dreg:$0x1] =	wrdreg $0xFFFFFFFF  }
0xb6: {  	s28 =	simm.s32 $_size_execute0_lowered;
	s4 =	sadd.s32 s4, s6;
	[dreg:$0x0] =	wrdreg $0x0  }
0xb7: {  	s6 =	sshll.u32 s28, $0x1;
	[dreg:$0x2] =	wrdreg s4  }
0xb8: {  	[dreg:$0x3] =	wrdreg s6  }
0xb9: {  	[dreg:$0x4] =	wrdreg $0xC0  }
0xba: {  	_ =	task [dreg:s22], $0x5FFFF  }
0xbb: {  	[dreg:$0x1] =	wrdreg $0xFFFFFFFF  }
0xbc: {  	[dreg:$0x0] =	wrdreg $0x60  }
0xbd: {  	[dreg:$0x2] =	wrdreg s18  }
0xbe: {  	[dreg:$0x3] =	wrdreg s24  }
0xbf: {  	[dreg:$0x4] =	wrdreg $0x9  }
0xc0: {  	_ =	task.clear_ibuf [dreg:s22], $0x5FFFF;
	_ =	strace $0x90000049  }
0xc1: {  	s29 =	simm.s32 $0x9;
	_ =	strace $0x8000004B  }
0xc2: {  	_ =	swait.ge [sflag:s29], $0x1  }
0xc3: {  	[sflag:s29] =	ssyncadd.s32 $0xFFFFFFFF  }
0xc4: {  	_ =	strace $0x9000004B  }
0xc5: {  	_ =	sfence  }
0xc6: {  	s30 =	sld [smem:$0x0];
	_ =	sdelay $0x2  }
0xc7: {  	s31 =	sshll.u32 s1, $0xD;
	s1 =	sshrl.u32 s1, $0x2  }
0xc8: {  	s4 =	sand.u32 $0x4000, s31;
	s1 =	sadd.s32 s1, s30  }
0xc9: {  	s0 =	sor.u32 s4, s0;
	s1 =	sshll.u32 s1, $0x11  }
0xca: {  	s0 =	sor.u32 s1, s0  }
0xcb: {  	s0 =	sadd.s32 $0x8F2B, s0  }
0xcc: {  	[sflag:s0] =	ssyncadd.remote.s32 $0x1  }
0xcd: {  	_ =	sfence.sel $0xFFFF  }
0xce: {  	[dreg:$0x0] =	wrdreg $0xFFFFFFFF;
	(pc) =	sbr.abs _section_cstart, $3  }
0xcf: {  	[dreg:$0x1] =	wrdreg $0xFFFFFFFF  }
0xd0: {  	_ =	task.clear_ibuf [dreg:s22], $0x2FFFF;
	_ =	strace $0x9FFFFFFF  }
0xd1: {  	(tm) =	ssettm $0x7FFFFFFF  }
tec
execute0_lowered:
.L_overlay_start_1:
0x0: {  	(tag) =	ssettag $0x1  }
0x1: {  	s1 =	rddreg [dreg:$0x0]  }
0x2: {  	s4 =	rddreg [dreg:$0x1]  }
0x3: {  	s0 =	rddreg [dreg:$0x2];
	s5 =	srdreg.scid  }
0x4: {  	s3 =	simm.s32 $0x0;
	s2 =	stileid.u32;
	s10 =	simm.s32 $0x0  }
0x5: {  	s5 =	sand.u32 $0x1, s5;
	[smem:$0x7FF] =	sst s3;
	s6 =	sshll.u32 s2, $0xC  }
0x6: {  	s8 =	sshll.u32 s2, $0xF;
	s7 =	sshll.u32 s5, $0xB;
	_ =	strace $0x8000004A  }
0x7: {  	s31 =	ssub.s32 $0x2, s5;
	s8 =	sadd.s32 s8, s4;
	s5 =	sshll.u32 s5, $0xE  }
0x8: {  	s6 =	sor.u32 s7, s6;
	s9 =	sshrl.u32 s31, $0x1;
	s5 =	sadd.s32 s5, s8  }
0x9: {  	s8 =	simm.s32 $0x80;
	s6 =	sshrl.u32 s6, $0x3;
	s7 =	ssub.s32 s31, s9  }
0xa: {  	s5 =	sadd.s32 $0x85A00, s5;
	s9 =	simm.s32 $0x1;
	s6 =	sadd.s32 s6, s4  }
0xb: {  	s4 =	smax.u32 s7, $0x1;
	s7 =	simm.s32 $0x2;
	s6 =	sadd.s32 $0x83A00, s6  }
.LBB2_1:
0xc: {  	s11 =	sadd.s32 $0x0, s6  }
0xd: {  	[tilespmem:s3], [sflag:$0x2] =	stream.linear.gather [hbm4b:s11+s3], $0x80, $0x38;
	[tilespmem:$0x2080] =	vst v63  }
0xe: {  	_ =	swait.ge [sflag:s7], $0x80  }
0xf: {  	[sflag:s7] =	ssyncset.done $0x0  }
0x10: {  	[sflag:s7] =	ssyncadd.s32 $0xFFFFFF80  }
0x11: {  	[tilespmem:s8], [sflag:$0x1] =	stream.indirect.gather [hbm4b:s1+s8], $0x40, s3, s8, $0xb8;
	[tilespmem:$0x2080] =	vst v63  }
0x12: {  	_ =	swait.ge [sflag:s9], $0x2000  }
0x13: {  	[sflag:s9] =	ssyncset.done $0x0  }
0x14: {  	[sflag:s9] =	ssyncadd.s32 $0xFFFFE000  }
0x15: {  	[hbm4b:s5+s3] =	stream.linear.scatter [tilespmem:s8], [sflag:$0x2], $0x2000, $0x38;
	[tilespmem:$0x2080] =	vst v63  }
0x16: {  	s12 =	simm.s32 $0x10;
	_ =	swait.ge [sflag:s7], $0x2000  }
0x17: {  	s13 =	simm.s32 $0x20;
	s11 =	sadd.s32 $0x400, s5;
	[sflag:s7] =	ssyncset.done $0x0  }
.LBB2_2:
0x18: {  	s14 =	sadd.s32 s12, s6  }
0x19: {  	[sflag:s7] =	ssyncadd.s32 $0xFFFFE000;
	s12 =	smov.u32 s13;
	s15 =	sadd.s32 $0x10, s13  }
0x1a: {  	[tilespmem:s3], [sflag:$0x2] =	stream.linear.gather [hbm4b:s14+s3], $0x80, $0x38;
	[tilespmem:$0x2080] =	vst v63  }
0x1b: {  	p0 =	sne.s32 s13, $0xF0;
	_ =	swait.ge [sflag:s7], $0x80  }
0x1c: {  	[sflag:s7] =	ssyncset.done $0x0  }
0x1d: {  	[sflag:s7] =	ssyncadd.s32 $0xFFFFFF80  }
0x1e: {  	[tilespmem:s8], [sflag:$0x1] =	stream.indirect.gather [hbm4b:s1+s8], $0x40, s3, s8, $0xb8;
	[tilespmem:$0x2080] =	vst v63  }
0x1f: {  	_ =	swait.ge [sflag:s9], $0x2000  }
.Ltmp0:
0x20: {  	[sflag:s9] =	ssyncset.done $0x0;
	(pc) =	sbr.rel @p0 .LBB2_2-.Ltmp0, $4  }
0x21: {  	[sflag:s9] =	ssyncadd.s32 $0xFFFFE000  }
0x22: {  	[hbm4b:s11+s3] =	stream.linear.scatter [tilespmem:s8], [sflag:$0x2], $0x2000, $0x38;
	[tilespmem:$0x2080] =	vst v63  }
0x23: {  	_ =	swait.ge [sflag:s7], $0x2000  }
0x24: {  	s13 =	smov.u32 s15;
	s11 =	sadd.s32 $0x400, s11;
	[sflag:s7] =	ssyncset.done $0x0  }
0x25: {  	s12 =	sadd.s32 s12, s6;
	[sflag:s7] =	ssyncadd.s32 $0xFFFFE000  }
0x26: {  	[tilespmem:s3], [sflag:$0x2] =	stream.linear.gather [hbm4b:s12+s3], $0x80, $0x38;
	[tilespmem:$0x2080] =	vst v63  }
0x27: {  	_ =	swait.ge [sflag:s7], $0x80  }
0x28: {  	[sflag:s7] =	ssyncset.done $0x0  }
0x29: {  	[sflag:s7] =	ssyncadd.s32 $0xFFFFFF80  }
0x2a: {  	[tilespmem:s8], [sflag:$0x1] =	stream.indirect.gather [hbm4b:s1+s8], $0x40, s3, s8, $0xb8;
	[tilespmem:$0x2080] =	vst v63  }
0x2b: {  	s10 =	sadd.s32 $0x1, s10;
	_ =	swait.ge [sflag:s9], $0x2000  }
0x2c: {  	p0 =	sne.s32 s10, s4;
	[sflag:s9] =	ssyncset.done $0x0  }
.Ltmp1:
0x2d: {  	[sflag:s9] =	ssyncadd.s32 $0xFFFFE000;
	(pc) =	sbr.rel @p0 .LBB2_1-.Ltmp1, $4  }
0x2e: {  	[hbm4b:s11+s3] =	stream.linear.scatter [tilespmem:s8], [sflag:$0x2], $0x2000, $0x38;
	[tilespmem:$0x2080] =	vst v63  }
0x2f: {  	_ =	swait.ge [sflag:s7], $0x2000  }
0x30: {  	[sflag:s7] =	ssyncset.done $0x0  }
0x31: {  	[sflag:s7] =	ssyncadd.s32 $0xFFFFE000  }
0x32: {  	_ =	sfence.sel $0x180000  }
0x33: {  	[bflag:$0x0] =	sbarrier.arrive $0xFFFF  }
0x34: {  	p0 =	sne.s32 s2, $0x0;
	_ =	strace $0x9000004A  }
0x35: {  	s0 =	sadd.s32 @!p0 $0x100000, s0;
	[bflag:$0x2] =	sbarrier.arrive $0xFFFF  }
0x36: {  	[sflag:s0] =	ssyncadd.tile.s32 @!p0 $0x1;
	_ =	shalt  }
.Lfunc_end2:
_tile_overlayer_lowered:
.L_overlay_start_2:
0x37: {  	(tag) =	ssettag $0x2  }
0x38: {  	s0 =	rddreg [dreg:$0x0];
	s2 =	stileid.u32  }
0x39: {  	s1 =	rddreg [dreg:$0x1];
	p0 =	sne.s32 s2, $0x0  }
0x3a: {  	s3 =	rddreg [dreg:$0x2];
	[bflag:$0x3] =	sbarrier.arrive $0xFFFF;
	s2 =	simm.s32 @!p0 $0x1C02  }
0x3b: {  	[timem:s3], [sflag:s2] =	dma.local @!p0 [hbm:s0], s1  }
0x3c: {  	s0 =	simm.s32 @!p0 $0x2  }
0x3d: {  	_ =	swait.ge @!p0 [sflag:s0], s1  }
0x3e: {  	s1 =	ssub.s32 @!p0 $0x0, s1;
	[sflag:s0] =	ssyncset.done @!p0 $0x0  }
0x3f: {  	[sflag:s0] =	ssyncadd.s32 @!p0 s1  }
0x40: {  	[bflag:$0x3] =	sbarrier.arrive $0xFFFF  }
0x41: {  	_ =	shalt  }

</sc_bundles>
